<compile_context>
chip_gen: v7x
topology: tpu7x:2x2x1
jax: 0.10.2.dev20260603
libtpu: 0.0.44.dev20260713+nightly
codegen_flags: <defaults>
</compile_context>

<pallas_src>
import functools

import jax
import jax.numpy as jnp
from jax import lax
from jax.experimental import pallas as pl
from jax.experimental.pallas import tpu as pltpu
from jax.experimental.pallas import tpu_sc as plsc

N_SH = 8
FEAT = 4096
BATCH = 1024
NC, NS, L = 2, 16, 16
NW = NC * NS
JPW = FEAT // NW
KJ = 2
NCHUNK = JPW // KJ
CVR = BATCH // L
NBUF = 4


def _sc_shuffle(xT, idx_flat, wsp, *, interpret=False):
    mesh = plsc.VectorSubcoreMesh(
        core_axis_name="c", subcore_axis_name="s",
        num_cores=NC, num_subcores=NS)

    GR = KJ * N_SH

    @functools.partial(
        pl.kernel,
        out_type=jax.ShapeDtypeStruct((FEAT, BATCH), jnp.float32),
        mesh=mesh,
        scratch_types=[
            pltpu.VMEM((JPW * N_SH,), jnp.int32),
            pltpu.VMEM((JPW * L,), jnp.float32),
            pltpu.VMEM((NBUF, GR, BATCH), jnp.float32),
            pltpu.VMEM((2, KJ, BATCH), jnp.float32),
            [pltpu.SemaphoreType.DMA] * NBUF,
            [pltpu.SemaphoreType.DMA] * 2,
        ],
        interpret=interpret,
    )
    def body(xT_hbm, idx_hbm, wsp_hbm, out_hbm,
             idx_v, wsp_v, rows_v, stage_v, gsem, ssem):
        wid = lax.axis_index("s") * NC + lax.axis_index("c")
        jbase = wid * JPW
        pltpu.sync_copy(idx_hbm.at[pl.ds(jbase * N_SH, JPW * N_SH)], idx_v)
        pltpu.sync_copy(wsp_hbm.at[pl.ds(jbase * L, JPW * L)], wsp_v)

        def start_gather(c, b):
            pltpu.async_copy(
                xT_hbm.at[idx_v.at[pl.ds(c * GR, GR)]], rows_v.at[b], gsem[b])

        start_gather(0, 0)
        start_gather(1, 1)

        @pl.loop(0, NCHUNK, step=NBUF)
        def _chunk(c):
            for b in range(NBUF):
                cc = c + b
                @pl.when(cc + 2 < NCHUNK)
                def _():
                    start_gather(cc + 2, (b + 2) % NBUF)
                pltpu.make_async_copy(
                    xT_hbm.at[pl.ds(0, GR)], rows_v.at[b], gsem[b]).wait()
                sb = b % 2
                @pl.when(cc >= 2)
                def _():
                    pltpu.make_async_copy(
                        stage_v.at[sb], out_hbm.at[pl.ds(jbase, KJ)],
                        ssem[sb]).wait()
                for jj in range(KJ):
                    jloc = cc * KJ + jj
                    wbv = wsp_v[pl.ds(jloc * L, L)]
                    ws = [wbv[i] * 0.125 for i in range(N_SH)]
                    bsc = wbv[N_SH]

                    @plsc.parallel_loop(0, CVR, unroll=8)
                    def _ch(ch):
                        acc = jnp.full((L,), bsc, jnp.float32)
                        for i in range(N_SH):
                            acc = acc + rows_v[b, jj * N_SH + i,
                                               pl.ds(ch * L, L)] * ws[i]
                        stage_v[sb, jj, pl.ds(ch * L, L)] = acc
                pltpu.async_copy(
                    stage_v.at[sb], out_hbm.at[pl.ds(jbase + cc * KJ, KJ)],
                    ssem[sb])

        for sb in range(2):
            pltpu.make_async_copy(
                stage_v.at[sb], out_hbm.at[pl.ds(jbase, KJ)], ssem[sb]).wait()

    return body(xT, idx_flat, wsp)


def kernel(x, weights, bias, perms):
    xT = x.T
    idx_flat = perms.T.reshape(-1)
    wsp = jnp.concatenate(
        [weights.T, bias[:, None],
         jnp.zeros((FEAT, L - N_SH - 1), jnp.float32)], axis=1).reshape(-1)
    outT = _sc_shuffle(xT, idx_flat, wsp)
    return outT.T

# --- scband reference (transcript-rebuilt; emitter-appended) ---
"""Pipeline reference for scband-deterministic-shuffle-multi-54778012893655 (READ-ONLY COPY).

The authoritative reference and input builder live on the scoring server;
editing this copy changes nothing except your own understanding.
"""

import jax, jax.numpy as jnp
import numpy as np

N_SHUFFLERS = 8
INPUT_SHAPE = (4096,)
BATCH = 1024


def setup_inputs(seed: int = 0) -> dict:
    key = jax.random.key(seed)
    k1, k2, k3 = jax.random.split(key, 3)
    size = int(np.prod(INPUT_SHAPE))
    # Deterministic shuffles: fixed (non-trainable) permutation per shuffler,
    # mirroring np.random.shuffle in DeterministicShuffle.__init__.
    rng = np.random.RandomState(0)
    perms = np.stack([rng.permutation(size) for _ in range(N_SHUFFLERS)]).astype(np.int32)
    x = jax.random.normal(k1, (BATCH,) + INPUT_SHAPE, dtype=jnp.float32)
    # Weight(input_shape): learned elementwise weight per shuffler.
    weights = jax.random.normal(k2, (N_SHUFFLERS,) + INPUT_SHAPE, dtype=jnp.float32)
    # Bias(input_shape): learned bias added at the end via self._bias._bias.
    bias = jax.random.normal(k3, INPUT_SHAPE, dtype=jnp.float32)
    return {"x": x, "weights": weights, "bias": bias, "perms": jnp.asarray(perms)}


def reference(x, weights, bias, perms):
    shape = x.shape
    b = shape[0]
    xf = x.reshape(b, -1)  # Flatten(start_dim=1)
    n = weights.shape[0]
    # shuffler 0: permute columns (gather), reshape back, elementwise weight
    out = jnp.take(xf, perms[0], axis=1).reshape(shape) * weights[0]
    for i in range(1, n):
        out = out + jnp.take(xf, perms[i], axis=1).reshape(shape) * weights[i]
    return out * (1.0 / n) + bias

if __name__ == "__main__":
    import jax
    _d = setup_inputs()
    print(jax.jit(kernel)(*tuple(_d.values())))

</pallas_src>

<mosaic_0001>
#map = affine_map<(d0, d1) -> (0, 0)>
#map1 = affine_map<(d0, d1) -> (0)>
module attributes {stable_mosaic.version = 14 : i64} {
  func.func @body(%arg0: i32, %arg1: i32, %arg2: memref<4096x1024xf32, #tpu.memory_space<hbm>>, %arg3: memref<32768xi32, #tpu.memory_space<hbm>>, %arg4: memref<65536xf32, #tpu.memory_space<hbm>>, %arg5: memref<4096x1024xf32, #tpu.memory_space<hbm>>, %arg6: memref<1024xi32, #tpu.memory_space<vmem>>, %arg7: memref<2048xf32, #tpu.memory_space<vmem>>, %arg8: memref<4x16x1024xf32, #tpu.memory_space<vmem>>, %arg9: memref<2x2x1024xf32, #tpu.memory_space<vmem>>, %arg10: memref<!tpu.dma_semaphore, #tpu.memory_space<semaphore_mem>>, %arg11: memref<!tpu.dma_semaphore, #tpu.memory_space<semaphore_mem>>, %arg12: memref<!tpu.dma_semaphore, #tpu.memory_space<semaphore_mem>>, %arg13: memref<!tpu.dma_semaphore, #tpu.memory_space<semaphore_mem>>, %arg14: memref<!tpu.dma_semaphore, #tpu.memory_space<semaphore_mem>>, %arg15: memref<!tpu.dma_semaphore, #tpu.memory_space<semaphore_mem>>) attributes {dimension_semantics = [#tpu.dimension_semantics<core_parallel>, #tpu.dimension_semantics<subcore_parallel>], iteration_bounds = array<i64: 2, 16>, scalar_prefetch = 0 : i64, scratch_operands = 10 : i64, tpu.core_type = #tpu.core_type<sc_vector_subcore>, window_params = [{transform_indices = #map}, {transform_indices = #map1}, {transform_indices = #map1}, {transform_indices = #map}]} {
    %mul3A = arith.constant 2 : i32
    %mul3A_0 = arith.muli %arg1, %mul3A : i32
    %add3A = arith.addi %mul3A_0, %arg0 : i32
    %mul3A_1 = arith.constant 128 : i32
    %mul3A_2 = arith.muli %add3A, %mul3A_1 : i32
    %mul3A_3 = arith.constant 8 : i32
    %mul3A_4 = arith.muli %mul3A_2, %mul3A_3 : i32
    "tpu.region"() ({
      %run_scoped3A = tpu.sem_alloc : memref<!tpu.dma_semaphore, #tpu.memory_space<semaphore_mem>>
      %dma_start3A_55 = tpu.memref_slice %arg3[%mul3A_4] : memref<32768xi32, #tpu.memory_space<hbm>> -> memref<1024xi32, #tpu.memory_space<hbm>>
      %dma_start3A_56 = tpu.memref_slice %arg3[%mul3A_4] : memref<32768xi32, #tpu.memory_space<hbm>> -> memref<1024xi32, #tpu.memory_space<hbm>>
      tpu.enqueue_dma source(%dma_start3A_56 : memref<1024xi32, #tpu.memory_space<hbm>>) target(%arg6 : memref<1024xi32, #tpu.memory_space<vmem>>) target_semaphore(%run_scoped3A : memref<!tpu.dma_semaphore, #tpu.memory_space<semaphore_mem>>)
      %dma_wait3A_57 = tpu.memref_slice %arg3[%mul3A_4] : memref<32768xi32, #tpu.memory_space<hbm>> -> memref<1024xi32, #tpu.memory_space<hbm>>
      %dma_wait3A_58 = tpu.memref_slice %arg3[%mul3A_4] : memref<32768xi32, #tpu.memory_space<hbm>> -> memref<1024xi32, #tpu.memory_space<hbm>>
      tpu.wait_dma2 semaphore(%run_scoped3A : memref<!tpu.dma_semaphore, #tpu.memory_space<semaphore_mem>>) src(%dma_wait3A_58 : memref<1024xi32, #tpu.memory_space<hbm>>) dst(%arg6 : memref<1024xi32, #tpu.memory_space<vmem>>)
      tpu.yield
    }) : () -> ()
    %mul3A_5 = arith.constant 16 : i32
    %mul3A_6 = arith.muli %mul3A_2, %mul3A_5 : i32
    "tpu.region"() ({
      %run_scoped3A = tpu.sem_alloc : memref<!tpu.dma_semaphore, #tpu.memory_space<semaphore_mem>>
      %dma_start3A_55 = tpu.memref_slice %arg4[%mul3A_6] : memref<65536xf32, #tpu.memory_space<hbm>> -> memref<2048xf32, #tpu.memory_space<hbm>>
      %dma_start3A_56 = tpu.memref_slice %arg4[%mul3A_6] : memref<65536xf32, #tpu.memory_space<hbm>> -> memref<2048xf32, #tpu.memory_space<hbm>>
      tpu.enqueue_dma source(%dma_start3A_56 : memref<2048xf32, #tpu.memory_space<hbm>>) target(%arg7 : memref<2048xf32, #tpu.memory_space<vmem>>) target_semaphore(%run_scoped3A : memref<!tpu.dma_semaphore, #tpu.memory_space<semaphore_mem>>)
      %dma_wait3A_57 = tpu.memref_slice %arg4[%mul3A_6] : memref<65536xf32, #tpu.memory_space<hbm>> -> memref<2048xf32, #tpu.memory_space<hbm>>
      %dma_wait3A_58 = tpu.memref_slice %arg4[%mul3A_6] : memref<65536xf32, #tpu.memory_space<hbm>> -> memref<2048xf32, #tpu.memory_space<hbm>>
      tpu.wait_dma2 semaphore(%run_scoped3A : memref<!tpu.dma_semaphore, #tpu.memory_space<semaphore_mem>>) src(%dma_wait3A_58 : memref<2048xf32, #tpu.memory_space<hbm>>) dst(%arg7 : memref<2048xf32, #tpu.memory_space<vmem>>)
      tpu.yield
    }) : () -> ()
    %dma_start3A = arith.constant 0 : i32
    %dma_start3A_7 = arith.constant 0 : i32
    %dma_start3A_8 = arith.constant 0 : i32
    %dma_start3A_9 = tpu.memref_slice %arg8[%dma_start3A, %dma_start3A_7, %dma_start3A_8] : memref<4x16x1024xf32, #tpu.memory_space<vmem>> -> memref<1x16x1024xf32, #tpu.memory_space<vmem>>
    %dma_start3A_10 = tpu.memref_squeeze %dma_start3A_9 : memref<1x16x1024xf32, #tpu.memory_space<vmem>> -> memref<16x1024xf32, #tpu.memory_space<vmem>>
    %dma_start3A_11 = arith.constant 0 : i32
    %dma_start3A_12 = tpu.memref_slice %arg6[%dma_start3A_11] : memref<1024xi32, #tpu.memory_space<vmem>> -> memref<16xi32, #tpu.memory_space<vmem>>
    %dma_start3A_13 = arith.constant 0 : i32
    %dma_start3A_14 = arith.constant 0 : i32
    %dma_start3A_15 = tpu.memref_slice %arg2[%dma_start3A_13, %dma_start3A_14] : memref<4096x1024xf32, #tpu.memory_space<hbm>> -> memref<4096x1024xf32, #tpu.memory_space<hbm>>
    tpu.enqueue_indirect_dma source(%dma_start3A_15 : memref<4096x1024xf32, #tpu.memory_space<hbm>>) target(%dma_start3A_10 : memref<16x1024xf32, #tpu.memory_space<vmem>>) offsets(%dma_start3A_12 : memref<16xi32, #tpu.memory_space<vmem>>) semaphore(%arg10 : memref<!tpu.dma_semaphore, #tpu.memory_space<semaphore_mem>>)
    %dma_start3A_16 = arith.constant 1 : i32
    %dma_start3A_17 = arith.constant 0 : i32
    %dma_start3A_18 = arith.constant 0 : i32
    %dma_start3A_19 = tpu.memref_slice %arg8[%dma_start3A_16, %dma_start3A_17, %dma_start3A_18] : memref<4x16x1024xf32, #tpu.memory_space<vmem>> -> memref<1x16x1024xf32, #tpu.memory_space<vmem>>
    %dma_start3A_20 = tpu.memref_squeeze %dma_start3A_19 : memref<1x16x1024xf32, #tpu.memory_space<vmem>> -> memref<16x1024xf32, #tpu.memory_space<vmem>>
    %dma_start3A_21 = arith.constant 16 : i32
    %dma_start3A_22 = tpu.memref_slice %arg6[%dma_start3A_21] : memref<1024xi32, #tpu.memory_space<vmem>> -> memref<16xi32, #tpu.memory_space<vmem>>
    %dma_start3A_23 = arith.constant 0 : i32
    %dma_start3A_24 = arith.constant 0 : i32
    %dma_start3A_25 = tpu.memref_slice %arg2[%dma_start3A_23, %dma_start3A_24] : memref<4096x1024xf32, #tpu.memory_space<hbm>> -> memref<4096x1024xf32, #tpu.memory_space<hbm>>
    tpu.enqueue_indirect_dma source(%dma_start3A_25 : memref<4096x1024xf32, #tpu.memory_space<hbm>>) target(%dma_start3A_20 : memref<16x1024xf32, #tpu.memory_space<vmem>>) offsets(%dma_start3A_22 : memref<16xi32, #tpu.memory_space<vmem>>) semaphore(%arg11 : memref<!tpu.dma_semaphore, #tpu.memory_space<semaphore_mem>>)
    %scan3A = arith.constant 0 : i32
    %scan3A_26 = arith.constant 16 : i32
    %scan3A_27 = arith.addi %scan3A, %scan3A_26 : i32
    %scan3A_28 = arith.constant 1 : i32
    scf.for %scan3A_55 = %scan3A to %scan3A_27 step %scan3A_28  : i32 {
      %mul3A_56 = arith.constant 4 : i32
      %mul3A_57 = arith.muli %scan3A_55, %mul3A_56 : i32
      %add3A_58 = arith.constant 0 : i32
      %add3A_59 = arith.addi %add3A_58, %mul3A_57 : i32
      %add3A_60 = arith.constant 0 : i32
      %add3A_61 = arith.addi %add3A_59, %add3A_60 : i32
      %add3A_62 = arith.constant 2 : i32
      %add3A_63 = arith.addi %add3A_61, %add3A_62 : i32
      %lt3A = arith.constant 64 : i32
      %lt3A_64 = arith.cmpi slt, %add3A_63, %lt3A : i32
      %convert_element_type3A = arith.extui %lt3A_64 : i1 to i32
      %cond3A = arith.constant 0 : i32
      %cond3A_65 = arith.cmpi ne, %convert_element_type3A, %cond3A : i32
      scf.if %cond3A_65 {
        %add3A_600 = arith.constant 2 : i32
        %add3A_601 = arith.addi %add3A_61, %add3A_600 : i32
        %mul3A_602 = arith.constant 16 : i32
        %mul3A_603 = arith.muli %add3A_601, %mul3A_602 : i32
        %dma_start3A_604 = arith.constant 2 : i32
        %dma_start3A_605 = arith.constant 0 : i32
        %dma_start3A_606 = arith.constant 0 : i32
        %dma_start3A_607 = tpu.memref_slice %arg8[%dma_start3A_604, %dma_start3A_605, %dma_start3A_606] : memref<4x16x1024xf32, #tpu.memory_space<vmem>> -> memref<1x16x1024xf32, #tpu.memory_space<vmem>>
        %dma_start3A_608 = tpu.memref_squeeze %dma_start3A_607 : memref<1x16x1024xf32, #tpu.memory_space<vmem>> -> memref<16x1024xf32, #tpu.memory_space<vmem>>
        %dma_start3A_609 = tpu.memref_slice %arg6[%mul3A_603] : memref<1024xi32, #tpu.memory_space<vmem>> -> memref<16xi32, #tpu.memory_space<vmem>>
        %dma_start3A_610 = arith.constant 0 : i32
        %dma_start3A_611 = arith.constant 0 : i32
        %dma_start3A_612 = tpu.memref_slice %arg2[%dma_start3A_610, %dma_start3A_611] : memref<4096x1024xf32, #tpu.memory_space<hbm>> -> memref<4096x1024xf32, #tpu.memory_space<hbm>>
        tpu.enqueue_indirect_dma source(%dma_start3A_612 : memref<4096x1024xf32, #tpu.memory_space<hbm>>) target(%dma_start3A_608 : memref<16x1024xf32, #tpu.memory_space<vmem>>) offsets(%dma_start3A_609 : memref<16xi32, #tpu.memory_space<vmem>>) semaphore(%arg12 : memref<!tpu.dma_semaphore, #tpu.memory_space<semaphore_mem>>)
      } else {
      }
      %dma_wait3A_66 = arith.constant 0 : i32
      %dma_wait3A_67 = arith.constant 0 : i32
      %dma_wait3A_68 = arith.constant 0 : i32
      %dma_wait3A_69 = tpu.memref_slice %arg8[%dma_wait3A_66, %dma_wait3A_67, %dma_wait3A_68] : memref<4x16x1024xf32, #tpu.memory_space<vmem>> -> memref<1x16x1024xf32, #tpu.memory_space<vmem>>
      %dma_wait3A_70 = tpu.memref_squeeze %dma_wait3A_69 : memref<1x16x1024xf32, #tpu.memory_space<vmem>> -> memref<16x1024xf32, #tpu.memory_space<vmem>>
      %dma_wait3A_71 = arith.constant 0 : i32
      %dma_wait3A_72 = arith.constant 0 : i32
      %dma_wait3A_73 = tpu.memref_slice %arg2[%dma_wait3A_71, %dma_wait3A_72] : memref<4096x1024xf32, #tpu.memory_space<hbm>> -> memref<16x1024xf32, #tpu.memory_space<hbm>>
      %dma_wait3A_74 = arith.constant 0 : i32
      %dma_wait3A_75 = arith.constant 0 : i32
      %dma_wait3A_76 = tpu.memref_slice %arg8[%dma_wait3A_66, %dma_wait3A_74, %dma_wait3A_75] : memref<4x16x1024xf32, #tpu.memory_space<vmem>> -> memref<1x16x1024xf32, #tpu.memory_space<vmem>>
      %dma_wait3A_77 = tpu.memref_squeeze %dma_wait3A_76 : memref<1x16x1024xf32, #tpu.memory_space<vmem>> -> memref<16x1024xf32, #tpu.memory_space<vmem>>
      %dma_wait3A_78 = arith.constant 0 : i32
      %dma_wait3A_79 = arith.constant 0 : i32
      %dma_wait3A_80 = tpu.memref_slice %arg2[%dma_wait3A_78, %dma_wait3A_79] : memref<4096x1024xf32, #tpu.memory_space<hbm>> -> memref<16x1024xf32, #tpu.memory_space<hbm>>
      tpu.wait_dma2 semaphore(%arg10 : memref<!tpu.dma_semaphore, #tpu.memory_space<semaphore_mem>>) src(%dma_wait3A_80 : memref<16x1024xf32, #tpu.memory_space<hbm>>) dst(%dma_wait3A_77 : memref<16x1024xf32, #tpu.memory_space<vmem>>)
      %ge3A = arith.constant 2 : i32
      %ge3A_81 = arith.cmpi sge, %add3A_61, %ge3A : i32
      %convert_element_type3A_82 = arith.extui %ge3A_81 : i1 to i32
      %cond3A_83 = arith.constant 0 : i32
      %cond3A_84 = arith.cmpi ne, %convert_element_type3A_82, %cond3A_83 : i32
      scf.if %cond3A_84 {
        %dma_wait3A_600 = arith.constant 0 : i32
        %dma_wait3A_601 = arith.constant 0 : i32
        %dma_wait3A_602 = arith.constant 0 : i32
        %dma_wait3A_603 = tpu.memref_slice %arg9[%dma_wait3A_600, %dma_wait3A_601, %dma_wait3A_602] : memref<2x2x1024xf32, #tpu.memory_space<vmem>> -> memref<1x2x1024xf32, #tpu.memory_space<vmem>>
        %dma_wait3A_604 = tpu.memref_squeeze %dma_wait3A_603 : memref<1x2x1024xf32, #tpu.memory_space<vmem>> -> memref<2x1024xf32, #tpu.memory_space<vmem>>
        %dma_wait3A_605 = arith.constant 0 : i32
        %dma_wait3A_606 = tpu.memref_slice %arg5[%mul3A_2, %dma_wait3A_605] : memref<4096x1024xf32, #tpu.memory_space<hbm>> -> memref<2x1024xf32, #tpu.memory_space<hbm>>
        %dma_wait3A_607 = arith.constant 0 : i32
        %dma_wait3A_608 = tpu.memref_slice %arg5[%mul3A_2, %dma_wait3A_607] : memref<4096x1024xf32, #tpu.memory_space<hbm>> -> memref<2x1024xf32, #tpu.memory_space<hbm>>
        %dma_wait3A_609 = arith.constant 0 : i32
        %dma_wait3A_610 = arith.constant 0 : i32
        %dma_wait3A_611 = tpu.memref_slice %arg9[%dma_wait3A_600, %dma_wait3A_609, %dma_wait3A_610] : memref<2x2x1024xf32, #tpu.memory_space<vmem>> -> memref<1x2x1024xf32, #tpu.memory_space<vmem>>
        %dma_wait3A_612 = tpu.memref_squeeze %dma_wait3A_611 : memref<1x2x1024xf32, #tpu.memory_space<vmem>> -> memref<2x1024xf32, #tpu.memory_space<vmem>>
        tpu.wait_dma2 semaphore(%arg14 : memref<!tpu.dma_semaphore, #tpu.memory_space<semaphore_mem>>) src(%dma_wait3A_612 : memref<2x1024xf32, #tpu.memory_space<vmem>>) dst(%dma_wait3A_608 : memref<2x1024xf32, #tpu.memory_space<hbm>>)
      } else {
      }
      %mul3A_85 = arith.constant 2 : i32
      %mul3A_86 = arith.muli %add3A_61, %mul3A_85 : i32
      %add3A_87 = arith.constant 0 : i32
      %add3A_88 = arith.addi %mul3A_86, %add3A_87 : i32
      %mul3A_89 = arith.constant 16 : i32
      %mul3A_90 = arith.muli %add3A_88, %mul3A_89 : i32
      %get3A = arith.index_cast %mul3A_90 : i32 to index
      %get3A_91 = tpu.vector_load %arg7[%get3A] {strides = array<i32>} : memref<2048xf32, #tpu.memory_space<vmem>>, vector<16xf32>,
      %get3A_92 = vector.shape_cast %get3A_91 : vector<16xf32> to vector<16xf32>
      %slice3A = vector.extract_strided_slice %get3A_92 {offsets = [0], sizes = [1], strides = [1]} : vector<16xf32> to vector<1xf32>
      %squeeze3A = vector.extract %slice3A[0] : f32 from vector<1xf32>
      %mul3A_93 = arith.constant 1.250000e-01 : f32
      %mul3A_94 = arith.mulf %squeeze3A, %mul3A_93 : f32
      %slice3A_95 = vector.extract_strided_slice %get3A_92 {offsets = [1], sizes = [1], strides = [1]} : vector<16xf32> to vector<1xf32>
      %squeeze3A_96 = vector.extract %slice3A_95[0] : f32 from vector<1xf32>
      %mul3A_97 = arith.constant 1.250000e-01 : f32
      %mul3A_98 = arith.mulf %squeeze3A_96, %mul3A_97 : f32
      %slice3A_99 = vector.extract_strided_slice %get3A_92 {offsets = [2], sizes = [1], strides = [1]} : vector<16xf32> to vector<1xf32>
      %squeeze3A_100 = vector.extract %slice3A_99[0] : f32 from vector<1xf32>
      %mul3A_101 = arith.constant 1.250000e-01 : f32
      %mul3A_102 = arith.mulf %squeeze3A_100, %mul3A_101 : f32
      %slice3A_103 = vector.extract_strided_slice %get3A_92 {offsets = [3], sizes = [1], strides = [1]} : vector<16xf32> to vector<1xf32>
      %squeeze3A_104 = vector.extract %slice3A_103[0] : f32 from vector<1xf32>
      %mul3A_105 = arith.constant 1.250000e-01 : f32
      %mul3A_106 = arith.mulf %squeeze3A_104, %mul3A_105 : f32
      %slice3A_107 = vector.extract_strided_slice %get3A_92 {offsets = [4], sizes = [1], strides = [1]} : vector<16xf32> to vector<1xf32>
      %squeeze3A_108 = vector.extract %slice3A_107[0] : f32 from vector<1xf32>
      %mul3A_109 = arith.constant 1.250000e-01 : f32
      %mul3A_110 = arith.mulf %squeeze3A_108, %mul3A_109 : f32
      %slice3A_111 = vector.extract_strided_slice %get3A_92 {offsets = [5], sizes = [1], strides = [1]} : vector<16xf32> to vector<1xf32>
      %squeeze3A_112 = vector.extract %slice3A_111[0] : f32 from vector<1xf32>
      %mul3A_113 = arith.constant 1.250000e-01 : f32
      %mul3A_114 = arith.mulf %squeeze3A_112, %mul3A_113 : f32
      %slice3A_115 = vector.extract_strided_slice %get3A_92 {offsets = [6], sizes = [1], strides = [1]} : vector<16xf32> to vector<1xf32>
      %squeeze3A_116 = vector.extract %slice3A_115[0] : f32 from vector<1xf32>
      %mul3A_117 = arith.constant 1.250000e-01 : f32
      %mul3A_118 = arith.mulf %squeeze3A_116, %mul3A_117 : f32
      %slice3A_119 = vector.extract_strided_slice %get3A_92 {offsets = [7], sizes = [1], strides = [1]} : vector<16xf32> to vector<1xf32>
      %squeeze3A_120 = vector.extract %slice3A_119[0] : f32 from vector<1xf32>
      %mul3A_121 = arith.constant 1.250000e-01 : f32
      %mul3A_122 = arith.mulf %squeeze3A_120, %mul3A_121 : f32
      %slice3A_123 = vector.extract_strided_slice %get3A_92 {offsets = [8], sizes = [1], strides = [1]} : vector<16xf32> to vector<1xf32>
      %squeeze3A_124 = vector.extract %slice3A_123[0] : f32 from vector<1xf32>
      %parallel_loop3A = arith.constant 0 : i32
      %parallel_loop3A_125 = arith.constant 64 : i32
      %parallel_loop3A_126 = arith.constant 1 : i32
      scf.for %parallel_loop3A_600 = %parallel_loop3A to %parallel_loop3A_125 step %parallel_loop3A_126  : i32 {
        %parallel_loop3A_601 = vector.broadcast %squeeze3A_124 : f32 to vector<16xf32>
        %parallel_loop3A_602 = arith.constant 16 : i32
        %parallel_loop3A_603 = arith.muli %parallel_loop3A_600, %parallel_loop3A_602 : i32
        %parallel_loop3A_604 = arith.constant 0 : i32
        %parallel_loop3A_605 = arith.constant 0 : i32
        %parallel_loop3A_606 = arith.index_cast %parallel_loop3A_604 : i32 to index
        %parallel_loop3A_607 = arith.index_cast %parallel_loop3A_605 : i32 to index
        %parallel_loop3A_608 = arith.index_cast %parallel_loop3A_603 : i32 to index
        %parallel_loop3A_609 = tpu.vector_load %arg8[%parallel_loop3A_606, %parallel_loop3A_607, %parallel_loop3A_608] {strides = array<i32>} : memref<4x16x1024xf32, #tpu.memory_space<vmem>>, vector<1x1x16xf32>,
        %parallel_loop3A_610 = vector.shape_cast %parallel_loop3A_609 : vector<1x1x16xf32> to vector<16xf32>
        %parallel_loop3A_611 = vector.broadcast %mul3A_94 : f32 to vector<16xf32>
        %parallel_loop3A_612 = arith.mulf %parallel_loop3A_610, %parallel_loop3A_611 : vector<16xf32>
        %parallel_loop3A_613 = arith.addf %parallel_loop3A_601, %parallel_loop3A_612 : vector<16xf32>
        %parallel_loop3A_614 = arith.constant 16 : i32
        %parallel_loop3A_615 = arith.muli %parallel_loop3A_600, %parallel_loop3A_614 : i32
        %parallel_loop3A_616 = arith.constant 0 : i32
        %parallel_loop3A_617 = arith.constant 1 : i32
        %parallel_loop3A_618 = arith.index_cast %parallel_loop3A_616 : i32 to index
        %parallel_loop3A_619 = arith.index_cast %parallel_loop3A_617 : i32 to index
        %parallel_loop3A_620 = arith.index_cast %parallel_loop3A_615 : i32 to index
        %parallel_loop3A_621 = tpu.vector_load %arg8[%parallel_loop3A_618, %parallel_loop3A_619, %parallel_loop3A_620] {strides = array<i32>} : memref<4x16x1024xf32, #tpu.memory_space<vmem>>, vector<1x1x16xf32>,
        %parallel_loop3A_622 = vector.shape_cast %parallel_loop3A_621 : vector<1x1x16xf32> to vector<16xf32>
        %parallel_loop3A_623 = vector.broadcast %mul3A_98 : f32 to vector<16xf32>
        %parallel_loop3A_624 = arith.mulf %parallel_loop3A_622, %parallel_loop3A_623 : vector<16xf32>
        %parallel_loop3A_625 = arith.addf %parallel_loop3A_613, %parallel_loop3A_624 : vector<16xf32>
        %parallel_loop3A_626 = arith.constant 16 : i32
        %parallel_loop3A_627 = arith.muli %parallel_loop3A_600, %parallel_loop3A_626 : i32
        %parallel_loop3A_628 = arith.constant 0 : i32
        %parallel_loop3A_629 = arith.constant 2 : i32
        %parallel_loop3A_630 = arith.index_cast %parallel_loop3A_628 : i32 to index
        %parallel_loop3A_631 = arith.index_cast %parallel_loop3A_629 : i32 to index
        %parallel_loop3A_632 = arith.index_cast %parallel_loop3A_627 : i32 to index
        %parallel_loop3A_633 = tpu.vector_load %arg8[%parallel_loop3A_630, %parallel_loop3A_631, %parallel_loop3A_632] {strides = array<i32>} : memref<4x16x1024xf32, #tpu.memory_space<vmem>>, vector<1x1x16xf32>,
        %parallel_loop3A_634 = vector.shape_cast %parallel_loop3A_633 : vector<1x1x16xf32> to vector<16xf32>
        %parallel_loop3A_635 = vector.broadcast %mul3A_102 : f32 to vector<16xf32>
        %parallel_loop3A_636 = arith.mulf %parallel_loop3A_634, %parallel_loop3A_635 : vector<16xf32>
        %parallel_loop3A_637 = arith.addf %parallel_loop3A_625, %parallel_loop3A_636 : vector<16xf32>
        %parallel_loop3A_638 = arith.constant 16 : i32
        %parallel_loop3A_639 = arith.muli %parallel_loop3A_600, %parallel_loop3A_638 : i32
        %parallel_loop3A_640 = arith.constant 0 : i32
        %parallel_loop3A_641 = arith.constant 3 : i32
        %parallel_loop3A_642 = arith.index_cast %parallel_loop3A_640 : i32 to index
        %parallel_loop3A_643 = arith.index_cast %parallel_loop3A_641 : i32 to index
        %parallel_loop3A_644 = arith.index_cast %parallel_loop3A_639 : i32 to index
        %parallel_loop3A_645 = tpu.vector_load %arg8[%parallel_loop3A_642, %parallel_loop3A_643, %parallel_loop3A_644] {strides = array<i32>} : memref<4x16x1024xf32, #tpu.memory_space<vmem>>, vector<1x1x16xf32>,
        %parallel_loop3A_646 = vector.shape_cast %parallel_loop3A_645 : vector<1x1x16xf32> to vector<16xf32>
        %parallel_loop3A_647 = vector.broadcast %mul3A_106 : f32 to vector<16xf32>
        %parallel_loop3A_648 = arith.mulf %parallel_loop3A_646, %parallel_loop3A_647 : vector<16xf32>
        %parallel_loop3A_649 = arith.addf %parallel_loop3A_637, %parallel_loop3A_648 : vector<16xf32>
        %parallel_loop3A_650 = arith.constant 16 : i32
        %parallel_loop3A_651 = arith.muli %parallel_loop3A_600, %parallel_loop3A_650 : i32
        %parallel_loop3A_652 = arith.constant 0 : i32
        %parallel_loop3A_653 = arith.constant 4 : i32
        %parallel_loop3A_654 = arith.index_cast %parallel_loop3A_652 : i32 to index
        %parallel_loop3A_655 = arith.index_cast %parallel_loop3A_653 : i32 to index
        %parallel_loop3A_656 = arith.index_cast %parallel_loop3A_651 : i32 to index
        %parallel_loop3A_657 = tpu.vector_load %arg8[%parallel_loop3A_654, %parallel_loop3A_655, %parallel_loop3A_656] {strides = array<i32>} : memref<4x16x1024xf32, #tpu.memory_space<vmem>>, vector<1x1x16xf32>,
        %parallel_loop3A_658 = vector.shape_cast %parallel_loop3A_657 : vector<1x1x16xf32> to vector<16xf32>
        %parallel_loop3A_659 = vector.broadcast %mul3A_110 : f32 to vector<16xf32>
        %parallel_loop3A_660 = arith.mulf %parallel_loop3A_658, %parallel_loop3A_659 : vector<16xf32>
        %parallel_loop3A_661 = arith.addf %parallel_loop3A_649, %parallel_loop3A_660 : vector<16xf32>
        %parallel_loop3A_662 = arith.constant 16 : i32
        %parallel_loop3A_663 = arith.muli %parallel_loop3A_600, %parallel_loop3A_662 : i32
        %parallel_loop3A_664 = arith.constant 0 : i32
        %parallel_loop3A_665 = arith.constant 5 : i32
        %parallel_loop3A_666 = arith.index_cast %parallel_loop3A_664 : i32 to index
        %parallel_loop3A_667 = arith.index_cast %parallel_loop3A_665 : i32 to index
        %parallel_loop3A_668 = arith.index_cast %parallel_loop3A_663 : i32 to index
        %parallel_loop3A_669 = tpu.vector_load %arg8[%parallel_loop3A_666, %parallel_loop3A_667, %parallel_loop3A_668] {strides = array<i32>} : memref<4x16x1024xf32, #tpu.memory_space<vmem>>, vector<1x1x16xf32>,
        %parallel_loop3A_670 = vector.shape_cast %parallel_loop3A_669 : vector<1x1x16xf32> to vector<16xf32>
        %parallel_loop3A_671 = vector.broadcast %mul3A_114 : f32 to vector<16xf32>
        %parallel_loop3A_672 = arith.mulf %parallel_loop3A_670, %parallel_loop3A_671 : vector<16xf32>
        %parallel_loop3A_673 = arith.addf %parallel_loop3A_661, %parallel_loop3A_672 : vector<16xf32>
        %parallel_loop3A_674 = arith.constant 16 : i32
        %parallel_loop3A_675 = arith.muli %parallel_loop3A_600, %parallel_loop3A_674 : i32
        %parallel_loop3A_676 = arith.constant 0 : i32
        %parallel_loop3A_677 = arith.constant 6 : i32
        %parallel_loop3A_678 = arith.index_cast %parallel_loop3A_676 : i32 to index
        %parallel_loop3A_679 = arith.index_cast %parallel_loop3A_677 : i32 to index
        %parallel_loop3A_680 = arith.index_cast %parallel_loop3A_675 : i32 to index
        %parallel_loop3A_681 = tpu.vector_load %arg8[%parallel_loop3A_678, %parallel_loop3A_679, %parallel_loop3A_680] {strides = array<i32>} : memref<4x16x1024xf32, #tpu.memory_space<vmem>>, vector<1x1x16xf32>,
        %parallel_loop3A_682 = vector.shape_cast %parallel_loop3A_681 : vector<1x1x16xf32> to vector<16xf32>
        %parallel_loop3A_683 = vector.broadcast %mul3A_118 : f32 to vector<16xf32>
        %parallel_loop3A_684 = arith.mulf %parallel_loop3A_682, %parallel_loop3A_683 : vector<16xf32>
        %parallel_loop3A_685 = arith.addf %parallel_loop3A_673, %parallel_loop3A_684 : vector<16xf32>
        %parallel_loop3A_686 = arith.constant 16 : i32
        %parallel_loop3A_687 = arith.muli %parallel_loop3A_600, %parallel_loop3A_686 : i32
        %parallel_loop3A_688 = arith.constant 0 : i32
        %parallel_loop3A_689 = arith.constant 7 : i32
        %parallel_loop3A_690 = arith.index_cast %parallel_loop3A_688 : i32 to index
        %parallel_loop3A_691 = arith.index_cast %parallel_loop3A_689 : i32 to index
        %parallel_loop3A_692 = arith.index_cast %parallel_loop3A_687 : i32 to index
        %parallel_loop3A_693 = tpu.vector_load %arg8[%parallel_loop3A_690, %parallel_loop3A_691, %parallel_loop3A_692] {strides = array<i32>} : memref<4x16x1024xf32, #tpu.memory_space<vmem>>, vector<1x1x16xf32>,
        %parallel_loop3A_694 = vector.shape_cast %parallel_loop3A_693 : vector<1x1x16xf32> to vector<16xf32>
        %parallel_loop3A_695 = vector.broadcast %mul3A_122 : f32 to vector<16xf32>
        %parallel_loop3A_696 = arith.mulf %parallel_loop3A_694, %parallel_loop3A_695 : vector<16xf32>
        %parallel_loop3A_697 = arith.addf %parallel_loop3A_685, %parallel_loop3A_696 : vector<16xf32>
        %parallel_loop3A_698 = arith.constant 16 : i32
        %parallel_loop3A_699 = arith.muli %parallel_loop3A_600, %parallel_loop3A_698 : i32
        %parallel_loop3A_700 = arith.constant 0 : i32
        %parallel_loop3A_701 = arith.constant 0 : i32
        %parallel_loop3A_702 = arith.index_cast %parallel_loop3A_700 : i32 to index
        %parallel_loop3A_703 = arith.index_cast %parallel_loop3A_701 : i32 to index
        %parallel_loop3A_704 = arith.index_cast %parallel_loop3A_699 : i32 to index
        %parallel_loop3A_705 = tpu.vector_load %arg9[%parallel_loop3A_702, %parallel_loop3A_703, %parallel_loop3A_704] {strides = array<i32>} : memref<2x2x1024xf32, #tpu.memory_space<vmem>>, vector<1x1x16xf32>,
        %parallel_loop3A_706 = vector.shape_cast %parallel_loop3A_705 : vector<1x1x16xf32> to vector<16xf32>
        %parallel_loop3A_707 = vector.shape_cast %parallel_loop3A_697 : vector<16xf32> to vector<1x1x16xf32>
        tpu.vector_store %arg9[%parallel_loop3A_702, %parallel_loop3A_703, %parallel_loop3A_704], %parallel_loop3A_707 {strides = array<i32>} : memref<2x2x1024xf32, #tpu.memory_space<vmem>>, vector<1x1x16xf32>,
      } {sc.loop_unroll_factor = 8 : i64, sc.parallel_access}
      %mul3A_127 = arith.constant 2 : i32
      %mul3A_128 = arith.muli %add3A_61, %mul3A_127 : i32
      %add3A_129 = arith.constant 1 : i32
      %add3A_130 = arith.addi %mul3A_128, %add3A_129 : i32
      %mul3A_131 = arith.constant 16 : i32
      %mul3A_132 = arith.muli %add3A_130, %mul3A_131 : i32
      %get3A_133 = arith.index_cast %mul3A_132 : i32 to index
      %get3A_134 = tpu.vector_load %arg7[%get3A_133] {strides = array<i32>} : memref<2048xf32, #tpu.memory_space<vmem>>, vector<16xf32>,
      %get3A_135 = vector.shape_cast %get3A_134 : vector<16xf32> to vector<16xf32>
      %slice3A_136 = vector.extract_strided_slice %get3A_135 {offsets = [0], sizes = [1], strides = [1]} : vector<16xf32> to vector<1xf32>
      %squeeze3A_137 = vector.extract %slice3A_136[0] : f32 from vector<1xf32>
      %mul3A_138 = arith.constant 1.250000e-01 : f32
      %mul3A_139 = arith.mulf %squeeze3A_137, %mul3A_138 : f32
      %slice3A_140 = vector.extract_strided_slice %get3A_135 {offsets = [1], sizes = [1], strides = [1]} : vector<16xf32> to vector<1xf32>
      %squeeze3A_141 = vector.extract %slice3A_140[0] : f32 from vector<1xf32>
      %mul3A_142 = arith.constant 1.250000e-01 : f32
      %mul3A_143 = arith.mulf %squeeze3A_141, %mul3A_142 : f32
      %slice3A_144 = vector.extract_strided_slice %get3A_135 {offsets = [2], sizes = [1], strides = [1]} : vector<16xf32> to vector<1xf32>
      %squeeze3A_145 = vector.extract %slice3A_144[0] : f32 from vector<1xf32>
      %mul3A_146 = arith.constant 1.250000e-01 : f32
      %mul3A_147 = arith.mulf %squeeze3A_145, %mul3A_146 : f32
      %slice3A_148 = vector.extract_strided_slice %get3A_135 {offsets = [3], sizes = [1], strides = [1]} : vector<16xf32> to vector<1xf32>
      %squeeze3A_149 = vector.extract %slice3A_148[0] : f32 from vector<1xf32>
      %mul3A_150 = arith.constant 1.250000e-01 : f32
      %mul3A_151 = arith.mulf %squeeze3A_149, %mul3A_150 : f32
      %slice3A_152 = vector.extract_strided_slice %get3A_135 {offsets = [4], sizes = [1], strides = [1]} : vector<16xf32> to vector<1xf32>
      %squeeze3A_153 = vector.extract %slice3A_152[0] : f32 from vector<1xf32>
      %mul3A_154 = arith.constant 1.250000e-01 : f32
      %mul3A_155 = arith.mulf %squeeze3A_153, %mul3A_154 : f32
      %slice3A_156 = vector.extract_strided_slice %get3A_135 {offsets = [5], sizes = [1], strides = [1]} : vector<16xf32> to vector<1xf32>
      %squeeze3A_157 = vector.extract %slice3A_156[0] : f32 from vector<1xf32>
      %mul3A_158 = arith.constant 1.250000e-01 : f32
      %mul3A_159 = arith.mulf %squeeze3A_157, %mul3A_158 : f32
      %slice3A_160 = vector.extract_strided_slice %get3A_135 {offsets = [6], sizes = [1], strides = [1]} : vector<16xf32> to vector<1xf32>
      %squeeze3A_161 = vector.extract %slice3A_160[0] : f32 from vector<1xf32>
      %mul3A_162 = arith.constant 1.250000e-01 : f32
      %mul3A_163 = arith.mulf %squeeze3A_161, %mul3A_162 : f32
      %slice3A_164 = vector.extract_strided_slice %get3A_135 {offsets = [7], sizes = [1], strides = [1]} : vector<16xf32> to vector<1xf32>
      %squeeze3A_165 = vector.extract %slice3A_164[0] : f32 from vector<1xf32>
      %mul3A_166 = arith.constant 1.250000e-01 : f32
      %mul3A_167 = arith.mulf %squeeze3A_165, %mul3A_166 : f32
      %slice3A_168 = vector.extract_strided_slice %get3A_135 {offsets = [8], sizes = [1], strides = [1]} : vector<16xf32> to vector<1xf32>
      %squeeze3A_169 = vector.extract %slice3A_168[0] : f32 from vector<1xf32>
      %parallel_loop3A_170 = arith.constant 0 : i32
      %parallel_loop3A_171 = arith.constant 64 : i32
      %parallel_loop3A_172 = arith.constant 1 : i32
      scf.for %parallel_loop3A_600 = %parallel_loop3A_170 to %parallel_loop3A_171 step %parallel_loop3A_172  : i32 {
        %parallel_loop3A_601 = vector.broadcast %squeeze3A_169 : f32 to vector<16xf32>
        %parallel_loop3A_602 = arith.constant 16 : i32
        %parallel_loop3A_603 = arith.muli %parallel_loop3A_600, %parallel_loop3A_602 : i32
        %parallel_loop3A_604 = arith.constant 0 : i32
        %parallel_loop3A_605 = arith.constant 8 : i32
        %parallel_loop3A_606 = arith.index_cast %parallel_loop3A_604 : i32 to index
        %parallel_loop3A_607 = arith.index_cast %parallel_loop3A_605 : i32 to index
        %parallel_loop3A_608 = arith.index_cast %parallel_loop3A_603 : i32 to index
        %parallel_loop3A_609 = tpu.vector_load %arg8[%parallel_loop3A_606, %parallel_loop3A_607, %parallel_loop3A_608] {strides = array<i32>} : memref<4x16x1024xf32, #tpu.memory_space<vmem>>, vector<1x1x16xf32>,
        %parallel_loop3A_610 = vector.shape_cast %parallel_loop3A_609 : vector<1x1x16xf32> to vector<16xf32>
        %parallel_loop3A_611 = vector.broadcast %mul3A_139 : f32 to vector<16xf32>
        %parallel_loop3A_612 = arith.mulf %parallel_loop3A_610, %parallel_loop3A_611 : vector<16xf32>
        %parallel_loop3A_613 = arith.addf %parallel_loop3A_601, %parallel_loop3A_612 : vector<16xf32>
        %parallel_loop3A_614 = arith.constant 16 : i32
        %parallel_loop3A_615 = arith.muli %parallel_loop3A_600, %parallel_loop3A_614 : i32
        %parallel_loop3A_616 = arith.constant 0 : i32
        %parallel_loop3A_617 = arith.constant 9 : i32
        %parallel_loop3A_618 = arith.index_cast %parallel_loop3A_616 : i32 to index
        %parallel_loop3A_619 = arith.index_cast %parallel_loop3A_617 : i32 to index
        %parallel_loop3A_620 = arith.index_cast %parallel_loop3A_615 : i32 to index
        %parallel_loop3A_621 = tpu.vector_load %arg8[%parallel_loop3A_618, %parallel_loop3A_619, %parallel_loop3A_620] {strides = array<i32>} : memref<4x16x1024xf32, #tpu.memory_space<vmem>>, vector<1x1x16xf32>,
        %parallel_loop3A_622 = vector.shape_cast %parallel_loop3A_621 : vector<1x1x16xf32> to vector<16xf32>
        %parallel_loop3A_623 = vector.broadcast %mul3A_143 : f32 to vector<16xf32>
        %parallel_loop3A_624 = arith.mulf %parallel_loop3A_622, %parallel_loop3A_623 : vector<16xf32>
        %parallel_loop3A_625 = arith.addf %parallel_loop3A_613, %parallel_loop3A_624 : vector<16xf32>
        %parallel_loop3A_626 = arith.constant 16 : i32
        %parallel_loop3A_627 = arith.muli %parallel_loop3A_600, %parallel_loop3A_626 : i32
        %parallel_loop3A_628 = arith.constant 0 : i32
        %parallel_loop3A_629 = arith.constant 10 : i32
        %parallel_loop3A_630 = arith.index_cast %parallel_loop3A_628 : i32 to index
        %parallel_loop3A_631 = arith.index_cast %parallel_loop3A_629 : i32 to index
        %parallel_loop3A_632 = arith.index_cast %parallel_loop3A_627 : i32 to index
        %parallel_loop3A_633 = tpu.vector_load %arg8[%parallel_loop3A_630, %parallel_loop3A_631, %parallel_loop3A_632] {strides = array<i32>} : memref<4x16x1024xf32, #tpu.memory_space<vmem>>, vector<1x1x16xf32>,
        %parallel_loop3A_634 = vector.shape_cast %parallel_loop3A_633 : vector<1x1x16xf32> to vector<16xf32>
        %parallel_loop3A_635 = vector.broadcast %mul3A_147 : f32 to vector<16xf32>
        %parallel_loop3A_636 = arith.mulf %parallel_loop3A_634, %parallel_loop3A_635 : vector<16xf32>
        %parallel_loop3A_637 = arith.addf %parallel_loop3A_625, %parallel_loop3A_636 : vector<16xf32>
        %parallel_loop3A_638 = arith.constant 16 : i32
        %parallel_loop3A_639 = arith.muli %parallel_loop3A_600, %parallel_loop3A_638 : i32
        %parallel_loop3A_640 = arith.constant 0 : i32
        %parallel_loop3A_641 = arith.constant 11 : i32
        %parallel_loop3A_642 = arith.index_cast %parallel_loop3A_640 : i32 to index
        %parallel_loop3A_643 = arith.index_cast %parallel_loop3A_641 : i32 to index
        %parallel_loop3A_644 = arith.index_cast %parallel_loop3A_639 : i32 to index
        %parallel_loop3A_645 = tpu.vector_load %arg8[%parallel_loop3A_642, %parallel_loop3A_643, %parallel_loop3A_644] {strides = array<i32>} : memref<4x16x1024xf32, #tpu.memory_space<vmem>>, vector<1x1x16xf32>,
        %parallel_loop3A_646 = vector.shape_cast %parallel_loop3A_645 : vector<1x1x16xf32> to vector<16xf32>
        %parallel_loop3A_647 = vector.broadcast %mul3A_151 : f32 to vector<16xf32>
        %parallel_loop3A_648 = arith.mulf %parallel_loop3A_646, %parallel_loop3A_647 : vector<16xf32>
        %parallel_loop3A_649 = arith.addf %parallel_loop3A_637, %parallel_loop3A_648 : vector<16xf32>
        %parallel_loop3A_650 = arith.constant 16 : i32
        %parallel_loop3A_651 = arith.muli %parallel_loop3A_600, %parallel_loop3A_650 : i32
        %parallel_loop3A_652 = arith.constant 0 : i32
        %parallel_loop3A_653 = arith.constant 12 : i32
        %parallel_loop3A_654 = arith.index_cast %parallel_loop3A_652 : i32 to index
        %parallel_loop3A_655 = arith.index_cast %parallel_loop3A_653 : i32 to index
        %parallel_loop3A_656 = arith.index_cast %parallel_loop3A_651 : i32 to index
        %parallel_loop3A_657 = tpu.vector_load %arg8[%parallel_loop3A_654, %parallel_loop3A_655, %parallel_loop3A_656] {strides = array<i32>} : memref<4x16x1024xf32, #tpu.memory_space<vmem>>, vector<1x1x16xf32>,
        %parallel_loop3A_658 = vector.shape_cast %parallel_loop3A_657 : vector<1x1x16xf32> to vector<16xf32>
        %parallel_loop3A_659 = vector.broadcast %mul3A_155 : f32 to vector<16xf32>
        %parallel_loop3A_660 = arith.mulf %parallel_loop3A_658, %parallel_loop3A_659 : vector<16xf32>
        %parallel_loop3A_661 = arith.addf %parallel_loop3A_649, %parallel_loop3A_660 : vector<16xf32>
        %parallel_loop3A_662 = arith.constant 16 : i32
        %parallel_loop3A_663 = arith.muli %parallel_loop3A_600, %parallel_loop3A_662 : i32
        %parallel_loop3A_664 = arith.constant 0 : i32
        %parallel_loop3A_665 = arith.constant 13 : i32
        %parallel_loop3A_666 = arith.index_cast %parallel_loop3A_664 : i32 to index
        %parallel_loop3A_667 = arith.index_cast %parallel_loop3A_665 : i32 to index
        %parallel_loop3A_668 = arith.index_cast %parallel_loop3A_663 : i32 to index
        %parallel_loop3A_669 = tpu.vector_load %arg8[%parallel_loop3A_666, %parallel_loop3A_667, %parallel_loop3A_668] {strides = array<i32>} : memref<4x16x1024xf32, #tpu.memory_space<vmem>>, vector<1x1x16xf32>,
        %parallel_loop3A_670 = vector.shape_cast %parallel_loop3A_669 : vector<1x1x16xf32> to vector<16xf32>
        %parallel_loop3A_671 = vector.broadcast %mul3A_159 : f32 to vector<16xf32>
        %parallel_loop3A_672 = arith.mulf %parallel_loop3A_670, %parallel_loop3A_671 : vector<16xf32>
        %parallel_loop3A_673 = arith.addf %parallel_loop3A_661, %parallel_loop3A_672 : vector<16xf32>
        %parallel_loop3A_674 = arith.constant 16 : i32
        %parallel_loop3A_675 = arith.muli %parallel_loop3A_600, %parallel_loop3A_674 : i32
        %parallel_loop3A_676 = arith.constant 0 : i32
        %parallel_loop3A_677 = arith.constant 14 : i32
        %parallel_loop3A_678 = arith.index_cast %parallel_loop3A_676 : i32 to index
        %parallel_loop3A_679 = arith.index_cast %parallel_loop3A_677 : i32 to index
        %parallel_loop3A_680 = arith.index_cast %parallel_loop3A_675 : i32 to index
        %parallel_loop3A_681 = tpu.vector_load %arg8[%parallel_loop3A_678, %parallel_loop3A_679, %parallel_loop3A_680] {strides = array<i32>} : memref<4x16x1024xf32, #tpu.memory_space<vmem>>, vector<1x1x16xf32>,
        %parallel_loop3A_682 = vector.shape_cast %parallel_loop3A_681 : vector<1x1x16xf32> to vector<16xf32>
        %parallel_loop3A_683 = vector.broadcast %mul3A_163 : f32 to vector<16xf32>
        %parallel_loop3A_684 = arith.mulf %parallel_loop3A_682, %parallel_loop3A_683 : vector<16xf32>
        %parallel_loop3A_685 = arith.addf %parallel_loop3A_673, %parallel_loop3A_684 : vector<16xf32>
        %parallel_loop3A_686 = arith.constant 16 : i32
        %parallel_loop3A_687 = arith.muli %parallel_loop3A_600, %parallel_loop3A_686 : i32
        %parallel_loop3A_688 = arith.constant 0 : i32
        %parallel_loop3A_689 = arith.constant 15 : i32
        %parallel_loop3A_690 = arith.index_cast %parallel_loop3A_688 : i32 to index
        %parallel_loop3A_691 = arith.index_cast %parallel_loop3A_689 : i32 to index
        %parallel_loop3A_692 = arith.index_cast %parallel_loop3A_687 : i32 to index
        %parallel_loop3A_693 = tpu.vector_load %arg8[%parallel_loop3A_690, %parallel_loop3A_691, %parallel_loop3A_692] {strides = array<i32>} : memref<4x16x1024xf32, #tpu.memory_space<vmem>>, vector<1x1x16xf32>,
        %parallel_loop3A_694 = vector.shape_cast %parallel_loop3A_693 : vector<1x1x16xf32> to vector<16xf32>
        %parallel_loop3A_695 = vector.broadcast %mul3A_167 : f32 to vector<16xf32>
        %parallel_loop3A_696 = arith.mulf %parallel_loop3A_694, %parallel_loop3A_695 : vector<16xf32>
        %parallel_loop3A_697 = arith.addf %parallel_loop3A_685, %parallel_loop3A_696 : vector<16xf32>
        %parallel_loop3A_698 = arith.constant 16 : i32
        %parallel_loop3A_699 = arith.muli %parallel_loop3A_600, %parallel_loop3A_698 : i32
        %parallel_loop3A_700 = arith.constant 0 : i32
        %parallel_loop3A_701 = arith.constant 1 : i32
        %parallel_loop3A_702 = arith.index_cast %parallel_loop3A_700 : i32 to index
        %parallel_loop3A_703 = arith.index_cast %parallel_loop3A_701 : i32 to index
        %parallel_loop3A_704 = arith.index_cast %parallel_loop3A_699 : i32 to index
        %parallel_loop3A_705 = tpu.vector_load %arg9[%parallel_loop3A_702, %parallel_loop3A_703, %parallel_loop3A_704] {strides = array<i32>} : memref<2x2x1024xf32, #tpu.memory_space<vmem>>, vector<1x1x16xf32>,
        %parallel_loop3A_706 = vector.shape_cast %parallel_loop3A_705 : vector<1x1x16xf32> to vector<16xf32>
        %parallel_loop3A_707 = vector.shape_cast %parallel_loop3A_697 : vector<16xf32> to vector<1x1x16xf32>
        tpu.vector_store %arg9[%parallel_loop3A_702, %parallel_loop3A_703, %parallel_loop3A_704], %parallel_loop3A_707 {strides = array<i32>} : memref<2x2x1024xf32, #tpu.memory_space<vmem>>, vector<1x1x16xf32>,
      } {sc.loop_unroll_factor = 8 : i64, sc.parallel_access}
      %mul3A_173 = arith.constant 2 : i32
      %mul3A_174 = arith.muli %add3A_61, %mul3A_173 : i32
      %add3A_175 = arith.addi %mul3A_2, %mul3A_174 : i32
      %dma_start3A_176 = arith.constant 0 : i32
      %dma_start3A_177 = arith.constant 0 : i32
      %dma_start3A_178 = arith.constant 0 : i32
      %dma_start3A_179 = tpu.memref_slice %arg9[%dma_start3A_176, %dma_start3A_177, %dma_start3A_178] : memref<2x2x1024xf32, #tpu.memory_space<vmem>> -> memref<1x2x1024xf32, #tpu.memory_space<vmem>>
      %dma_start3A_180 = tpu.memref_squeeze %dma_start3A_179 : memref<1x2x1024xf32, #tpu.memory_space<vmem>> -> memref<2x1024xf32, #tpu.memory_space<vmem>>
      %dma_start3A_181 = arith.constant 0 : i32
      %dma_start3A_182 = tpu.memref_slice %arg5[%add3A_175, %dma_start3A_181] : memref<4096x1024xf32, #tpu.memory_space<hbm>> -> memref<2x1024xf32, #tpu.memory_space<hbm>>
      %dma_start3A_183 = arith.constant 0 : i32
      %dma_start3A_184 = tpu.memref_slice %arg5[%add3A_175, %dma_start3A_183] : memref<4096x1024xf32, #tpu.memory_space<hbm>> -> memref<2x1024xf32, #tpu.memory_space<hbm>>
      %dma_start3A_185 = arith.constant 0 : i32
      %dma_start3A_186 = arith.constant 0 : i32
      %dma_start3A_187 = tpu.memref_slice %arg9[%dma_start3A_176, %dma_start3A_185, %dma_start3A_186] : memref<2x2x1024xf32, #tpu.memory_space<vmem>> -> memref<1x2x1024xf32, #tpu.memory_space<vmem>>
      %dma_start3A_188 = tpu.memref_squeeze %dma_start3A_187 : memref<1x2x1024xf32, #tpu.memory_space<vmem>> -> memref<2x1024xf32, #tpu.memory_space<vmem>>
      tpu.enqueue_dma source(%dma_start3A_188 : memref<2x1024xf32, #tpu.memory_space<vmem>>) target(%dma_start3A_184 : memref<2x1024xf32, #tpu.memory_space<hbm>>) target_semaphore(%arg14 : memref<!tpu.dma_semaphore, #tpu.memory_space<semaphore_mem>>)
      %add3A_189 = arith.constant 1 : i32
      %add3A_190 = arith.addi %add3A_59, %add3A_189 : i32
      %add3A_191 = arith.constant 2 : i32
      %add3A_192 = arith.addi %add3A_190, %add3A_191 : i32
      %lt3A_193 = arith.constant 64 : i32
      %lt3A_194 = arith.cmpi slt, %add3A_192, %lt3A_193 : i32
      %convert_element_type3A_195 = arith.extui %lt3A_194 : i1 to i32
      %cond3A_196 = arith.constant 0 : i32
      %cond3A_197 = arith.cmpi ne, %convert_element_type3A_195, %cond3A_196 : i32
      scf.if %cond3A_197 {
        %add3A_600 = arith.constant 2 : i32
        %add3A_601 = arith.addi %add3A_190, %add3A_600 : i32
        %mul3A_602 = arith.constant 16 : i32
        %mul3A_603 = arith.muli %add3A_601, %mul3A_602 : i32
        %dma_start3A_604 = arith.constant 3 : i32
        %dma_start3A_605 = arith.constant 0 : i32
        %dma_start3A_606 = arith.constant 0 : i32
        %dma_start3A_607 = tpu.memref_slice %arg8[%dma_start3A_604, %dma_start3A_605, %dma_start3A_606] : memref<4x16x1024xf32, #tpu.memory_space<vmem>> -> memref<1x16x1024xf32, #tpu.memory_space<vmem>>
        %dma_start3A_608 = tpu.memref_squeeze %dma_start3A_607 : memref<1x16x1024xf32, #tpu.memory_space<vmem>> -> memref<16x1024xf32, #tpu.memory_space<vmem>>
        %dma_start3A_609 = tpu.memref_slice %arg6[%mul3A_603] : memref<1024xi32, #tpu.memory_space<vmem>> -> memref<16xi32, #tpu.memory_space<vmem>>
        %dma_start3A_610 = arith.constant 0 : i32
        %dma_start3A_611 = arith.constant 0 : i32
        %dma_start3A_612 = tpu.memref_slice %arg2[%dma_start3A_610, %dma_start3A_611] : memref<4096x1024xf32, #tpu.memory_space<hbm>> -> memref<4096x1024xf32, #tpu.memory_space<hbm>>
        tpu.enqueue_indirect_dma source(%dma_start3A_612 : memref<4096x1024xf32, #tpu.memory_space<hbm>>) target(%dma_start3A_608 : memref<16x1024xf32, #tpu.memory_space<vmem>>) offsets(%dma_start3A_609 : memref<16xi32, #tpu.memory_space<vmem>>) semaphore(%arg13 : memref<!tpu.dma_semaphore, #tpu.memory_space<semaphore_mem>>)
      } else {
      }
      %dma_wait3A_198 = arith.constant 1 : i32
      %dma_wait3A_199 = arith.constant 0 : i32
      %dma_wait3A_200 = arith.constant 0 : i32
      %dma_wait3A_201 = tpu.memref_slice %arg8[%dma_wait3A_198, %dma_wait3A_199, %dma_wait3A_200] : memref<4x16x1024xf32, #tpu.memory_space<vmem>> -> memref<1x16x1024xf32, #tpu.memory_space<vmem>>
      %dma_wait3A_202 = tpu.memref_squeeze %dma_wait3A_201 : memref<1x16x1024xf32, #tpu.memory_space<vmem>> -> memref<16x1024xf32, #tpu.memory_space<vmem>>
      %dma_wait3A_203 = arith.constant 0 : i32
      %dma_wait3A_204 = arith.constant 0 : i32
      %dma_wait3A_205 = tpu.memref_slice %arg2[%dma_wait3A_203, %dma_wait3A_204] : memref<4096x1024xf32, #tpu.memory_space<hbm>> -> memref<16x1024xf32, #tpu.memory_space<hbm>>
      %dma_wait3A_206 = arith.constant 0 : i32
      %dma_wait3A_207 = arith.constant 0 : i32
      %dma_wait3A_208 = tpu.memref_slice %arg8[%dma_wait3A_198, %dma_wait3A_206, %dma_wait3A_207] : memref<4x16x1024xf32, #tpu.memory_space<vmem>> -> memref<1x16x1024xf32, #tpu.memory_space<vmem>>
      %dma_wait3A_209 = tpu.memref_squeeze %dma_wait3A_208 : memref<1x16x1024xf32, #tpu.memory_space<vmem>> -> memref<16x1024xf32, #tpu.memory_space<vmem>>
      %dma_wait3A_210 = arith.constant 0 : i32
      %dma_wait3A_211 = arith.constant 0 : i32
      %dma_wait3A_212 = tpu.memref_slice %arg2[%dma_wait3A_210, %dma_wait3A_211] : memref<4096x1024xf32, #tpu.memory_space<hbm>> -> memref<16x1024xf32, #tpu.memory_space<hbm>>
      tpu.wait_dma2 semaphore(%arg11 : memref<!tpu.dma_semaphore, #tpu.memory_space<semaphore_mem>>) src(%dma_wait3A_212 : memref<16x1024xf32, #tpu.memory_space<hbm>>) dst(%dma_wait3A_209 : memref<16x1024xf32, #tpu.memory_space<vmem>>)
      %ge3A_213 = arith.constant 2 : i32
      %ge3A_214 = arith.cmpi sge, %add3A_190, %ge3A_213 : i32
      %convert_element_type3A_215 = arith.extui %ge3A_214 : i1 to i32
      %cond3A_216 = arith.constant 0 : i32
      %cond3A_217 = arith.cmpi ne, %convert_element_type3A_215, %cond3A_216 : i32
      scf.if %cond3A_217 {
        %dma_wait3A_600 = arith.constant 1 : i32
        %dma_wait3A_601 = arith.constant 0 : i32
        %dma_wait3A_602 = arith.constant 0 : i32
        %dma_wait3A_603 = tpu.memref_slice %arg9[%dma_wait3A_600, %dma_wait3A_601, %dma_wait3A_602] : memref<2x2x1024xf32, #tpu.memory_space<vmem>> -> memref<1x2x1024xf32, #tpu.memory_space<vmem>>
        %dma_wait3A_604 = tpu.memref_squeeze %dma_wait3A_603 : memref<1x2x1024xf32, #tpu.memory_space<vmem>> -> memref<2x1024xf32, #tpu.memory_space<vmem>>
        %dma_wait3A_605 = arith.constant 0 : i32
        %dma_wait3A_606 = tpu.memref_slice %arg5[%mul3A_2, %dma_wait3A_605] : memref<4096x1024xf32, #tpu.memory_space<hbm>> -> memref<2x1024xf32, #tpu.memory_space<hbm>>
        %dma_wait3A_607 = arith.constant 0 : i32
        %dma_wait3A_608 = tpu.memref_slice %arg5[%mul3A_2, %dma_wait3A_607] : memref<4096x1024xf32, #tpu.memory_space<hbm>> -> memref<2x1024xf32, #tpu.memory_space<hbm>>
        %dma_wait3A_609 = arith.constant 0 : i32
        %dma_wait3A_610 = arith.constant 0 : i32
        %dma_wait3A_611 = tpu.memref_slice %arg9[%dma_wait3A_600, %dma_wait3A_609, %dma_wait3A_610] : memref<2x2x1024xf32, #tpu.memory_space<vmem>> -> memref<1x2x1024xf32, #tpu.memory_space<vmem>>
        %dma_wait3A_612 = tpu.memref_squeeze %dma_wait3A_611 : memref<1x2x1024xf32, #tpu.memory_space<vmem>> -> memref<2x1024xf32, #tpu.memory_space<vmem>>
        tpu.wait_dma2 semaphore(%arg15 : memref<!tpu.dma_semaphore, #tpu.memory_space<semaphore_mem>>) src(%dma_wait3A_612 : memref<2x1024xf32, #tpu.memory_space<vmem>>) dst(%dma_wait3A_608 : memref<2x1024xf32, #tpu.memory_space<hbm>>)
      } else {
      }
      %mul3A_218 = arith.constant 2 : i32
      %mul3A_219 = arith.muli %add3A_190, %mul3A_218 : i32
      %add3A_220 = arith.constant 0 : i32
      %add3A_221 = arith.addi %mul3A_219, %add3A_220 : i32
      %mul3A_222 = arith.constant 16 : i32
      %mul3A_223 = arith.muli %add3A_221, %mul3A_222 : i32
      %get3A_224 = arith.index_cast %mul3A_223 : i32 to index
      %get3A_225 = tpu.vector_load %arg7[%get3A_224] {strides = array<i32>} : memref<2048xf32, #tpu.memory_space<vmem>>, vector<16xf32>,
      %get3A_226 = vector.shape_cast %get3A_225 : vector<16xf32> to vector<16xf32>
      %slice3A_227 = vector.extract_strided_slice %get3A_226 {offsets = [0], sizes = [1], strides = [1]} : vector<16xf32> to vector<1xf32>
      %squeeze3A_228 = vector.extract %slice3A_227[0] : f32 from vector<1xf32>
      %mul3A_229 = arith.constant 1.250000e-01 : f32
      %mul3A_230 = arith.mulf %squeeze3A_228, %mul3A_229 : f32
      %slice3A_231 = vector.extract_strided_slice %get3A_226 {offsets = [1], sizes = [1], strides = [1]} : vector<16xf32> to vector<1xf32>
      %squeeze3A_232 = vector.extract %slice3A_231[0] : f32 from vector<1xf32>
      %mul3A_233 = arith.constant 1.250000e-01 : f32
      %mul3A_234 = arith.mulf %squeeze3A_232, %mul3A_233 : f32
      %slice3A_235 = vector.extract_strided_slice %get3A_226 {offsets = [2], sizes = [1], strides = [1]} : vector<16xf32> to vector<1xf32>
      %squeeze3A_236 = vector.extract %slice3A_235[0] : f32 from vector<1xf32>
      %mul3A_237 = arith.constant 1.250000e-01 : f32
      %mul3A_238 = arith.mulf %squeeze3A_236, %mul3A_237 : f32
      %slice3A_239 = vector.extract_strided_slice %get3A_226 {offsets = [3], sizes = [1], strides = [1]} : vector<16xf32> to vector<1xf32>
      %squeeze3A_240 = vector.extract %slice3A_239[0] : f32 from vector<1xf32>
      %mul3A_241 = arith.constant 1.250000e-01 : f32
      %mul3A_242 = arith.mulf %squeeze3A_240, %mul3A_241 : f32
      %slice3A_243 = vector.extract_strided_slice %get3A_226 {offsets = [4], sizes = [1], strides = [1]} : vector<16xf32> to vector<1xf32>
      %squeeze3A_244 = vector.extract %slice3A_243[0] : f32 from vector<1xf32>
      %mul3A_245 = arith.constant 1.250000e-01 : f32
      %mul3A_246 = arith.mulf %squeeze3A_244, %mul3A_245 : f32
      %slice3A_247 = vector.extract_strided_slice %get3A_226 {offsets = [5], sizes = [1], strides = [1]} : vector<16xf32> to vector<1xf32>
      %squeeze3A_248 = vector.extract %slice3A_247[0] : f32 from vector<1xf32>
      %mul3A_249 = arith.constant 1.250000e-01 : f32
      %mul3A_250 = arith.mulf %squeeze3A_248, %mul3A_249 : f32
      %slice3A_251 = vector.extract_strided_slice %get3A_226 {offsets = [6], sizes = [1], strides = [1]} : vector<16xf32> to vector<1xf32>
      %squeeze3A_252 = vector.extract %slice3A_251[0] : f32 from vector<1xf32>
      %mul3A_253 = arith.constant 1.250000e-01 : f32
      %mul3A_254 = arith.mulf %squeeze3A_252, %mul3A_253 : f32
      %slice3A_255 = vector.extract_strided_slice %get3A_226 {offsets = [7], sizes = [1], strides = [1]} : vector<16xf32> to vector<1xf32>
      %squeeze3A_256 = vector.extract %slice3A_255[0] : f32 from vector<1xf32>
      %mul3A_257 = arith.constant 1.250000e-01 : f32
      %mul3A_258 = arith.mulf %squeeze3A_256, %mul3A_257 : f32
      %slice3A_259 = vector.extract_strided_slice %get3A_226 {offsets = [8], sizes = [1], strides = [1]} : vector<16xf32> to vector<1xf32>
      %squeeze3A_260 = vector.extract %slice3A_259[0] : f32 from vector<1xf32>
      %parallel_loop3A_261 = arith.constant 0 : i32
      %parallel_loop3A_262 = arith.constant 64 : i32
      %parallel_loop3A_263 = arith.constant 1 : i32
      scf.for %parallel_loop3A_600 = %parallel_loop3A_261 to %parallel_loop3A_262 step %parallel_loop3A_263  : i32 {
        %parallel_loop3A_601 = vector.broadcast %squeeze3A_260 : f32 to vector<16xf32>
        %parallel_loop3A_602 = arith.constant 16 : i32
        %parallel_loop3A_603 = arith.muli %parallel_loop3A_600, %parallel_loop3A_602 : i32
        %parallel_loop3A_604 = arith.constant 1 : i32
        %parallel_loop3A_605 = arith.constant 0 : i32
        %parallel_loop3A_606 = arith.index_cast %parallel_loop3A_604 : i32 to index
        %parallel_loop3A_607 = arith.index_cast %parallel_loop3A_605 : i32 to index
        %parallel_loop3A_608 = arith.index_cast %parallel_loop3A_603 : i32 to index
        %parallel_loop3A_609 = tpu.vector_load %arg8[%parallel_loop3A_606, %parallel_loop3A_607, %parallel_loop3A_608] {strides = array<i32>} : memref<4x16x1024xf32, #tpu.memory_space<vmem>>, vector<1x1x16xf32>,
        %parallel_loop3A_610 = vector.shape_cast %parallel_loop3A_609 : vector<1x1x16xf32> to vector<16xf32>
        %parallel_loop3A_611 = vector.broadcast %mul3A_230 : f32 to vector<16xf32>
        %parallel_loop3A_612 = arith.mulf %parallel_loop3A_610, %parallel_loop3A_611 : vector<16xf32>
        %parallel_loop3A_613 = arith.addf %parallel_loop3A_601, %parallel_loop3A_612 : vector<16xf32>
        %parallel_loop3A_614 = arith.constant 16 : i32
        %parallel_loop3A_615 = arith.muli %parallel_loop3A_600, %parallel_loop3A_614 : i32
        %parallel_loop3A_616 = arith.constant 1 : i32
        %parallel_loop3A_617 = arith.constant 1 : i32
        %parallel_loop3A_618 = arith.index_cast %parallel_loop3A_616 : i32 to index
        %parallel_loop3A_619 = arith.index_cast %parallel_loop3A_617 : i32 to index
        %parallel_loop3A_620 = arith.index_cast %parallel_loop3A_615 : i32 to index
        %parallel_loop3A_621 = tpu.vector_load %arg8[%parallel_loop3A_618, %parallel_loop3A_619, %parallel_loop3A_620] {strides = array<i32>} : memref<4x16x1024xf32, #tpu.memory_space<vmem>>, vector<1x1x16xf32>,
        %parallel_loop3A_622 = vector.shape_cast %parallel_loop3A_621 : vector<1x1x16xf32> to vector<16xf32>
        %parallel_loop3A_623 = vector.broadcast %mul3A_234 : f32 to vector<16xf32>
        %parallel_loop3A_624 = arith.mulf %parallel_loop3A_622, %parallel_loop3A_623 : vector<16xf32>
        %parallel_loop3A_625 = arith.addf %parallel_loop3A_613, %parallel_loop3A_624 : vector<16xf32>
        %parallel_loop3A_626 = arith.constant 16 : i32
        %parallel_loop3A_627 = arith.muli %parallel_loop3A_600, %parallel_loop3A_626 : i32
        %parallel_loop3A_628 = arith.constant 1 : i32
        %parallel_loop3A_629 = arith.constant 2 : i32
        %parallel_loop3A_630 = arith.index_cast %parallel_loop3A_628 : i32 to index
        %parallel_loop3A_631 = arith.index_cast %parallel_loop3A_629 : i32 to index
        %parallel_loop3A_632 = arith.index_cast %parallel_loop3A_627 : i32 to index
        %parallel_loop3A_633 = tpu.vector_load %arg8[%parallel_loop3A_630, %parallel_loop3A_631, %parallel_loop3A_632] {strides = array<i32>} : memref<4x16x1024xf32, #tpu.memory_space<vmem>>, vector<1x1x16xf32>,
        %parallel_loop3A_634 = vector.shape_cast %parallel_loop3A_633 : vector<1x1x16xf32> to vector<16xf32>
        %parallel_loop3A_635 = vector.broadcast %mul3A_238 : f32 to vector<16xf32>
        %parallel_loop3A_636 = arith.mulf %parallel_loop3A_634, %parallel_loop3A_635 : vector<16xf32>
        %parallel_loop3A_637 = arith.addf %parallel_loop3A_625, %parallel_loop3A_636 : vector<16xf32>
        %parallel_loop3A_638 = arith.constant 16 : i32
        %parallel_loop3A_639 = arith.muli %parallel_loop3A_600, %parallel_loop3A_638 : i32
        %parallel_loop3A_640 = arith.constant 1 : i32
        %parallel_loop3A_641 = arith.constant 3 : i32
        %parallel_loop3A_642 = arith.index_cast %parallel_loop3A_640 : i32 to index
        %parallel_loop3A_643 = arith.index_cast %parallel_loop3A_641 : i32 to index
        %parallel_loop3A_644 = arith.index_cast %parallel_loop3A_639 : i32 to index
        %parallel_loop3A_645 = tpu.vector_load %arg8[%parallel_loop3A_642, %parallel_loop3A_643, %parallel_loop3A_644] {strides = array<i32>} : memref<4x16x1024xf32, #tpu.memory_space<vmem>>, vector<1x1x16xf32>,
        %parallel_loop3A_646 = vector.shape_cast %parallel_loop3A_645 : vector<1x1x16xf32> to vector<16xf32>
        %parallel_loop3A_647 = vector.broadcast %mul3A_242 : f32 to vector<16xf32>
        %parallel_loop3A_648 = arith.mulf %parallel_loop3A_646, %parallel_loop3A_647 : vector<16xf32>
        %parallel_loop3A_649 = arith.addf %parallel_loop3A_637, %parallel_loop3A_648 : vector<16xf32>
        %parallel_loop3A_650 = arith.constant 16 : i32
        %parallel_loop3A_651 = arith.muli %parallel_loop3A_600, %parallel_loop3A_650 : i32
        %parallel_loop3A_652 = arith.constant 1 : i32
        %parallel_loop3A_653 = arith.constant 4 : i32
        %parallel_loop3A_654 = arith.index_cast %parallel_loop3A_652 : i32 to index
        %parallel_loop3A_655 = arith.index_cast %parallel_loop3A_653 : i32 to index
        %parallel_loop3A_656 = arith.index_cast %parallel_loop3A_651 : i32 to index
        %parallel_loop3A_657 = tpu.vector_load %arg8[%parallel_loop3A_654, %parallel_loop3A_655, %parallel_loop3A_656] {strides = array<i32>} : memref<4x16x1024xf32, #tpu.memory_space<vmem>>, vector<1x1x16xf32>,
        %parallel_loop3A_658 = vector.shape_cast %parallel_loop3A_657 : vector<1x1x16xf32> to vector<16xf32>
        %parallel_loop3A_659 = vector.broadcast %mul3A_246 : f32 to vector<16xf32>
        %parallel_loop3A_660 = arith.mulf %parallel_loop3A_658, %parallel_loop3A_659 : vector<16xf32>
        %parallel_loop3A_661 = arith.addf %parallel_loop3A_649, %parallel_loop3A_660 : vector<16xf32>
        %parallel_loop3A_662 = arith.constant 16 : i32
        %parallel_loop3A_663 = arith.muli %parallel_loop3A_600, %parallel_loop3A_662 : i32
        %parallel_loop3A_664 = arith.constant 1 : i32
        %parallel_loop3A_665 = arith.constant 5 : i32
        %parallel_loop3A_666 = arith.index_cast %parallel_loop3A_664 : i32 to index
        %parallel_loop3A_667 = arith.index_cast %parallel_loop3A_665 : i32 to index
        %parallel_loop3A_668 = arith.index_cast %parallel_loop3A_663 : i32 to index
        %parallel_loop3A_669 = tpu.vector_load %arg8[%parallel_loop3A_666, %parallel_loop3A_667, %parallel_loop3A_668] {strides = array<i32>} : memref<4x16x1024xf32, #tpu.memory_space<vmem>>, vector<1x1x16xf32>,
        %parallel_loop3A_670 = vector.shape_cast %parallel_loop3A_669 : vector<1x1x16xf32> to vector<16xf32>
        %parallel_loop3A_671 = vector.broadcast %mul3A_250 : f32 to vector<16xf32>
        %parallel_loop3A_672 = arith.mulf %parallel_loop3A_670, %parallel_loop3A_671 : vector<16xf32>
        %parallel_loop3A_673 = arith.addf %parallel_loop3A_661, %parallel_loop3A_672 : vector<16xf32>
        %parallel_loop3A_674 = arith.constant 16 : i32
        %parallel_loop3A_675 = arith.muli %parallel_loop3A_600, %parallel_loop3A_674 : i32
        %parallel_loop3A_676 = arith.constant 1 : i32
        %parallel_loop3A_677 = arith.constant 6 : i32
        %parallel_loop3A_678 = arith.index_cast %parallel_loop3A_676 : i32 to index
        %parallel_loop3A_679 = arith.index_cast %parallel_loop3A_677 : i32 to index
        %parallel_loop3A_680 = arith.index_cast %parallel_loop3A_675 : i32 to index
        %parallel_loop3A_681 = tpu.vector_load %arg8[%parallel_loop3A_678, %parallel_loop3A_679, %parallel_loop3A_680] {strides = array<i32>} : memref<4x16x1024xf32, #tpu.memory_space<vmem>>, vector<1x1x16xf32>,
        %parallel_loop3A_682 = vector.shape_cast %parallel_loop3A_681 : vector<1x1x16xf32> to vector<16xf32>
        %parallel_loop3A_683 = vector.broadcast %mul3A_254 : f32 to vector<16xf32>
        %parallel_loop3A_684 = arith.mulf %parallel_loop3A_682, %parallel_loop3A_683 : vector<16xf32>
        %parallel_loop3A_685 = arith.addf %parallel_loop3A_673, %parallel_loop3A_684 : vector<16xf32>
        %parallel_loop3A_686 = arith.constant 16 : i32
        %parallel_loop3A_687 = arith.muli %parallel_loop3A_600, %parallel_loop3A_686 : i32
        %parallel_loop3A_688 = arith.constant 1 : i32
        %parallel_loop3A_689 = arith.constant 7 : i32
        %parallel_loop3A_690 = arith.index_cast %parallel_loop3A_688 : i32 to index
        %parallel_loop3A_691 = arith.index_cast %parallel_loop3A_689 : i32 to index
        %parallel_loop3A_692 = arith.index_cast %parallel_loop3A_687 : i32 to index
        %parallel_loop3A_693 = tpu.vector_load %arg8[%parallel_loop3A_690, %parallel_loop3A_691, %parallel_loop3A_692] {strides = array<i32>} : memref<4x16x1024xf32, #tpu.memory_space<vmem>>, vector<1x1x16xf32>,
        %parallel_loop3A_694 = vector.shape_cast %parallel_loop3A_693 : vector<1x1x16xf32> to vector<16xf32>
        %parallel_loop3A_695 = vector.broadcast %mul3A_258 : f32 to vector<16xf32>
        %parallel_loop3A_696 = arith.mulf %parallel_loop3A_694, %parallel_loop3A_695 : vector<16xf32>
        %parallel_loop3A_697 = arith.addf %parallel_loop3A_685, %parallel_loop3A_696 : vector<16xf32>
        %parallel_loop3A_698 = arith.constant 16 : i32
        %parallel_loop3A_699 = arith.muli %parallel_loop3A_600, %parallel_loop3A_698 : i32
        %parallel_loop3A_700 = arith.constant 1 : i32
        %parallel_loop3A_701 = arith.constant 0 : i32
        %parallel_loop3A_702 = arith.index_cast %parallel_loop3A_700 : i32 to index
        %parallel_loop3A_703 = arith.index_cast %parallel_loop3A_701 : i32 to index
        %parallel_loop3A_704 = arith.index_cast %parallel_loop3A_699 : i32 to index
        %parallel_loop3A_705 = tpu.vector_load %arg9[%parallel_loop3A_702, %parallel_loop3A_703, %parallel_loop3A_704] {strides = array<i32>} : memref<2x2x1024xf32, #tpu.memory_space<vmem>>, vector<1x1x16xf32>,
        %parallel_loop3A_706 = vector.shape_cast %parallel_loop3A_705 : vector<1x1x16xf32> to vector<16xf32>
        %parallel_loop3A_707 = vector.shape_cast %parallel_loop3A_697 : vector<16xf32> to vector<1x1x16xf32>
        tpu.vector_store %arg9[%parallel_loop3A_702, %parallel_loop3A_703, %parallel_loop3A_704], %parallel_loop3A_707 {strides = array<i32>} : memref<2x2x1024xf32, #tpu.memory_space<vmem>>, vector<1x1x16xf32>,
      } {sc.loop_unroll_factor = 8 : i64, sc.parallel_access}
      %mul3A_264 = arith.constant 2 : i32
      %mul3A_265 = arith.muli %add3A_190, %mul3A_264 : i32
      %add3A_266 = arith.constant 1 : i32
      %add3A_267 = arith.addi %mul3A_265, %add3A_266 : i32
      %mul3A_268 = arith.constant 16 : i32
      %mul3A_269 = arith.muli %add3A_267, %mul3A_268 : i32
      %get3A_270 = arith.index_cast %mul3A_269 : i32 to index
      %get3A_271 = tpu.vector_load %arg7[%get3A_270] {strides = array<i32>} : memref<2048xf32, #tpu.memory_space<vmem>>, vector<16xf32>,
      %get3A_272 = vector.shape_cast %get3A_271 : vector<16xf32> to vector<16xf32>
      %slice3A_273 = vector.extract_strided_slice %get3A_272 {offsets = [0], sizes = [1], strides = [1]} : vector<16xf32> to vector<1xf32>
      %squeeze3A_274 = vector.extract %slice3A_273[0] : f32 from vector<1xf32>
      %mul3A_275 = arith.constant 1.250000e-01 : f32
      %mul3A_276 = arith.mulf %squeeze3A_274, %mul3A_275 : f32
      %slice3A_277 = vector.extract_strided_slice %get3A_272 {offsets = [1], sizes = [1], strides = [1]} : vector<16xf32> to vector<1xf32>
      %squeeze3A_278 = vector.extract %slice3A_277[0] : f32 from vector<1xf32>
      %mul3A_279 = arith.constant 1.250000e-01 : f32
      %mul3A_280 = arith.mulf %squeeze3A_278, %mul3A_279 : f32
      %slice3A_281 = vector.extract_strided_slice %get3A_272 {offsets = [2], sizes = [1], strides = [1]} : vector<16xf32> to vector<1xf32>
      %squeeze3A_282 = vector.extract %slice3A_281[0] : f32 from vector<1xf32>
      %mul3A_283 = arith.constant 1.250000e-01 : f32
      %mul3A_284 = arith.mulf %squeeze3A_282, %mul3A_283 : f32
      %slice3A_285 = vector.extract_strided_slice %get3A_272 {offsets = [3], sizes = [1], strides = [1]} : vector<16xf32> to vector<1xf32>
      %squeeze3A_286 = vector.extract %slice3A_285[0] : f32 from vector<1xf32>
      %mul3A_287 = arith.constant 1.250000e-01 : f32
      %mul3A_288 = arith.mulf %squeeze3A_286, %mul3A_287 : f32
      %slice3A_289 = vector.extract_strided_slice %get3A_272 {offsets = [4], sizes = [1], strides = [1]} : vector<16xf32> to vector<1xf32>
      %squeeze3A_290 = vector.extract %slice3A_289[0] : f32 from vector<1xf32>
      %mul3A_291 = arith.constant 1.250000e-01 : f32
      %mul3A_292 = arith.mulf %squeeze3A_290, %mul3A_291 : f32
      %slice3A_293 = vector.extract_strided_slice %get3A_272 {offsets = [5], sizes = [1], strides = [1]} : vector<16xf32> to vector<1xf32>
      %squeeze3A_294 = vector.extract %slice3A_293[0] : f32 from vector<1xf32>
      %mul3A_295 = arith.constant 1.250000e-01 : f32
      %mul3A_296 = arith.mulf %squeeze3A_294, %mul3A_295 : f32
      %slice3A_297 = vector.extract_strided_slice %get3A_272 {offsets = [6], sizes = [1], strides = [1]} : vector<16xf32> to vector<1xf32>
      %squeeze3A_298 = vector.extract %slice3A_297[0] : f32 from vector<1xf32>
      %mul3A_299 = arith.constant 1.250000e-01 : f32
      %mul3A_300 = arith.mulf %squeeze3A_298, %mul3A_299 : f32
      %slice3A_301 = vector.extract_strided_slice %get3A_272 {offsets = [7], sizes = [1], strides = [1]} : vector<16xf32> to vector<1xf32>
      %squeeze3A_302 = vector.extract %slice3A_301[0] : f32 from vector<1xf32>
      %mul3A_303 = arith.constant 1.250000e-01 : f32
      %mul3A_304 = arith.mulf %squeeze3A_302, %mul3A_303 : f32
      %slice3A_305 = vector.extract_strided_slice %get3A_272 {offsets = [8], sizes = [1], strides = [1]} : vector<16xf32> to vector<1xf32>
      %squeeze3A_306 = vector.extract %slice3A_305[0] : f32 from vector<1xf32>
      %parallel_loop3A_307 = arith.constant 0 : i32
      %parallel_loop3A_308 = arith.constant 64 : i32
      %parallel_loop3A_309 = arith.constant 1 : i32
      scf.for %parallel_loop3A_600 = %parallel_loop3A_307 to %parallel_loop3A_308 step %parallel_loop3A_309  : i32 {
        %parallel_loop3A_601 = vector.broadcast %squeeze3A_306 : f32 to vector<16xf32>
        %parallel_loop3A_602 = arith.constant 16 : i32
        %parallel_loop3A_603 = arith.muli %parallel_loop3A_600, %parallel_loop3A_602 : i32
        %parallel_loop3A_604 = arith.constant 1 : i32
        %parallel_loop3A_605 = arith.constant 8 : i32
        %parallel_loop3A_606 = arith.index_cast %parallel_loop3A_604 : i32 to index
        %parallel_loop3A_607 = arith.index_cast %parallel_loop3A_605 : i32 to index
        %parallel_loop3A_608 = arith.index_cast %parallel_loop3A_603 : i32 to index
        %parallel_loop3A_609 = tpu.vector_load %arg8[%parallel_loop3A_606, %parallel_loop3A_607, %parallel_loop3A_608] {strides = array<i32>} : memref<4x16x1024xf32, #tpu.memory_space<vmem>>, vector<1x1x16xf32>,
        %parallel_loop3A_610 = vector.shape_cast %parallel_loop3A_609 : vector<1x1x16xf32> to vector<16xf32>
        %parallel_loop3A_611 = vector.broadcast %mul3A_276 : f32 to vector<16xf32>
        %parallel_loop3A_612 = arith.mulf %parallel_loop3A_610, %parallel_loop3A_611 : vector<16xf32>
        %parallel_loop3A_613 = arith.addf %parallel_loop3A_601, %parallel_loop3A_612 : vector<16xf32>
        %parallel_loop3A_614 = arith.constant 16 : i32
        %parallel_loop3A_615 = arith.muli %parallel_loop3A_600, %parallel_loop3A_614 : i32
        %parallel_loop3A_616 = arith.constant 1 : i32
        %parallel_loop3A_617 = arith.constant 9 : i32
        %parallel_loop3A_618 = arith.index_cast %parallel_loop3A_616 : i32 to index
        %parallel_loop3A_619 = arith.index_cast %parallel_loop3A_617 : i32 to index
        %parallel_loop3A_620 = arith.index_cast %parallel_loop3A_615 : i32 to index
        %parallel_loop3A_621 = tpu.vector_load %arg8[%parallel_loop3A_618, %parallel_loop3A_619, %parallel_loop3A_620] {strides = array<i32>} : memref<4x16x1024xf32, #tpu.memory_space<vmem>>, vector<1x1x16xf32>,
        %parallel_loop3A_622 = vector.shape_cast %parallel_loop3A_621 : vector<1x1x16xf32> to vector<16xf32>
        %parallel_loop3A_623 = vector.broadcast %mul3A_280 : f32 to vector<16xf32>
        %parallel_loop3A_624 = arith.mulf %parallel_loop3A_622, %parallel_loop3A_623 : vector<16xf32>
        %parallel_loop3A_625 = arith.addf %parallel_loop3A_613, %parallel_loop3A_624 : vector<16xf32>
        %parallel_loop3A_626 = arith.constant 16 : i32
        %parallel_loop3A_627 = arith.muli %parallel_loop3A_600, %parallel_loop3A_626 : i32
        %parallel_loop3A_628 = arith.constant 1 : i32
        %parallel_loop3A_629 = arith.constant 10 : i32
        %parallel_loop3A_630 = arith.index_cast %parallel_loop3A_628 : i32 to index
        %parallel_loop3A_631 = arith.index_cast %parallel_loop3A_629 : i32 to index
        %parallel_loop3A_632 = arith.index_cast %parallel_loop3A_627 : i32 to index
        %parallel_loop3A_633 = tpu.vector_load %arg8[%parallel_loop3A_630, %parallel_loop3A_631, %parallel_loop3A_632] {strides = array<i32>} : memref<4x16x1024xf32, #tpu.memory_space<vmem>>, vector<1x1x16xf32>,
        %parallel_loop3A_634 = vector.shape_cast %parallel_loop3A_633 : vector<1x1x16xf32> to vector<16xf32>
        %parallel_loop3A_635 = vector.broadcast %mul3A_284 : f32 to vector<16xf32>
        %parallel_loop3A_636 = arith.mulf %parallel_loop3A_634, %parallel_loop3A_635 : vector<16xf32>
        %parallel_loop3A_637 = arith.addf %parallel_loop3A_625, %parallel_loop3A_636 : vector<16xf32>
        %parallel_loop3A_638 = arith.constant 16 : i32
        %parallel_loop3A_639 = arith.muli %parallel_loop3A_600, %parallel_loop3A_638 : i32
        %parallel_loop3A_640 = arith.constant 1 : i32
        %parallel_loop3A_641 = arith.constant 11 : i32
        %parallel_loop3A_642 = arith.index_cast %parallel_loop3A_640 : i32 to index
        %parallel_loop3A_643 = arith.index_cast %parallel_loop3A_641 : i32 to index
        %parallel_loop3A_644 = arith.index_cast %parallel_loop3A_639 : i32 to index
        %parallel_loop3A_645 = tpu.vector_load %arg8[%parallel_loop3A_642, %parallel_loop3A_643, %parallel_loop3A_644] {strides = array<i32>} : memref<4x16x1024xf32, #tpu.memory_space<vmem>>, vector<1x1x16xf32>,
        %parallel_loop3A_646 = vector.shape_cast %parallel_loop3A_645 : vector<1x1x16xf32> to vector<16xf32>
        %parallel_loop3A_647 = vector.broadcast %mul3A_288 : f32 to vector<16xf32>
        %parallel_loop3A_648 = arith.mulf %parallel_loop3A_646, %parallel_loop3A_647 : vector<16xf32>
        %parallel_loop3A_649 = arith.addf %parallel_loop3A_637, %parallel_loop3A_648 : vector<16xf32>
        %parallel_loop3A_650 = arith.constant 16 : i32
        %parallel_loop3A_651 = arith.muli %parallel_loop3A_600, %parallel_loop3A_650 : i32
        %parallel_loop3A_652 = arith.constant 1 : i32
        %parallel_loop3A_653 = arith.constant 12 : i32
        %parallel_loop3A_654 = arith.index_cast %parallel_loop3A_652 : i32 to index
        %parallel_loop3A_655 = arith.index_cast %parallel_loop3A_653 : i32 to index
        %parallel_loop3A_656 = arith.index_cast %parallel_loop3A_651 : i32 to index
        %parallel_loop3A_657 = tpu.vector_load %arg8[%parallel_loop3A_654, %parallel_loop3A_655, %parallel_loop3A_656] {strides = array<i32>} : memref<4x16x1024xf32, #tpu.memory_space<vmem>>, vector<1x1x16xf32>,
        %parallel_loop3A_658 = vector.shape_cast %parallel_loop3A_657 : vector<1x1x16xf32> to vector<16xf32>
        %parallel_loop3A_659 = vector.broadcast %mul3A_292 : f32 to vector<16xf32>
        %parallel_loop3A_660 = arith.mulf %parallel_loop3A_658, %parallel_loop3A_659 : vector<16xf32>
        %parallel_loop3A_661 = arith.addf %parallel_loop3A_649, %parallel_loop3A_660 : vector<16xf32>
        %parallel_loop3A_662 = arith.constant 16 : i32
        %parallel_loop3A_663 = arith.muli %parallel_loop3A_600, %parallel_loop3A_662 : i32
        %parallel_loop3A_664 = arith.constant 1 : i32
        %parallel_loop3A_665 = arith.constant 13 : i32
        %parallel_loop3A_666 = arith.index_cast %parallel_loop3A_664 : i32 to index
        %parallel_loop3A_667 = arith.index_cast %parallel_loop3A_665 : i32 to index
        %parallel_loop3A_668 = arith.index_cast %parallel_loop3A_663 : i32 to index
        %parallel_loop3A_669 = tpu.vector_load %arg8[%parallel_loop3A_666, %parallel_loop3A_667, %parallel_loop3A_668] {strides = array<i32>} : memref<4x16x1024xf32, #tpu.memory_space<vmem>>, vector<1x1x16xf32>,
        %parallel_loop3A_670 = vector.shape_cast %parallel_loop3A_669 : vector<1x1x16xf32> to vector<16xf32>
        %parallel_loop3A_671 = vector.broadcast %mul3A_296 : f32 to vector<16xf32>
        %parallel_loop3A_672 = arith.mulf %parallel_loop3A_670, %parallel_loop3A_671 : vector<16xf32>
        %parallel_loop3A_673 = arith.addf %parallel_loop3A_661, %parallel_loop3A_672 : vector<16xf32>
        %parallel_loop3A_674 = arith.constant 16 : i32
        %parallel_loop3A_675 = arith.muli %parallel_loop3A_600, %parallel_loop3A_674 : i32
        %parallel_loop3A_676 = arith.constant 1 : i32
        %parallel_loop3A_677 = arith.constant 14 : i32
        %parallel_loop3A_678 = arith.index_cast %parallel_loop3A_676 : i32 to index
        %parallel_loop3A_679 = arith.index_cast %parallel_loop3A_677 : i32 to index
        %parallel_loop3A_680 = arith.index_cast %parallel_loop3A_675 : i32 to index
        %parallel_loop3A_681 = tpu.vector_load %arg8[%parallel_loop3A_678, %parallel_loop3A_679, %parallel_loop3A_680] {strides = array<i32>} : memref<4x16x1024xf32, #tpu.memory_space<vmem>>, vector<1x1x16xf32>,
        %parallel_loop3A_682 = vector.shape_cast %parallel_loop3A_681 : vector<1x1x16xf32> to vector<16xf32>
        %parallel_loop3A_683 = vector.broadcast %mul3A_300 : f32 to vector<16xf32>
        %parallel_loop3A_684 = arith.mulf %parallel_loop3A_682, %parallel_loop3A_683 : vector<16xf32>
        %parallel_loop3A_685 = arith.addf %parallel_loop3A_673, %parallel_loop3A_684 : vector<16xf32>
        %parallel_loop3A_686 = arith.constant 16 : i32
        %parallel_loop3A_687 = arith.muli %parallel_loop3A_600, %parallel_loop3A_686 : i32
        %parallel_loop3A_688 = arith.constant 1 : i32
        %parallel_loop3A_689 = arith.constant 15 : i32
        %parallel_loop3A_690 = arith.index_cast %parallel_loop3A_688 : i32 to index
        %parallel_loop3A_691 = arith.index_cast %parallel_loop3A_689 : i32 to index
        %parallel_loop3A_692 = arith.index_cast %parallel_loop3A_687 : i32 to index
        %parallel_loop3A_693 = tpu.vector_load %arg8[%parallel_loop3A_690, %parallel_loop3A_691, %parallel_loop3A_692] {strides = array<i32>} : memref<4x16x1024xf32, #tpu.memory_space<vmem>>, vector<1x1x16xf32>,
        %parallel_loop3A_694 = vector.shape_cast %parallel_loop3A_693 : vector<1x1x16xf32> to vector<16xf32>
        %parallel_loop3A_695 = vector.broadcast %mul3A_304 : f32 to vector<16xf32>
        %parallel_loop3A_696 = arith.mulf %parallel_loop3A_694, %parallel_loop3A_695 : vector<16xf32>
        %parallel_loop3A_697 = arith.addf %parallel_loop3A_685, %parallel_loop3A_696 : vector<16xf32>
        %parallel_loop3A_698 = arith.constant 16 : i32
        %parallel_loop3A_699 = arith.muli %parallel_loop3A_600, %parallel_loop3A_698 : i32
        %parallel_loop3A_700 = arith.constant 1 : i32
        %parallel_loop3A_701 = arith.constant 1 : i32
        %parallel_loop3A_702 = arith.index_cast %parallel_loop3A_700 : i32 to index
        %parallel_loop3A_703 = arith.index_cast %parallel_loop3A_701 : i32 to index
        %parallel_loop3A_704 = arith.index_cast %parallel_loop3A_699 : i32 to index
        %parallel_loop3A_705 = tpu.vector_load %arg9[%parallel_loop3A_702, %parallel_loop3A_703, %parallel_loop3A_704] {strides = array<i32>} : memref<2x2x1024xf32, #tpu.memory_space<vmem>>, vector<1x1x16xf32>,
        %parallel_loop3A_706 = vector.shape_cast %parallel_loop3A_705 : vector<1x1x16xf32> to vector<16xf32>
        %parallel_loop3A_707 = vector.shape_cast %parallel_loop3A_697 : vector<16xf32> to vector<1x1x16xf32>
        tpu.vector_store %arg9[%parallel_loop3A_702, %parallel_loop3A_703, %parallel_loop3A_704], %parallel_loop3A_707 {strides = array<i32>} : memref<2x2x1024xf32, #tpu.memory_space<vmem>>, vector<1x1x16xf32>,
      } {sc.loop_unroll_factor = 8 : i64, sc.parallel_access}
      %mul3A_310 = arith.constant 2 : i32
      %mul3A_311 = arith.muli %add3A_190, %mul3A_310 : i32
      %add3A_312 = arith.addi %mul3A_2, %mul3A_311 : i32
      %dma_start3A_313 = arith.constant 1 : i32
      %dma_start3A_314 = arith.constant 0 : i32
      %dma_start3A_315 = arith.constant 0 : i32
      %dma_start3A_316 = tpu.memref_slice %arg9[%dma_start3A_313, %dma_start3A_314, %dma_start3A_315] : memref<2x2x1024xf32, #tpu.memory_space<vmem>> -> memref<1x2x1024xf32, #tpu.memory_space<vmem>>
      %dma_start3A_317 = tpu.memref_squeeze %dma_start3A_316 : memref<1x2x1024xf32, #tpu.memory_space<vmem>> -> memref<2x1024xf32, #tpu.memory_space<vmem>>
      %dma_start3A_318 = arith.constant 0 : i32
      %dma_start3A_319 = tpu.memref_slice %arg5[%add3A_312, %dma_start3A_318] : memref<4096x1024xf32, #tpu.memory_space<hbm>> -> memref<2x1024xf32, #tpu.memory_space<hbm>>
      %dma_start3A_320 = arith.constant 0 : i32
      %dma_start3A_321 = tpu.memref_slice %arg5[%add3A_312, %dma_start3A_320] : memref<4096x1024xf32, #tpu.memory_space<hbm>> -> memref<2x1024xf32, #tpu.memory_space<hbm>>
      %dma_start3A_322 = arith.constant 0 : i32
      %dma_start3A_323 = arith.constant 0 : i32
      %dma_start3A_324 = tpu.memref_slice %arg9[%dma_start3A_313, %dma_start3A_322, %dma_start3A_323] : memref<2x2x1024xf32, #tpu.memory_space<vmem>> -> memref<1x2x1024xf32, #tpu.memory_space<vmem>>
      %dma_start3A_325 = tpu.memref_squeeze %dma_start3A_324 : memref<1x2x1024xf32, #tpu.memory_space<vmem>> -> memref<2x1024xf32, #tpu.memory_space<vmem>>
      tpu.enqueue_dma source(%dma_start3A_325 : memref<2x1024xf32, #tpu.memory_space<vmem>>) target(%dma_start3A_321 : memref<2x1024xf32, #tpu.memory_space<hbm>>) target_semaphore(%arg15 : memref<!tpu.dma_semaphore, #tpu.memory_space<semaphore_mem>>)
      %add3A_326 = arith.constant 2 : i32
      %add3A_327 = arith.addi %add3A_59, %add3A_326 : i32
      %add3A_328 = arith.constant 2 : i32
      %add3A_329 = arith.addi %add3A_327, %add3A_328 : i32
      %lt3A_330 = arith.constant 64 : i32
      %lt3A_331 = arith.cmpi slt, %add3A_329, %lt3A_330 : i32
      %convert_element_type3A_332 = arith.extui %lt3A_331 : i1 to i32
      %cond3A_333 = arith.constant 0 : i32
      %cond3A_334 = arith.cmpi ne, %convert_element_type3A_332, %cond3A_333 : i32
      scf.if %cond3A_334 {
        %add3A_600 = arith.constant 2 : i32
        %add3A_601 = arith.addi %add3A_327, %add3A_600 : i32
        %mul3A_602 = arith.constant 16 : i32
        %mul3A_603 = arith.muli %add3A_601, %mul3A_602 : i32
        %dma_start3A_604 = arith.constant 0 : i32
        %dma_start3A_605 = arith.constant 0 : i32
        %dma_start3A_606 = arith.constant 0 : i32
        %dma_start3A_607 = tpu.memref_slice %arg8[%dma_start3A_604, %dma_start3A_605, %dma_start3A_606] : memref<4x16x1024xf32, #tpu.memory_space<vmem>> -> memref<1x16x1024xf32, #tpu.memory_space<vmem>>
        %dma_start3A_608 = tpu.memref_squeeze %dma_start3A_607 : memref<1x16x1024xf32, #tpu.memory_space<vmem>> -> memref<16x1024xf32, #tpu.memory_space<vmem>>
        %dma_start3A_609 = tpu.memref_slice %arg6[%mul3A_603] : memref<1024xi32, #tpu.memory_space<vmem>> -> memref<16xi32, #tpu.memory_space<vmem>>
        %dma_start3A_610 = arith.constant 0 : i32
        %dma_start3A_611 = arith.constant 0 : i32
        %dma_start3A_612 = tpu.memref_slice %arg2[%dma_start3A_610, %dma_start3A_611] : memref<4096x1024xf32, #tpu.memory_space<hbm>> -> memref<4096x1024xf32, #tpu.memory_space<hbm>>
        tpu.enqueue_indirect_dma source(%dma_start3A_612 : memref<4096x1024xf32, #tpu.memory_space<hbm>>) target(%dma_start3A_608 : memref<16x1024xf32, #tpu.memory_space<vmem>>) offsets(%dma_start3A_609 : memref<16xi32, #tpu.memory_space<vmem>>) semaphore(%arg10 : memref<!tpu.dma_semaphore, #tpu.memory_space<semaphore_mem>>)
      } else {
      }
      %dma_wait3A_335 = arith.constant 2 : i32
      %dma_wait3A_336 = arith.constant 0 : i32
      %dma_wait3A_337 = arith.constant 0 : i32
      %dma_wait3A_338 = tpu.memref_slice %arg8[%dma_wait3A_335, %dma_wait3A_336, %dma_wait3A_337] : memref<4x16x1024xf32, #tpu.memory_space<vmem>> -> memref<1x16x1024xf32, #tpu.memory_space<vmem>>
      %dma_wait3A_339 = tpu.memref_squeeze %dma_wait3A_338 : memref<1x16x1024xf32, #tpu.memory_space<vmem>> -> memref<16x1024xf32, #tpu.memory_space<vmem>>
      %dma_wait3A_340 = arith.constant 0 : i32
      %dma_wait3A_341 = arith.constant 0 : i32
      %dma_wait3A_342 = tpu.memref_slice %arg2[%dma_wait3A_340, %dma_wait3A_341] : memref<4096x1024xf32, #tpu.memory_space<hbm>> -> memref<16x1024xf32, #tpu.memory_space<hbm>>
      %dma_wait3A_343 = arith.constant 0 : i32
      %dma_wait3A_344 = arith.constant 0 : i32
      %dma_wait3A_345 = tpu.memref_slice %arg8[%dma_wait3A_335, %dma_wait3A_343, %dma_wait3A_344] : memref<4x16x1024xf32, #tpu.memory_space<vmem>> -> memref<1x16x1024xf32, #tpu.memory_space<vmem>>
      %dma_wait3A_346 = tpu.memref_squeeze %dma_wait3A_345 : memref<1x16x1024xf32, #tpu.memory_space<vmem>> -> memref<16x1024xf32, #tpu.memory_space<vmem>>
      %dma_wait3A_347 = arith.constant 0 : i32
      %dma_wait3A_348 = arith.constant 0 : i32
      %dma_wait3A_349 = tpu.memref_slice %arg2[%dma_wait3A_347, %dma_wait3A_348] : memref<4096x1024xf32, #tpu.memory_space<hbm>> -> memref<16x1024xf32, #tpu.memory_space<hbm>>
      tpu.wait_dma2 semaphore(%arg12 : memref<!tpu.dma_semaphore, #tpu.memory_space<semaphore_mem>>) src(%dma_wait3A_349 : memref<16x1024xf32, #tpu.memory_space<hbm>>) dst(%dma_wait3A_346 : memref<16x1024xf32, #tpu.memory_space<vmem>>)
      %ge3A_350 = arith.constant 2 : i32
      %ge3A_351 = arith.cmpi sge, %add3A_327, %ge3A_350 : i32
      %convert_element_type3A_352 = arith.extui %ge3A_351 : i1 to i32
      %cond3A_353 = arith.constant 0 : i32
      %cond3A_354 = arith.cmpi ne, %convert_element_type3A_352, %cond3A_353 : i32
      scf.if %cond3A_354 {
        %dma_wait3A_600 = arith.constant 0 : i32
        %dma_wait3A_601 = arith.constant 0 : i32
        %dma_wait3A_602 = arith.constant 0 : i32
        %dma_wait3A_603 = tpu.memref_slice %arg9[%dma_wait3A_600, %dma_wait3A_601, %dma_wait3A_602] : memref<2x2x1024xf32, #tpu.memory_space<vmem>> -> memref<1x2x1024xf32, #tpu.memory_space<vmem>>
        %dma_wait3A_604 = tpu.memref_squeeze %dma_wait3A_603 : memref<1x2x1024xf32, #tpu.memory_space<vmem>> -> memref<2x1024xf32, #tpu.memory_space<vmem>>
        %dma_wait3A_605 = arith.constant 0 : i32
        %dma_wait3A_606 = tpu.memref_slice %arg5[%mul3A_2, %dma_wait3A_605] : memref<4096x1024xf32, #tpu.memory_space<hbm>> -> memref<2x1024xf32, #tpu.memory_space<hbm>>
        %dma_wait3A_607 = arith.constant 0 : i32
        %dma_wait3A_608 = tpu.memref_slice %arg5[%mul3A_2, %dma_wait3A_607] : memref<4096x1024xf32, #tpu.memory_space<hbm>> -> memref<2x1024xf32, #tpu.memory_space<hbm>>
        %dma_wait3A_609 = arith.constant 0 : i32
        %dma_wait3A_610 = arith.constant 0 : i32
        %dma_wait3A_611 = tpu.memref_slice %arg9[%dma_wait3A_600, %dma_wait3A_609, %dma_wait3A_610] : memref<2x2x1024xf32, #tpu.memory_space<vmem>> -> memref<1x2x1024xf32, #tpu.memory_space<vmem>>
        %dma_wait3A_612 = tpu.memref_squeeze %dma_wait3A_611 : memref<1x2x1024xf32, #tpu.memory_space<vmem>> -> memref<2x1024xf32, #tpu.memory_space<vmem>>
        tpu.wait_dma2 semaphore(%arg14 : memref<!tpu.dma_semaphore, #tpu.memory_space<semaphore_mem>>) src(%dma_wait3A_612 : memref<2x1024xf32, #tpu.memory_space<vmem>>) dst(%dma_wait3A_608 : memref<2x1024xf32, #tpu.memory_space<hbm>>)
      } else {
      }
      %mul3A_355 = arith.constant 2 : i32
      %mul3A_356 = arith.muli %add3A_327, %mul3A_355 : i32
      %add3A_357 = arith.constant 0 : i32
      %add3A_358 = arith.addi %mul3A_356, %add3A_357 : i32
      %mul3A_359 = arith.constant 16 : i32
      %mul3A_360 = arith.muli %add3A_358, %mul3A_359 : i32
      %get3A_361 = arith.index_cast %mul3A_360 : i32 to index
      %get3A_362 = tpu.vector_load %arg7[%get3A_361] {strides = array<i32>} : memref<2048xf32, #tpu.memory_space<vmem>>, vector<16xf32>,
      %get3A_363 = vector.shape_cast %get3A_362 : vector<16xf32> to vector<16xf32>
      %slice3A_364 = vector.extract_strided_slice %get3A_363 {offsets = [0], sizes = [1], strides = [1]} : vector<16xf32> to vector<1xf32>
      %squeeze3A_365 = vector.extract %slice3A_364[0] : f32 from vector<1xf32>
      %mul3A_366 = arith.constant 1.250000e-01 : f32
      %mul3A_367 = arith.mulf %squeeze3A_365, %mul3A_366 : f32
      %slice3A_368 = vector.extract_strided_slice %get3A_363 {offsets = [1], sizes = [1], strides = [1]} : vector<16xf32> to vector<1xf32>
      %squeeze3A_369 = vector.extract %slice3A_368[0] : f32 from vector<1xf32>
      %mul3A_370 = arith.constant 1.250000e-01 : f32
      %mul3A_371 = arith.mulf %squeeze3A_369, %mul3A_370 : f32
      %slice3A_372 = vector.extract_strided_slice %get3A_363 {offsets = [2], sizes = [1], strides = [1]} : vector<16xf32> to vector<1xf32>
      %squeeze3A_373 = vector.extract %slice3A_372[0] : f32 from vector<1xf32>
      %mul3A_374 = arith.constant 1.250000e-01 : f32
      %mul3A_375 = arith.mulf %squeeze3A_373, %mul3A_374 : f32
      %slice3A_376 = vector.extract_strided_slice %get3A_363 {offsets = [3], sizes = [1], strides = [1]} : vector<16xf32> to vector<1xf32>
      %squeeze3A_377 = vector.extract %slice3A_376[0] : f32 from vector<1xf32>
      %mul3A_378 = arith.constant 1.250000e-01 : f32
      %mul3A_379 = arith.mulf %squeeze3A_377, %mul3A_378 : f32
      %slice3A_380 = vector.extract_strided_slice %get3A_363 {offsets = [4], sizes = [1], strides = [1]} : vector<16xf32> to vector<1xf32>
      %squeeze3A_381 = vector.extract %slice3A_380[0] : f32 from vector<1xf32>
      %mul3A_382 = arith.constant 1.250000e-01 : f32
      %mul3A_383 = arith.mulf %squeeze3A_381, %mul3A_382 : f32
      %slice3A_384 = vector.extract_strided_slice %get3A_363 {offsets = [5], sizes = [1], strides = [1]} : vector<16xf32> to vector<1xf32>
      %squeeze3A_385 = vector.extract %slice3A_384[0] : f32 from vector<1xf32>
      %mul3A_386 = arith.constant 1.250000e-01 : f32
      %mul3A_387 = arith.mulf %squeeze3A_385, %mul3A_386 : f32
      %slice3A_388 = vector.extract_strided_slice %get3A_363 {offsets = [6], sizes = [1], strides = [1]} : vector<16xf32> to vector<1xf32>
      %squeeze3A_389 = vector.extract %slice3A_388[0] : f32 from vector<1xf32>
      %mul3A_390 = arith.constant 1.250000e-01 : f32
      %mul3A_391 = arith.mulf %squeeze3A_389, %mul3A_390 : f32
      %slice3A_392 = vector.extract_strided_slice %get3A_363 {offsets = [7], sizes = [1], strides = [1]} : vector<16xf32> to vector<1xf32>
      %squeeze3A_393 = vector.extract %slice3A_392[0] : f32 from vector<1xf32>
      %mul3A_394 = arith.constant 1.250000e-01 : f32
      %mul3A_395 = arith.mulf %squeeze3A_393, %mul3A_394 : f32
      %slice3A_396 = vector.extract_strided_slice %get3A_363 {offsets = [8], sizes = [1], strides = [1]} : vector<16xf32> to vector<1xf32>
      %squeeze3A_397 = vector.extract %slice3A_396[0] : f32 from vector<1xf32>
      %parallel_loop3A_398 = arith.constant 0 : i32
      %parallel_loop3A_399 = arith.constant 64 : i32
      %parallel_loop3A_400 = arith.constant 1 : i32
      scf.for %parallel_loop3A_600 = %parallel_loop3A_398 to %parallel_loop3A_399 step %parallel_loop3A_400  : i32 {
        %parallel_loop3A_601 = vector.broadcast %squeeze3A_397 : f32 to vector<16xf32>
        %parallel_loop3A_602 = arith.constant 16 : i32
        %parallel_loop3A_603 = arith.muli %parallel_loop3A_600, %parallel_loop3A_602 : i32
        %parallel_loop3A_604 = arith.constant 2 : i32
        %parallel_loop3A_605 = arith.constant 0 : i32
        %parallel_loop3A_606 = arith.index_cast %parallel_loop3A_604 : i32 to index
        %parallel_loop3A_607 = arith.index_cast %parallel_loop3A_605 : i32 to index
        %parallel_loop3A_608 = arith.index_cast %parallel_loop3A_603 : i32 to index
        %parallel_loop3A_609 = tpu.vector_load %arg8[%parallel_loop3A_606, %parallel_loop3A_607, %parallel_loop3A_608] {strides = array<i32>} : memref<4x16x1024xf32, #tpu.memory_space<vmem>>, vector<1x1x16xf32>,
        %parallel_loop3A_610 = vector.shape_cast %parallel_loop3A_609 : vector<1x1x16xf32> to vector<16xf32>
        %parallel_loop3A_611 = vector.broadcast %mul3A_367 : f32 to vector<16xf32>
        %parallel_loop3A_612 = arith.mulf %parallel_loop3A_610, %parallel_loop3A_611 : vector<16xf32>
        %parallel_loop3A_613 = arith.addf %parallel_loop3A_601, %parallel_loop3A_612 : vector<16xf32>
        %parallel_loop3A_614 = arith.constant 16 : i32
        %parallel_loop3A_615 = arith.muli %parallel_loop3A_600, %parallel_loop3A_614 : i32
        %parallel_loop3A_616 = arith.constant 2 : i32
        %parallel_loop3A_617 = arith.constant 1 : i32
        %parallel_loop3A_618 = arith.index_cast %parallel_loop3A_616 : i32 to index
        %parallel_loop3A_619 = arith.index_cast %parallel_loop3A_617 : i32 to index
        %parallel_loop3A_620 = arith.index_cast %parallel_loop3A_615 : i32 to index
        %parallel_loop3A_621 = tpu.vector_load %arg8[%parallel_loop3A_618, %parallel_loop3A_619, %parallel_loop3A_620] {strides = array<i32>} : memref<4x16x1024xf32, #tpu.memory_space<vmem>>, vector<1x1x16xf32>,
        %parallel_loop3A_622 = vector.shape_cast %parallel_loop3A_621 : vector<1x1x16xf32> to vector<16xf32>
        %parallel_loop3A_623 = vector.broadcast %mul3A_371 : f32 to vector<16xf32>
        %parallel_loop3A_624 = arith.mulf %parallel_loop3A_622, %parallel_loop3A_623 : vector<16xf32>
        %parallel_loop3A_625 = arith.addf %parallel_loop3A_613, %parallel_loop3A_624 : vector<16xf32>
        %parallel_loop3A_626 = arith.constant 16 : i32
        %parallel_loop3A_627 = arith.muli %parallel_loop3A_600, %parallel_loop3A_626 : i32
        %parallel_loop3A_628 = arith.constant 2 : i32
        %parallel_loop3A_629 = arith.constant 2 : i32
        %parallel_loop3A_630 = arith.index_cast %parallel_loop3A_628 : i32 to index
        %parallel_loop3A_631 = arith.index_cast %parallel_loop3A_629 : i32 to index
        %parallel_loop3A_632 = arith.index_cast %parallel_loop3A_627 : i32 to index
        %parallel_loop3A_633 = tpu.vector_load %arg8[%parallel_loop3A_630, %parallel_loop3A_631, %parallel_loop3A_632] {strides = array<i32>} : memref<4x16x1024xf32, #tpu.memory_space<vmem>>, vector<1x1x16xf32>,
        %parallel_loop3A_634 = vector.shape_cast %parallel_loop3A_633 : vector<1x1x16xf32> to vector<16xf32>
        %parallel_loop3A_635 = vector.broadcast %mul3A_375 : f32 to vector<16xf32>
        %parallel_loop3A_636 = arith.mulf %parallel_loop3A_634, %parallel_loop3A_635 : vector<16xf32>
        %parallel_loop3A_637 = arith.addf %parallel_loop3A_625, %parallel_loop3A_636 : vector<16xf32>
        %parallel_loop3A_638 = arith.constant 16 : i32
        %parallel_loop3A_639 = arith.muli %parallel_loop3A_600, %parallel_loop3A_638 : i32
        %parallel_loop3A_640 = arith.constant 2 : i32
        %parallel_loop3A_641 = arith.constant 3 : i32
        %parallel_loop3A_642 = arith.index_cast %parallel_loop3A_640 : i32 to index
        %parallel_loop3A_643 = arith.index_cast %parallel_loop3A_641 : i32 to index
        %parallel_loop3A_644 = arith.index_cast %parallel_loop3A_639 : i32 to index
        %parallel_loop3A_645 = tpu.vector_load %arg8[%parallel_loop3A_642, %parallel_loop3A_643, %parallel_loop3A_644] {strides = array<i32>} : memref<4x16x1024xf32, #tpu.memory_space<vmem>>, vector<1x1x16xf32>,
        %parallel_loop3A_646 = vector.shape_cast %parallel_loop3A_645 : vector<1x1x16xf32> to vector<16xf32>
        %parallel_loop3A_647 = vector.broadcast %mul3A_379 : f32 to vector<16xf32>
        %parallel_loop3A_648 = arith.mulf %parallel_loop3A_646, %parallel_loop3A_647 : vector<16xf32>
        %parallel_loop3A_649 = arith.addf %parallel_loop3A_637, %parallel_loop3A_648 : vector<16xf32>
        %parallel_loop3A_650 = arith.constant 16 : i32
        %parallel_loop3A_651 = arith.muli %parallel_loop3A_600, %parallel_loop3A_650 : i32
        %parallel_loop3A_652 = arith.constant 2 : i32
        %parallel_loop3A_653 = arith.constant 4 : i32
        %parallel_loop3A_654 = arith.index_cast %parallel_loop3A_652 : i32 to index
        %parallel_loop3A_655 = arith.index_cast %parallel_loop3A_653 : i32 to index
        %parallel_loop3A_656 = arith.index_cast %parallel_loop3A_651 : i32 to index
        %parallel_loop3A_657 = tpu.vector_load %arg8[%parallel_loop3A_654, %parallel_loop3A_655, %parallel_loop3A_656] {strides = array<i32>} : memref<4x16x1024xf32, #tpu.memory_space<vmem>>, vector<1x1x16xf32>,
        %parallel_loop3A_658 = vector.shape_cast %parallel_loop3A_657 : vector<1x1x16xf32> to vector<16xf32>
        %parallel_loop3A_659 = vector.broadcast %mul3A_383 : f32 to vector<16xf32>
        %parallel_loop3A_660 = arith.mulf %parallel_loop3A_658, %parallel_loop3A_659 : vector<16xf32>
        %parallel_loop3A_661 = arith.addf %parallel_loop3A_649, %parallel_loop3A_660 : vector<16xf32>
        %parallel_loop3A_662 = arith.constant 16 : i32
        %parallel_loop3A_663 = arith.muli %parallel_loop3A_600, %parallel_loop3A_662 : i32
        %parallel_loop3A_664 = arith.constant 2 : i32
        %parallel_loop3A_665 = arith.constant 5 : i32
        %parallel_loop3A_666 = arith.index_cast %parallel_loop3A_664 : i32 to index
        %parallel_loop3A_667 = arith.index_cast %parallel_loop3A_665 : i32 to index
        %parallel_loop3A_668 = arith.index_cast %parallel_loop3A_663 : i32 to index
        %parallel_loop3A_669 = tpu.vector_load %arg8[%parallel_loop3A_666, %parallel_loop3A_667, %parallel_loop3A_668] {strides = array<i32>} : memref<4x16x1024xf32, #tpu.memory_space<vmem>>, vector<1x1x16xf32>,
        %parallel_loop3A_670 = vector.shape_cast %parallel_loop3A_669 : vector<1x1x16xf32> to vector<16xf32>
        %parallel_loop3A_671 = vector.broadcast %mul3A_387 : f32 to vector<16xf32>
        %parallel_loop3A_672 = arith.mulf %parallel_loop3A_670, %parallel_loop3A_671 : vector<16xf32>
        %parallel_loop3A_673 = arith.addf %parallel_loop3A_661, %parallel_loop3A_672 : vector<16xf32>
        %parallel_loop3A_674 = arith.constant 16 : i32
        %parallel_loop3A_675 = arith.muli %parallel_loop3A_600, %parallel_loop3A_674 : i32
        %parallel_loop3A_676 = arith.constant 2 : i32
        %parallel_loop3A_677 = arith.constant 6 : i32
        %parallel_loop3A_678 = arith.index_cast %parallel_loop3A_676 : i32 to index
        %parallel_loop3A_679 = arith.index_cast %parallel_loop3A_677 : i32 to index
        %parallel_loop3A_680 = arith.index_cast %parallel_loop3A_675 : i32 to index
        %parallel_loop3A_681 = tpu.vector_load %arg8[%parallel_loop3A_678, %parallel_loop3A_679, %parallel_loop3A_680] {strides = array<i32>} : memref<4x16x1024xf32, #tpu.memory_space<vmem>>, vector<1x1x16xf32>,
        %parallel_loop3A_682 = vector.shape_cast %parallel_loop3A_681 : vector<1x1x16xf32> to vector<16xf32>
        %parallel_loop3A_683 = vector.broadcast %mul3A_391 : f32 to vector<16xf32>
        %parallel_loop3A_684 = arith.mulf %parallel_loop3A_682, %parallel_loop3A_683 : vector<16xf32>
        %parallel_loop3A_685 = arith.addf %parallel_loop3A_673, %parallel_loop3A_684 : vector<16xf32>
        %parallel_loop3A_686 = arith.constant 16 : i32
        %parallel_loop3A_687 = arith.muli %parallel_loop3A_600, %parallel_loop3A_686 : i32
        %parallel_loop3A_688 = arith.constant 2 : i32
        %parallel_loop3A_689 = arith.constant 7 : i32
        %parallel_loop3A_690 = arith.index_cast %parallel_loop3A_688 : i32 to index
        %parallel_loop3A_691 = arith.index_cast %parallel_loop3A_689 : i32 to index
        %parallel_loop3A_692 = arith.index_cast %parallel_loop3A_687 : i32 to index
        %parallel_loop3A_693 = tpu.vector_load %arg8[%parallel_loop3A_690, %parallel_loop3A_691, %parallel_loop3A_692] {strides = array<i32>} : memref<4x16x1024xf32, #tpu.memory_space<vmem>>, vector<1x1x16xf32>,
        %parallel_loop3A_694 = vector.shape_cast %parallel_loop3A_693 : vector<1x1x16xf32> to vector<16xf32>
        %parallel_loop3A_695 = vector.broadcast %mul3A_395 : f32 to vector<16xf32>
        %parallel_loop3A_696 = arith.mulf %parallel_loop3A_694, %parallel_loop3A_695 : vector<16xf32>
        %parallel_loop3A_697 = arith.addf %parallel_loop3A_685, %parallel_loop3A_696 : vector<16xf32>
        %parallel_loop3A_698 = arith.constant 16 : i32
        %parallel_loop3A_699 = arith.muli %parallel_loop3A_600, %parallel_loop3A_698 : i32
        %parallel_loop3A_700 = arith.constant 0 : i32
        %parallel_loop3A_701 = arith.constant 0 : i32
        %parallel_loop3A_702 = arith.index_cast %parallel_loop3A_700 : i32 to index
        %parallel_loop3A_703 = arith.index_cast %parallel_loop3A_701 : i32 to index
        %parallel_loop3A_704 = arith.index_cast %parallel_loop3A_699 : i32 to index
        %parallel_loop3A_705 = tpu.vector_load %arg9[%parallel_loop3A_702, %parallel_loop3A_703, %parallel_loop3A_704] {strides = array<i32>} : memref<2x2x1024xf32, #tpu.memory_space<vmem>>, vector<1x1x16xf32>,
        %parallel_loop3A_706 = vector.shape_cast %parallel_loop3A_705 : vector<1x1x16xf32> to vector<16xf32>
        %parallel_loop3A_707 = vector.shape_cast %parallel_loop3A_697 : vector<16xf32> to vector<1x1x16xf32>
        tpu.vector_store %arg9[%parallel_loop3A_702, %parallel_loop3A_703, %parallel_loop3A_704], %parallel_loop3A_707 {strides = array<i32>} : memref<2x2x1024xf32, #tpu.memory_space<vmem>>, vector<1x1x16xf32>,
      } {sc.loop_unroll_factor = 8 : i64, sc.parallel_access}
      %mul3A_401 = arith.constant 2 : i32
      %mul3A_402 = arith.muli %add3A_327, %mul3A_401 : i32
      %add3A_403 = arith.constant 1 : i32
      %add3A_404 = arith.addi %mul3A_402, %add3A_403 : i32
      %mul3A_405 = arith.constant 16 : i32
      %mul3A_406 = arith.muli %add3A_404, %mul3A_405 : i32
      %get3A_407 = arith.index_cast %mul3A_406 : i32 to index
      %get3A_408 = tpu.vector_load %arg7[%get3A_407] {strides = array<i32>} : memref<2048xf32, #tpu.memory_space<vmem>>, vector<16xf32>,
      %get3A_409 = vector.shape_cast %get3A_408 : vector<16xf32> to vector<16xf32>
      %slice3A_410 = vector.extract_strided_slice %get3A_409 {offsets = [0], sizes = [1], strides = [1]} : vector<16xf32> to vector<1xf32>
      %squeeze3A_411 = vector.extract %slice3A_410[0] : f32 from vector<1xf32>
      %mul3A_412 = arith.constant 1.250000e-01 : f32
      %mul3A_413 = arith.mulf %squeeze3A_411, %mul3A_412 : f32
      %slice3A_414 = vector.extract_strided_slice %get3A_409 {offsets = [1], sizes = [1], strides = [1]} : vector<16xf32> to vector<1xf32>
      %squeeze3A_415 = vector.extract %slice3A_414[0] : f32 from vector<1xf32>
      %mul3A_416 = arith.constant 1.250000e-01 : f32
      %mul3A_417 = arith.mulf %squeeze3A_415, %mul3A_416 : f32
      %slice3A_418 = vector.extract_strided_slice %get3A_409 {offsets = [2], sizes = [1], strides = [1]} : vector<16xf32> to vector<1xf32>
      %squeeze3A_419 = vector.extract %slice3A_418[0] : f32 from vector<1xf32>
      %mul3A_420 = arith.constant 1.250000e-01 : f32
      %mul3A_421 = arith.mulf %squeeze3A_419, %mul3A_420 : f32
      %slice3A_422 = vector.extract_strided_slice %get3A_409 {offsets = [3], sizes = [1], strides = [1]} : vector<16xf32> to vector<1xf32>
      %squeeze3A_423 = vector.extract %slice3A_422[0] : f32 from vector<1xf32>
      %mul3A_424 = arith.constant 1.250000e-01 : f32
      %mul3A_425 = arith.mulf %squeeze3A_423, %mul3A_424 : f32
      %slice3A_426 = vector.extract_strided_slice %get3A_409 {offsets = [4], sizes = [1], strides = [1]} : vector<16xf32> to vector<1xf32>
      %squeeze3A_427 = vector.extract %slice3A_426[0] : f32 from vector<1xf32>
      %mul3A_428 = arith.constant 1.250000e-01 : f32
      %mul3A_429 = arith.mulf %squeeze3A_427, %mul3A_428 : f32
      %slice3A_430 = vector.extract_strided_slice %get3A_409 {offsets = [5], sizes = [1], strides = [1]} : vector<16xf32> to vector<1xf32>
      %squeeze3A_431 = vector.extract %slice3A_430[0] : f32 from vector<1xf32>
      %mul3A_432 = arith.constant 1.250000e-01 : f32
      %mul3A_433 = arith.mulf %squeeze3A_431, %mul3A_432 : f32
      %slice3A_434 = vector.extract_strided_slice %get3A_409 {offsets = [6], sizes = [1], strides = [1]} : vector<16xf32> to vector<1xf32>
      %squeeze3A_435 = vector.extract %slice3A_434[0] : f32 from vector<1xf32>
      %mul3A_436 = arith.constant 1.250000e-01 : f32
      %mul3A_437 = arith.mulf %squeeze3A_435, %mul3A_436 : f32
      %slice3A_438 = vector.extract_strided_slice %get3A_409 {offsets = [7], sizes = [1], strides = [1]} : vector<16xf32> to vector<1xf32>
      %squeeze3A_439 = vector.extract %slice3A_438[0] : f32 from vector<1xf32>
      %mul3A_440 = arith.constant 1.250000e-01 : f32
      %mul3A_441 = arith.mulf %squeeze3A_439, %mul3A_440 : f32
      %slice3A_442 = vector.extract_strided_slice %get3A_409 {offsets = [8], sizes = [1], strides = [1]} : vector<16xf32> to vector<1xf32>
      %squeeze3A_443 = vector.extract %slice3A_442[0] : f32 from vector<1xf32>
      %parallel_loop3A_444 = arith.constant 0 : i32
      %parallel_loop3A_445 = arith.constant 64 : i32
      %parallel_loop3A_446 = arith.constant 1 : i32
      scf.for %parallel_loop3A_600 = %parallel_loop3A_444 to %parallel_loop3A_445 step %parallel_loop3A_446  : i32 {
        %parallel_loop3A_601 = vector.broadcast %squeeze3A_443 : f32 to vector<16xf32>
        %parallel_loop3A_602 = arith.constant 16 : i32
        %parallel_loop3A_603 = arith.muli %parallel_loop3A_600, %parallel_loop3A_602 : i32
        %parallel_loop3A_604 = arith.constant 2 : i32
        %parallel_loop3A_605 = arith.constant 8 : i32
        %parallel_loop3A_606 = arith.index_cast %parallel_loop3A_604 : i32 to index
        %parallel_loop3A_607 = arith.index_cast %parallel_loop3A_605 : i32 to index
        %parallel_loop3A_608 = arith.index_cast %parallel_loop3A_603 : i32 to index
        %parallel_loop3A_609 = tpu.vector_load %arg8[%parallel_loop3A_606, %parallel_loop3A_607, %parallel_loop3A_608] {strides = array<i32>} : memref<4x16x1024xf32, #tpu.memory_space<vmem>>, vector<1x1x16xf32>,
        %parallel_loop3A_610 = vector.shape_cast %parallel_loop3A_609 : vector<1x1x16xf32> to vector<16xf32>
        %parallel_loop3A_611 = vector.broadcast %mul3A_413 : f32 to vector<16xf32>
        %parallel_loop3A_612 = arith.mulf %parallel_loop3A_610, %parallel_loop3A_611 : vector<16xf32>
        %parallel_loop3A_613 = arith.addf %parallel_loop3A_601, %parallel_loop3A_612 : vector<16xf32>
        %parallel_loop3A_614 = arith.constant 16 : i32
        %parallel_loop3A_615 = arith.muli %parallel_loop3A_600, %parallel_loop3A_614 : i32
        %parallel_loop3A_616 = arith.constant 2 : i32
        %parallel_loop3A_617 = arith.constant 9 : i32
        %parallel_loop3A_618 = arith.index_cast %parallel_loop3A_616 : i32 to index
        %parallel_loop3A_619 = arith.index_cast %parallel_loop3A_617 : i32 to index
        %parallel_loop3A_620 = arith.index_cast %parallel_loop3A_615 : i32 to index
        %parallel_loop3A_621 = tpu.vector_load %arg8[%parallel_loop3A_618, %parallel_loop3A_619, %parallel_loop3A_620] {strides = array<i32>} : memref<4x16x1024xf32, #tpu.memory_space<vmem>>, vector<1x1x16xf32>,
        %parallel_loop3A_622 = vector.shape_cast %parallel_loop3A_621 : vector<1x1x16xf32> to vector<16xf32>
        %parallel_loop3A_623 = vector.broadcast %mul3A_417 : f32 to vector<16xf32>
        %parallel_loop3A_624 = arith.mulf %parallel_loop3A_622, %parallel_loop3A_623 : vector<16xf32>
        %parallel_loop3A_625 = arith.addf %parallel_loop3A_613, %parallel_loop3A_624 : vector<16xf32>
        %parallel_loop3A_626 = arith.constant 16 : i32
        %parallel_loop3A_627 = arith.muli %parallel_loop3A_600, %parallel_loop3A_626 : i32
        %parallel_loop3A_628 = arith.constant 2 : i32
        %parallel_loop3A_629 = arith.constant 10 : i32
        %parallel_loop3A_630 = arith.index_cast %parallel_loop3A_628 : i32 to index
        %parallel_loop3A_631 = arith.index_cast %parallel_loop3A_629 : i32 to index
        %parallel_loop3A_632 = arith.index_cast %parallel_loop3A_627 : i32 to index
        %parallel_loop3A_633 = tpu.vector_load %arg8[%parallel_loop3A_630, %parallel_loop3A_631, %parallel_loop3A_632] {strides = array<i32>} : memref<4x16x1024xf32, #tpu.memory_space<vmem>>, vector<1x1x16xf32>,
        %parallel_loop3A_634 = vector.shape_cast %parallel_loop3A_633 : vector<1x1x16xf32> to vector<16xf32>
        %parallel_loop3A_635 = vector.broadcast %mul3A_421 : f32 to vector<16xf32>
        %parallel_loop3A_636 = arith.mulf %parallel_loop3A_634, %parallel_loop3A_635 : vector<16xf32>
        %parallel_loop3A_637 = arith.addf %parallel_loop3A_625, %parallel_loop3A_636 : vector<16xf32>
        %parallel_loop3A_638 = arith.constant 16 : i32
        %parallel_loop3A_639 = arith.muli %parallel_loop3A_600, %parallel_loop3A_638 : i32
        %parallel_loop3A_640 = arith.constant 2 : i32
        %parallel_loop3A_641 = arith.constant 11 : i32
        %parallel_loop3A_642 = arith.index_cast %parallel_loop3A_640 : i32 to index
        %parallel_loop3A_643 = arith.index_cast %parallel_loop3A_641 : i32 to index
        %parallel_loop3A_644 = arith.index_cast %parallel_loop3A_639 : i32 to index
        %parallel_loop3A_645 = tpu.vector_load %arg8[%parallel_loop3A_642, %parallel_loop3A_643, %parallel_loop3A_644] {strides = array<i32>} : memref<4x16x1024xf32, #tpu.memory_space<vmem>>, vector<1x1x16xf32>,
        %parallel_loop3A_646 = vector.shape_cast %parallel_loop3A_645 : vector<1x1x16xf32> to vector<16xf32>
        %parallel_loop3A_647 = vector.broadcast %mul3A_425 : f32 to vector<16xf32>
        %parallel_loop3A_648 = arith.mulf %parallel_loop3A_646, %parallel_loop3A_647 : vector<16xf32>
        %parallel_loop3A_649 = arith.addf %parallel_loop3A_637, %parallel_loop3A_648 : vector<16xf32>
        %parallel_loop3A_650 = arith.constant 16 : i32
        %parallel_loop3A_651 = arith.muli %parallel_loop3A_600, %parallel_loop3A_650 : i32
        %parallel_loop3A_652 = arith.constant 2 : i32
        %parallel_loop3A_653 = arith.constant 12 : i32
        %parallel_loop3A_654 = arith.index_cast %parallel_loop3A_652 : i32 to index
        %parallel_loop3A_655 = arith.index_cast %parallel_loop3A_653 : i32 to index
        %parallel_loop3A_656 = arith.index_cast %parallel_loop3A_651 : i32 to index
        %parallel_loop3A_657 = tpu.vector_load %arg8[%parallel_loop3A_654, %parallel_loop3A_655, %parallel_loop3A_656] {strides = array<i32>} : memref<4x16x1024xf32, #tpu.memory_space<vmem>>, vector<1x1x16xf32>,
        %parallel_loop3A_658 = vector.shape_cast %parallel_loop3A_657 : vector<1x1x16xf32> to vector<16xf32>
        %parallel_loop3A_659 = vector.broadcast %mul3A_429 : f32 to vector<16xf32>
        %parallel_loop3A_660 = arith.mulf %parallel_loop3A_658, %parallel_loop3A_659 : vector<16xf32>
        %parallel_loop3A_661 = arith.addf %parallel_loop3A_649, %parallel_loop3A_660 : vector<16xf32>
        %parallel_loop3A_662 = arith.constant 16 : i32
        %parallel_loop3A_663 = arith.muli %parallel_loop3A_600, %parallel_loop3A_662 : i32
        %parallel_loop3A_664 = arith.constant 2 : i32
        %parallel_loop3A_665 = arith.constant 13 : i32
        %parallel_loop3A_666 = arith.index_cast %parallel_loop3A_664 : i32 to index
        %parallel_loop3A_667 = arith.index_cast %parallel_loop3A_665 : i32 to index
        %parallel_loop3A_668 = arith.index_cast %parallel_loop3A_663 : i32 to index
        %parallel_loop3A_669 = tpu.vector_load %arg8[%parallel_loop3A_666, %parallel_loop3A_667, %parallel_loop3A_668] {strides = array<i32>} : memref<4x16x1024xf32, #tpu.memory_space<vmem>>, vector<1x1x16xf32>,
        %parallel_loop3A_670 = vector.shape_cast %parallel_loop3A_669 : vector<1x1x16xf32> to vector<16xf32>
        %parallel_loop3A_671 = vector.broadcast %mul3A_433 : f32 to vector<16xf32>
        %parallel_loop3A_672 = arith.mulf %parallel_loop3A_670, %parallel_loop3A_671 : vector<16xf32>
        %parallel_loop3A_673 = arith.addf %parallel_loop3A_661, %parallel_loop3A_672 : vector<16xf32>
        %parallel_loop3A_674 = arith.constant 16 : i32
        %parallel_loop3A_675 = arith.muli %parallel_loop3A_600, %parallel_loop3A_674 : i32
        %parallel_loop3A_676 = arith.constant 2 : i32
        %parallel_loop3A_677 = arith.constant 14 : i32
        %parallel_loop3A_678 = arith.index_cast %parallel_loop3A_676 : i32 to index
        %parallel_loop3A_679 = arith.index_cast %parallel_loop3A_677 : i32 to index
        %parallel_loop3A_680 = arith.index_cast %parallel_loop3A_675 : i32 to index
        %parallel_loop3A_681 = tpu.vector_load %arg8[%parallel_loop3A_678, %parallel_loop3A_679, %parallel_loop3A_680] {strides = array<i32>} : memref<4x16x1024xf32, #tpu.memory_space<vmem>>, vector<1x1x16xf32>,
        %parallel_loop3A_682 = vector.shape_cast %parallel_loop3A_681 : vector<1x1x16xf32> to vector<16xf32>
        %parallel_loop3A_683 = vector.broadcast %mul3A_437 : f32 to vector<16xf32>
        %parallel_loop3A_684 = arith.mulf %parallel_loop3A_682, %parallel_loop3A_683 : vector<16xf32>
        %parallel_loop3A_685 = arith.addf %parallel_loop3A_673, %parallel_loop3A_684 : vector<16xf32>
        %parallel_loop3A_686 = arith.constant 16 : i32
        %parallel_loop3A_687 = arith.muli %parallel_loop3A_600, %parallel_loop3A_686 : i32
        %parallel_loop3A_688 = arith.constant 2 : i32
        %parallel_loop3A_689 = arith.constant 15 : i32
        %parallel_loop3A_690 = arith.index_cast %parallel_loop3A_688 : i32 to index
        %parallel_loop3A_691 = arith.index_cast %parallel_loop3A_689 : i32 to index
        %parallel_loop3A_692 = arith.index_cast %parallel_loop3A_687 : i32 to index
        %parallel_loop3A_693 = tpu.vector_load %arg8[%parallel_loop3A_690, %parallel_loop3A_691, %parallel_loop3A_692] {strides = array<i32>} : memref<4x16x1024xf32, #tpu.memory_space<vmem>>, vector<1x1x16xf32>,
        %parallel_loop3A_694 = vector.shape_cast %parallel_loop3A_693 : vector<1x1x16xf32> to vector<16xf32>
        %parallel_loop3A_695 = vector.broadcast %mul3A_441 : f32 to vector<16xf32>
        %parallel_loop3A_696 = arith.mulf %parallel_loop3A_694, %parallel_loop3A_695 : vector<16xf32>
        %parallel_loop3A_697 = arith.addf %parallel_loop3A_685, %parallel_loop3A_696 : vector<16xf32>
        %parallel_loop3A_698 = arith.constant 16 : i32
        %parallel_loop3A_699 = arith.muli %parallel_loop3A_600, %parallel_loop3A_698 : i32
        %parallel_loop3A_700 = arith.constant 0 : i32
        %parallel_loop3A_701 = arith.constant 1 : i32
        %parallel_loop3A_702 = arith.index_cast %parallel_loop3A_700 : i32 to index
        %parallel_loop3A_703 = arith.index_cast %parallel_loop3A_701 : i32 to index
        %parallel_loop3A_704 = arith.index_cast %parallel_loop3A_699 : i32 to index
        %parallel_loop3A_705 = tpu.vector_load %arg9[%parallel_loop3A_702, %parallel_loop3A_703, %parallel_loop3A_704] {strides = array<i32>} : memref<2x2x1024xf32, #tpu.memory_space<vmem>>, vector<1x1x16xf32>,
        %parallel_loop3A_706 = vector.shape_cast %parallel_loop3A_705 : vector<1x1x16xf32> to vector<16xf32>
        %parallel_loop3A_707 = vector.shape_cast %parallel_loop3A_697 : vector<16xf32> to vector<1x1x16xf32>
        tpu.vector_store %arg9[%parallel_loop3A_702, %parallel_loop3A_703, %parallel_loop3A_704], %parallel_loop3A_707 {strides = array<i32>} : memref<2x2x1024xf32, #tpu.memory_space<vmem>>, vector<1x1x16xf32>,
      } {sc.loop_unroll_factor = 8 : i64, sc.parallel_access}
      %mul3A_447 = arith.constant 2 : i32
      %mul3A_448 = arith.muli %add3A_327, %mul3A_447 : i32
      %add3A_449 = arith.addi %mul3A_2, %mul3A_448 : i32
      %dma_start3A_450 = arith.constant 0 : i32
      %dma_start3A_451 = arith.constant 0 : i32
      %dma_start3A_452 = arith.constant 0 : i32
      %dma_start3A_453 = tpu.memref_slice %arg9[%dma_start3A_450, %dma_start3A_451, %dma_start3A_452] : memref<2x2x1024xf32, #tpu.memory_space<vmem>> -> memref<1x2x1024xf32, #tpu.memory_space<vmem>>
      %dma_start3A_454 = tpu.memref_squeeze %dma_start3A_453 : memref<1x2x1024xf32, #tpu.memory_space<vmem>> -> memref<2x1024xf32, #tpu.memory_space<vmem>>
      %dma_start3A_455 = arith.constant 0 : i32
      %dma_start3A_456 = tpu.memref_slice %arg5[%add3A_449, %dma_start3A_455] : memref<4096x1024xf32, #tpu.memory_space<hbm>> -> memref<2x1024xf32, #tpu.memory_space<hbm>>
      %dma_start3A_457 = arith.constant 0 : i32
      %dma_start3A_458 = tpu.memref_slice %arg5[%add3A_449, %dma_start3A_457] : memref<4096x1024xf32, #tpu.memory_space<hbm>> -> memref<2x1024xf32, #tpu.memory_space<hbm>>
      %dma_start3A_459 = arith.constant 0 : i32
      %dma_start3A_460 = arith.constant 0 : i32
      %dma_start3A_461 = tpu.memref_slice %arg9[%dma_start3A_450, %dma_start3A_459, %dma_start3A_460] : memref<2x2x1024xf32, #tpu.memory_space<vmem>> -> memref<1x2x1024xf32, #tpu.memory_space<vmem>>
      %dma_start3A_462 = tpu.memref_squeeze %dma_start3A_461 : memref<1x2x1024xf32, #tpu.memory_space<vmem>> -> memref<2x1024xf32, #tpu.memory_space<vmem>>
      tpu.enqueue_dma source(%dma_start3A_462 : memref<2x1024xf32, #tpu.memory_space<vmem>>) target(%dma_start3A_458 : memref<2x1024xf32, #tpu.memory_space<hbm>>) target_semaphore(%arg14 : memref<!tpu.dma_semaphore, #tpu.memory_space<semaphore_mem>>)
      %add3A_463 = arith.constant 3 : i32
      %add3A_464 = arith.addi %add3A_59, %add3A_463 : i32
      %add3A_465 = arith.constant 2 : i32
      %add3A_466 = arith.addi %add3A_464, %add3A_465 : i32
      %lt3A_467 = arith.constant 64 : i32
      %lt3A_468 = arith.cmpi slt, %add3A_466, %lt3A_467 : i32
      %convert_element_type3A_469 = arith.extui %lt3A_468 : i1 to i32
      %cond3A_470 = arith.constant 0 : i32
      %cond3A_471 = arith.cmpi ne, %convert_element_type3A_469, %cond3A_470 : i32
      scf.if %cond3A_471 {
        %add3A_600 = arith.constant 2 : i32
        %add3A_601 = arith.addi %add3A_464, %add3A_600 : i32
        %mul3A_602 = arith.constant 16 : i32
        %mul3A_603 = arith.muli %add3A_601, %mul3A_602 : i32
        %dma_start3A_604 = arith.constant 1 : i32
        %dma_start3A_605 = arith.constant 0 : i32
        %dma_start3A_606 = arith.constant 0 : i32
        %dma_start3A_607 = tpu.memref_slice %arg8[%dma_start3A_604, %dma_start3A_605, %dma_start3A_606] : memref<4x16x1024xf32, #tpu.memory_space<vmem>> -> memref<1x16x1024xf32, #tpu.memory_space<vmem>>
        %dma_start3A_608 = tpu.memref_squeeze %dma_start3A_607 : memref<1x16x1024xf32, #tpu.memory_space<vmem>> -> memref<16x1024xf32, #tpu.memory_space<vmem>>
        %dma_start3A_609 = tpu.memref_slice %arg6[%mul3A_603] : memref<1024xi32, #tpu.memory_space<vmem>> -> memref<16xi32, #tpu.memory_space<vmem>>
        %dma_start3A_610 = arith.constant 0 : i32
        %dma_start3A_611 = arith.constant 0 : i32
        %dma_start3A_612 = tpu.memref_slice %arg2[%dma_start3A_610, %dma_start3A_611] : memref<4096x1024xf32, #tpu.memory_space<hbm>> -> memref<4096x1024xf32, #tpu.memory_space<hbm>>
        tpu.enqueue_indirect_dma source(%dma_start3A_612 : memref<4096x1024xf32, #tpu.memory_space<hbm>>) target(%dma_start3A_608 : memref<16x1024xf32, #tpu.memory_space<vmem>>) offsets(%dma_start3A_609 : memref<16xi32, #tpu.memory_space<vmem>>) semaphore(%arg11 : memref<!tpu.dma_semaphore, #tpu.memory_space<semaphore_mem>>)
      } else {
      }
      %dma_wait3A_472 = arith.constant 3 : i32
      %dma_wait3A_473 = arith.constant 0 : i32
      %dma_wait3A_474 = arith.constant 0 : i32
      %dma_wait3A_475 = tpu.memref_slice %arg8[%dma_wait3A_472, %dma_wait3A_473, %dma_wait3A_474] : memref<4x16x1024xf32, #tpu.memory_space<vmem>> -> memref<1x16x1024xf32, #tpu.memory_space<vmem>>
      %dma_wait3A_476 = tpu.memref_squeeze %dma_wait3A_475 : memref<1x16x1024xf32, #tpu.memory_space<vmem>> -> memref<16x1024xf32, #tpu.memory_space<vmem>>
      %dma_wait3A_477 = arith.constant 0 : i32
      %dma_wait3A_478 = arith.constant 0 : i32
      %dma_wait3A_479 = tpu.memref_slice %arg2[%dma_wait3A_477, %dma_wait3A_478] : memref<4096x1024xf32, #tpu.memory_space<hbm>> -> memref<16x1024xf32, #tpu.memory_space<hbm>>
      %dma_wait3A_480 = arith.constant 0 : i32
      %dma_wait3A_481 = arith.constant 0 : i32
      %dma_wait3A_482 = tpu.memref_slice %arg8[%dma_wait3A_472, %dma_wait3A_480, %dma_wait3A_481] : memref<4x16x1024xf32, #tpu.memory_space<vmem>> -> memref<1x16x1024xf32, #tpu.memory_space<vmem>>
      %dma_wait3A_483 = tpu.memref_squeeze %dma_wait3A_482 : memref<1x16x1024xf32, #tpu.memory_space<vmem>> -> memref<16x1024xf32, #tpu.memory_space<vmem>>
      %dma_wait3A_484 = arith.constant 0 : i32
      %dma_wait3A_485 = arith.constant 0 : i32
      %dma_wait3A_486 = tpu.memref_slice %arg2[%dma_wait3A_484, %dma_wait3A_485] : memref<4096x1024xf32, #tpu.memory_space<hbm>> -> memref<16x1024xf32, #tpu.memory_space<hbm>>
      tpu.wait_dma2 semaphore(%arg13 : memref<!tpu.dma_semaphore, #tpu.memory_space<semaphore_mem>>) src(%dma_wait3A_486 : memref<16x1024xf32, #tpu.memory_space<hbm>>) dst(%dma_wait3A_483 : memref<16x1024xf32, #tpu.memory_space<vmem>>)
      %ge3A_487 = arith.constant 2 : i32
      %ge3A_488 = arith.cmpi sge, %add3A_464, %ge3A_487 : i32
      %convert_element_type3A_489 = arith.extui %ge3A_488 : i1 to i32
      %cond3A_490 = arith.constant 0 : i32
      %cond3A_491 = arith.cmpi ne, %convert_element_type3A_489, %cond3A_490 : i32
      scf.if %cond3A_491 {
        %dma_wait3A_600 = arith.constant 1 : i32
        %dma_wait3A_601 = arith.constant 0 : i32
        %dma_wait3A_602 = arith.constant 0 : i32
        %dma_wait3A_603 = tpu.memref_slice %arg9[%dma_wait3A_600, %dma_wait3A_601, %dma_wait3A_602] : memref<2x2x1024xf32, #tpu.memory_space<vmem>> -> memref<1x2x1024xf32, #tpu.memory_space<vmem>>
        %dma_wait3A_604 = tpu.memref_squeeze %dma_wait3A_603 : memref<1x2x1024xf32, #tpu.memory_space<vmem>> -> memref<2x1024xf32, #tpu.memory_space<vmem>>
        %dma_wait3A_605 = arith.constant 0 : i32
        %dma_wait3A_606 = tpu.memref_slice %arg5[%mul3A_2, %dma_wait3A_605] : memref<4096x1024xf32, #tpu.memory_space<hbm>> -> memref<2x1024xf32, #tpu.memory_space<hbm>>
        %dma_wait3A_607 = arith.constant 0 : i32
        %dma_wait3A_608 = tpu.memref_slice %arg5[%mul3A_2, %dma_wait3A_607] : memref<4096x1024xf32, #tpu.memory_space<hbm>> -> memref<2x1024xf32, #tpu.memory_space<hbm>>
        %dma_wait3A_609 = arith.constant 0 : i32
        %dma_wait3A_610 = arith.constant 0 : i32
        %dma_wait3A_611 = tpu.memref_slice %arg9[%dma_wait3A_600, %dma_wait3A_609, %dma_wait3A_610] : memref<2x2x1024xf32, #tpu.memory_space<vmem>> -> memref<1x2x1024xf32, #tpu.memory_space<vmem>>
        %dma_wait3A_612 = tpu.memref_squeeze %dma_wait3A_611 : memref<1x2x1024xf32, #tpu.memory_space<vmem>> -> memref<2x1024xf32, #tpu.memory_space<vmem>>
        tpu.wait_dma2 semaphore(%arg15 : memref<!tpu.dma_semaphore, #tpu.memory_space<semaphore_mem>>) src(%dma_wait3A_612 : memref<2x1024xf32, #tpu.memory_space<vmem>>) dst(%dma_wait3A_608 : memref<2x1024xf32, #tpu.memory_space<hbm>>)
      } else {
      }
      %mul3A_492 = arith.constant 2 : i32
      %mul3A_493 = arith.muli %add3A_464, %mul3A_492 : i32
      %add3A_494 = arith.constant 0 : i32
      %add3A_495 = arith.addi %mul3A_493, %add3A_494 : i32
      %mul3A_496 = arith.constant 16 : i32
      %mul3A_497 = arith.muli %add3A_495, %mul3A_496 : i32
      %get3A_498 = arith.index_cast %mul3A_497 : i32 to index
      %get3A_499 = tpu.vector_load %arg7[%get3A_498] {strides = array<i32>} : memref<2048xf32, #tpu.memory_space<vmem>>, vector<16xf32>,
      %get3A_500 = vector.shape_cast %get3A_499 : vector<16xf32> to vector<16xf32>
      %slice3A_501 = vector.extract_strided_slice %get3A_500 {offsets = [0], sizes = [1], strides = [1]} : vector<16xf32> to vector<1xf32>
      %squeeze3A_502 = vector.extract %slice3A_501[0] : f32 from vector<1xf32>
      %mul3A_503 = arith.constant 1.250000e-01 : f32
      %mul3A_504 = arith.mulf %squeeze3A_502, %mul3A_503 : f32
      %slice3A_505 = vector.extract_strided_slice %get3A_500 {offsets = [1], sizes = [1], strides = [1]} : vector<16xf32> to vector<1xf32>
      %squeeze3A_506 = vector.extract %slice3A_505[0] : f32 from vector<1xf32>
      %mul3A_507 = arith.constant 1.250000e-01 : f32
      %mul3A_508 = arith.mulf %squeeze3A_506, %mul3A_507 : f32
      %slice3A_509 = vector.extract_strided_slice %get3A_500 {offsets = [2], sizes = [1], strides = [1]} : vector<16xf32> to vector<1xf32>
      %squeeze3A_510 = vector.extract %slice3A_509[0] : f32 from vector<1xf32>
      %mul3A_511 = arith.constant 1.250000e-01 : f32
      %mul3A_512 = arith.mulf %squeeze3A_510, %mul3A_511 : f32
      %slice3A_513 = vector.extract_strided_slice %get3A_500 {offsets = [3], sizes = [1], strides = [1]} : vector<16xf32> to vector<1xf32>
      %squeeze3A_514 = vector.extract %slice3A_513[0] : f32 from vector<1xf32>
      %mul3A_515 = arith.constant 1.250000e-01 : f32
      %mul3A_516 = arith.mulf %squeeze3A_514, %mul3A_515 : f32
      %slice3A_517 = vector.extract_strided_slice %get3A_500 {offsets = [4], sizes = [1], strides = [1]} : vector<16xf32> to vector<1xf32>
      %squeeze3A_518 = vector.extract %slice3A_517[0] : f32 from vector<1xf32>
      %mul3A_519 = arith.constant 1.250000e-01 : f32
      %mul3A_520 = arith.mulf %squeeze3A_518, %mul3A_519 : f32
      %slice3A_521 = vector.extract_strided_slice %get3A_500 {offsets = [5], sizes = [1], strides = [1]} : vector<16xf32> to vector<1xf32>
      %squeeze3A_522 = vector.extract %slice3A_521[0] : f32 from vector<1xf32>
      %mul3A_523 = arith.constant 1.250000e-01 : f32
      %mul3A_524 = arith.mulf %squeeze3A_522, %mul3A_523 : f32
      %slice3A_525 = vector.extract_strided_slice %get3A_500 {offsets = [6], sizes = [1], strides = [1]} : vector<16xf32> to vector<1xf32>
      %squeeze3A_526 = vector.extract %slice3A_525[0] : f32 from vector<1xf32>
      %mul3A_527 = arith.constant 1.250000e-01 : f32
      %mul3A_528 = arith.mulf %squeeze3A_526, %mul3A_527 : f32
      %slice3A_529 = vector.extract_strided_slice %get3A_500 {offsets = [7], sizes = [1], strides = [1]} : vector<16xf32> to vector<1xf32>
      %squeeze3A_530 = vector.extract %slice3A_529[0] : f32 from vector<1xf32>
      %mul3A_531 = arith.constant 1.250000e-01 : f32
      %mul3A_532 = arith.mulf %squeeze3A_530, %mul3A_531 : f32
      %slice3A_533 = vector.extract_strided_slice %get3A_500 {offsets = [8], sizes = [1], strides = [1]} : vector<16xf32> to vector<1xf32>
      %squeeze3A_534 = vector.extract %slice3A_533[0] : f32 from vector<1xf32>
      %parallel_loop3A_535 = arith.constant 0 : i32
      %parallel_loop3A_536 = arith.constant 64 : i32
      %parallel_loop3A_537 = arith.constant 1 : i32
      scf.for %parallel_loop3A_600 = %parallel_loop3A_535 to %parallel_loop3A_536 step %parallel_loop3A_537  : i32 {
        %parallel_loop3A_601 = vector.broadcast %squeeze3A_534 : f32 to vector<16xf32>
        %parallel_loop3A_602 = arith.constant 16 : i32
        %parallel_loop3A_603 = arith.muli %parallel_loop3A_600, %parallel_loop3A_602 : i32
        %parallel_loop3A_604 = arith.constant 3 : i32
        %parallel_loop3A_605 = arith.constant 0 : i32
        %parallel_loop3A_606 = arith.index_cast %parallel_loop3A_604 : i32 to index
        %parallel_loop3A_607 = arith.index_cast %parallel_loop3A_605 : i32 to index
        %parallel_loop3A_608 = arith.index_cast %parallel_loop3A_603 : i32 to index
        %parallel_loop3A_609 = tpu.vector_load %arg8[%parallel_loop3A_606, %parallel_loop3A_607, %parallel_loop3A_608] {strides = array<i32>} : memref<4x16x1024xf32, #tpu.memory_space<vmem>>, vector<1x1x16xf32>,
        %parallel_loop3A_610 = vector.shape_cast %parallel_loop3A_609 : vector<1x1x16xf32> to vector<16xf32>
        %parallel_loop3A_611 = vector.broadcast %mul3A_504 : f32 to vector<16xf32>
        %parallel_loop3A_612 = arith.mulf %parallel_loop3A_610, %parallel_loop3A_611 : vector<16xf32>
        %parallel_loop3A_613 = arith.addf %parallel_loop3A_601, %parallel_loop3A_612 : vector<16xf32>
        %parallel_loop3A_614 = arith.constant 16 : i32
        %parallel_loop3A_615 = arith.muli %parallel_loop3A_600, %parallel_loop3A_614 : i32
        %parallel_loop3A_616 = arith.constant 3 : i32
        %parallel_loop3A_617 = arith.constant 1 : i32
        %parallel_loop3A_618 = arith.index_cast %parallel_loop3A_616 : i32 to index
        %parallel_loop3A_619 = arith.index_cast %parallel_loop3A_617 : i32 to index
        %parallel_loop3A_620 = arith.index_cast %parallel_loop3A_615 : i32 to index
        %parallel_loop3A_621 = tpu.vector_load %arg8[%parallel_loop3A_618, %parallel_loop3A_619, %parallel_loop3A_620] {strides = array<i32>} : memref<4x16x1024xf32, #tpu.memory_space<vmem>>, vector<1x1x16xf32>,
        %parallel_loop3A_622 = vector.shape_cast %parallel_loop3A_621 : vector<1x1x16xf32> to vector<16xf32>
        %parallel_loop3A_623 = vector.broadcast %mul3A_508 : f32 to vector<16xf32>
        %parallel_loop3A_624 = arith.mulf %parallel_loop3A_622, %parallel_loop3A_623 : vector<16xf32>
        %parallel_loop3A_625 = arith.addf %parallel_loop3A_613, %parallel_loop3A_624 : vector<16xf32>
        %parallel_loop3A_626 = arith.constant 16 : i32
        %parallel_loop3A_627 = arith.muli %parallel_loop3A_600, %parallel_loop3A_626 : i32
        %parallel_loop3A_628 = arith.constant 3 : i32
        %parallel_loop3A_629 = arith.constant 2 : i32
        %parallel_loop3A_630 = arith.index_cast %parallel_loop3A_628 : i32 to index
        %parallel_loop3A_631 = arith.index_cast %parallel_loop3A_629 : i32 to index
        %parallel_loop3A_632 = arith.index_cast %parallel_loop3A_627 : i32 to index
        %parallel_loop3A_633 = tpu.vector_load %arg8[%parallel_loop3A_630, %parallel_loop3A_631, %parallel_loop3A_632] {strides = array<i32>} : memref<4x16x1024xf32, #tpu.memory_space<vmem>>, vector<1x1x16xf32>,
        %parallel_loop3A_634 = vector.shape_cast %parallel_loop3A_633 : vector<1x1x16xf32> to vector<16xf32>
        %parallel_loop3A_635 = vector.broadcast %mul3A_512 : f32 to vector<16xf32>
        %parallel_loop3A_636 = arith.mulf %parallel_loop3A_634, %parallel_loop3A_635 : vector<16xf32>
        %parallel_loop3A_637 = arith.addf %parallel_loop3A_625, %parallel_loop3A_636 : vector<16xf32>
        %parallel_loop3A_638 = arith.constant 16 : i32
        %parallel_loop3A_639 = arith.muli %parallel_loop3A_600, %parallel_loop3A_638 : i32
        %parallel_loop3A_640 = arith.constant 3 : i32
        %parallel_loop3A_641 = arith.constant 3 : i32
        %parallel_loop3A_642 = arith.index_cast %parallel_loop3A_640 : i32 to index
        %parallel_loop3A_643 = arith.index_cast %parallel_loop3A_641 : i32 to index
        %parallel_loop3A_644 = arith.index_cast %parallel_loop3A_639 : i32 to index
        %parallel_loop3A_645 = tpu.vector_load %arg8[%parallel_loop3A_642, %parallel_loop3A_643, %parallel_loop3A_644] {strides = array<i32>} : memref<4x16x1024xf32, #tpu.memory_space<vmem>>, vector<1x1x16xf32>,
        %parallel_loop3A_646 = vector.shape_cast %parallel_loop3A_645 : vector<1x1x16xf32> to vector<16xf32>
        %parallel_loop3A_647 = vector.broadcast %mul3A_516 : f32 to vector<16xf32>
        %parallel_loop3A_648 = arith.mulf %parallel_loop3A_646, %parallel_loop3A_647 : vector<16xf32>
        %parallel_loop3A_649 = arith.addf %parallel_loop3A_637, %parallel_loop3A_648 : vector<16xf32>
        %parallel_loop3A_650 = arith.constant 16 : i32
        %parallel_loop3A_651 = arith.muli %parallel_loop3A_600, %parallel_loop3A_650 : i32
        %parallel_loop3A_652 = arith.constant 3 : i32
        %parallel_loop3A_653 = arith.constant 4 : i32
        %parallel_loop3A_654 = arith.index_cast %parallel_loop3A_652 : i32 to index
        %parallel_loop3A_655 = arith.index_cast %parallel_loop3A_653 : i32 to index
        %parallel_loop3A_656 = arith.index_cast %parallel_loop3A_651 : i32 to index
        %parallel_loop3A_657 = tpu.vector_load %arg8[%parallel_loop3A_654, %parallel_loop3A_655, %parallel_loop3A_656] {strides = array<i32>} : memref<4x16x1024xf32, #tpu.memory_space<vmem>>, vector<1x1x16xf32>,
        %parallel_loop3A_658 = vector.shape_cast %parallel_loop3A_657 : vector<1x1x16xf32> to vector<16xf32>
        %parallel_loop3A_659 = vector.broadcast %mul3A_520 : f32 to vector<16xf32>
        %parallel_loop3A_660 = arith.mulf %parallel_loop3A_658, %parallel_loop3A_659 : vector<16xf32>
        %parallel_loop3A_661 = arith.addf %parallel_loop3A_649, %parallel_loop3A_660 : vector<16xf32>
        %parallel_loop3A_662 = arith.constant 16 : i32
        %parallel_loop3A_663 = arith.muli %parallel_loop3A_600, %parallel_loop3A_662 : i32
        %parallel_loop3A_664 = arith.constant 3 : i32
        %parallel_loop3A_665 = arith.constant 5 : i32
        %parallel_loop3A_666 = arith.index_cast %parallel_loop3A_664 : i32 to index
        %parallel_loop3A_667 = arith.index_cast %parallel_loop3A_665 : i32 to index
        %parallel_loop3A_668 = arith.index_cast %parallel_loop3A_663 : i32 to index
        %parallel_loop3A_669 = tpu.vector_load %arg8[%parallel_loop3A_666, %parallel_loop3A_667, %parallel_loop3A_668] {strides = array<i32>} : memref<4x16x1024xf32, #tpu.memory_space<vmem>>, vector<1x1x16xf32>,
        %parallel_loop3A_670 = vector.shape_cast %parallel_loop3A_669 : vector<1x1x16xf32> to vector<16xf32>
        %parallel_loop3A_671 = vector.broadcast %mul3A_524 : f32 to vector<16xf32>
        %parallel_loop3A_672 = arith.mulf %parallel_loop3A_670, %parallel_loop3A_671 : vector<16xf32>
        %parallel_loop3A_673 = arith.addf %parallel_loop3A_661, %parallel_loop3A_672 : vector<16xf32>
        %parallel_loop3A_674 = arith.constant 16 : i32
        %parallel_loop3A_675 = arith.muli %parallel_loop3A_600, %parallel_loop3A_674 : i32
        %parallel_loop3A_676 = arith.constant 3 : i32
        %parallel_loop3A_677 = arith.constant 6 : i32
        %parallel_loop3A_678 = arith.index_cast %parallel_loop3A_676 : i32 to index
        %parallel_loop3A_679 = arith.index_cast %parallel_loop3A_677 : i32 to index
        %parallel_loop3A_680 = arith.index_cast %parallel_loop3A_675 : i32 to index
        %parallel_loop3A_681 = tpu.vector_load %arg8[%parallel_loop3A_678, %parallel_loop3A_679, %parallel_loop3A_680] {strides = array<i32>} : memref<4x16x1024xf32, #tpu.memory_space<vmem>>, vector<1x1x16xf32>,
        %parallel_loop3A_682 = vector.shape_cast %parallel_loop3A_681 : vector<1x1x16xf32> to vector<16xf32>
        %parallel_loop3A_683 = vector.broadcast %mul3A_528 : f32 to vector<16xf32>
        %parallel_loop3A_684 = arith.mulf %parallel_loop3A_682, %parallel_loop3A_683 : vector<16xf32>
        %parallel_loop3A_685 = arith.addf %parallel_loop3A_673, %parallel_loop3A_684 : vector<16xf32>
        %parallel_loop3A_686 = arith.constant 16 : i32
        %parallel_loop3A_687 = arith.muli %parallel_loop3A_600, %parallel_loop3A_686 : i32
        %parallel_loop3A_688 = arith.constant 3 : i32
        %parallel_loop3A_689 = arith.constant 7 : i32
        %parallel_loop3A_690 = arith.index_cast %parallel_loop3A_688 : i32 to index
        %parallel_loop3A_691 = arith.index_cast %parallel_loop3A_689 : i32 to index
        %parallel_loop3A_692 = arith.index_cast %parallel_loop3A_687 : i32 to index
        %parallel_loop3A_693 = tpu.vector_load %arg8[%parallel_loop3A_690, %parallel_loop3A_691, %parallel_loop3A_692] {strides = array<i32>} : memref<4x16x1024xf32, #tpu.memory_space<vmem>>, vector<1x1x16xf32>,
        %parallel_loop3A_694 = vector.shape_cast %parallel_loop3A_693 : vector<1x1x16xf32> to vector<16xf32>
        %parallel_loop3A_695 = vector.broadcast %mul3A_532 : f32 to vector<16xf32>
        %parallel_loop3A_696 = arith.mulf %parallel_loop3A_694, %parallel_loop3A_695 : vector<16xf32>
        %parallel_loop3A_697 = arith.addf %parallel_loop3A_685, %parallel_loop3A_696 : vector<16xf32>
        %parallel_loop3A_698 = arith.constant 16 : i32
        %parallel_loop3A_699 = arith.muli %parallel_loop3A_600, %parallel_loop3A_698 : i32
        %parallel_loop3A_700 = arith.constant 1 : i32
        %parallel_loop3A_701 = arith.constant 0 : i32
        %parallel_loop3A_702 = arith.index_cast %parallel_loop3A_700 : i32 to index
        %parallel_loop3A_703 = arith.index_cast %parallel_loop3A_701 : i32 to index
        %parallel_loop3A_704 = arith.index_cast %parallel_loop3A_699 : i32 to index
        %parallel_loop3A_705 = tpu.vector_load %arg9[%parallel_loop3A_702, %parallel_loop3A_703, %parallel_loop3A_704] {strides = array<i32>} : memref<2x2x1024xf32, #tpu.memory_space<vmem>>, vector<1x1x16xf32>,
        %parallel_loop3A_706 = vector.shape_cast %parallel_loop3A_705 : vector<1x1x16xf32> to vector<16xf32>
        %parallel_loop3A_707 = vector.shape_cast %parallel_loop3A_697 : vector<16xf32> to vector<1x1x16xf32>
        tpu.vector_store %arg9[%parallel_loop3A_702, %parallel_loop3A_703, %parallel_loop3A_704], %parallel_loop3A_707 {strides = array<i32>} : memref<2x2x1024xf32, #tpu.memory_space<vmem>>, vector<1x1x16xf32>,
      } {sc.loop_unroll_factor = 8 : i64, sc.parallel_access}
      %mul3A_538 = arith.constant 2 : i32
      %mul3A_539 = arith.muli %add3A_464, %mul3A_538 : i32
      %add3A_540 = arith.constant 1 : i32
      %add3A_541 = arith.addi %mul3A_539, %add3A_540 : i32
      %mul3A_542 = arith.constant 16 : i32
      %mul3A_543 = arith.muli %add3A_541, %mul3A_542 : i32
      %get3A_544 = arith.index_cast %mul3A_543 : i32 to index
      %get3A_545 = tpu.vector_load %arg7[%get3A_544] {strides = array<i32>} : memref<2048xf32, #tpu.memory_space<vmem>>, vector<16xf32>,
      %get3A_546 = vector.shape_cast %get3A_545 : vector<16xf32> to vector<16xf32>
      %slice3A_547 = vector.extract_strided_slice %get3A_546 {offsets = [0], sizes = [1], strides = [1]} : vector<16xf32> to vector<1xf32>
      %squeeze3A_548 = vector.extract %slice3A_547[0] : f32 from vector<1xf32>
      %mul3A_549 = arith.constant 1.250000e-01 : f32
      %mul3A_550 = arith.mulf %squeeze3A_548, %mul3A_549 : f32
      %slice3A_551 = vector.extract_strided_slice %get3A_546 {offsets = [1], sizes = [1], strides = [1]} : vector<16xf32> to vector<1xf32>
      %squeeze3A_552 = vector.extract %slice3A_551[0] : f32 from vector<1xf32>
      %mul3A_553 = arith.constant 1.250000e-01 : f32
      %mul3A_554 = arith.mulf %squeeze3A_552, %mul3A_553 : f32
      %slice3A_555 = vector.extract_strided_slice %get3A_546 {offsets = [2], sizes = [1], strides = [1]} : vector<16xf32> to vector<1xf32>
      %squeeze3A_556 = vector.extract %slice3A_555[0] : f32 from vector<1xf32>
      %mul3A_557 = arith.constant 1.250000e-01 : f32
      %mul3A_558 = arith.mulf %squeeze3A_556, %mul3A_557 : f32
      %slice3A_559 = vector.extract_strided_slice %get3A_546 {offsets = [3], sizes = [1], strides = [1]} : vector<16xf32> to vector<1xf32>
      %squeeze3A_560 = vector.extract %slice3A_559[0] : f32 from vector<1xf32>
      %mul3A_561 = arith.constant 1.250000e-01 : f32
      %mul3A_562 = arith.mulf %squeeze3A_560, %mul3A_561 : f32
      %slice3A_563 = vector.extract_strided_slice %get3A_546 {offsets = [4], sizes = [1], strides = [1]} : vector<16xf32> to vector<1xf32>
      %squeeze3A_564 = vector.extract %slice3A_563[0] : f32 from vector<1xf32>
      %mul3A_565 = arith.constant 1.250000e-01 : f32
      %mul3A_566 = arith.mulf %squeeze3A_564, %mul3A_565 : f32
      %slice3A_567 = vector.extract_strided_slice %get3A_546 {offsets = [5], sizes = [1], strides = [1]} : vector<16xf32> to vector<1xf32>
      %squeeze3A_568 = vector.extract %slice3A_567[0] : f32 from vector<1xf32>
      %mul3A_569 = arith.constant 1.250000e-01 : f32
      %mul3A_570 = arith.mulf %squeeze3A_568, %mul3A_569 : f32
      %slice3A_571 = vector.extract_strided_slice %get3A_546 {offsets = [6], sizes = [1], strides = [1]} : vector<16xf32> to vector<1xf32>
      %squeeze3A_572 = vector.extract %slice3A_571[0] : f32 from vector<1xf32>
      %mul3A_573 = arith.constant 1.250000e-01 : f32
      %mul3A_574 = arith.mulf %squeeze3A_572, %mul3A_573 : f32
      %slice3A_575 = vector.extract_strided_slice %get3A_546 {offsets = [7], sizes = [1], strides = [1]} : vector<16xf32> to vector<1xf32>
      %squeeze3A_576 = vector.extract %slice3A_575[0] : f32 from vector<1xf32>
      %mul3A_577 = arith.constant 1.250000e-01 : f32
      %mul3A_578 = arith.mulf %squeeze3A_576, %mul3A_577 : f32
      %slice3A_579 = vector.extract_strided_slice %get3A_546 {offsets = [8], sizes = [1], strides = [1]} : vector<16xf32> to vector<1xf32>
      %squeeze3A_580 = vector.extract %slice3A_579[0] : f32 from vector<1xf32>
      %parallel_loop3A_581 = arith.constant 0 : i32
      %parallel_loop3A_582 = arith.constant 64 : i32
      %parallel_loop3A_583 = arith.constant 1 : i32
      scf.for %parallel_loop3A_600 = %parallel_loop3A_581 to %parallel_loop3A_582 step %parallel_loop3A_583  : i32 {
        %parallel_loop3A_601 = vector.broadcast %squeeze3A_580 : f32 to vector<16xf32>
        %parallel_loop3A_602 = arith.constant 16 : i32
        %parallel_loop3A_603 = arith.muli %parallel_loop3A_600, %parallel_loop3A_602 : i32
        %parallel_loop3A_604 = arith.constant 3 : i32
        %parallel_loop3A_605 = arith.constant 8 : i32
        %parallel_loop3A_606 = arith.index_cast %parallel_loop3A_604 : i32 to index
        %parallel_loop3A_607 = arith.index_cast %parallel_loop3A_605 : i32 to index
        %parallel_loop3A_608 = arith.index_cast %parallel_loop3A_603 : i32 to index
        %parallel_loop3A_609 = tpu.vector_load %arg8[%parallel_loop3A_606, %parallel_loop3A_607, %parallel_loop3A_608] {strides = array<i32>} : memref<4x16x1024xf32, #tpu.memory_space<vmem>>, vector<1x1x16xf32>,
        %parallel_loop3A_610 = vector.shape_cast %parallel_loop3A_609 : vector<1x1x16xf32> to vector<16xf32>
        %parallel_loop3A_611 = vector.broadcast %mul3A_550 : f32 to vector<16xf32>
        %parallel_loop3A_612 = arith.mulf %parallel_loop3A_610, %parallel_loop3A_611 : vector<16xf32>
        %parallel_loop3A_613 = arith.addf %parallel_loop3A_601, %parallel_loop3A_612 : vector<16xf32>
        %parallel_loop3A_614 = arith.constant 16 : i32
        %parallel_loop3A_615 = arith.muli %parallel_loop3A_600, %parallel_loop3A_614 : i32
        %parallel_loop3A_616 = arith.constant 3 : i32
        %parallel_loop3A_617 = arith.constant 9 : i32
        %parallel_loop3A_618 = arith.index_cast %parallel_loop3A_616 : i32 to index
        %parallel_loop3A_619 = arith.index_cast %parallel_loop3A_617 : i32 to index
        %parallel_loop3A_620 = arith.index_cast %parallel_loop3A_615 : i32 to index
        %parallel_loop3A_621 = tpu.vector_load %arg8[%parallel_loop3A_618, %parallel_loop3A_619, %parallel_loop3A_620] {strides = array<i32>} : memref<4x16x1024xf32, #tpu.memory_space<vmem>>, vector<1x1x16xf32>,
        %parallel_loop3A_622 = vector.shape_cast %parallel_loop3A_621 : vector<1x1x16xf32> to vector<16xf32>
        %parallel_loop3A_623 = vector.broadcast %mul3A_554 : f32 to vector<16xf32>
        %parallel_loop3A_624 = arith.mulf %parallel_loop3A_622, %parallel_loop3A_623 : vector<16xf32>
        %parallel_loop3A_625 = arith.addf %parallel_loop3A_613, %parallel_loop3A_624 : vector<16xf32>
        %parallel_loop3A_626 = arith.constant 16 : i32
        %parallel_loop3A_627 = arith.muli %parallel_loop3A_600, %parallel_loop3A_626 : i32
        %parallel_loop3A_628 = arith.constant 3 : i32
        %parallel_loop3A_629 = arith.constant 10 : i32
        %parallel_loop3A_630 = arith.index_cast %parallel_loop3A_628 : i32 to index
        %parallel_loop3A_631 = arith.index_cast %parallel_loop3A_629 : i32 to index
        %parallel_loop3A_632 = arith.index_cast %parallel_loop3A_627 : i32 to index
        %parallel_loop3A_633 = tpu.vector_load %arg8[%parallel_loop3A_630, %parallel_loop3A_631, %parallel_loop3A_632] {strides = array<i32>} : memref<4x16x1024xf32, #tpu.memory_space<vmem>>, vector<1x1x16xf32>,
        %parallel_loop3A_634 = vector.shape_cast %parallel_loop3A_633 : vector<1x1x16xf32> to vector<16xf32>
        %parallel_loop3A_635 = vector.broadcast %mul3A_558 : f32 to vector<16xf32>
        %parallel_loop3A_636 = arith.mulf %parallel_loop3A_634, %parallel_loop3A_635 : vector<16xf32>
        %parallel_loop3A_637 = arith.addf %parallel_loop3A_625, %parallel_loop3A_636 : vector<16xf32>
        %parallel_loop3A_638 = arith.constant 16 : i32
        %parallel_loop3A_639 = arith.muli %parallel_loop3A_600, %parallel_loop3A_638 : i32
        %parallel_loop3A_640 = arith.constant 3 : i32
        %parallel_loop3A_641 = arith.constant 11 : i32
        %parallel_loop3A_642 = arith.index_cast %parallel_loop3A_640 : i32 to index
        %parallel_loop3A_643 = arith.index_cast %parallel_loop3A_641 : i32 to index
        %parallel_loop3A_644 = arith.index_cast %parallel_loop3A_639 : i32 to index
        %parallel_loop3A_645 = tpu.vector_load %arg8[%parallel_loop3A_642, %parallel_loop3A_643, %parallel_loop3A_644] {strides = array<i32>} : memref<4x16x1024xf32, #tpu.memory_space<vmem>>, vector<1x1x16xf32>,
        %parallel_loop3A_646 = vector.shape_cast %parallel_loop3A_645 : vector<1x1x16xf32> to vector<16xf32>
        %parallel_loop3A_647 = vector.broadcast %mul3A_562 : f32 to vector<16xf32>
        %parallel_loop3A_648 = arith.mulf %parallel_loop3A_646, %parallel_loop3A_647 : vector<16xf32>
        %parallel_loop3A_649 = arith.addf %parallel_loop3A_637, %parallel_loop3A_648 : vector<16xf32>
        %parallel_loop3A_650 = arith.constant 16 : i32
        %parallel_loop3A_651 = arith.muli %parallel_loop3A_600, %parallel_loop3A_650 : i32
        %parallel_loop3A_652 = arith.constant 3 : i32
        %parallel_loop3A_653 = arith.constant 12 : i32
        %parallel_loop3A_654 = arith.index_cast %parallel_loop3A_652 : i32 to index
        %parallel_loop3A_655 = arith.index_cast %parallel_loop3A_653 : i32 to index
        %parallel_loop3A_656 = arith.index_cast %parallel_loop3A_651 : i32 to index
        %parallel_loop3A_657 = tpu.vector_load %arg8[%parallel_loop3A_654, %parallel_loop3A_655, %parallel_loop3A_656] {strides = array<i32>} : memref<4x16x1024xf32, #tpu.memory_space<vmem>>, vector<1x1x16xf32>,
        %parallel_loop3A_658 = vector.shape_cast %parallel_loop3A_657 : vector<1x1x16xf32> to vector<16xf32>
        %parallel_loop3A_659 = vector.broadcast %mul3A_566 : f32 to vector<16xf32>
        %parallel_loop3A_660 = arith.mulf %parallel_loop3A_658, %parallel_loop3A_659 : vector<16xf32>
        %parallel_loop3A_661 = arith.addf %parallel_loop3A_649, %parallel_loop3A_660 : vector<16xf32>
        %parallel_loop3A_662 = arith.constant 16 : i32
        %parallel_loop3A_663 = arith.muli %parallel_loop3A_600, %parallel_loop3A_662 : i32
        %parallel_loop3A_664 = arith.constant 3 : i32
        %parallel_loop3A_665 = arith.constant 13 : i32
        %parallel_loop3A_666 = arith.index_cast %parallel_loop3A_664 : i32 to index
        %parallel_loop3A_667 = arith.index_cast %parallel_loop3A_665 : i32 to index
        %parallel_loop3A_668 = arith.index_cast %parallel_loop3A_663 : i32 to index
        %parallel_loop3A_669 = tpu.vector_load %arg8[%parallel_loop3A_666, %parallel_loop3A_667, %parallel_loop3A_668] {strides = array<i32>} : memref<4x16x1024xf32, #tpu.memory_space<vmem>>, vector<1x1x16xf32>,
        %parallel_loop3A_670 = vector.shape_cast %parallel_loop3A_669 : vector<1x1x16xf32> to vector<16xf32>
        %parallel_loop3A_671 = vector.broadcast %mul3A_570 : f32 to vector<16xf32>
        %parallel_loop3A_672 = arith.mulf %parallel_loop3A_670, %parallel_loop3A_671 : vector<16xf32>
        %parallel_loop3A_673 = arith.addf %parallel_loop3A_661, %parallel_loop3A_672 : vector<16xf32>
        %parallel_loop3A_674 = arith.constant 16 : i32
        %parallel_loop3A_675 = arith.muli %parallel_loop3A_600, %parallel_loop3A_674 : i32
        %parallel_loop3A_676 = arith.constant 3 : i32
        %parallel_loop3A_677 = arith.constant 14 : i32
        %parallel_loop3A_678 = arith.index_cast %parallel_loop3A_676 : i32 to index
        %parallel_loop3A_679 = arith.index_cast %parallel_loop3A_677 : i32 to index
        %parallel_loop3A_680 = arith.index_cast %parallel_loop3A_675 : i32 to index
        %parallel_loop3A_681 = tpu.vector_load %arg8[%parallel_loop3A_678, %parallel_loop3A_679, %parallel_loop3A_680] {strides = array<i32>} : memref<4x16x1024xf32, #tpu.memory_space<vmem>>, vector<1x1x16xf32>,
        %parallel_loop3A_682 = vector.shape_cast %parallel_loop3A_681 : vector<1x1x16xf32> to vector<16xf32>
        %parallel_loop3A_683 = vector.broadcast %mul3A_574 : f32 to vector<16xf32>
        %parallel_loop3A_684 = arith.mulf %parallel_loop3A_682, %parallel_loop3A_683 : vector<16xf32>
        %parallel_loop3A_685 = arith.addf %parallel_loop3A_673, %parallel_loop3A_684 : vector<16xf32>
        %parallel_loop3A_686 = arith.constant 16 : i32
        %parallel_loop3A_687 = arith.muli %parallel_loop3A_600, %parallel_loop3A_686 : i32
        %parallel_loop3A_688 = arith.constant 3 : i32
        %parallel_loop3A_689 = arith.constant 15 : i32
        %parallel_loop3A_690 = arith.index_cast %parallel_loop3A_688 : i32 to index
        %parallel_loop3A_691 = arith.index_cast %parallel_loop3A_689 : i32 to index
        %parallel_loop3A_692 = arith.index_cast %parallel_loop3A_687 : i32 to index
        %parallel_loop3A_693 = tpu.vector_load %arg8[%parallel_loop3A_690, %parallel_loop3A_691, %parallel_loop3A_692] {strides = array<i32>} : memref<4x16x1024xf32, #tpu.memory_space<vmem>>, vector<1x1x16xf32>,
        %parallel_loop3A_694 = vector.shape_cast %parallel_loop3A_693 : vector<1x1x16xf32> to vector<16xf32>
        %parallel_loop3A_695 = vector.broadcast %mul3A_578 : f32 to vector<16xf32>
        %parallel_loop3A_696 = arith.mulf %parallel_loop3A_694, %parallel_loop3A_695 : vector<16xf32>
        %parallel_loop3A_697 = arith.addf %parallel_loop3A_685, %parallel_loop3A_696 : vector<16xf32>
        %parallel_loop3A_698 = arith.constant 16 : i32
        %parallel_loop3A_699 = arith.muli %parallel_loop3A_600, %parallel_loop3A_698 : i32
        %parallel_loop3A_700 = arith.constant 1 : i32
        %parallel_loop3A_701 = arith.constant 1 : i32
        %parallel_loop3A_702 = arith.index_cast %parallel_loop3A_700 : i32 to index
        %parallel_loop3A_703 = arith.index_cast %parallel_loop3A_701 : i32 to index
        %parallel_loop3A_704 = arith.index_cast %parallel_loop3A_699 : i32 to index
        %parallel_loop3A_705 = tpu.vector_load %arg9[%parallel_loop3A_702, %parallel_loop3A_703, %parallel_loop3A_704] {strides = array<i32>} : memref<2x2x1024xf32, #tpu.memory_space<vmem>>, vector<1x1x16xf32>,
        %parallel_loop3A_706 = vector.shape_cast %parallel_loop3A_705 : vector<1x1x16xf32> to vector<16xf32>
        %parallel_loop3A_707 = vector.shape_cast %parallel_loop3A_697 : vector<16xf32> to vector<1x1x16xf32>
        tpu.vector_store %arg9[%parallel_loop3A_702, %parallel_loop3A_703, %parallel_loop3A_704], %parallel_loop3A_707 {strides = array<i32>} : memref<2x2x1024xf32, #tpu.memory_space<vmem>>, vector<1x1x16xf32>,
      } {sc.loop_unroll_factor = 8 : i64, sc.parallel_access}
      %mul3A_584 = arith.constant 2 : i32
      %mul3A_585 = arith.muli %add3A_464, %mul3A_584 : i32
      %add3A_586 = arith.addi %mul3A_2, %mul3A_585 : i32
      %dma_start3A_587 = arith.constant 1 : i32
      %dma_start3A_588 = arith.constant 0 : i32
      %dma_start3A_589 = arith.constant 0 : i32
      %dma_start3A_590 = tpu.memref_slice %arg9[%dma_start3A_587, %dma_start3A_588, %dma_start3A_589] : memref<2x2x1024xf32, #tpu.memory_space<vmem>> -> memref<1x2x1024xf32, #tpu.memory_space<vmem>>
      %dma_start3A_591 = tpu.memref_squeeze %dma_start3A_590 : memref<1x2x1024xf32, #tpu.memory_space<vmem>> -> memref<2x1024xf32, #tpu.memory_space<vmem>>
      %dma_start3A_592 = arith.constant 0 : i32
      %dma_start3A_593 = tpu.memref_slice %arg5[%add3A_586, %dma_start3A_592] : memref<4096x1024xf32, #tpu.memory_space<hbm>> -> memref<2x1024xf32, #tpu.memory_space<hbm>>
      %dma_start3A_594 = arith.constant 0 : i32
      %dma_start3A_595 = tpu.memref_slice %arg5[%add3A_586, %dma_start3A_594] : memref<4096x1024xf32, #tpu.memory_space<hbm>> -> memref<2x1024xf32, #tpu.memory_space<hbm>>
      %dma_start3A_596 = arith.constant 0 : i32
      %dma_start3A_597 = arith.constant 0 : i32
      %dma_start3A_598 = tpu.memref_slice %arg9[%dma_start3A_587, %dma_start3A_596, %dma_start3A_597] : memref<2x2x1024xf32, #tpu.memory_space<vmem>> -> memref<1x2x1024xf32, #tpu.memory_space<vmem>>
      %dma_start3A_599 = tpu.memref_squeeze %dma_start3A_598 : memref<1x2x1024xf32, #tpu.memory_space<vmem>> -> memref<2x1024xf32, #tpu.memory_space<vmem>>
      tpu.enqueue_dma source(%dma_start3A_599 : memref<2x1024xf32, #tpu.memory_space<vmem>>) target(%dma_start3A_595 : memref<2x1024xf32, #tpu.memory_space<hbm>>) target_semaphore(%arg15 : memref<!tpu.dma_semaphore, #tpu.memory_space<semaphore_mem>>)
    }
    %scan3A_29 = arith.constant 16 : i32
    %dma_wait3A = arith.constant 0 : i32
    %dma_wait3A_30 = arith.constant 0 : i32
    %dma_wait3A_31 = arith.constant 0 : i32
    %dma_wait3A_32 = tpu.memref_slice %arg9[%dma_wait3A, %dma_wait3A_30, %dma_wait3A_31] : memref<2x2x1024xf32, #tpu.memory_space<vmem>> -> memref<1x2x1024xf32, #tpu.memory_space<vmem>>
    %dma_wait3A_33 = tpu.memref_squeeze %dma_wait3A_32 : memref<1x2x1024xf32, #tpu.memory_space<vmem>> -> memref<2x1024xf32, #tpu.memory_space<vmem>>
    %dma_wait3A_34 = arith.constant 0 : i32
    %dma_wait3A_35 = tpu.memref_slice %arg5[%mul3A_2, %dma_wait3A_34] : memref<4096x1024xf32, #tpu.memory_space<hbm>> -> memref<2x1024xf32, #tpu.memory_space<hbm>>
    %dma_wait3A_36 = arith.constant 0 : i32
    %dma_wait3A_37 = tpu.memref_slice %arg5[%mul3A_2, %dma_wait3A_36] : memref<4096x1024xf32, #tpu.memory_space<hbm>> -> memref<2x1024xf32, #tpu.memory_space<hbm>>
    %dma_wait3A_38 = arith.constant 0 : i32
    %dma_wait3A_39 = arith.constant 0 : i32
    %dma_wait3A_40 = tpu.memref_slice %arg9[%dma_wait3A, %dma_wait3A_38, %dma_wait3A_39] : memref<2x2x1024xf32, #tpu.memory_space<vmem>> -> memref<1x2x1024xf32, #tpu.memory_space<vmem>>
    %dma_wait3A_41 = tpu.memref_squeeze %dma_wait3A_40 : memref<1x2x1024xf32, #tpu.memory_space<vmem>> -> memref<2x1024xf32, #tpu.memory_space<vmem>>
    tpu.wait_dma2 semaphore(%arg14 : memref<!tpu.dma_semaphore, #tpu.memory_space<semaphore_mem>>) src(%dma_wait3A_41 : memref<2x1024xf32, #tpu.memory_space<vmem>>) dst(%dma_wait3A_37 : memref<2x1024xf32, #tpu.memory_space<hbm>>)
    %dma_wait3A_42 = arith.constant 1 : i32
    %dma_wait3A_43 = arith.constant 0 : i32
    %dma_wait3A_44 = arith.constant 0 : i32
    %dma_wait3A_45 = tpu.memref_slice %arg9[%dma_wait3A_42, %dma_wait3A_43, %dma_wait3A_44] : memref<2x2x1024xf32, #tpu.memory_space<vmem>> -> memref<1x2x1024xf32, #tpu.memory_space<vmem>>
    %dma_wait3A_46 = tpu.memref_squeeze %dma_wait3A_45 : memref<1x2x1024xf32, #tpu.memory_space<vmem>> -> memref<2x1024xf32, #tpu.memory_space<vmem>>
    %dma_wait3A_47 = arith.constant 0 : i32
    %dma_wait3A_48 = tpu.memref_slice %arg5[%mul3A_2, %dma_wait3A_47] : memref<4096x1024xf32, #tpu.memory_space<hbm>> -> memref<2x1024xf32, #tpu.memory_space<hbm>>
    %dma_wait3A_49 = arith.constant 0 : i32
    %dma_wait3A_50 = tpu.memref_slice %arg5[%mul3A_2, %dma_wait3A_49] : memref<4096x1024xf32, #tpu.memory_space<hbm>> -> memref<2x1024xf32, #tpu.memory_space<hbm>>
    %dma_wait3A_51 = arith.constant 0 : i32
    %dma_wait3A_52 = arith.constant 0 : i32
    %dma_wait3A_53 = tpu.memref_slice %arg9[%dma_wait3A_42, %dma_wait3A_51, %dma_wait3A_52] : memref<2x2x1024xf32, #tpu.memory_space<vmem>> -> memref<1x2x1024xf32, #tpu.memory_space<vmem>>
    %dma_wait3A_54 = tpu.memref_squeeze %dma_wait3A_53 : memref<1x2x1024xf32, #tpu.memory_space<vmem>> -> memref<2x1024xf32, #tpu.memory_space<vmem>>
    tpu.wait_dma2 semaphore(%arg15 : memref<!tpu.dma_semaphore, #tpu.memory_space<semaphore_mem>>) src(%dma_wait3A_54 : memref<2x1024xf32, #tpu.memory_space<vmem>>) dst(%dma_wait3A_50 : memref<2x1024xf32, #tpu.memory_space<hbm>>)
    return
  }
}

</mosaic_0001>

<sc_bundles>
// kernel: kernel.3.cloned.1.call-start
scs
__scs_entry_jumppad:
0x0: {  	(pc) =	sbr.rel $0x88, $3  }
0x1: {  	(tag) =	ssettag $0x0;
	lr =	simm.s32 $0x1  }
0x2: {  	[smem:$0x3F9D] =	sst lr;
	_ =	strace $0xD0000000  }
0x3: {  	_ = 	snop  }
0x4: {  	_ = 	snop  }
0x5: {  	_ = 	snop  }
0x6: {  	_ = 	snop  }
0x7: {  	_ = 	snop  }
__scs_overlays_trampoline_lowered:
0x8: {  	[smem:$0x3FAC] =	sst s0  }
0x9: {  	[smem:$0x3FAD] =	sst s1  }
0xa: {  	[smem:$0x3FAE] =	sst s2  }
0xb: {  	[smem:$0x3FAF] =	sst s3  }
0xc: {  	[smem:$0x3FB0] =	sst s4  }
0xd: {  	[smem:$0x3FB1] =	sst s5  }
0xe: {  	[smem:$0x3FB2] =	sst s6  }
0xf: {  	[smem:$0x3FB3] =	sst s7  }
0x10: {  	[smem:$0x3FB4] =	sst s8  }
0x11: {  	[smem:$0x3FB5] =	sst s9;
	s0 =	simm.s32 @!p0 $0x0  }
0x12: {  	s1 =	sld [smem:$0x3F9B];
	s0 =	simm.s32 @p0 $0x1  }
0x13: {  	[smem:$0x3FB6] =	sst s0;
	s0 =	simm.s32 @!p1 $0x0  }
0x14: {  	s2 =	sld [smem:$0x3F9A];
	s0 =	simm.s32 @p1 $0x1  }
0x15: {  	[smem:$0x3FB7] =	sst s0;
	s0 =	simm.s32 @!p2 $0x0  }
0x16: {  	s3 =	sld [smem:$0x3FDB];
	s0 =	simm.s32 @p2 $0x1  }
0x17: {  	s4 =	simm.s32 $0x1BF5;
	[smem:$0x3FB9] =	sst s0  }
0x18: {  	s0 =	sld [smem:$0x3F9C];
	_ =	swait.ge [sflag:s4], $0x0  }
0x19: {  	s7 =	sld [smem:$0x3F9D]  }
0x1a: {  	s8 =	sadd.s32 $0xFFFFE003, lr  }
0x1b: {  	s9 =	sadd.s32 $0xFFFFFEF7, lr;
	s5 =	simm.s32 $0xFFFFFFFF;
	p2 =	slt.u32 s8, $0xFFFFF086  }
0x1c: {  	p1 =	slt.u32 s9, $0xF7A;
	s5 =	simm.s32 @!p2 $0x0  }
0x1d: {  	s5 =	simm.s32 @p1 $0x1;
	p0 =	seq.s32 s7, s2  }
0x1e: {  	s7 =	smul.u32 @!p0 $0xF7A, s2;
	p2 =	seq.s32 @!p0 s5, $0x0  }
0x1f: {  	s9 =	smul.u32 $0xF7A, s1;
	s8 =	simm.s32 @!p0 $0x1BF5;
	p2 =	por !p2, p0  }
0x20: {  	[sflag:s8] =	ssyncset.s32 @!p0 $0xFFFFF086;
	s6 =	sadd.s32 @!p0 s3, s7;
	s7 =	simm.s32 @!p0 $0x108  }
0x21: {  	s3 =	sadd.s32 s3, s9;
	s6 =	sadd.s32 @!p0 $0x88, s6;
	s7 =	simm.s32 @p2 $0x1082  }
0x22: {  	[simem:s7], [sflag:s8] =	dma.local @!p0 [hbm:s6], $0xF7A  }
0x23: {  	s9 =	sor.u32 $0xD0000000, s2;
	s6 =	simm.s32 $0x108;
	_ =	swait.ge @!p0 [sflag:s8], $0x0  }
0x24: {  	s3 =	sadd.s32 $0x88, s3;
	s6 =	simm.s32 @!p1 $0x1082;
	[sflag:s4] =	ssyncset.s32 $0xFFFFF086  }
0x25: {  	[simem:s6], [sflag:s4] =	dma.local [hbm:s3], $0xF7A  }
0x26: {  	[smem:$0x3F9D] =	sst s1;
	(tag) =	ssettag s2;
	_ =	strace s9  }
0x27: {  	s1 =	sld [smem:$0x3FAD]  }
0x28: {  	s2 =	sld [smem:$0x3FAE]  }
0x29: {  	s4 =	sld [smem:$0x3FB0]  }
0x2a: {  	p0 =	seq.s32 s5, $0x0;
	s5 =	sld [smem:$0x3FB1]  }
0x2b: {  	s6 =	sld [smem:$0x3FB2]  }
0x2c: {  	s7 =	sld [smem:$0x3FB3]  }
0x2d: {  	s3 =	simm.s32 $0x108;
	s8 =	sld [smem:$0x3FB4]  }
0x2e: {  	s3 =	simm.s32 @!p0 $0x1082;
	s9 =	sld [smem:$0x3FB5]  }
0x2f: {  	lr =	sadd.s32 s0, s3;
	s0 =	sld [smem:$0x3FAC]  }
0x30: {  	s3 =	sld [smem:$0x3FAF]  }
0x31: {  	[smem:$0x3FB8] =	sst s10  }
0x32: {  	s10 =	sld [smem:$0x3FB6];
	_ =	sdelay $0x3  }
0x33: {  	p0 =	seq.s32 s10, $0x1;
	s10 =	sld [smem:$0x3FB8];
	_ =	sdelay $0x3  }
0x34: {  	[smem:$0x3FB8] =	sst s10  }
0x35: {  	s10 =	sld [smem:$0x3FB7];
	_ =	sdelay $0x3  }
0x36: {  	p1 =	seq.s32 s10, $0x1;
	s10 =	sld [smem:$0x3FB8];
	_ =	sdelay $0x3  }
0x37: {  	[smem:$0x3FB8] =	sst s10  }
0x38: {  	s10 =	sld [smem:$0x3FB9]  }
0x39: {  	_ = 	snop;
	(pc) =	sbr.ind lr, $3  }
0x3a: {  	_ = 	snop  }
0x3b: {  	_ = 	snop  }
0x3c: {  	p2 =	seq.s32 s10, $0x1;
	s10 =	sld [smem:$0x3FB8]  }
0x3d: {  	_ =	shalt  }
0x3e: {  	_ =	shalt  }
0x3f: {  	_ =	shalt  }
0x40: {  	_ =	shalt  }
0x41: {  	_ =	shalt  }
0x42: {  	_ =	shalt  }
0x43: {  	_ =	shalt  }
0x44: {  	_ =	shalt  }
0x45: {  	_ =	shalt  }
0x46: {  	_ =	shalt  }
0x47: {  	_ =	shalt  }
0x48: {  	_ =	shalt  }
0x49: {  	_ =	shalt  }
0x4a: {  	_ =	shalt  }
0x4b: {  	_ =	shalt  }
0x4c: {  	_ =	shalt  }
0x4d: {  	_ =	shalt  }
0x4e: {  	_ =	shalt  }
0x4f: {  	_ =	shalt  }
0x50: {  	_ =	shalt  }
0x51: {  	_ =	shalt  }
0x52: {  	_ =	shalt  }
0x53: {  	_ =	shalt  }
0x54: {  	_ =	shalt  }
0x55: {  	_ =	shalt  }
0x56: {  	_ =	shalt  }
0x57: {  	_ =	shalt  }
0x58: {  	_ =	shalt  }
0x59: {  	_ =	shalt  }
0x5a: {  	_ =	shalt  }
0x5b: {  	_ =	shalt  }
0x5c: {  	_ =	shalt  }
0x5d: {  	_ =	shalt  }
0x5e: {  	_ =	shalt  }
0x5f: {  	_ =	shalt  }
0x60: {  	_ =	shalt  }
0x61: {  	_ =	shalt  }
0x62: {  	_ =	shalt  }
0x63: {  	_ =	shalt  }
0x64: {  	_ =	shalt  }
0x65: {  	_ =	shalt  }
0x66: {  	_ =	shalt  }
0x67: {  	_ =	shalt  }
0x68: {  	_ =	shalt  }
0x69: {  	_ =	shalt  }
0x6a: {  	_ =	shalt  }
0x6b: {  	_ =	shalt  }
0x6c: {  	_ =	shalt  }
0x6d: {  	_ =	shalt  }
0x6e: {  	_ =	shalt  }
0x6f: {  	_ =	shalt  }
0x70: {  	_ =	shalt  }
0x71: {  	_ =	shalt  }
0x72: {  	_ =	shalt  }
0x73: {  	_ =	shalt  }
0x74: {  	_ =	shalt  }
0x75: {  	_ =	shalt  }
0x76: {  	_ =	shalt  }
0x77: {  	_ =	shalt  }
0x78: {  	_ =	shalt  }
0x79: {  	_ =	shalt  }
0x7a: {  	_ =	shalt  }
0x7b: {  	_ =	shalt  }
0x7c: {  	_ =	shalt  }
0x7d: {  	_ =	shalt  }
0x7e: {  	_ =	shalt  }
0x7f: {  	_ =	shalt  }
0x80: {  	_ =	shalt  }
0x81: {  	_ =	shalt  }
0x82: {  	_ =	shalt  }
0x83: {  	_ =	shalt  }
0x84: {  	_ =	shalt  }
0x85: {  	_ =	shalt  }
0x86: {  	_ =	shalt  }
0x87: {  	_ =	shalt  }
.Lfunc_end0:
.L_simem_size_0:
called_computation_lowered:
.L_overlay_start_0:
0x88: {  	s2 =	sld [smem:$0x3FD9]  }
0x89: {  	s3 =	sld [smem:$0x3FFE];
	_ =	sdelay $0x1  }
0x8a: {  	s1 =	srdreg.scid  }
0x8b: {  	s0 =	sand.u32 $0x1, s1  }
0x8c: {  	s17 =	sshll.u32 s0, $0xA;
	s2 =	sadd.s32 s3, s2  }
0x8d: {  	s2 =	sadd.s32 s2, s17  }
0x8e: {  	[smem:$0x3FC4] =	sst s2  }
0x8f: {  	_ = 	snop  }
0x90: {  	s2 =	sld [smem:$0x3FD0];
	(tm) =	ssettm $0x1  }
0x91: {  	s18 =	sld [smem:$0x3FFB];
	_ =	sdelay $0x3  }
0x92: {  	_ =	strace s18  }
0x93: {  	s3 =	sld [smem:$0x3FFC];
	_ =	sdelay $0x3  }
0x94: {  	_ =	strace s3  }
0x95: {  	s3 =	sld [smem:$0x3FFD];
	_ =	sdelay $0x3  }
0x96: {  	_ =	strace s3  }
0x97: {  	_ =	strace $0x8FFFFFFF  }
0x98: {  	s19 =	sld [smem:$0x3FDB];
	_ =	sdelay $0x1  }
0x99: {  	s4 =	simm.s32 $_scs_section_size  }
0x9a: {  	s5 =	simm.s32 $_size__tile_overlayer_lowered;
	s6 =	simm.s32 $_tile_overlayer_lowered  }
0x9b: {  	s22 =	simm.s32 $0x1BFF;
	s21 =	sshll.u32 s6, $0x1;
	s3 =	sadd.s32 s4, s19  }
0x9c: {  	s7 =	simm.s32 $0x0;
	s20 =	sshll.u32 s5, $0x1;
	s5 =	sadd.s32 s21, s3  }
0x9d: {  	[timem:s7], [sflag:s22] =	dma.local [hbm:s5], s20  }
0x9e: {  	_ =	swait.ge [sflag:s22], s20  }
0x9f: {  	s4 =	ssub.s32 $0x0, s20;
	[sflag:s22] =	ssyncset.done $0x0  }
0xa0: {  	[sflag:s22] =	ssyncadd.s32 s4;
	_ =	sdelay $0x1  }
0xa1: {  	s23 =	simm.s32 $0x1B8B  }
0xa2: {  	_ =	swait.ge [sflag:s23], $0x1  }
0xa3: {  	[sflag:s23] =	ssyncset.done $0x0  }
0xa4: {  	s25 =	simm.s32 $0x1B8E;
	s24 =	sld [smem:$0x3FFE];
	[sflag:s23] =	ssyncadd.s32 $0xFFFFFFFF  }
0xa5: {  	s26 =	simm.s32 $execute0_lowered;
	[smem:$0x3FD2] =	sst s25  }
0xa6: {  	s5 =	sshll.u32 s26, $0x1;
	_ =	strace $0x80000046;
	[dreg:$0x1] =	wrdreg $0xFFFFFFFF  }
0xa7: {  	s28 =	simm.s32 $_size_execute0_lowered;
	s3 =	sadd.s32 s3, s5;
	[dreg:$0x0] =	wrdreg $0x0  }
0xa8: {  	s5 =	sshll.u32 s28, $0x1;
	[dreg:$0x2] =	wrdreg s3  }
0xa9: {  	[dreg:$0x3] =	wrdreg s5  }
0xaa: {  	[dreg:$0x4] =	wrdreg $0xC0  }
0xab: {  	_ =	task [dreg:s7], $0x5FFFF  }
0xac: {  	[dreg:$0x1] =	wrdreg $0xFFFFFFFF  }
0xad: {  	[dreg:$0x0] =	wrdreg $0x60  }
0xae: {  	[dreg:$0x2] =	wrdreg s2  }
0xaf: {  	[dreg:$0x3] =	wrdreg s24  }
0xb0: {  	[dreg:$0x4] =	wrdreg $0x9  }
0xb1: {  	_ =	task.clear_ibuf [dreg:s7], $0x5FFFF;
	_ =	strace $0x90000046  }
0xb2: {  	s29 =	simm.s32 $0x9;
	_ =	strace $0x80000048  }
0xb3: {  	_ =	swait.ge [sflag:s29], $0x1  }
0xb4: {  	[sflag:s29] =	ssyncadd.s32 $0xFFFFFFFF  }
0xb5: {  	_ =	strace $0x90000048  }
0xb6: {  	_ =	sfence  }
0xb7: {  	s30 =	sld [smem:$0x0];
	_ =	sdelay $0x2  }
0xb8: {  	s31 =	sshll.u32 s1, $0xD;
	s1 =	sshrl.u32 s1, $0x2  }
0xb9: {  	s3 =	sand.u32 $0x4000, s31;
	s1 =	sadd.s32 s1, s30  }
0xba: {  	s0 =	sor.u32 s3, s0;
	s1 =	sshll.u32 s1, $0x11  }
0xbb: {  	s0 =	sor.u32 s1, s0  }
0xbc: {  	s0 =	sadd.s32 $0x8F2B, s0  }
0xbd: {  	[sflag:s0] =	ssyncadd.remote.s32 $0x1  }
0xbe: {  	_ =	sfence.sel $0xFFFF  }
0xbf: {  	[dreg:$0x0] =	wrdreg $0xFFFFFFFF;
	(pc) =	sbr.abs _section_cstart, $3  }
0xc0: {  	[dreg:$0x1] =	wrdreg $0xFFFFFFFF  }
0xc1: {  	_ =	task.clear_ibuf [dreg:s7], $0x2FFFF;
	_ =	strace $0x9FFFFFFF  }
0xc2: {  	(tm) =	ssettm $0x7FFFFFFF  }
0xc3: {  	_ =	shalt  }
tec
execute0_lowered:
.L_overlay_start_1:
0x0: {  	(tag) =	ssettag $0x1  }
0x1: {  	s2 =	rddreg [dreg:$0x0]  }
0x2: {  	s0 =	rddreg [dreg:$0x1];
	s1 =	srdreg.scid  }
0x3: {  	s4 =	stileid.u32;
	s3 =	simm.s32 $0x0;
	s16 =	simm.s32 $0x400  }
0x4: {  	s25 =	simm.s32 $0x1;
	s26 =	simm.s32 $0x100;
	s28 =	simm.s32 $0x10C00  }
0x5: {  	s14 =	simm.s32 $0x10400;
	s15 =	simm.s32 $0x2;
	s17 =	simm.s32 $0x11400  }
0x6: {  	s18 =	simm.s32 $0x3;
	s19 =	simm.s32 $0x5;
	s20 =	simm.s32 $0x4  }
0x7: {  	s21 =	simm.s32 $0x6;
	s1 =	sand.u32 $0x1, s1;
	s4 =	sshll.u32 s4, $0x1  }
0x8: {  	[smem:$0x7FF] =	sst s3;
	s9 =	sadd.s32 $0x200, s2;
	s10 =	sadd.s32 $0x300, s2  }
0x9: {  	s11 =	sadd.s32 $0x3420, s0;
	s12 =	sadd.s32 $0x3440, s0;
	s13 =	sadd.s32 $0x3460, s0  }
0xa: {  	s5 =	sor.u32 s1, s4;
	_ =	strace $0x80000047;
	s1 =	ssub.s32 $0x2, s1  }
0xb: {  	s4 =	sshll.u32 s5, $0x7;
	s29 =	sshll.u32 s5, $0x8;
	s7 =	sshrl.u32 s1, $0x1  }
0xc: {  	s5 =	sshll.u32 s5, $0xE;
	s6 =	sadd.s32 s4, s0;
	s8 =	sadd.s32 s29, s0  }
0xd: {  	s4 =	sadd.s32 $0x3400, s0;
	s1 =	ssub.s32 s1, s7;
	s6 =	sadd.s32 $0x2400, s6  }
0xe: {  	v2 =	vlaneseq.u32;
	s7 =	simm.s32 $0xFC00;
	s30 =	sadd.s32 $0x400, s8;
	[dreg:$0x3] =	wrdreg s6  }
0xf: {  	vm0 =	vmmov $0xffff;
	v1 =	vshrl.u32 v2, $0x3;
	s8 =	sadd.s32 $0x100, s2;
	s31 =	smax.u32 s1, $0x1;
	[dreg:$0x4] =	wrdreg s30  }
0x10: {  	v0 =	vand.u32 $0x7, v2;
	v2 =	vor.u32 $0x8, v2;
	v1 =	vmul.u32 $0x8, v1;
	s1 =	simm.s32 $0x0;
	[dreg:$0x5] =	wrdreg s31;
	s6 =	simm.s32 $0xF400  }
.LBB2_1:
0x11: {  	[dreg:$0x6] =	wrdreg s1  }
0x12: {  	s0 =	rddreg [dreg:$0x3];
	s24 =	simm.s32 $0x7  }
0x13: {  	[tilespmem:s3], [sflag:$0x7] =	stream.linear.gather [hbm4b:s0+s3], $0x400, $0x38;
	[tilespmem:$0x11C00] =	vst v63  }
0x14: {  	_ =	swait.ge [sflag:s24], $0x400  }
0x15: {  	[sflag:s24] =	ssyncset.done $0x0  }
0x16: {  	s29 =	rddreg [dreg:$0x4];
	[sflag:s24] =	ssyncadd.s32 $0xFFFFFC00  }
0x17: {  	[tilespmem:s16], [sflag:$0x7] =	stream.linear.gather [hbm4b:s29+s3], $0x800, $0x38;
	[tilespmem:$0x11C00] =	vst v63  }
0x18: {  	_ =	swait.ge [sflag:s24], $0x800  }
0x19: {  	[sflag:s24] =	ssyncset.done $0x0  }
0x1a: {  	[sflag:s24] =	ssyncadd.s32 $0xFFFFF800  }
0x1b: {  	v3 =	vld [tilespmem:$0x0];
	_ =	sdelay $0x4  }
0x1c: {  	v4 =	vshll.u32 v3, $0x3  }
0x1d: {  	v3 =	vand.u32 $0x7, v3;
	v4 =	vand.u32 $0xFFFFFFC0, v4  }
0x1e: {  	v3 =	vor.u32 v3, v4  }
0x1f: {  	v4 =	vperm.xlane v3, v0;
	_ =	sdelay $0x1  }
0x20: {  	v4 =	vadd.s32 v1, v4;
	_ =	sdelay $0x3  }
0x21: {  	s30 =	simm.s32 $0xC00  }
0x22: {  	[tilespmem:s30], [sflag:$0x1] =	stream.indirect_vreg.gather [hbm4b:s2+s3], $0x80, v4, vm0, $0xb8;
	[tilespmem:$0x11C00] =	vst v63  }
0x23: {  	s31 =	simm.s32 $0x1400;
	v3 =	vperm.xlane v3, v2  }
0x24: {  	[tilespmem:s31], [sflag:$0x1] =	stream.indirect_vreg.gather [hbm4b:s8+s3], $0x80, v4, vm0, $0xb8;
	[tilespmem:$0x11C00] =	vst v63  }
0x25: {  	s1 =	simm.s32 $0x1C00;
	v3 =	vadd.s32 v1, v3  }
0x26: {  	[tilespmem:s1], [sflag:$0x1] =	stream.indirect_vreg.gather [hbm4b:s9+s3], $0x80, v4, vm0, $0xb8;
	[tilespmem:$0x11C00] =	vst v63  }
0x27: {  	s22 =	simm.s32 $0x2400  }
0x28: {  	[tilespmem:s22], [sflag:$0x1] =	stream.indirect_vreg.gather [hbm4b:s10+s3], $0x80, v4, vm0, $0xb8;
	[tilespmem:$0x11C00] =	vst v63  }
0x29: {  	s23 =	simm.s32 $0x2C00  }
0x2a: {  	[tilespmem:s23], [sflag:$0x1] =	stream.indirect_vreg.gather [hbm4b:s2+s3], $0x80, v3, vm0, $0xb8;
	[tilespmem:$0x11C00] =	vst v63  }
0x2b: {  	s24 =	simm.s32 $0x3400  }
0x2c: {  	[tilespmem:s24], [sflag:$0x1] =	stream.indirect_vreg.gather [hbm4b:s8+s3], $0x80, v3, vm0, $0xb8;
	[tilespmem:$0x11C00] =	vst v63  }
0x2d: {  	s29 =	simm.s32 $0x3C00  }
0x2e: {  	[tilespmem:s29], [sflag:$0x1] =	stream.indirect_vreg.gather [hbm4b:s9+s3], $0x80, v3, vm0, $0xb8;
	[tilespmem:$0x11C00] =	vst v63  }
0x2f: {  	s30 =	simm.s32 $0x4400  }
0x30: {  	[tilespmem:s30], [sflag:$0x1] =	stream.indirect_vreg.gather [hbm4b:s10+s3], $0x80, v3, vm0, $0xb8;
	[tilespmem:$0x11C00] =	vst v63  }
0x31: {  	v3 =	vld [tilespmem:$0x10];
	_ =	sdelay $0x4  }
0x32: {  	v63 =	vshll.u32 v3, $0x3  }
0x33: {  	v3 =	vand.u32 $0x7, v3;
	v4 =	vand.u32 $0xFFFFFFC0, v63  }
0x34: {  	v3 =	vor.u32 v3, v4  }
0x35: {  	v4 =	vperm.xlane v3, v0;
	_ =	sdelay $0x1  }
0x36: {  	v4 =	vadd.s32 v1, v4;
	_ =	sdelay $0x3  }
0x37: {  	s31 =	simm.s32 $0x4C00  }
0x38: {  	[tilespmem:s31], [sflag:$0x2] =	stream.indirect_vreg.gather [hbm4b:s2+s3], $0x80, v4, vm0, $0xb8;
	[tilespmem:$0x11C00] =	vst v63  }
0x39: {  	s1 =	simm.s32 $0x5400;
	v3 =	vperm.xlane v3, v2  }
0x3a: {  	[tilespmem:s1], [sflag:$0x2] =	stream.indirect_vreg.gather [hbm4b:s8+s3], $0x80, v4, vm0, $0xb8;
	[tilespmem:$0x11C00] =	vst v63  }
0x3b: {  	s22 =	simm.s32 $0x5C00;
	v3 =	vadd.s32 v1, v3  }
0x3c: {  	[tilespmem:s22], [sflag:$0x2] =	stream.indirect_vreg.gather [hbm4b:s9+s3], $0x80, v4, vm0, $0xb8;
	[tilespmem:$0x11C00] =	vst v63  }
0x3d: {  	s23 =	simm.s32 $0x6400  }
0x3e: {  	[tilespmem:s23], [sflag:$0x2] =	stream.indirect_vreg.gather [hbm4b:s10+s3], $0x80, v4, vm0, $0xb8;
	[tilespmem:$0x11C00] =	vst v63  }
0x3f: {  	s24 =	simm.s32 $0x6C00  }
0x40: {  	[tilespmem:s24], [sflag:$0x2] =	stream.indirect_vreg.gather [hbm4b:s2+s3], $0x80, v3, vm0, $0xb8;
	[tilespmem:$0x11C00] =	vst v63  }
0x41: {  	s29 =	simm.s32 $0x7400  }
0x42: {  	[tilespmem:s29], [sflag:$0x2] =	stream.indirect_vreg.gather [hbm4b:s8+s3], $0x80, v3, vm0, $0xb8;
	[tilespmem:$0x11C00] =	vst v63  }
0x43: {  	s30 =	simm.s32 $0x7C00  }
0x44: {  	[tilespmem:s30], [sflag:$0x2] =	stream.indirect_vreg.gather [hbm4b:s9+s3], $0x80, v3, vm0, $0xb8;
	[tilespmem:$0x11C00] =	vst v63  }
0x45: {  	s31 =	simm.s32 $0x8400;
	s22 =	simm.s32 $0x0  }
0x46: {  	[tilespmem:s31], [sflag:$0x2] =	stream.indirect_vreg.gather [hbm4b:s10+s3], $0x80, v3, vm0, $0xb8;
	[tilespmem:$0x11C00] =	vst v63  }
.LBB2_2:
0x47: {  	s0 =	sshll.u32 s22, $0x6  }
0x48: {  	s29 =	sand.u32 $0x3FFFFFC0, s0  }
0x49: {  	v3 =	vld [tilespmem:s29+$0x20];
	_ =	sdelay $0x4  }
0x4a: {  	v4 =	vshll.u32 v3, $0x3  }
0x4b: {  	v3 =	vand.u32 $0x7, v3;
	v4 =	vand.u32 $0xFFFFFFC0, v4  }
0x4c: {  	v3 =	vor.u32 v3, v4  }
0x4d: {  	v4 =	vperm.xlane v3, v0;
	_ =	sdelay $0x1  }
0x4e: {  	v4 =	vadd.s32 v1, v4;
	_ =	sdelay $0x3  }
0x4f: {  	s23 =	simm.s32 $0x8C00  }
0x50: {  	[tilespmem:s23], [sflag:$0x3] =	stream.indirect_vreg.gather [hbm4b:s2+s3], $0x80, v4, vm0, $0xb8;
	[tilespmem:$0x11C00] =	vst v63  }
0x51: {  	s24 =	simm.s32 $0x9400;
	v3 =	vperm.xlane v3, v2  }
0x52: {  	[tilespmem:s24], [sflag:$0x3] =	stream.indirect_vreg.gather [hbm4b:s8+s3], $0x80, v4, vm0, $0xb8;
	[tilespmem:$0x11C00] =	vst v63  }
0x53: {  	s1 =	simm.s32 $0x9C00;
	v3 =	vadd.s32 v1, v3  }
0x54: {  	[tilespmem:s1], [sflag:$0x3] =	stream.indirect_vreg.gather [hbm4b:s9+s3], $0x80, v4, vm0, $0xb8;
	[tilespmem:$0x11C00] =	vst v63  }
0x55: {  	s23 =	simm.s32 $0xA400  }
0x56: {  	[tilespmem:s23], [sflag:$0x3] =	stream.indirect_vreg.gather [hbm4b:s10+s3], $0x80, v4, vm0, $0xb8;
	[tilespmem:$0x11C00] =	vst v63  }
0x57: {  	s24 =	simm.s32 $0xAC00  }
0x58: {  	[tilespmem:s24], [sflag:$0x3] =	stream.indirect_vreg.gather [hbm4b:s2+s3], $0x80, v3, vm0, $0xb8;
	[tilespmem:$0x11C00] =	vst v63  }
0x59: {  	s1 =	simm.s32 $0xB400  }
0x5a: {  	[tilespmem:s1], [sflag:$0x3] =	stream.indirect_vreg.gather [hbm4b:s8+s3], $0x80, v3, vm0, $0xb8;
	[tilespmem:$0x11C00] =	vst v63  }
0x5b: {  	s23 =	simm.s32 $0xBC00  }
0x5c: {  	[tilespmem:s23], [sflag:$0x3] =	stream.indirect_vreg.gather [hbm4b:s9+s3], $0x80, v3, vm0, $0xb8;
	[tilespmem:$0x11C00] =	vst v63  }
0x5d: {  	s24 =	simm.s32 $0xC400  }
0x5e: {  	[tilespmem:s24], [sflag:$0x3] =	stream.indirect_vreg.gather [hbm4b:s10+s3], $0x80, v3, vm0, $0xb8;
	[tilespmem:$0x11C00] =	vst v63  }
0x5f: {  	_ =	swait.ge [sflag:s25], $0x4000  }
0x60: {  	p0 =	seq.s32 s22, $0x0;
	[sflag:s25] =	ssyncset.done $0x0  }
0x61: {  	s0 =	simm.s32 @!p0 $0x5;
	[sflag:s25] =	ssyncadd.s32 $0xFFFFC000  }
0x62: {  	_ =	swait.ge @!p0 [sflag:s0], $0x800  }
0x63: {  	s23 =	sshll.u32 s22, $0x7;
	[sflag:s0] =	ssyncset.done @!p0 $0x0  }
0x64: {  	s23 =	sand.u32 $0x3FFFFF80, s23;
	[sflag:s0] =	ssyncadd.s32 @!p0 $0xFFFFF800  }
0x65: {  	v4 =	vld [tilespmem:s23+$0x400];
	_ =	sdelay $0x3  }
0x66: {  	s0 =	simm.s32 $0xE00  }
0x67: {  	v5 =	vld [tilespmem:s0+$0xFFFFFE70];
	(v2sf) =	vpush v4, $0x0  }
0x68: {  	v9 =	vld [tilespmem:s0+$0xFFFFFE10]  }
0x69: {  	v6 =	vld [tilespmem:s0+$0xFFFFFEF0];
	(v2sf) =	vpush v4, $0x1  }
0x6a: {  	v12 =	vld [tilespmem:s0+$0xFFFFFE20]  }
0x6b: {  	v7 =	vld [tilespmem:s0+$0xFFFFFF70];
	(v2sf) =	vpush v4, $0x2  }
0x6c: {  	v13 =	vld [tilespmem:s0+$0xFFFFFE30]  }
0x6d: {  	v8 =	vld [tilespmem:s0+$0xFFFFFFF0];
	(v2sf) =	vpush v4, $0x3  }
0x6e: {  	v14 =	vld [tilespmem:s0+$0xFFFFFE40]  }
0x6f: {  	v10 =	vld [tilespmem:s0+$0x70];
	(v2sf) =	vpush v4, $0x4  }
0x70: {  	v15 =	vld [tilespmem:s0+$0xFFFFFE50]  }
0x71: {  	v16 =	vld [tilespmem:s0+$0xF0];
	(v2sf) =	vpush v4, $0x5  }
0x72: {  	v17 =	vld [tilespmem:s0+$0xFFFFFE60]  }
0x73: {  	v18 =	vld [tilespmem:s0+$0x170];
	(v2sf) =	vpush v4, $0x6  }
0x74: {  	v19 =	vld [tilespmem:s0+$0xFFFFFE00]  }
0x75: {  	v20 =	vld [tilespmem:s0+$0x1F0];
	(v2sf) =	vpush v4, $0x7  }
0x76: {  	v21 =	vld [tilespmem:s0+$0xFFFFFE80];
	s24 =	spop (v2sf)  }
0x77: {  	v22 =	vld [tilespmem:s0+$0xFFFFFE90];
	s24 =	smul.f32 $1.250000000e-01, s24  }
0x78: {  	v23 =	vld [tilespmem:s0+$0xFFFFFEA0];
	s30 =	spop (v2sf)  }
0x79: {  	v24 =	vld [tilespmem:s0+$0xFFFFFEB0];
	s30 =	smul.f32 $1.250000000e-01, s30;
	v3 =	vmov s24  }
0x7a: {  	v25 =	vld [tilespmem:s0+$0xFFFFFEC0];
	v4 =	vbroadcast v4, $0x8;
	s1 =	spop (v2sf);
	v11 =	vmul.f32 v5, v3  }
0x7b: {  	v27 =	vld [tilespmem:s0+$0xFFFFFED0];
	s24 =	smul.f32 $1.250000000e-01, s1;
	v5 =	vmov s30  }
0x7c: {  	v28 =	vld [tilespmem:s0+$0xFFFFFEE0];
	s30 =	spop (v2sf);
	v26 =	vmul.f32 v6, v5;
	v11 =	vadd.f32 v11, v4  }
0x7d: {  	v29 =	vld [tilespmem:s0+$0xFFFFFF00];
	s30 =	smul.f32 $1.250000000e-01, s30;
	v6 =	vmov s24  }
0x7e: {  	v30 =	vld [tilespmem:s0+$0xFFFFFF10];
	s1 =	spop (v2sf);
	v11 =	vadd.f32 v26, v11;
	v26 =	vmul.f32 v7, v6  }
0x7f: {  	v31 =	vld [tilespmem:s0+$0xFFFFFF20];
	s24 =	smul.f32 $1.250000000e-01, s1;
	v7 =	vmov s30  }
0x80: {  	v32 =	vld [tilespmem:s0+$0xFFFFFF30];
	v36 =	vmul.f32 v9, v3;
	s31 =	spop (v2sf);
	v11 =	vadd.f32 v26, v11;
	v26 =	vmul.f32 v8, v7  }
0x81: {  	v34 =	vld [tilespmem:s0+$0xFFFFFF40];
	v12 =	vmul.f32 v12, v3;
	v13 =	vmul.f32 v13, v3;
	s31 =	smul.f32 $1.250000000e-01, s31;
	v8 =	vmov s24  }
0x82: {  	v35 =	vld [tilespmem:s0+$0xFFFFFF50];
	v19 =	vmul.f32 v19, v3;
	s30 =	spop (v2sf);
	v33 =	vmul.f32 v10, v8;
	v26 =	vadd.f32 v26, v11  }
0x83: {  	v48 =	vld [tilespmem:s0+$0xFFFFFF60];
	v14 =	vmul.f32 v14, v3;
	v15 =	vmul.f32 v15, v3;
	s30 =	smul.f32 $1.250000000e-01, s30;
	v10 =	vmov s31  }
0x84: {  	v37 =	vld [tilespmem:s0+$0xFFFFFF80];
	v17 =	vmul.f32 v17, v3;
	s1 =	spop (v2sf);
	v16 =	vmul.f32 v16, v10;
	v26 =	vadd.f32 v33, v26  }
0x85: {  	v38 =	vld [tilespmem:s0+$0xFFFFFFA0];
	v21 =	vmul.f32 v21, v5;
	v22 =	vmul.f32 v22, v5;
	s24 =	smul.f32 $1.250000000e-01, s1;
	v11 =	vmov s30  }
0x86: {  	v39 =	vld [tilespmem:s0+$0xFFFFFFC0];
	v36 =	vadd.f32 v36, v4;
	v18 =	vmul.f32 v18, v11;
	v16 =	vadd.f32 v16, v26  }
0x87: {  	v49 =	vld [tilespmem:s0+$0x20];
	v12 =	vadd.f32 v12, v4;
	v13 =	vadd.f32 v13, v4;
	v9 =	vmov s24  }
0x88: {  	v51 =	vld [tilespmem:s0+$0x40];
	v19 =	vadd.f32 v19, v4;
	v16 =	vadd.f32 v18, v16;
	v18 =	vmul.f32 v20, v9  }
0x89: {  	v53 =	vld [tilespmem:s0+$0x50];
	v14 =	vadd.f32 v14, v4;
	v15 =	vadd.f32 v15, v4;
	v50 =	vmul.f32 v30, v6  }
0x8a: {  	v54 =	vld [tilespmem:s0+$0x60];
	v40 =	vadd.f32 v18, v16;
	v18 =	vadd.f32 v21, v19;
	v19 =	vmul.f32 v23, v5  }
0x8b: {  	v17 =	vadd.f32 v17, v4;
	v52 =	vmul.f32 v34, v6;
	v20 =	vld [tilespmem:s0+$0xFFFFFFB0];
	v23 =	vmul.f32 v24, v5  }
0x8c: {  	v55 =	vld [tilespmem:s0+$0x80];
	v22 =	vadd.f32 v22, v36;
	v12 =	vadd.f32 v19, v12;
	v19 =	vmul.f32 v25, v5  }
0x8d: {  	v56 =	vmul.f32 v37, v7;
	v16 =	vld [tilespmem:s0+$0xFFFFFFD0];
	v13 =	vadd.f32 v23, v13;
	v23 =	vmul.f32 v28, v5  }
0x8e: {  	v22 =	vadd.f32 v50, v22;
	v26 =	vld [tilespmem:s0+$0xFFFFFF90];
	v14 =	vadd.f32 v19, v14;
	v19 =	vmul.f32 v29, v6  }
0x8f: {  	v57 =	vld [tilespmem:s0+$0xA0];
	v25 =	vmul.f32 v27, v5;
	v17 =	vadd.f32 v23, v17;
	v23 =	vmul.f32 v31, v6  }
0x90: {  	v21 =	vld [tilespmem:s0+$0xFFFFFFE0];
	v20 =	vmul.f32 v20, v7;
	v18 =	vadd.f32 v19, v18;
	v19 =	vmul.f32 v32, v6  }
0x91: {  	v24 =	vld [tilespmem:s0+$0x0];
	v15 =	vadd.f32 v25, v15;
	v12 =	vadd.f32 v23, v12;
	v23 =	vmul.f32 v35, v6  }
0x92: {  	v27 =	vld [tilespmem:s0+$0x10];
	v16 =	vmul.f32 v16, v7;
	v13 =	vadd.f32 v19, v13;
	v19 =	vmul.f32 v48, v6  }
0x93: {  	v25 =	vld [tilespmem:s0+$0x30];
	v14 =	vadd.f32 v52, v14;
	v15 =	vadd.f32 v23, v15;
	v23 =	vmul.f32 v26, v7  }
0x94: {  	v58 =	vld [tilespmem:s0+$0xB0];
	v18 =	vadd.f32 v56, v18;
	v17 =	vadd.f32 v19, v17;
	v19 =	vmul.f32 v38, v7  }
0x95: {  	v59 =	vld [tilespmem:s0+$0x120];
	v22 =	vadd.f32 v23, v22;
	v23 =	vmul.f32 v39, v7;
	v13 =	vadd.f32 v20, v13  }
0x96: {  	v26 =	vld [tilespmem:s0+$0x90];
	v20 =	vmul.f32 v21, v7;
	v21 =	vmul.f32 v24, v8;
	v15 =	vadd.f32 v16, v15  }
0x97: {  	v60 =	vld [tilespmem:s0+$0x130];
	v16 =	vmul.f32 v27, v8;
	v24 =	vmul.f32 v49, v8;
	v12 =	vadd.f32 v19, v12  }
0x98: {  	v27 =	vld [tilespmem:s0+$0xE0];
	v14 =	vadd.f32 v23, v14;
	v17 =	vadd.f32 v20, v17;
	v20 =	vmul.f32 v25, v8  }
0x99: {  	v19 =	vld [tilespmem:s0+$0xC0];
	v18 =	vadd.f32 v21, v18;
	v16 =	vadd.f32 v16, v22;
	v22 =	vmul.f32 v51, v8  }
0x9a: {  	v23 =	vld [tilespmem:s0+$0xD0];
	v25 =	vmul.f32 v54, v8;
	v13 =	vadd.f32 v20, v13;
	v20 =	vmul.f32 v53, v8  }
0x9b: {  	v21 =	vld [tilespmem:s0+$0x100];
	v26 =	vmul.f32 v26, v10;
	v14 =	vadd.f32 v22, v14;
	v22 =	vmul.f32 v55, v10  }
0x9c: {  	v12 =	vadd.f32 v24, v12;
	v24 =	vld [tilespmem:s0+$0x110];
	v15 =	vadd.f32 v20, v15;
	v20 =	vmul.f32 v57, v10  }
0x9d: {  	v17 =	vadd.f32 v25, v17;
	v25 =	vld [tilespmem:s0+$0x140];
	v18 =	vadd.f32 v22, v18;
	v22 =	vmul.f32 v58, v10  }
0x9e: {  	v16 =	vadd.f32 v26, v16;
	v26 =	vld [tilespmem:s0+$0x150];
	v19 =	vmul.f32 v19, v10;
	v12 =	vadd.f32 v20, v12  }
0x9f: {  	v20 =	vmul.f32 v23, v10;
	v23 =	vld [tilespmem:s0+$0x160];
	v13 =	vadd.f32 v22, v13;
	v22 =	vmul.f32 v27, v10  }
0xa0: {  	v21 =	vmul.f32 v21, v11;
	v27 =	vld [tilespmem:s0+$0x180];
	v14 =	vadd.f32 v19, v14  }
0xa1: {  	v62 =	vld [tilespmem:s0+$0x190];
	v61 =	vadd.f32 v20, v15;
	v20 =	vmul.f32 v24, v11;
	v63 =	vadd.f32 v22, v17  }
0xa2: {  	v19 =	vld [tilespmem:s0+$0x1A0];
	v15 =	vadd.f32 v21, v18;
	v17 =	vmul.f32 v59, v11;
	v18 =	vmul.f32 v60, v11  }
0xa3: {  	v22 =	vmul.f32 v25, v11;
	v21 =	vld [tilespmem:s0+$0x1B0];
	v25 =	vmul.f32 v26, v11  }
0xa4: {  	v16 =	vadd.f32 v20, v16;
	v17 =	vadd.f32 v17, v12;
	v20 =	vld [tilespmem:s0+$0x1C0];
	v23 =	vmul.f32 v23, v11  }
0xa5: {  	s24 =	simm.s32 $0x10C40;
	v18 =	vadd.f32 v18, v13;
	v12 =	vadd.f32 v22, v14;
	v22 =	vld [tilespmem:s0+$0x1D0];
	v24 =	vmul.f32 v27, v9  }
0xa6: {  	s31 =	simm.s32 $0x1200;
	s30 =	simm.s32 $0x0;
	[tilespmem:s24+$0x30] =	vst v40;
	v14 =	vadd.f32 v25, v61;
	v25 =	vmul.f32 v62, v9;
	v13 =	vadd.f32 v23, v63;
	v23 =	vld [tilespmem:s0+$0x1E0]  }
.LBB2_3:
0xa7: {  	v26 =	vld [tilespmem:s31+$0xFFFFFE70];
	s30 =	sadd.s32 $0x8, s30;
	v15 =	vadd.f32 v24, v15;
	v19 =	vmul.f32 v19, v9  }
0xa8: {  	v24 =	vld [tilespmem:s31+$0xFFFFFE10];
	p1 =	slt.u32 s30, $0x38;
	v16 =	vadd.f32 v25, v16;
	v21 =	vmul.f32 v21, v9  }
0xa9: {  	v25 =	vld [tilespmem:s31+$0xFFFFFEF0];
	[tilespmem:s24+$0xFFFFFFC0] =	vst v15;
	v15 =	vadd.f32 v19, v17;
	v17 =	vmul.f32 v20, v9  }
0xaa: {  	v19 =	vld [tilespmem:s31+$0xFFFFFE20];
	[tilespmem:s24+$0xFFFFFFD0] =	vst v16;
	v16 =	vadd.f32 v21, v18;
	v18 =	vmul.f32 v22, v9  }
0xab: {  	v20 =	vld [tilespmem:s31+$0xFFFFFF70];
	[tilespmem:s24+$0xFFFFFFE0] =	vst v15;
	v12 =	vadd.f32 v17, v12;
	v15 =	vmul.f32 v23, v9  }
0xac: {  	v17 =	vld [tilespmem:s31+$0xFFFFFE30];
	v21 =	vmul.f32 v26, v3;
	[tilespmem:s24+$0xFFFFFFF0] =	vst v16;
	v14 =	vadd.f32 v18, v14  }
0xad: {  	v16 =	vmul.f32 v24, v3;
	v18 =	vld [tilespmem:s31+$0xFFFFFFF0];
	[tilespmem:s24+$0x0] =	vst v12;
	v12 =	vadd.f32 v15, v13  }
0xae: {  	v13 =	vld [tilespmem:s31+$0xFFFFFE40];
	v15 =	vadd.f32 v21, v4;
	v21 =	vmul.f32 v25, v5;
	[tilespmem:s24+$0x10] =	vst v14  }
0xaf: {  	v14 =	vadd.f32 v16, v4;
	v16 =	vmul.f32 v19, v3;
	v19 =	vld [tilespmem:s31+$0x70];
	[tilespmem:s24+$0x20] =	vst v12  }
0xb0: {  	v12 =	vld [tilespmem:s31+$0xFFFFFE50];
	v15 =	vadd.f32 v21, v15;
	v20 =	vmul.f32 v20, v6  }
0xb1: {  	v16 =	vadd.f32 v16, v4;
	v17 =	vmul.f32 v17, v3;
	v21 =	vld [tilespmem:s31+$0xF0]  }
0xb2: {  	v22 =	vld [tilespmem:s31+$0xFFFFFE60];
	v15 =	vadd.f32 v20, v15;
	v18 =	vmul.f32 v18, v7  }
0xb3: {  	v17 =	vadd.f32 v17, v4;
	v13 =	vmul.f32 v13, v3;
	v20 =	vld [tilespmem:s31+$0x170]  }
0xb4: {  	v23 =	vld [tilespmem:s31+$0xFFFFFE00];
	v15 =	vadd.f32 v18, v15;
	v18 =	vmul.f32 v19, v8  }
0xb5: {  	v13 =	vadd.f32 v13, v4;
	v12 =	vmul.f32 v12, v3;
	v19 =	vld [tilespmem:s31+$0x1F0]  }
0xb6: {  	v24 =	vld [tilespmem:s31+$0xFFFFFE80];
	v15 =	vadd.f32 v18, v15;
	v18 =	vmul.f32 v21, v10  }
0xb7: {  	v21 =	vld [tilespmem:s31+$0xFFFFFE90];
	v12 =	vadd.f32 v12, v4;
	v22 =	vmul.f32 v22, v3  }
0xb8: {  	v25 =	vld [tilespmem:s31+$0xFFFFFEA0];
	v15 =	vadd.f32 v18, v15;
	v18 =	vmul.f32 v20, v11  }
0xb9: {  	v20 =	vmul.f32 v23, v3;
	v23 =	vld [tilespmem:s31+$0xFFFFFEB0];
	v22 =	vadd.f32 v22, v4  }
0xba: {  	v26 =	vld [tilespmem:s31+$0xFFFFFEC0];
	v15 =	vadd.f32 v18, v15;
	v18 =	vmul.f32 v19, v9  }
0xbb: {  	v19 =	vadd.f32 v20, v4;
	v20 =	vmul.f32 v24, v5;
	v24 =	vld [tilespmem:s31+$0xFFFFFED0]  }
0xbc: {  	v21 =	vmul.f32 v21, v5;
	v27 =	vld [tilespmem:s31+$0xFFFFFEE0];
	v15 =	vadd.f32 v18, v15  }
0xbd: {  	s24 =	sadd.s32 $0x100, s24;
	v18 =	vadd.f32 v20, v19;
	v19 =	vld [tilespmem:s31+$0xFFFFFF00];
	v20 =	vmul.f32 v25, v5  }
0xbe: {  	v14 =	vadd.f32 v21, v14;
	v21 =	vld [tilespmem:s31+$0xFFFFFF10];
	v23 =	vmul.f32 v23, v5;
	[tilespmem:s24+$0x30] =	vst v15  }
0xbf: {  	v15 =	vadd.f32 v20, v16;
	v16 =	vld [tilespmem:s31+$0xFFFFFF20];
	v20 =	vmul.f32 v26, v5  }
0xc0: {  	v17 =	vadd.f32 v23, v17;
	v23 =	vld [tilespmem:s31+$0xFFFFFF30];
	v24 =	vmul.f32 v24, v5  }
0xc1: {  	v13 =	vadd.f32 v20, v13;
	v20 =	vld [tilespmem:s31+$0xFFFFFF40];
	v25 =	vmul.f32 v27, v5  }
0xc2: {  	v19 =	vmul.f32 v19, v6;
	v12 =	vadd.f32 v24, v12;
	v24 =	vld [tilespmem:s31+$0xFFFFFF50]  }
0xc3: {  	v21 =	vmul.f32 v21, v6;
	v22 =	vadd.f32 v25, v22;
	v25 =	vld [tilespmem:s31+$0xFFFFFF60]  }
0xc4: {  	v18 =	vadd.f32 v19, v18;
	v19 =	vld [tilespmem:s31+$0xFFFFFF80];
	v16 =	vmul.f32 v16, v6  }
0xc5: {  	v14 =	vadd.f32 v21, v14;
	v21 =	vld [tilespmem:s31+$0xFFFFFF90];
	v23 =	vmul.f32 v23, v6  }
0xc6: {  	v15 =	vadd.f32 v16, v15;
	v16 =	vld [tilespmem:s31+$0xFFFFFFA0];
	v20 =	vmul.f32 v20, v6  }
0xc7: {  	v17 =	vadd.f32 v23, v17;
	v23 =	vld [tilespmem:s31+$0xFFFFFFB0];
	v24 =	vmul.f32 v24, v6  }
0xc8: {  	v13 =	vadd.f32 v20, v13;
	v20 =	vld [tilespmem:s31+$0xFFFFFFC0];
	v25 =	vmul.f32 v25, v6  }
0xc9: {  	v19 =	vmul.f32 v19, v7;
	v12 =	vadd.f32 v24, v12;
	v24 =	vld [tilespmem:s31+$0xFFFFFFD0]  }
0xca: {  	v21 =	vmul.f32 v21, v7;
	v22 =	vadd.f32 v25, v22;
	v25 =	vld [tilespmem:s31+$0xFFFFFFE0]  }
0xcb: {  	v18 =	vadd.f32 v19, v18;
	v19 =	vld [tilespmem:s31+$0x0];
	v16 =	vmul.f32 v16, v7  }
0xcc: {  	v14 =	vadd.f32 v21, v14;
	v21 =	vld [tilespmem:s31+$0x10];
	v23 =	vmul.f32 v23, v7  }
0xcd: {  	v15 =	vadd.f32 v16, v15;
	v16 =	vld [tilespmem:s31+$0x20];
	v20 =	vmul.f32 v20, v7  }
0xce: {  	v17 =	vadd.f32 v23, v17;
	v23 =	vld [tilespmem:s31+$0x30];
	v24 =	vmul.f32 v24, v7  }
0xcf: {  	v13 =	vadd.f32 v20, v13;
	v20 =	vld [tilespmem:s31+$0x40];
	v25 =	vmul.f32 v25, v7  }
0xd0: {  	v19 =	vmul.f32 v19, v8;
	v12 =	vadd.f32 v24, v12;
	v24 =	vld [tilespmem:s31+$0x50]  }
0xd1: {  	v21 =	vmul.f32 v21, v8;
	v22 =	vadd.f32 v25, v22;
	v25 =	vld [tilespmem:s31+$0x60]  }
0xd2: {  	v18 =	vadd.f32 v19, v18;
	v19 =	vld [tilespmem:s31+$0x80];
	v16 =	vmul.f32 v16, v8  }
0xd3: {  	v14 =	vadd.f32 v21, v14;
	v21 =	vld [tilespmem:s31+$0x90];
	v23 =	vmul.f32 v23, v8  }
0xd4: {  	v15 =	vadd.f32 v16, v15;
	v16 =	vld [tilespmem:s31+$0xA0];
	v20 =	vmul.f32 v20, v8  }
0xd5: {  	v17 =	vadd.f32 v23, v17;
	v23 =	vld [tilespmem:s31+$0xB0];
	v24 =	vmul.f32 v24, v8  }
0xd6: {  	v13 =	vadd.f32 v20, v13;
	v20 =	vld [tilespmem:s31+$0xC0];
	v25 =	vmul.f32 v25, v8  }
0xd7: {  	v19 =	vmul.f32 v19, v10;
	v12 =	vadd.f32 v24, v12;
	v24 =	vld [tilespmem:s31+$0xD0]  }
0xd8: {  	v21 =	vmul.f32 v21, v10;
	v22 =	vadd.f32 v25, v22;
	v25 =	vld [tilespmem:s31+$0xE0]  }
0xd9: {  	v18 =	vadd.f32 v19, v18;
	v19 =	vld [tilespmem:s31+$0x100];
	v16 =	vmul.f32 v16, v10  }
0xda: {  	v14 =	vadd.f32 v21, v14;
	v21 =	vld [tilespmem:s31+$0x110];
	v23 =	vmul.f32 v23, v10  }
0xdb: {  	v26 =	vadd.f32 v16, v15;
	v16 =	vld [tilespmem:s31+$0x120];
	v15 =	vmul.f32 v20, v10  }
0xdc: {  	v20 =	vadd.f32 v23, v17;
	v17 =	vld [tilespmem:s31+$0x130];
	v23 =	vmul.f32 v24, v10  }
0xdd: {  	v13 =	vadd.f32 v15, v13;
	v24 =	vld [tilespmem:s31+$0x140];
	v15 =	vmul.f32 v25, v10  }
0xde: {  	v19 =	vmul.f32 v19, v11;
	v23 =	vadd.f32 v23, v12;
	v12 =	vld [tilespmem:s31+$0x150]  }
0xdf: {  	v21 =	vmul.f32 v21, v11;
	v27 =	vadd.f32 v15, v22;
	v22 =	vld [tilespmem:s31+$0x160]  }
0xe0: {  	v15 =	vadd.f32 v19, v18;
	v25 =	vld [tilespmem:s31+$0x180];
	v18 =	vmul.f32 v16, v11  }
0xe1: {  	v16 =	vadd.f32 v21, v14;
	v28 =	vld [tilespmem:s31+$0x190];
	v14 =	vmul.f32 v17, v11  }
.Ltmp0:
0xe2: {  	v17 =	vadd.f32 v18, v26;
	v19 =	vld [tilespmem:s31+$0x1A0];
	v24 =	vmul.f32 v24, v11;
	(pc) =	sbr.rel @p1 .LBB2_3-.Ltmp0, $4  }
0xe3: {  	v18 =	vadd.f32 v14, v20;
	v21 =	vld [tilespmem:s31+$0x1B0];
	v14 =	vmul.f32 v12, v11  }
0xe4: {  	v12 =	vadd.f32 v24, v13;
	v20 =	vld [tilespmem:s31+$0x1C0];
	v13 =	vmul.f32 v22, v11  }
0xe5: {  	v24 =	vmul.f32 v25, v9;
	v14 =	vadd.f32 v14, v23;
	v22 =	vld [tilespmem:s31+$0x1D0]  }
0xe6: {  	v25 =	vmul.f32 v28, v9;
	v13 =	vadd.f32 v13, v27;
	v23 =	vld [tilespmem:s31+$0x1E0];
	s31 =	sadd.s32 $0x400, s31  }
0xe7: {  	v3 =	vadd.f32 v24, v15;
	v4 =	vmul.f32 v19, v9  }
0xe8: {  	v5 =	vadd.f32 v25, v16;
	v6 =	vmul.f32 v21, v9  }
0xe9: {  	[tilespmem:s24+$0xFFFFFFC0] =	vst v3;
	v3 =	vadd.f32 v4, v17;
	v4 =	vmul.f32 v20, v9  }
0xea: {  	[tilespmem:s24+$0xFFFFFFD0] =	vst v5;
	v5 =	vadd.f32 v6, v18;
	v6 =	vmul.f32 v22, v9  }
0xeb: {  	[tilespmem:s24+$0xFFFFFFE0] =	vst v3;
	v3 =	vadd.f32 v4, v12;
	v4 =	vmul.f32 v23, v9  }
0xec: {  	[tilespmem:s24+$0xFFFFFFF0] =	vst v5;
	v5 =	vadd.f32 v6, v14  }
0xed: {  	[tilespmem:s24+$0x0] =	vst v3;
	v3 =	vadd.f32 v4, v13  }
0xee: {  	[tilespmem:s24+$0x10] =	vst v5  }
0xef: {  	[tilespmem:s24+$0x20] =	vst v3  }
0xf0: {  	v4 =	vld [tilespmem:s23+$0x410];
	_ =	sdelay $0x3  }
0xf1: {  	s0 =	simm.s32 $0x2FF0  }
0xf2: {  	v5 =	vld [tilespmem:s0+$0xFFFFFC80];
	(v2sf) =	vpush v4, $0x0  }
0xf3: {  	v9 =	vld [tilespmem:s0+$0xFFFFFC20]  }
0xf4: {  	v6 =	vld [tilespmem:s0+$0xFFFFFD00];
	(v2sf) =	vpush v4, $0x1  }
0xf5: {  	v12 =	vld [tilespmem:s0+$0xFFFFFC30]  }
0xf6: {  	v7 =	vld [tilespmem:s0+$0xFFFFFD80];
	(v2sf) =	vpush v4, $0x2  }
0xf7: {  	v13 =	vld [tilespmem:s0+$0xFFFFFC40]  }
0xf8: {  	v8 =	vld [tilespmem:s0+$0xFFFFFE00];
	(v2sf) =	vpush v4, $0x3  }
0xf9: {  	v14 =	vld [tilespmem:s0+$0xFFFFFC50]  }
0xfa: {  	v10 =	vld [tilespmem:s0+$0xFFFFFE80];
	(v2sf) =	vpush v4, $0x4  }
0xfb: {  	v15 =	vld [tilespmem:s0+$0xFFFFFC60]  }
0xfc: {  	v16 =	vld [tilespmem:s0+$0xFFFFFF00];
	(v2sf) =	vpush v4, $0x5  }
0xfd: {  	v17 =	vld [tilespmem:s0+$0xFFFFFC70]  }
0xfe: {  	v18 =	vld [tilespmem:s0+$0xFFFFFF80];
	(v2sf) =	vpush v4, $0x6  }
0xff: {  	v19 =	vld [tilespmem:s0+$0xFFFFFC10]  }
0x100: {  	v20 =	vld [tilespmem:s0+$0x0];
	(v2sf) =	vpush v4, $0x7  }
0x101: {  	v21 =	vld [tilespmem:s0+$0xFFFFFC90];
	s1 =	spop (v2sf)  }
0x102: {  	v22 =	vld [tilespmem:s0+$0xFFFFFCA0];
	s24 =	smul.f32 $1.250000000e-01, s1  }
0x103: {  	v23 =	vld [tilespmem:s0+$0xFFFFFCB0];
	s30 =	spop (v2sf)  }
0x104: {  	v24 =	vld [tilespmem:s0+$0xFFFFFCC0];
	s30 =	smul.f32 $1.250000000e-01, s30;
	v3 =	vmov s24  }
0x105: {  	v25 =	vld [tilespmem:s0+$0xFFFFFCD0];
	v4 =	vbroadcast v4, $0x8;
	s1 =	spop (v2sf);
	v11 =	vmul.f32 v5, v3  }
0x106: {  	v27 =	vld [tilespmem:s0+$0xFFFFFCE0];
	s24 =	smul.f32 $1.250000000e-01, s1;
	v5 =	vmov s30  }
0x107: {  	v28 =	vld [tilespmem:s0+$0xFFFFFCF0];
	s30 =	spop (v2sf);
	v26 =	vmul.f32 v6, v5;
	v11 =	vadd.f32 v11, v4  }
0x108: {  	v29 =	vld [tilespmem:s0+$0xFFFFFD10];
	s30 =	smul.f32 $1.250000000e-01, s30;
	v6 =	vmov s24  }
0x109: {  	v30 =	vld [tilespmem:s0+$0xFFFFFD20];
	s1 =	spop (v2sf);
	v11 =	vadd.f32 v26, v11;
	v26 =	vmul.f32 v7, v6  }
0x10a: {  	v31 =	vld [tilespmem:s0+$0xFFFFFD30];
	s24 =	smul.f32 $1.250000000e-01, s1;
	v7 =	vmov s30  }
0x10b: {  	v32 =	vld [tilespmem:s0+$0xFFFFFD40];
	v36 =	vmul.f32 v9, v3;
	s31 =	spop (v2sf);
	v11 =	vadd.f32 v26, v11;
	v26 =	vmul.f32 v8, v7  }
0x10c: {  	v34 =	vld [tilespmem:s0+$0xFFFFFD50];
	v12 =	vmul.f32 v12, v3;
	v13 =	vmul.f32 v13, v3;
	s31 =	smul.f32 $1.250000000e-01, s31;
	v8 =	vmov s24  }
0x10d: {  	v35 =	vld [tilespmem:s0+$0xFFFFFD60];
	v19 =	vmul.f32 v19, v3;
	s30 =	spop (v2sf);
	v33 =	vmul.f32 v10, v8;
	v26 =	vadd.f32 v26, v11  }
0x10e: {  	v48 =	vld [tilespmem:s0+$0xFFFFFD70];
	v14 =	vmul.f32 v14, v3;
	v15 =	vmul.f32 v15, v3;
	s30 =	smul.f32 $1.250000000e-01, s30;
	v10 =	vmov s31  }
0x10f: {  	v37 =	vld [tilespmem:s0+$0xFFFFFD90];
	v17 =	vmul.f32 v17, v3;
	s1 =	spop (v2sf);
	v16 =	vmul.f32 v16, v10;
	v26 =	vadd.f32 v33, v26  }
0x110: {  	v38 =	vld [tilespmem:s0+$0xFFFFFDB0];
	v21 =	vmul.f32 v21, v5;
	v22 =	vmul.f32 v22, v5;
	s24 =	smul.f32 $1.250000000e-01, s1;
	v11 =	vmov s30  }
0x111: {  	v39 =	vld [tilespmem:s0+$0xFFFFFDD0];
	v36 =	vadd.f32 v36, v4;
	v18 =	vmul.f32 v18, v11;
	v16 =	vadd.f32 v16, v26  }
0x112: {  	v49 =	vld [tilespmem:s0+$0xFFFFFE30];
	v12 =	vadd.f32 v12, v4;
	v13 =	vadd.f32 v13, v4;
	v9 =	vmov s24  }
0x113: {  	v51 =	vld [tilespmem:s0+$0xFFFFFE50];
	v19 =	vadd.f32 v19, v4;
	v16 =	vadd.f32 v18, v16;
	v18 =	vmul.f32 v20, v9  }
0x114: {  	v53 =	vld [tilespmem:s0+$0xFFFFFE60];
	v14 =	vadd.f32 v14, v4;
	v15 =	vadd.f32 v15, v4;
	v50 =	vmul.f32 v30, v6  }
0x115: {  	v54 =	vld [tilespmem:s0+$0xFFFFFE70];
	v40 =	vadd.f32 v18, v16;
	v18 =	vadd.f32 v21, v19;
	v19 =	vmul.f32 v23, v5  }
0x116: {  	v17 =	vadd.f32 v17, v4;
	v52 =	vmul.f32 v34, v6;
	v20 =	vld [tilespmem:s0+$0xFFFFFDC0];
	v23 =	vmul.f32 v24, v5  }
0x117: {  	v55 =	vld [tilespmem:s0+$0xFFFFFE90];
	v22 =	vadd.f32 v22, v36;
	v12 =	vadd.f32 v19, v12;
	v19 =	vmul.f32 v25, v5  }
0x118: {  	v56 =	vmul.f32 v37, v7;
	v16 =	vld [tilespmem:s0+$0xFFFFFDE0];
	v13 =	vadd.f32 v23, v13;
	v23 =	vmul.f32 v28, v5  }
0x119: {  	v22 =	vadd.f32 v50, v22;
	v26 =	vld [tilespmem:s0+$0xFFFFFDA0];
	v14 =	vadd.f32 v19, v14;
	v19 =	vmul.f32 v29, v6  }
0x11a: {  	v57 =	vld [tilespmem:s0+$0xFFFFFEB0];
	v25 =	vmul.f32 v27, v5;
	v17 =	vadd.f32 v23, v17;
	v23 =	vmul.f32 v31, v6  }
0x11b: {  	v21 =	vld [tilespmem:s0+$0xFFFFFDF0];
	v20 =	vmul.f32 v20, v7;
	v18 =	vadd.f32 v19, v18;
	v19 =	vmul.f32 v32, v6  }
0x11c: {  	v24 =	vld [tilespmem:s0+$0xFFFFFE10];
	v15 =	vadd.f32 v25, v15;
	v12 =	vadd.f32 v23, v12;
	v23 =	vmul.f32 v35, v6  }
0x11d: {  	v27 =	vld [tilespmem:s0+$0xFFFFFE20];
	v16 =	vmul.f32 v16, v7;
	v13 =	vadd.f32 v19, v13;
	v19 =	vmul.f32 v48, v6  }
0x11e: {  	v25 =	vld [tilespmem:s0+$0xFFFFFE40];
	v14 =	vadd.f32 v52, v14;
	v15 =	vadd.f32 v23, v15;
	v23 =	vmul.f32 v26, v7  }
0x11f: {  	v58 =	vld [tilespmem:s0+$0xFFFFFEC0];
	v18 =	vadd.f32 v56, v18;
	v17 =	vadd.f32 v19, v17;
	v19 =	vmul.f32 v38, v7  }
0x120: {  	v59 =	vld [tilespmem:s0+$0xFFFFFF30];
	v22 =	vadd.f32 v23, v22;
	v23 =	vmul.f32 v39, v7;
	v13 =	vadd.f32 v20, v13  }
0x121: {  	v26 =	vld [tilespmem:s0+$0xFFFFFEA0];
	v20 =	vmul.f32 v21, v7;
	v21 =	vmul.f32 v24, v8;
	v15 =	vadd.f32 v16, v15  }
0x122: {  	v60 =	vld [tilespmem:s0+$0xFFFFFF40];
	v16 =	vmul.f32 v27, v8;
	v24 =	vmul.f32 v49, v8;
	v12 =	vadd.f32 v19, v12  }
0x123: {  	v27 =	vld [tilespmem:s0+$0xFFFFFEF0];
	v14 =	vadd.f32 v23, v14;
	v17 =	vadd.f32 v20, v17;
	v20 =	vmul.f32 v25, v8  }
0x124: {  	v19 =	vld [tilespmem:s0+$0xFFFFFED0];
	v18 =	vadd.f32 v21, v18;
	v16 =	vadd.f32 v16, v22;
	v22 =	vmul.f32 v51, v8  }
0x125: {  	v23 =	vld [tilespmem:s0+$0xFFFFFEE0];
	v25 =	vmul.f32 v54, v8;
	v13 =	vadd.f32 v20, v13;
	v20 =	vmul.f32 v53, v8  }
0x126: {  	v21 =	vld [tilespmem:s0+$0xFFFFFF10];
	v26 =	vmul.f32 v26, v10;
	v14 =	vadd.f32 v22, v14;
	v22 =	vmul.f32 v55, v10  }
0x127: {  	v12 =	vadd.f32 v24, v12;
	v24 =	vld [tilespmem:s0+$0xFFFFFF20];
	v15 =	vadd.f32 v20, v15;
	v20 =	vmul.f32 v57, v10  }
0x128: {  	v17 =	vadd.f32 v25, v17;
	v25 =	vld [tilespmem:s0+$0xFFFFFF50];
	v18 =	vadd.f32 v22, v18;
	v22 =	vmul.f32 v58, v10  }
0x129: {  	v16 =	vadd.f32 v26, v16;
	v26 =	vld [tilespmem:s0+$0xFFFFFF60];
	v19 =	vmul.f32 v19, v10;
	v12 =	vadd.f32 v20, v12  }
0x12a: {  	v20 =	vmul.f32 v23, v10;
	v23 =	vld [tilespmem:s0+$0xFFFFFF70];
	v13 =	vadd.f32 v22, v13;
	v22 =	vmul.f32 v27, v10  }
0x12b: {  	v21 =	vmul.f32 v21, v11;
	v27 =	vld [tilespmem:s0+$0xFFFFFF90];
	v14 =	vadd.f32 v19, v14  }
0x12c: {  	v62 =	vld [tilespmem:s0+$0xFFFFFFA0];
	v61 =	vadd.f32 v20, v15;
	v20 =	vmul.f32 v24, v11;
	v63 =	vadd.f32 v22, v17  }
0x12d: {  	v19 =	vld [tilespmem:s0+$0xFFFFFFB0];
	v15 =	vadd.f32 v21, v18;
	v17 =	vmul.f32 v59, v11;
	v18 =	vmul.f32 v60, v11  }
0x12e: {  	v22 =	vmul.f32 v25, v11;
	v21 =	vld [tilespmem:s0+$0xFFFFFFC0];
	v25 =	vmul.f32 v26, v11  }
0x12f: {  	v16 =	vadd.f32 v20, v16;
	v17 =	vadd.f32 v17, v12;
	v20 =	vld [tilespmem:s0+$0xFFFFFFD0];
	v23 =	vmul.f32 v23, v11  }
0x130: {  	s30 =	simm.s32 $0x10CF0;
	v18 =	vadd.f32 v18, v13;
	v12 =	vadd.f32 v22, v14;
	v22 =	vld [tilespmem:s0+$0xFFFFFFE0];
	v24 =	vmul.f32 v27, v9  }
0x131: {  	s31 =	simm.s32 $0x33F0;
	s24 =	simm.s32 $0x0;
	[tilespmem:s30+$0x0] =	vst v40;
	v14 =	vadd.f32 v25, v61;
	v25 =	vmul.f32 v62, v9;
	v13 =	vadd.f32 v23, v63;
	v23 =	vld [tilespmem:s0+$0xFFFFFFF0]  }
.LBB2_5:
0x132: {  	v26 =	vld [tilespmem:s31+$0xFFFFFC80];
	s24 =	sadd.s32 $0x8, s24;
	v15 =	vadd.f32 v24, v15;
	v19 =	vmul.f32 v19, v9  }
0x133: {  	v24 =	vld [tilespmem:s31+$0xFFFFFC20];
	p1 =	slt.u32 s24, $0x38;
	v16 =	vadd.f32 v25, v16;
	v21 =	vmul.f32 v21, v9  }
0x134: {  	v25 =	vld [tilespmem:s31+$0xFFFFFD00];
	[tilespmem:s30+$0xFFFFFF90] =	vst v15;
	v15 =	vadd.f32 v19, v17;
	v17 =	vmul.f32 v20, v9  }
0x135: {  	v19 =	vld [tilespmem:s31+$0xFFFFFC30];
	[tilespmem:s30+$0xFFFFFFA0] =	vst v16;
	v16 =	vadd.f32 v21, v18;
	v18 =	vmul.f32 v22, v9  }
0x136: {  	v20 =	vld [tilespmem:s31+$0xFFFFFD80];
	[tilespmem:s30+$0xFFFFFFB0] =	vst v15;
	v12 =	vadd.f32 v17, v12;
	v15 =	vmul.f32 v23, v9  }
0x137: {  	v17 =	vld [tilespmem:s31+$0xFFFFFC40];
	v21 =	vmul.f32 v26, v3;
	[tilespmem:s30+$0xFFFFFFC0] =	vst v16;
	v14 =	vadd.f32 v18, v14  }
0x138: {  	v16 =	vmul.f32 v24, v3;
	v18 =	vld [tilespmem:s31+$0xFFFFFE00];
	[tilespmem:s30+$0xFFFFFFD0] =	vst v12;
	v12 =	vadd.f32 v15, v13  }
0x139: {  	v13 =	vld [tilespmem:s31+$0xFFFFFC50];
	v15 =	vadd.f32 v21, v4;
	v21 =	vmul.f32 v25, v5;
	[tilespmem:s30+$0xFFFFFFE0] =	vst v14  }
0x13a: {  	v14 =	vadd.f32 v16, v4;
	v16 =	vmul.f32 v19, v3;
	v19 =	vld [tilespmem:s31+$0xFFFFFE80];
	[tilespmem:s30+$0xFFFFFFF0] =	vst v12  }
0x13b: {  	v12 =	vld [tilespmem:s31+$0xFFFFFC60];
	v15 =	vadd.f32 v21, v15;
	v20 =	vmul.f32 v20, v6  }
0x13c: {  	v16 =	vadd.f32 v16, v4;
	v17 =	vmul.f32 v17, v3;
	v21 =	vld [tilespmem:s31+$0xFFFFFF00]  }
0x13d: {  	v22 =	vld [tilespmem:s31+$0xFFFFFC70];
	v15 =	vadd.f32 v20, v15;
	v18 =	vmul.f32 v18, v7  }
0x13e: {  	v17 =	vadd.f32 v17, v4;
	v13 =	vmul.f32 v13, v3;
	v20 =	vld [tilespmem:s31+$0xFFFFFF80]  }
0x13f: {  	v23 =	vld [tilespmem:s31+$0xFFFFFC10];
	v15 =	vadd.f32 v18, v15;
	v18 =	vmul.f32 v19, v8  }
0x140: {  	v13 =	vadd.f32 v13, v4;
	v12 =	vmul.f32 v12, v3;
	v19 =	vld [tilespmem:s31+$0x0]  }
0x141: {  	v24 =	vld [tilespmem:s31+$0xFFFFFC90];
	v15 =	vadd.f32 v18, v15;
	v18 =	vmul.f32 v21, v10  }
0x142: {  	v21 =	vld [tilespmem:s31+$0xFFFFFCA0];
	v12 =	vadd.f32 v12, v4;
	v22 =	vmul.f32 v22, v3  }
0x143: {  	v25 =	vld [tilespmem:s31+$0xFFFFFCB0];
	v15 =	vadd.f32 v18, v15;
	v18 =	vmul.f32 v20, v11  }
0x144: {  	v20 =	vmul.f32 v23, v3;
	v23 =	vld [tilespmem:s31+$0xFFFFFCC0];
	v22 =	vadd.f32 v22, v4  }
0x145: {  	v26 =	vld [tilespmem:s31+$0xFFFFFCD0];
	v15 =	vadd.f32 v18, v15;
	v18 =	vmul.f32 v19, v9  }
0x146: {  	v19 =	vadd.f32 v20, v4;
	v20 =	vmul.f32 v24, v5;
	v24 =	vld [tilespmem:s31+$0xFFFFFCE0]  }
0x147: {  	v21 =	vmul.f32 v21, v5;
	v27 =	vld [tilespmem:s31+$0xFFFFFCF0];
	v15 =	vadd.f32 v18, v15  }
0x148: {  	s30 =	sadd.s32 $0x100, s30;
	v18 =	vadd.f32 v20, v19;
	v19 =	vld [tilespmem:s31+$0xFFFFFD10];
	v20 =	vmul.f32 v25, v5  }
0x149: {  	v14 =	vadd.f32 v21, v14;
	v21 =	vld [tilespmem:s31+$0xFFFFFD20];
	v23 =	vmul.f32 v23, v5;
	[tilespmem:s30+$0x0] =	vst v15  }
0x14a: {  	v15 =	vadd.f32 v20, v16;
	v16 =	vld [tilespmem:s31+$0xFFFFFD30];
	v20 =	vmul.f32 v26, v5  }
0x14b: {  	v17 =	vadd.f32 v23, v17;
	v23 =	vld [tilespmem:s31+$0xFFFFFD40];
	v24 =	vmul.f32 v24, v5  }
0x14c: {  	v13 =	vadd.f32 v20, v13;
	v20 =	vld [tilespmem:s31+$0xFFFFFD50];
	v25 =	vmul.f32 v27, v5  }
0x14d: {  	v19 =	vmul.f32 v19, v6;
	v12 =	vadd.f32 v24, v12;
	v24 =	vld [tilespmem:s31+$0xFFFFFD60]  }
0x14e: {  	v21 =	vmul.f32 v21, v6;
	v22 =	vadd.f32 v25, v22;
	v25 =	vld [tilespmem:s31+$0xFFFFFD70]  }
0x14f: {  	v18 =	vadd.f32 v19, v18;
	v19 =	vld [tilespmem:s31+$0xFFFFFD90];
	v16 =	vmul.f32 v16, v6  }
0x150: {  	v14 =	vadd.f32 v21, v14;
	v21 =	vld [tilespmem:s31+$0xFFFFFDA0];
	v23 =	vmul.f32 v23, v6  }
0x151: {  	v15 =	vadd.f32 v16, v15;
	v16 =	vld [tilespmem:s31+$0xFFFFFDB0];
	v20 =	vmul.f32 v20, v6  }
0x152: {  	v17 =	vadd.f32 v23, v17;
	v23 =	vld [tilespmem:s31+$0xFFFFFDC0];
	v24 =	vmul.f32 v24, v6  }
0x153: {  	v13 =	vadd.f32 v20, v13;
	v20 =	vld [tilespmem:s31+$0xFFFFFDD0];
	v25 =	vmul.f32 v25, v6  }
0x154: {  	v19 =	vmul.f32 v19, v7;
	v12 =	vadd.f32 v24, v12;
	v24 =	vld [tilespmem:s31+$0xFFFFFDE0]  }
0x155: {  	v21 =	vmul.f32 v21, v7;
	v22 =	vadd.f32 v25, v22;
	v25 =	vld [tilespmem:s31+$0xFFFFFDF0]  }
0x156: {  	v18 =	vadd.f32 v19, v18;
	v19 =	vld [tilespmem:s31+$0xFFFFFE10];
	v16 =	vmul.f32 v16, v7  }
0x157: {  	v14 =	vadd.f32 v21, v14;
	v21 =	vld [tilespmem:s31+$0xFFFFFE20];
	v23 =	vmul.f32 v23, v7  }
0x158: {  	v15 =	vadd.f32 v16, v15;
	v16 =	vld [tilespmem:s31+$0xFFFFFE30];
	v20 =	vmul.f32 v20, v7  }
0x159: {  	v17 =	vadd.f32 v23, v17;
	v23 =	vld [tilespmem:s31+$0xFFFFFE40];
	v24 =	vmul.f32 v24, v7  }
0x15a: {  	v13 =	vadd.f32 v20, v13;
	v20 =	vld [tilespmem:s31+$0xFFFFFE50];
	v25 =	vmul.f32 v25, v7  }
0x15b: {  	v19 =	vmul.f32 v19, v8;
	v12 =	vadd.f32 v24, v12;
	v24 =	vld [tilespmem:s31+$0xFFFFFE60]  }
0x15c: {  	v21 =	vmul.f32 v21, v8;
	v22 =	vadd.f32 v25, v22;
	v25 =	vld [tilespmem:s31+$0xFFFFFE70]  }
0x15d: {  	v18 =	vadd.f32 v19, v18;
	v19 =	vld [tilespmem:s31+$0xFFFFFE90];
	v16 =	vmul.f32 v16, v8  }
0x15e: {  	v14 =	vadd.f32 v21, v14;
	v21 =	vld [tilespmem:s31+$0xFFFFFEA0];
	v23 =	vmul.f32 v23, v8  }
0x15f: {  	v15 =	vadd.f32 v16, v15;
	v16 =	vld [tilespmem:s31+$0xFFFFFEB0];
	v20 =	vmul.f32 v20, v8  }
0x160: {  	v17 =	vadd.f32 v23, v17;
	v23 =	vld [tilespmem:s31+$0xFFFFFEC0];
	v24 =	vmul.f32 v24, v8  }
0x161: {  	v13 =	vadd.f32 v20, v13;
	v20 =	vld [tilespmem:s31+$0xFFFFFED0];
	v25 =	vmul.f32 v25, v8  }
0x162: {  	v19 =	vmul.f32 v19, v10;
	v12 =	vadd.f32 v24, v12;
	v24 =	vld [tilespmem:s31+$0xFFFFFEE0]  }
0x163: {  	v21 =	vmul.f32 v21, v10;
	v22 =	vadd.f32 v25, v22;
	v25 =	vld [tilespmem:s31+$0xFFFFFEF0]  }
0x164: {  	v18 =	vadd.f32 v19, v18;
	v19 =	vld [tilespmem:s31+$0xFFFFFF10];
	v16 =	vmul.f32 v16, v10  }
0x165: {  	v14 =	vadd.f32 v21, v14;
	v21 =	vld [tilespmem:s31+$0xFFFFFF20];
	v23 =	vmul.f32 v23, v10  }
0x166: {  	v26 =	vadd.f32 v16, v15;
	v16 =	vld [tilespmem:s31+$0xFFFFFF30];
	v15 =	vmul.f32 v20, v10  }
0x167: {  	v20 =	vadd.f32 v23, v17;
	v17 =	vld [tilespmem:s31+$0xFFFFFF40];
	v23 =	vmul.f32 v24, v10  }
0x168: {  	v13 =	vadd.f32 v15, v13;
	v24 =	vld [tilespmem:s31+$0xFFFFFF50];
	v15 =	vmul.f32 v25, v10  }
0x169: {  	v19 =	vmul.f32 v19, v11;
	v23 =	vadd.f32 v23, v12;
	v12 =	vld [tilespmem:s31+$0xFFFFFF60]  }
0x16a: {  	v21 =	vmul.f32 v21, v11;
	v27 =	vadd.f32 v15, v22;
	v22 =	vld [tilespmem:s31+$0xFFFFFF70]  }
0x16b: {  	v15 =	vadd.f32 v19, v18;
	v25 =	vld [tilespmem:s31+$0xFFFFFF90];
	v18 =	vmul.f32 v16, v11  }
0x16c: {  	v16 =	vadd.f32 v21, v14;
	v28 =	vld [tilespmem:s31+$0xFFFFFFA0];
	v14 =	vmul.f32 v17, v11  }
.Ltmp1:
0x16d: {  	v17 =	vadd.f32 v18, v26;
	v19 =	vld [tilespmem:s31+$0xFFFFFFB0];
	v24 =	vmul.f32 v24, v11;
	(pc) =	sbr.rel @p1 .LBB2_5-.Ltmp1, $4  }
0x16e: {  	v18 =	vadd.f32 v14, v20;
	v21 =	vld [tilespmem:s31+$0xFFFFFFC0];
	v14 =	vmul.f32 v12, v11  }
0x16f: {  	v12 =	vadd.f32 v24, v13;
	v20 =	vld [tilespmem:s31+$0xFFFFFFD0];
	v13 =	vmul.f32 v22, v11  }
0x170: {  	v24 =	vmul.f32 v25, v9;
	v14 =	vadd.f32 v14, v23;
	v22 =	vld [tilespmem:s31+$0xFFFFFFE0]  }
0x171: {  	v25 =	vmul.f32 v28, v9;
	v13 =	vadd.f32 v13, v27;
	v23 =	vld [tilespmem:s31+$0xFFFFFFF0];
	s31 =	sadd.s32 $0x400, s31  }
0x172: {  	v3 =	vadd.f32 v24, v15;
	v4 =	vmul.f32 v19, v9  }
0x173: {  	v5 =	vadd.f32 v25, v16;
	v6 =	vmul.f32 v21, v9  }
0x174: {  	[tilespmem:s30+$0xFFFFFF90] =	vst v3;
	v3 =	vadd.f32 v4, v17;
	v4 =	vmul.f32 v20, v9  }
0x175: {  	[tilespmem:s30+$0xFFFFFFA0] =	vst v5;
	v5 =	vadd.f32 v6, v18;
	v6 =	vmul.f32 v22, v9  }
0x176: {  	[tilespmem:s30+$0xFFFFFFB0] =	vst v3;
	v3 =	vadd.f32 v4, v12;
	v4 =	vmul.f32 v23, v9  }
0x177: {  	[tilespmem:s30+$0xFFFFFFC0] =	vst v5;
	v5 =	vadd.f32 v6, v14  }
0x178: {  	s0 =	sshll.u32 s22, $0xA;
	[tilespmem:s30+$0xFFFFFFD0] =	vst v3;
	v3 =	vadd.f32 v4, v13  }
0x179: {  	s24 =	sadd.s32 s5, s0;
	[tilespmem:s30+$0xFFFFFFE0] =	vst v5  }
0x17a: {  	s0 =	sadd.s32 s4, s24;
	[tilespmem:s30+$0xFFFFFFF0] =	vst v3  }
0x17b: {  	[hbm4b:s0+s26] =	stream.strided.scatter [tilespmem:s28], [sflag:$0x5], $0x800, s16, s26, $0x38;
	[tilespmem:$0x11C00] =	vst v63  }
0x17c: {  	v3 =	vld [tilespmem:s29+$0x30];
	_ =	sdelay $0x4  }
0x17d: {  	v4 =	vshll.u32 v3, $0x3  }
0x17e: {  	v3 =	vand.u32 $0x7, v3;
	v4 =	vand.u32 $0xFFFFFFC0, v4  }
0x17f: {  	v3 =	vor.u32 v3, v4  }
0x180: {  	v4 =	vperm.xlane v3, v0;
	_ =	sdelay $0x1  }
0x181: {  	v4 =	vadd.s32 v1, v4;
	_ =	sdelay $0x3  }
0x182: {  	s1 =	simm.s32 $0xCC00  }
0x183: {  	[tilespmem:s1], [sflag:$0x4] =	stream.indirect_vreg.gather [hbm4b:s2+s3], $0x80, v4, vm0, $0xb8;
	[tilespmem:$0x11C00] =	vst v63  }
0x184: {  	v3 =	vperm.xlane v3, v2;
	s1 =	simm.s32 $0xD400  }
0x185: {  	[tilespmem:s1], [sflag:$0x4] =	stream.indirect_vreg.gather [hbm4b:s8+s3], $0x80, v4, vm0, $0xb8;
	[tilespmem:$0x11C00] =	vst v63  }
0x186: {  	v3 =	vadd.s32 v1, v3;
	s1 =	simm.s32 $0xDC00  }
0x187: {  	[tilespmem:s1], [sflag:$0x4] =	stream.indirect_vreg.gather [hbm4b:s9+s3], $0x80, v4, vm0, $0xb8;
	[tilespmem:$0x11C00] =	vst v63  }
0x188: {  	s1 =	simm.s32 $0xE400  }
0x189: {  	[tilespmem:s1], [sflag:$0x4] =	stream.indirect_vreg.gather [hbm4b:s10+s3], $0x80, v4, vm0, $0xb8;
	[tilespmem:$0x11C00] =	vst v63  }
0x18a: {  	s1 =	simm.s32 $0xEC00  }
0x18b: {  	[tilespmem:s1], [sflag:$0x4] =	stream.indirect_vreg.gather [hbm4b:s2+s3], $0x80, v3, vm0, $0xb8;
	[tilespmem:$0x11C00] =	vst v63  }
0x18c: {  	_ = 	snop  }
0x18d: {  	[tilespmem:s6], [sflag:$0x4] =	stream.indirect_vreg.gather [hbm4b:s8+s3], $0x80, v3, vm0, $0xb8;
	[tilespmem:$0x11C00] =	vst v63  }
0x18e: {  	_ = 	snop  }
0x18f: {  	[tilespmem:s7], [sflag:$0x4] =	stream.indirect_vreg.gather [hbm4b:s9+s3], $0x80, v3, vm0, $0xb8;
	[tilespmem:$0x11C00] =	vst v63  }
0x190: {  	_ = 	snop  }
0x191: {  	[tilespmem:s14], [sflag:$0x4] =	stream.indirect_vreg.gather [hbm4b:s10+s3], $0x80, v3, vm0, $0xb8;
	[tilespmem:$0x11C00] =	vst v63  }
0x192: {  	_ =	swait.ge [sflag:s15], $0x4000  }
0x193: {  	[sflag:s15] =	ssyncset.done $0x0  }
0x194: {  	s0 =	simm.s32 @!p0 $0x6;
	[sflag:s15] =	ssyncadd.s32 $0xFFFFC000  }
0x195: {  	_ =	swait.ge @!p0 [sflag:s0], $0x800  }
0x196: {  	[sflag:s0] =	ssyncset.done @!p0 $0x0  }
0x197: {  	[sflag:s0] =	ssyncadd.s32 @!p0 $0xFFFFF800  }
0x198: {  	v4 =	vld [tilespmem:s23+$0x420];
	_ =	sdelay $0x3  }
0x199: {  	s0 =	simm.s32 $0x4FF0  }
0x19a: {  	v5 =	vld [tilespmem:s0+$0xFFFFFC80];
	(v2sf) =	vpush v4, $0x0  }
0x19b: {  	v9 =	vld [tilespmem:s0+$0xFFFFFC20]  }
0x19c: {  	v6 =	vld [tilespmem:s0+$0xFFFFFD00];
	(v2sf) =	vpush v4, $0x1  }
0x19d: {  	v12 =	vld [tilespmem:s0+$0xFFFFFC30]  }
0x19e: {  	v7 =	vld [tilespmem:s0+$0xFFFFFD80];
	(v2sf) =	vpush v4, $0x2  }
0x19f: {  	v13 =	vld [tilespmem:s0+$0xFFFFFC40]  }
0x1a0: {  	v8 =	vld [tilespmem:s0+$0xFFFFFE00];
	(v2sf) =	vpush v4, $0x3  }
0x1a1: {  	v14 =	vld [tilespmem:s0+$0xFFFFFC50]  }
0x1a2: {  	v10 =	vld [tilespmem:s0+$0xFFFFFE80];
	(v2sf) =	vpush v4, $0x4  }
0x1a3: {  	v15 =	vld [tilespmem:s0+$0xFFFFFC60]  }
0x1a4: {  	v16 =	vld [tilespmem:s0+$0xFFFFFF00];
	(v2sf) =	vpush v4, $0x5  }
0x1a5: {  	v17 =	vld [tilespmem:s0+$0xFFFFFC70]  }
0x1a6: {  	v18 =	vld [tilespmem:s0+$0xFFFFFF80];
	(v2sf) =	vpush v4, $0x6  }
0x1a7: {  	v19 =	vld [tilespmem:s0+$0xFFFFFC10]  }
0x1a8: {  	v20 =	vld [tilespmem:s0+$0x0];
	(v2sf) =	vpush v4, $0x7  }
0x1a9: {  	v21 =	vld [tilespmem:s0+$0xFFFFFC90];
	s30 =	spop (v2sf)  }
0x1aa: {  	v22 =	vld [tilespmem:s0+$0xFFFFFCA0];
	s30 =	smul.f32 $1.250000000e-01, s30  }
0x1ab: {  	v23 =	vld [tilespmem:s0+$0xFFFFFCB0];
	s31 =	spop (v2sf)  }
0x1ac: {  	v24 =	vld [tilespmem:s0+$0xFFFFFCC0];
	s31 =	smul.f32 $1.250000000e-01, s31;
	v3 =	vmov s30  }
0x1ad: {  	v25 =	vld [tilespmem:s0+$0xFFFFFCD0];
	v4 =	vbroadcast v4, $0x8;
	s30 =	spop (v2sf);
	v11 =	vmul.f32 v5, v3  }
0x1ae: {  	v27 =	vld [tilespmem:s0+$0xFFFFFCE0];
	s30 =	smul.f32 $1.250000000e-01, s30;
	v5 =	vmov s31  }
0x1af: {  	v28 =	vld [tilespmem:s0+$0xFFFFFCF0];
	s31 =	spop (v2sf);
	v26 =	vmul.f32 v6, v5;
	v11 =	vadd.f32 v11, v4  }
0x1b0: {  	v29 =	vld [tilespmem:s0+$0xFFFFFD10];
	s31 =	smul.f32 $1.250000000e-01, s31;
	v6 =	vmov s30  }
0x1b1: {  	v30 =	vld [tilespmem:s0+$0xFFFFFD20];
	s30 =	spop (v2sf);
	v11 =	vadd.f32 v26, v11;
	v26 =	vmul.f32 v7, v6  }
0x1b2: {  	v31 =	vld [tilespmem:s0+$0xFFFFFD30];
	s30 =	smul.f32 $1.250000000e-01, s30;
	v7 =	vmov s31  }
0x1b3: {  	v32 =	vld [tilespmem:s0+$0xFFFFFD40];
	v36 =	vmul.f32 v9, v3;
	s1 =	spop (v2sf);
	v11 =	vadd.f32 v26, v11;
	v26 =	vmul.f32 v8, v7  }
0x1b4: {  	v34 =	vld [tilespmem:s0+$0xFFFFFD50];
	v12 =	vmul.f32 v12, v3;
	v13 =	vmul.f32 v13, v3;
	s1 =	smul.f32 $1.250000000e-01, s1;
	v8 =	vmov s30  }
0x1b5: {  	v35 =	vld [tilespmem:s0+$0xFFFFFD60];
	v19 =	vmul.f32 v19, v3;
	s31 =	spop (v2sf);
	v33 =	vmul.f32 v10, v8;
	v26 =	vadd.f32 v26, v11  }
0x1b6: {  	v48 =	vld [tilespmem:s0+$0xFFFFFD70];
	v14 =	vmul.f32 v14, v3;
	v15 =	vmul.f32 v15, v3;
	s31 =	smul.f32 $1.250000000e-01, s31;
	v10 =	vmov s1  }
0x1b7: {  	v37 =	vld [tilespmem:s0+$0xFFFFFD90];
	v17 =	vmul.f32 v17, v3;
	s30 =	spop (v2sf);
	v16 =	vmul.f32 v16, v10;
	v26 =	vadd.f32 v33, v26  }
0x1b8: {  	v38 =	vld [tilespmem:s0+$0xFFFFFDB0];
	v21 =	vmul.f32 v21, v5;
	v22 =	vmul.f32 v22, v5;
	s1 =	smul.f32 $1.250000000e-01, s30;
	v11 =	vmov s31  }
0x1b9: {  	v39 =	vld [tilespmem:s0+$0xFFFFFDD0];
	v36 =	vadd.f32 v36, v4;
	v18 =	vmul.f32 v18, v11;
	v16 =	vadd.f32 v16, v26  }
0x1ba: {  	v49 =	vld [tilespmem:s0+$0xFFFFFE30];
	v12 =	vadd.f32 v12, v4;
	v13 =	vadd.f32 v13, v4;
	v9 =	vmov s1  }
0x1bb: {  	v51 =	vld [tilespmem:s0+$0xFFFFFE50];
	v19 =	vadd.f32 v19, v4;
	v16 =	vadd.f32 v18, v16;
	v18 =	vmul.f32 v20, v9  }
0x1bc: {  	v53 =	vld [tilespmem:s0+$0xFFFFFE60];
	v14 =	vadd.f32 v14, v4;
	v15 =	vadd.f32 v15, v4;
	v50 =	vmul.f32 v30, v6  }
0x1bd: {  	v54 =	vld [tilespmem:s0+$0xFFFFFE70];
	v40 =	vadd.f32 v18, v16;
	v18 =	vadd.f32 v21, v19;
	v19 =	vmul.f32 v23, v5  }
0x1be: {  	v17 =	vadd.f32 v17, v4;
	v52 =	vmul.f32 v34, v6;
	v20 =	vld [tilespmem:s0+$0xFFFFFDC0];
	v23 =	vmul.f32 v24, v5  }
0x1bf: {  	v55 =	vld [tilespmem:s0+$0xFFFFFE90];
	v22 =	vadd.f32 v22, v36;
	v12 =	vadd.f32 v19, v12;
	v19 =	vmul.f32 v25, v5  }
0x1c0: {  	v56 =	vmul.f32 v37, v7;
	v16 =	vld [tilespmem:s0+$0xFFFFFDE0];
	v13 =	vadd.f32 v23, v13;
	v23 =	vmul.f32 v28, v5  }
0x1c1: {  	v22 =	vadd.f32 v50, v22;
	v26 =	vld [tilespmem:s0+$0xFFFFFDA0];
	v14 =	vadd.f32 v19, v14;
	v19 =	vmul.f32 v29, v6  }
0x1c2: {  	v57 =	vld [tilespmem:s0+$0xFFFFFEB0];
	v25 =	vmul.f32 v27, v5;
	v17 =	vadd.f32 v23, v17;
	v23 =	vmul.f32 v31, v6  }
0x1c3: {  	v21 =	vld [tilespmem:s0+$0xFFFFFDF0];
	v20 =	vmul.f32 v20, v7;
	v18 =	vadd.f32 v19, v18;
	v19 =	vmul.f32 v32, v6  }
0x1c4: {  	v24 =	vld [tilespmem:s0+$0xFFFFFE10];
	v15 =	vadd.f32 v25, v15;
	v12 =	vadd.f32 v23, v12;
	v23 =	vmul.f32 v35, v6  }
0x1c5: {  	v27 =	vld [tilespmem:s0+$0xFFFFFE20];
	v16 =	vmul.f32 v16, v7;
	v13 =	vadd.f32 v19, v13;
	v19 =	vmul.f32 v48, v6  }
0x1c6: {  	v25 =	vld [tilespmem:s0+$0xFFFFFE40];
	v14 =	vadd.f32 v52, v14;
	v15 =	vadd.f32 v23, v15;
	v23 =	vmul.f32 v26, v7  }
0x1c7: {  	v58 =	vld [tilespmem:s0+$0xFFFFFEC0];
	v18 =	vadd.f32 v56, v18;
	v17 =	vadd.f32 v19, v17;
	v19 =	vmul.f32 v38, v7  }
0x1c8: {  	v59 =	vld [tilespmem:s0+$0xFFFFFF30];
	v22 =	vadd.f32 v23, v22;
	v23 =	vmul.f32 v39, v7;
	v13 =	vadd.f32 v20, v13  }
0x1c9: {  	v26 =	vld [tilespmem:s0+$0xFFFFFEA0];
	v20 =	vmul.f32 v21, v7;
	v21 =	vmul.f32 v24, v8;
	v15 =	vadd.f32 v16, v15  }
0x1ca: {  	v60 =	vld [tilespmem:s0+$0xFFFFFF40];
	v16 =	vmul.f32 v27, v8;
	v24 =	vmul.f32 v49, v8;
	v12 =	vadd.f32 v19, v12  }
0x1cb: {  	v27 =	vld [tilespmem:s0+$0xFFFFFEF0];
	v14 =	vadd.f32 v23, v14;
	v17 =	vadd.f32 v20, v17;
	v20 =	vmul.f32 v25, v8  }
0x1cc: {  	v19 =	vld [tilespmem:s0+$0xFFFFFED0];
	v18 =	vadd.f32 v21, v18;
	v16 =	vadd.f32 v16, v22;
	v22 =	vmul.f32 v51, v8  }
0x1cd: {  	v23 =	vld [tilespmem:s0+$0xFFFFFEE0];
	v25 =	vmul.f32 v54, v8;
	v13 =	vadd.f32 v20, v13;
	v20 =	vmul.f32 v53, v8  }
0x1ce: {  	v21 =	vld [tilespmem:s0+$0xFFFFFF10];
	v26 =	vmul.f32 v26, v10;
	v14 =	vadd.f32 v22, v14;
	v22 =	vmul.f32 v55, v10  }
0x1cf: {  	v12 =	vadd.f32 v24, v12;
	v24 =	vld [tilespmem:s0+$0xFFFFFF20];
	v15 =	vadd.f32 v20, v15;
	v20 =	vmul.f32 v57, v10  }
0x1d0: {  	v17 =	vadd.f32 v25, v17;
	v25 =	vld [tilespmem:s0+$0xFFFFFF50];
	v18 =	vadd.f32 v22, v18;
	v22 =	vmul.f32 v58, v10  }
0x1d1: {  	v16 =	vadd.f32 v26, v16;
	v26 =	vld [tilespmem:s0+$0xFFFFFF60];
	v19 =	vmul.f32 v19, v10;
	v12 =	vadd.f32 v20, v12  }
0x1d2: {  	v20 =	vmul.f32 v23, v10;
	v23 =	vld [tilespmem:s0+$0xFFFFFF70];
	v13 =	vadd.f32 v22, v13;
	v22 =	vmul.f32 v27, v10  }
0x1d3: {  	v21 =	vmul.f32 v21, v11;
	v27 =	vld [tilespmem:s0+$0xFFFFFF90];
	v14 =	vadd.f32 v19, v14  }
0x1d4: {  	v62 =	vld [tilespmem:s0+$0xFFFFFFA0];
	v61 =	vadd.f32 v20, v15;
	v20 =	vmul.f32 v24, v11;
	v63 =	vadd.f32 v22, v17  }
0x1d5: {  	v19 =	vld [tilespmem:s0+$0xFFFFFFB0];
	v15 =	vadd.f32 v21, v18;
	v17 =	vmul.f32 v59, v11;
	v18 =	vmul.f32 v60, v11  }
0x1d6: {  	v22 =	vmul.f32 v25, v11;
	v21 =	vld [tilespmem:s0+$0xFFFFFFC0];
	v25 =	vmul.f32 v26, v11  }
0x1d7: {  	v16 =	vadd.f32 v20, v16;
	v17 =	vadd.f32 v17, v12;
	v20 =	vld [tilespmem:s0+$0xFFFFFFD0];
	v23 =	vmul.f32 v23, v11  }
0x1d8: {  	s30 =	simm.s32 $0x11470;
	v18 =	vadd.f32 v18, v13;
	v12 =	vadd.f32 v22, v14;
	v22 =	vld [tilespmem:s0+$0xFFFFFFE0];
	v24 =	vmul.f32 v27, v9  }
0x1d9: {  	s31 =	simm.s32 $0x0;
	[tilespmem:s30+$0x0] =	vst v40;
	v14 =	vadd.f32 v25, v61;
	v25 =	vmul.f32 v62, v9;
	v13 =	vadd.f32 v23, v63;
	v23 =	vld [tilespmem:s0+$0xFFFFFFF0];
	s0 =	simm.s32 $0x53F0  }
.LBB2_7:
0x1da: {  	v26 =	vld [tilespmem:s0+$0xFFFFFC80];
	s31 =	sadd.s32 $0x8, s31;
	v15 =	vadd.f32 v24, v15;
	v19 =	vmul.f32 v19, v9  }
0x1db: {  	v24 =	vld [tilespmem:s0+$0xFFFFFC20];
	p0 =	slt.u32 s31, $0x38;
	v16 =	vadd.f32 v25, v16;
	v21 =	vmul.f32 v21, v9  }
0x1dc: {  	v25 =	vld [tilespmem:s0+$0xFFFFFD00];
	[tilespmem:s30+$0xFFFFFF90] =	vst v15;
	v15 =	vadd.f32 v19, v17;
	v17 =	vmul.f32 v20, v9  }
0x1dd: {  	v19 =	vld [tilespmem:s0+$0xFFFFFC30];
	[tilespmem:s30+$0xFFFFFFA0] =	vst v16;
	v16 =	vadd.f32 v21, v18;
	v18 =	vmul.f32 v22, v9  }
0x1de: {  	v20 =	vld [tilespmem:s0+$0xFFFFFD80];
	[tilespmem:s30+$0xFFFFFFB0] =	vst v15;
	v12 =	vadd.f32 v17, v12;
	v15 =	vmul.f32 v23, v9  }
0x1df: {  	v17 =	vld [tilespmem:s0+$0xFFFFFC40];
	v21 =	vmul.f32 v26, v3;
	[tilespmem:s30+$0xFFFFFFC0] =	vst v16;
	v14 =	vadd.f32 v18, v14  }
0x1e0: {  	v16 =	vmul.f32 v24, v3;
	v18 =	vld [tilespmem:s0+$0xFFFFFE00];
	[tilespmem:s30+$0xFFFFFFD0] =	vst v12;
	v12 =	vadd.f32 v15, v13  }
0x1e1: {  	v13 =	vld [tilespmem:s0+$0xFFFFFC50];
	v15 =	vadd.f32 v21, v4;
	v21 =	vmul.f32 v25, v5;
	[tilespmem:s30+$0xFFFFFFE0] =	vst v14  }
0x1e2: {  	v14 =	vadd.f32 v16, v4;
	v16 =	vmul.f32 v19, v3;
	v19 =	vld [tilespmem:s0+$0xFFFFFE80];
	[tilespmem:s30+$0xFFFFFFF0] =	vst v12  }
0x1e3: {  	v12 =	vld [tilespmem:s0+$0xFFFFFC60];
	v15 =	vadd.f32 v21, v15;
	v20 =	vmul.f32 v20, v6  }
0x1e4: {  	v16 =	vadd.f32 v16, v4;
	v17 =	vmul.f32 v17, v3;
	v21 =	vld [tilespmem:s0+$0xFFFFFF00]  }
0x1e5: {  	v22 =	vld [tilespmem:s0+$0xFFFFFC70];
	v15 =	vadd.f32 v20, v15;
	v18 =	vmul.f32 v18, v7  }
0x1e6: {  	v17 =	vadd.f32 v17, v4;
	v13 =	vmul.f32 v13, v3;
	v20 =	vld [tilespmem:s0+$0xFFFFFF80]  }
0x1e7: {  	v23 =	vld [tilespmem:s0+$0xFFFFFC10];
	v15 =	vadd.f32 v18, v15;
	v18 =	vmul.f32 v19, v8  }
0x1e8: {  	v13 =	vadd.f32 v13, v4;
	v12 =	vmul.f32 v12, v3;
	v19 =	vld [tilespmem:s0+$0x0]  }
0x1e9: {  	v24 =	vld [tilespmem:s0+$0xFFFFFC90];
	v15 =	vadd.f32 v18, v15;
	v18 =	vmul.f32 v21, v10  }
0x1ea: {  	v21 =	vld [tilespmem:s0+$0xFFFFFCA0];
	v12 =	vadd.f32 v12, v4;
	v22 =	vmul.f32 v22, v3  }
0x1eb: {  	v25 =	vld [tilespmem:s0+$0xFFFFFCB0];
	v15 =	vadd.f32 v18, v15;
	v18 =	vmul.f32 v20, v11  }
0x1ec: {  	v20 =	vmul.f32 v23, v3;
	v23 =	vld [tilespmem:s0+$0xFFFFFCC0];
	v22 =	vadd.f32 v22, v4  }
0x1ed: {  	v26 =	vld [tilespmem:s0+$0xFFFFFCD0];
	v15 =	vadd.f32 v18, v15;
	v18 =	vmul.f32 v19, v9  }
0x1ee: {  	v19 =	vadd.f32 v20, v4;
	v20 =	vmul.f32 v24, v5;
	v24 =	vld [tilespmem:s0+$0xFFFFFCE0]  }
0x1ef: {  	v21 =	vmul.f32 v21, v5;
	v27 =	vld [tilespmem:s0+$0xFFFFFCF0];
	v15 =	vadd.f32 v18, v15  }
0x1f0: {  	s30 =	sadd.s32 $0x100, s30;
	v18 =	vadd.f32 v20, v19;
	v19 =	vld [tilespmem:s0+$0xFFFFFD10];
	v20 =	vmul.f32 v25, v5  }
0x1f1: {  	v14 =	vadd.f32 v21, v14;
	v21 =	vld [tilespmem:s0+$0xFFFFFD20];
	v23 =	vmul.f32 v23, v5;
	[tilespmem:s30+$0x0] =	vst v15  }
0x1f2: {  	v15 =	vadd.f32 v20, v16;
	v16 =	vld [tilespmem:s0+$0xFFFFFD30];
	v20 =	vmul.f32 v26, v5  }
0x1f3: {  	v17 =	vadd.f32 v23, v17;
	v23 =	vld [tilespmem:s0+$0xFFFFFD40];
	v24 =	vmul.f32 v24, v5  }
0x1f4: {  	v13 =	vadd.f32 v20, v13;
	v20 =	vld [tilespmem:s0+$0xFFFFFD50];
	v25 =	vmul.f32 v27, v5  }
0x1f5: {  	v19 =	vmul.f32 v19, v6;
	v12 =	vadd.f32 v24, v12;
	v24 =	vld [tilespmem:s0+$0xFFFFFD60]  }
0x1f6: {  	v21 =	vmul.f32 v21, v6;
	v22 =	vadd.f32 v25, v22;
	v25 =	vld [tilespmem:s0+$0xFFFFFD70]  }
0x1f7: {  	v18 =	vadd.f32 v19, v18;
	v19 =	vld [tilespmem:s0+$0xFFFFFD90];
	v16 =	vmul.f32 v16, v6  }
0x1f8: {  	v14 =	vadd.f32 v21, v14;
	v21 =	vld [tilespmem:s0+$0xFFFFFDA0];
	v23 =	vmul.f32 v23, v6  }
0x1f9: {  	v15 =	vadd.f32 v16, v15;
	v16 =	vld [tilespmem:s0+$0xFFFFFDB0];
	v20 =	vmul.f32 v20, v6  }
0x1fa: {  	v17 =	vadd.f32 v23, v17;
	v23 =	vld [tilespmem:s0+$0xFFFFFDC0];
	v24 =	vmul.f32 v24, v6  }
0x1fb: {  	v13 =	vadd.f32 v20, v13;
	v20 =	vld [tilespmem:s0+$0xFFFFFDD0];
	v25 =	vmul.f32 v25, v6  }
0x1fc: {  	v19 =	vmul.f32 v19, v7;
	v12 =	vadd.f32 v24, v12;
	v24 =	vld [tilespmem:s0+$0xFFFFFDE0]  }
0x1fd: {  	v21 =	vmul.f32 v21, v7;
	v22 =	vadd.f32 v25, v22;
	v25 =	vld [tilespmem:s0+$0xFFFFFDF0]  }
0x1fe: {  	v18 =	vadd.f32 v19, v18;
	v19 =	vld [tilespmem:s0+$0xFFFFFE10];
	v16 =	vmul.f32 v16, v7  }
0x1ff: {  	v14 =	vadd.f32 v21, v14;
	v21 =	vld [tilespmem:s0+$0xFFFFFE20];
	v23 =	vmul.f32 v23, v7  }
0x200: {  	v15 =	vadd.f32 v16, v15;
	v16 =	vld [tilespmem:s0+$0xFFFFFE30];
	v20 =	vmul.f32 v20, v7  }
0x201: {  	v17 =	vadd.f32 v23, v17;
	v23 =	vld [tilespmem:s0+$0xFFFFFE40];
	v24 =	vmul.f32 v24, v7  }
0x202: {  	v13 =	vadd.f32 v20, v13;
	v20 =	vld [tilespmem:s0+$0xFFFFFE50];
	v25 =	vmul.f32 v25, v7  }
0x203: {  	v19 =	vmul.f32 v19, v8;
	v12 =	vadd.f32 v24, v12;
	v24 =	vld [tilespmem:s0+$0xFFFFFE60]  }
0x204: {  	v21 =	vmul.f32 v21, v8;
	v22 =	vadd.f32 v25, v22;
	v25 =	vld [tilespmem:s0+$0xFFFFFE70]  }
0x205: {  	v18 =	vadd.f32 v19, v18;
	v19 =	vld [tilespmem:s0+$0xFFFFFE90];
	v16 =	vmul.f32 v16, v8  }
0x206: {  	v14 =	vadd.f32 v21, v14;
	v21 =	vld [tilespmem:s0+$0xFFFFFEA0];
	v23 =	vmul.f32 v23, v8  }
0x207: {  	v15 =	vadd.f32 v16, v15;
	v16 =	vld [tilespmem:s0+$0xFFFFFEB0];
	v20 =	vmul.f32 v20, v8  }
0x208: {  	v17 =	vadd.f32 v23, v17;
	v23 =	vld [tilespmem:s0+$0xFFFFFEC0];
	v24 =	vmul.f32 v24, v8  }
0x209: {  	v13 =	vadd.f32 v20, v13;
	v20 =	vld [tilespmem:s0+$0xFFFFFED0];
	v25 =	vmul.f32 v25, v8  }
0x20a: {  	v19 =	vmul.f32 v19, v10;
	v12 =	vadd.f32 v24, v12;
	v24 =	vld [tilespmem:s0+$0xFFFFFEE0]  }
0x20b: {  	v21 =	vmul.f32 v21, v10;
	v22 =	vadd.f32 v25, v22;
	v25 =	vld [tilespmem:s0+$0xFFFFFEF0]  }
0x20c: {  	v18 =	vadd.f32 v19, v18;
	v19 =	vld [tilespmem:s0+$0xFFFFFF10];
	v16 =	vmul.f32 v16, v10  }
0x20d: {  	v14 =	vadd.f32 v21, v14;
	v21 =	vld [tilespmem:s0+$0xFFFFFF20];
	v23 =	vmul.f32 v23, v10  }
0x20e: {  	v26 =	vadd.f32 v16, v15;
	v16 =	vld [tilespmem:s0+$0xFFFFFF30];
	v15 =	vmul.f32 v20, v10  }
0x20f: {  	v20 =	vadd.f32 v23, v17;
	v17 =	vld [tilespmem:s0+$0xFFFFFF40];
	v23 =	vmul.f32 v24, v10  }
0x210: {  	v13 =	vadd.f32 v15, v13;
	v24 =	vld [tilespmem:s0+$0xFFFFFF50];
	v15 =	vmul.f32 v25, v10  }
0x211: {  	v19 =	vmul.f32 v19, v11;
	v23 =	vadd.f32 v23, v12;
	v12 =	vld [tilespmem:s0+$0xFFFFFF60]  }
0x212: {  	v21 =	vmul.f32 v21, v11;
	v27 =	vadd.f32 v15, v22;
	v22 =	vld [tilespmem:s0+$0xFFFFFF70]  }
0x213: {  	v15 =	vadd.f32 v19, v18;
	v25 =	vld [tilespmem:s0+$0xFFFFFF90];
	v18 =	vmul.f32 v16, v11  }
0x214: {  	v16 =	vadd.f32 v21, v14;
	v28 =	vld [tilespmem:s0+$0xFFFFFFA0];
	v14 =	vmul.f32 v17, v11  }
.Ltmp2:
0x215: {  	v17 =	vadd.f32 v18, v26;
	v19 =	vld [tilespmem:s0+$0xFFFFFFB0];
	v24 =	vmul.f32 v24, v11;
	(pc) =	sbr.rel @p0 .LBB2_7-.Ltmp2, $4  }
0x216: {  	v18 =	vadd.f32 v14, v20;
	v21 =	vld [tilespmem:s0+$0xFFFFFFC0];
	v14 =	vmul.f32 v12, v11  }
0x217: {  	v12 =	vadd.f32 v24, v13;
	v20 =	vld [tilespmem:s0+$0xFFFFFFD0];
	v13 =	vmul.f32 v22, v11  }
0x218: {  	v24 =	vmul.f32 v25, v9;
	v14 =	vadd.f32 v14, v23;
	v22 =	vld [tilespmem:s0+$0xFFFFFFE0]  }
0x219: {  	v25 =	vmul.f32 v28, v9;
	v13 =	vadd.f32 v13, v27;
	v23 =	vld [tilespmem:s0+$0xFFFFFFF0];
	s0 =	sadd.s32 $0x400, s0  }
0x21a: {  	v3 =	vadd.f32 v24, v15;
	v4 =	vmul.f32 v19, v9  }
0x21b: {  	v5 =	vadd.f32 v25, v16;
	v6 =	vmul.f32 v21, v9  }
0x21c: {  	[tilespmem:s30+$0xFFFFFF90] =	vst v3;
	v3 =	vadd.f32 v4, v17;
	v4 =	vmul.f32 v20, v9  }
0x21d: {  	[tilespmem:s30+$0xFFFFFFA0] =	vst v5;
	v5 =	vadd.f32 v6, v18;
	v6 =	vmul.f32 v22, v9  }
0x21e: {  	[tilespmem:s30+$0xFFFFFFB0] =	vst v3;
	v3 =	vadd.f32 v4, v12;
	v4 =	vmul.f32 v23, v9  }
0x21f: {  	[tilespmem:s30+$0xFFFFFFC0] =	vst v5;
	v5 =	vadd.f32 v6, v14  }
0x220: {  	[tilespmem:s30+$0xFFFFFFD0] =	vst v3;
	v3 =	vadd.f32 v4, v13  }
0x221: {  	[tilespmem:s30+$0xFFFFFFE0] =	vst v5  }
0x222: {  	[tilespmem:s30+$0xFFFFFFF0] =	vst v3  }
0x223: {  	v4 =	vld [tilespmem:s23+$0x430];
	_ =	sdelay $0x3  }
0x224: {  	s0 =	simm.s32 $0x6FF0  }
0x225: {  	v5 =	vld [tilespmem:s0+$0xFFFFFC80];
	(v2sf) =	vpush v4, $0x0  }
0x226: {  	v9 =	vld [tilespmem:s0+$0xFFFFFC20]  }
0x227: {  	v6 =	vld [tilespmem:s0+$0xFFFFFD00];
	(v2sf) =	vpush v4, $0x1  }
0x228: {  	v12 =	vld [tilespmem:s0+$0xFFFFFC30]  }
0x229: {  	v7 =	vld [tilespmem:s0+$0xFFFFFD80];
	(v2sf) =	vpush v4, $0x2  }
0x22a: {  	v13 =	vld [tilespmem:s0+$0xFFFFFC40]  }
0x22b: {  	v8 =	vld [tilespmem:s0+$0xFFFFFE00];
	(v2sf) =	vpush v4, $0x3  }
0x22c: {  	v14 =	vld [tilespmem:s0+$0xFFFFFC50]  }
0x22d: {  	v10 =	vld [tilespmem:s0+$0xFFFFFE80];
	(v2sf) =	vpush v4, $0x4  }
0x22e: {  	v15 =	vld [tilespmem:s0+$0xFFFFFC60]  }
0x22f: {  	v16 =	vld [tilespmem:s0+$0xFFFFFF00];
	(v2sf) =	vpush v4, $0x5  }
0x230: {  	v17 =	vld [tilespmem:s0+$0xFFFFFC70]  }
0x231: {  	v18 =	vld [tilespmem:s0+$0xFFFFFF80];
	(v2sf) =	vpush v4, $0x6  }
0x232: {  	v19 =	vld [tilespmem:s0+$0xFFFFFC10]  }
0x233: {  	v20 =	vld [tilespmem:s0+$0x0];
	(v2sf) =	vpush v4, $0x7  }
0x234: {  	v21 =	vld [tilespmem:s0+$0xFFFFFC90];
	s1 =	spop (v2sf)  }
0x235: {  	v22 =	vld [tilespmem:s0+$0xFFFFFCA0];
	s1 =	smul.f32 $1.250000000e-01, s1  }
0x236: {  	v23 =	vld [tilespmem:s0+$0xFFFFFCB0];
	s30 =	spop (v2sf)  }
0x237: {  	v24 =	vld [tilespmem:s0+$0xFFFFFCC0];
	s30 =	smul.f32 $1.250000000e-01, s30;
	v3 =	vmov s1  }
0x238: {  	v25 =	vld [tilespmem:s0+$0xFFFFFCD0];
	v4 =	vbroadcast v4, $0x8;
	s1 =	spop (v2sf);
	v11 =	vmul.f32 v5, v3  }
0x239: {  	v27 =	vld [tilespmem:s0+$0xFFFFFCE0];
	s1 =	smul.f32 $1.250000000e-01, s1;
	v5 =	vmov s30  }
0x23a: {  	v28 =	vld [tilespmem:s0+$0xFFFFFCF0];
	s30 =	spop (v2sf);
	v26 =	vmul.f32 v6, v5;
	v11 =	vadd.f32 v11, v4  }
0x23b: {  	v29 =	vld [tilespmem:s0+$0xFFFFFD10];
	s30 =	smul.f32 $1.250000000e-01, s30;
	v6 =	vmov s1  }
0x23c: {  	v30 =	vld [tilespmem:s0+$0xFFFFFD20];
	s1 =	spop (v2sf);
	v11 =	vadd.f32 v26, v11;
	v26 =	vmul.f32 v7, v6  }
0x23d: {  	v31 =	vld [tilespmem:s0+$0xFFFFFD30];
	s1 =	smul.f32 $1.250000000e-01, s1;
	v7 =	vmov s30  }
0x23e: {  	v32 =	vld [tilespmem:s0+$0xFFFFFD40];
	v36 =	vmul.f32 v9, v3;
	s31 =	spop (v2sf);
	v11 =	vadd.f32 v26, v11;
	v26 =	vmul.f32 v8, v7  }
0x23f: {  	v34 =	vld [tilespmem:s0+$0xFFFFFD50];
	v12 =	vmul.f32 v12, v3;
	v13 =	vmul.f32 v13, v3;
	s31 =	smul.f32 $1.250000000e-01, s31;
	v8 =	vmov s1  }
0x240: {  	v35 =	vld [tilespmem:s0+$0xFFFFFD60];
	v19 =	vmul.f32 v19, v3;
	s30 =	spop (v2sf);
	v33 =	vmul.f32 v10, v8;
	v26 =	vadd.f32 v26, v11  }
0x241: {  	v48 =	vld [tilespmem:s0+$0xFFFFFD70];
	v14 =	vmul.f32 v14, v3;
	v15 =	vmul.f32 v15, v3;
	s30 =	smul.f32 $1.250000000e-01, s30;
	v10 =	vmov s31  }
0x242: {  	v37 =	vld [tilespmem:s0+$0xFFFFFD90];
	v17 =	vmul.f32 v17, v3;
	s1 =	spop (v2sf);
	v16 =	vmul.f32 v16, v10;
	v26 =	vadd.f32 v33, v26  }
0x243: {  	v38 =	vld [tilespmem:s0+$0xFFFFFDB0];
	v21 =	vmul.f32 v21, v5;
	v22 =	vmul.f32 v22, v5;
	s1 =	smul.f32 $1.250000000e-01, s1;
	v11 =	vmov s30  }
0x244: {  	v39 =	vld [tilespmem:s0+$0xFFFFFDD0];
	v36 =	vadd.f32 v36, v4;
	v18 =	vmul.f32 v18, v11;
	v16 =	vadd.f32 v16, v26  }
0x245: {  	v49 =	vld [tilespmem:s0+$0xFFFFFE30];
	v12 =	vadd.f32 v12, v4;
	v13 =	vadd.f32 v13, v4;
	v9 =	vmov s1  }
0x246: {  	v51 =	vld [tilespmem:s0+$0xFFFFFE50];
	v19 =	vadd.f32 v19, v4;
	v16 =	vadd.f32 v18, v16;
	v18 =	vmul.f32 v20, v9  }
0x247: {  	v53 =	vld [tilespmem:s0+$0xFFFFFE60];
	v14 =	vadd.f32 v14, v4;
	v15 =	vadd.f32 v15, v4;
	v50 =	vmul.f32 v30, v6  }
0x248: {  	v54 =	vld [tilespmem:s0+$0xFFFFFE70];
	v40 =	vadd.f32 v18, v16;
	v18 =	vadd.f32 v21, v19;
	v19 =	vmul.f32 v23, v5  }
0x249: {  	v17 =	vadd.f32 v17, v4;
	v52 =	vmul.f32 v34, v6;
	v20 =	vld [tilespmem:s0+$0xFFFFFDC0];
	v23 =	vmul.f32 v24, v5  }
0x24a: {  	v55 =	vld [tilespmem:s0+$0xFFFFFE90];
	v22 =	vadd.f32 v22, v36;
	v12 =	vadd.f32 v19, v12;
	v19 =	vmul.f32 v25, v5  }
0x24b: {  	v56 =	vmul.f32 v37, v7;
	v16 =	vld [tilespmem:s0+$0xFFFFFDE0];
	v13 =	vadd.f32 v23, v13;
	v23 =	vmul.f32 v28, v5  }
0x24c: {  	v22 =	vadd.f32 v50, v22;
	v26 =	vld [tilespmem:s0+$0xFFFFFDA0];
	v14 =	vadd.f32 v19, v14;
	v19 =	vmul.f32 v29, v6  }
0x24d: {  	v57 =	vld [tilespmem:s0+$0xFFFFFEB0];
	v25 =	vmul.f32 v27, v5;
	v17 =	vadd.f32 v23, v17;
	v23 =	vmul.f32 v31, v6  }
0x24e: {  	v21 =	vld [tilespmem:s0+$0xFFFFFDF0];
	v20 =	vmul.f32 v20, v7;
	v18 =	vadd.f32 v19, v18;
	v19 =	vmul.f32 v32, v6  }
0x24f: {  	v24 =	vld [tilespmem:s0+$0xFFFFFE10];
	v15 =	vadd.f32 v25, v15;
	v12 =	vadd.f32 v23, v12;
	v23 =	vmul.f32 v35, v6  }
0x250: {  	v27 =	vld [tilespmem:s0+$0xFFFFFE20];
	v16 =	vmul.f32 v16, v7;
	v13 =	vadd.f32 v19, v13;
	v19 =	vmul.f32 v48, v6  }
0x251: {  	v25 =	vld [tilespmem:s0+$0xFFFFFE40];
	v14 =	vadd.f32 v52, v14;
	v15 =	vadd.f32 v23, v15;
	v23 =	vmul.f32 v26, v7  }
0x252: {  	v58 =	vld [tilespmem:s0+$0xFFFFFEC0];
	v18 =	vadd.f32 v56, v18;
	v17 =	vadd.f32 v19, v17;
	v19 =	vmul.f32 v38, v7  }
0x253: {  	v59 =	vld [tilespmem:s0+$0xFFFFFF30];
	v22 =	vadd.f32 v23, v22;
	v23 =	vmul.f32 v39, v7;
	v13 =	vadd.f32 v20, v13  }
0x254: {  	v26 =	vld [tilespmem:s0+$0xFFFFFEA0];
	v20 =	vmul.f32 v21, v7;
	v21 =	vmul.f32 v24, v8;
	v15 =	vadd.f32 v16, v15  }
0x255: {  	v60 =	vld [tilespmem:s0+$0xFFFFFF40];
	v16 =	vmul.f32 v27, v8;
	v24 =	vmul.f32 v49, v8;
	v12 =	vadd.f32 v19, v12  }
0x256: {  	v27 =	vld [tilespmem:s0+$0xFFFFFEF0];
	v14 =	vadd.f32 v23, v14;
	v17 =	vadd.f32 v20, v17;
	v20 =	vmul.f32 v25, v8  }
0x257: {  	v19 =	vld [tilespmem:s0+$0xFFFFFED0];
	v18 =	vadd.f32 v21, v18;
	v16 =	vadd.f32 v16, v22;
	v22 =	vmul.f32 v51, v8  }
0x258: {  	v23 =	vld [tilespmem:s0+$0xFFFFFEE0];
	v25 =	vmul.f32 v54, v8;
	v13 =	vadd.f32 v20, v13;
	v20 =	vmul.f32 v53, v8  }
0x259: {  	v21 =	vld [tilespmem:s0+$0xFFFFFF10];
	v26 =	vmul.f32 v26, v10;
	v14 =	vadd.f32 v22, v14;
	v22 =	vmul.f32 v55, v10  }
0x25a: {  	v12 =	vadd.f32 v24, v12;
	v24 =	vld [tilespmem:s0+$0xFFFFFF20];
	v15 =	vadd.f32 v20, v15;
	v20 =	vmul.f32 v57, v10  }
0x25b: {  	v17 =	vadd.f32 v25, v17;
	v25 =	vld [tilespmem:s0+$0xFFFFFF50];
	v18 =	vadd.f32 v22, v18;
	v22 =	vmul.f32 v58, v10  }
0x25c: {  	v16 =	vadd.f32 v26, v16;
	v26 =	vld [tilespmem:s0+$0xFFFFFF60];
	v19 =	vmul.f32 v19, v10;
	v12 =	vadd.f32 v20, v12  }
0x25d: {  	v20 =	vmul.f32 v23, v10;
	v23 =	vld [tilespmem:s0+$0xFFFFFF70];
	v13 =	vadd.f32 v22, v13;
	v22 =	vmul.f32 v27, v10  }
0x25e: {  	v21 =	vmul.f32 v21, v11;
	v27 =	vld [tilespmem:s0+$0xFFFFFF90];
	v14 =	vadd.f32 v19, v14  }
0x25f: {  	v62 =	vld [tilespmem:s0+$0xFFFFFFA0];
	v61 =	vadd.f32 v20, v15;
	v20 =	vmul.f32 v24, v11;
	v63 =	vadd.f32 v22, v17  }
0x260: {  	v19 =	vld [tilespmem:s0+$0xFFFFFFB0];
	v15 =	vadd.f32 v21, v18;
	v17 =	vmul.f32 v59, v11;
	v18 =	vmul.f32 v60, v11  }
0x261: {  	v22 =	vmul.f32 v25, v11;
	v21 =	vld [tilespmem:s0+$0xFFFFFFC0];
	v25 =	vmul.f32 v26, v11  }
0x262: {  	v16 =	vadd.f32 v20, v16;
	v17 =	vadd.f32 v17, v12;
	v20 =	vld [tilespmem:s0+$0xFFFFFFD0];
	v23 =	vmul.f32 v23, v11  }
0x263: {  	s30 =	simm.s32 $0x114F0;
	v18 =	vadd.f32 v18, v13;
	v12 =	vadd.f32 v22, v14;
	v22 =	vld [tilespmem:s0+$0xFFFFFFE0];
	v24 =	vmul.f32 v27, v9  }
0x264: {  	s31 =	simm.s32 $0x0;
	[tilespmem:s30+$0x0] =	vst v40;
	v14 =	vadd.f32 v25, v61;
	v25 =	vmul.f32 v62, v9;
	v13 =	vadd.f32 v23, v63;
	v23 =	vld [tilespmem:s0+$0xFFFFFFF0];
	s0 =	simm.s32 $0x73F0  }
.LBB2_9:
0x265: {  	v26 =	vld [tilespmem:s0+$0xFFFFFC80];
	s31 =	sadd.s32 $0x8, s31;
	v15 =	vadd.f32 v24, v15;
	v19 =	vmul.f32 v19, v9  }
0x266: {  	v24 =	vld [tilespmem:s0+$0xFFFFFC20];
	p0 =	slt.u32 s31, $0x38;
	v16 =	vadd.f32 v25, v16;
	v21 =	vmul.f32 v21, v9  }
0x267: {  	v25 =	vld [tilespmem:s0+$0xFFFFFD00];
	[tilespmem:s30+$0xFFFFFF90] =	vst v15;
	v15 =	vadd.f32 v19, v17;
	v17 =	vmul.f32 v20, v9  }
0x268: {  	v19 =	vld [tilespmem:s0+$0xFFFFFC30];
	[tilespmem:s30+$0xFFFFFFA0] =	vst v16;
	v16 =	vadd.f32 v21, v18;
	v18 =	vmul.f32 v22, v9  }
0x269: {  	v20 =	vld [tilespmem:s0+$0xFFFFFD80];
	[tilespmem:s30+$0xFFFFFFB0] =	vst v15;
	v12 =	vadd.f32 v17, v12;
	v15 =	vmul.f32 v23, v9  }
0x26a: {  	v17 =	vld [tilespmem:s0+$0xFFFFFC40];
	v21 =	vmul.f32 v26, v3;
	[tilespmem:s30+$0xFFFFFFC0] =	vst v16;
	v14 =	vadd.f32 v18, v14  }
0x26b: {  	v16 =	vmul.f32 v24, v3;
	v18 =	vld [tilespmem:s0+$0xFFFFFE00];
	[tilespmem:s30+$0xFFFFFFD0] =	vst v12;
	v12 =	vadd.f32 v15, v13  }
0x26c: {  	v13 =	vld [tilespmem:s0+$0xFFFFFC50];
	v15 =	vadd.f32 v21, v4;
	v21 =	vmul.f32 v25, v5;
	[tilespmem:s30+$0xFFFFFFE0] =	vst v14  }
0x26d: {  	v14 =	vadd.f32 v16, v4;
	v16 =	vmul.f32 v19, v3;
	v19 =	vld [tilespmem:s0+$0xFFFFFE80];
	[tilespmem:s30+$0xFFFFFFF0] =	vst v12  }
0x26e: {  	v12 =	vld [tilespmem:s0+$0xFFFFFC60];
	v15 =	vadd.f32 v21, v15;
	v20 =	vmul.f32 v20, v6  }
0x26f: {  	v16 =	vadd.f32 v16, v4;
	v17 =	vmul.f32 v17, v3;
	v21 =	vld [tilespmem:s0+$0xFFFFFF00]  }
0x270: {  	v22 =	vld [tilespmem:s0+$0xFFFFFC70];
	v15 =	vadd.f32 v20, v15;
	v18 =	vmul.f32 v18, v7  }
0x271: {  	v17 =	vadd.f32 v17, v4;
	v13 =	vmul.f32 v13, v3;
	v20 =	vld [tilespmem:s0+$0xFFFFFF80]  }
0x272: {  	v23 =	vld [tilespmem:s0+$0xFFFFFC10];
	v15 =	vadd.f32 v18, v15;
	v18 =	vmul.f32 v19, v8  }
0x273: {  	v13 =	vadd.f32 v13, v4;
	v12 =	vmul.f32 v12, v3;
	v19 =	vld [tilespmem:s0+$0x0]  }
0x274: {  	v24 =	vld [tilespmem:s0+$0xFFFFFC90];
	v15 =	vadd.f32 v18, v15;
	v18 =	vmul.f32 v21, v10  }
0x275: {  	v21 =	vld [tilespmem:s0+$0xFFFFFCA0];
	v12 =	vadd.f32 v12, v4;
	v22 =	vmul.f32 v22, v3  }
0x276: {  	v25 =	vld [tilespmem:s0+$0xFFFFFCB0];
	v15 =	vadd.f32 v18, v15;
	v18 =	vmul.f32 v20, v11  }
0x277: {  	v20 =	vmul.f32 v23, v3;
	v23 =	vld [tilespmem:s0+$0xFFFFFCC0];
	v22 =	vadd.f32 v22, v4  }
0x278: {  	v26 =	vld [tilespmem:s0+$0xFFFFFCD0];
	v15 =	vadd.f32 v18, v15;
	v18 =	vmul.f32 v19, v9  }
0x279: {  	v19 =	vadd.f32 v20, v4;
	v20 =	vmul.f32 v24, v5;
	v24 =	vld [tilespmem:s0+$0xFFFFFCE0]  }
0x27a: {  	v21 =	vmul.f32 v21, v5;
	v27 =	vld [tilespmem:s0+$0xFFFFFCF0];
	v15 =	vadd.f32 v18, v15  }
0x27b: {  	s30 =	sadd.s32 $0x100, s30;
	v18 =	vadd.f32 v20, v19;
	v19 =	vld [tilespmem:s0+$0xFFFFFD10];
	v20 =	vmul.f32 v25, v5  }
0x27c: {  	v14 =	vadd.f32 v21, v14;
	v21 =	vld [tilespmem:s0+$0xFFFFFD20];
	v23 =	vmul.f32 v23, v5;
	[tilespmem:s30+$0x0] =	vst v15  }
0x27d: {  	v15 =	vadd.f32 v20, v16;
	v16 =	vld [tilespmem:s0+$0xFFFFFD30];
	v20 =	vmul.f32 v26, v5  }
0x27e: {  	v17 =	vadd.f32 v23, v17;
	v23 =	vld [tilespmem:s0+$0xFFFFFD40];
	v24 =	vmul.f32 v24, v5  }
0x27f: {  	v13 =	vadd.f32 v20, v13;
	v20 =	vld [tilespmem:s0+$0xFFFFFD50];
	v25 =	vmul.f32 v27, v5  }
0x280: {  	v19 =	vmul.f32 v19, v6;
	v12 =	vadd.f32 v24, v12;
	v24 =	vld [tilespmem:s0+$0xFFFFFD60]  }
0x281: {  	v21 =	vmul.f32 v21, v6;
	v22 =	vadd.f32 v25, v22;
	v25 =	vld [tilespmem:s0+$0xFFFFFD70]  }
0x282: {  	v18 =	vadd.f32 v19, v18;
	v19 =	vld [tilespmem:s0+$0xFFFFFD90];
	v16 =	vmul.f32 v16, v6  }
0x283: {  	v14 =	vadd.f32 v21, v14;
	v21 =	vld [tilespmem:s0+$0xFFFFFDA0];
	v23 =	vmul.f32 v23, v6  }
0x284: {  	v15 =	vadd.f32 v16, v15;
	v16 =	vld [tilespmem:s0+$0xFFFFFDB0];
	v20 =	vmul.f32 v20, v6  }
0x285: {  	v17 =	vadd.f32 v23, v17;
	v23 =	vld [tilespmem:s0+$0xFFFFFDC0];
	v24 =	vmul.f32 v24, v6  }
0x286: {  	v13 =	vadd.f32 v20, v13;
	v20 =	vld [tilespmem:s0+$0xFFFFFDD0];
	v25 =	vmul.f32 v25, v6  }
0x287: {  	v19 =	vmul.f32 v19, v7;
	v12 =	vadd.f32 v24, v12;
	v24 =	vld [tilespmem:s0+$0xFFFFFDE0]  }
0x288: {  	v21 =	vmul.f32 v21, v7;
	v22 =	vadd.f32 v25, v22;
	v25 =	vld [tilespmem:s0+$0xFFFFFDF0]  }
0x289: {  	v18 =	vadd.f32 v19, v18;
	v19 =	vld [tilespmem:s0+$0xFFFFFE10];
	v16 =	vmul.f32 v16, v7  }
0x28a: {  	v14 =	vadd.f32 v21, v14;
	v21 =	vld [tilespmem:s0+$0xFFFFFE20];
	v23 =	vmul.f32 v23, v7  }
0x28b: {  	v15 =	vadd.f32 v16, v15;
	v16 =	vld [tilespmem:s0+$0xFFFFFE30];
	v20 =	vmul.f32 v20, v7  }
0x28c: {  	v17 =	vadd.f32 v23, v17;
	v23 =	vld [tilespmem:s0+$0xFFFFFE40];
	v24 =	vmul.f32 v24, v7  }
0x28d: {  	v13 =	vadd.f32 v20, v13;
	v20 =	vld [tilespmem:s0+$0xFFFFFE50];
	v25 =	vmul.f32 v25, v7  }
0x28e: {  	v19 =	vmul.f32 v19, v8;
	v12 =	vadd.f32 v24, v12;
	v24 =	vld [tilespmem:s0+$0xFFFFFE60]  }
0x28f: {  	v21 =	vmul.f32 v21, v8;
	v22 =	vadd.f32 v25, v22;
	v25 =	vld [tilespmem:s0+$0xFFFFFE70]  }
0x290: {  	v18 =	vadd.f32 v19, v18;
	v19 =	vld [tilespmem:s0+$0xFFFFFE90];
	v16 =	vmul.f32 v16, v8  }
0x291: {  	v14 =	vadd.f32 v21, v14;
	v21 =	vld [tilespmem:s0+$0xFFFFFEA0];
	v23 =	vmul.f32 v23, v8  }
0x292: {  	v15 =	vadd.f32 v16, v15;
	v16 =	vld [tilespmem:s0+$0xFFFFFEB0];
	v20 =	vmul.f32 v20, v8  }
0x293: {  	v17 =	vadd.f32 v23, v17;
	v23 =	vld [tilespmem:s0+$0xFFFFFEC0];
	v24 =	vmul.f32 v24, v8  }
0x294: {  	v13 =	vadd.f32 v20, v13;
	v20 =	vld [tilespmem:s0+$0xFFFFFED0];
	v25 =	vmul.f32 v25, v8  }
0x295: {  	v19 =	vmul.f32 v19, v10;
	v12 =	vadd.f32 v24, v12;
	v24 =	vld [tilespmem:s0+$0xFFFFFEE0]  }
0x296: {  	v21 =	vmul.f32 v21, v10;
	v22 =	vadd.f32 v25, v22;
	v25 =	vld [tilespmem:s0+$0xFFFFFEF0]  }
0x297: {  	v18 =	vadd.f32 v19, v18;
	v19 =	vld [tilespmem:s0+$0xFFFFFF10];
	v16 =	vmul.f32 v16, v10  }
0x298: {  	v14 =	vadd.f32 v21, v14;
	v21 =	vld [tilespmem:s0+$0xFFFFFF20];
	v23 =	vmul.f32 v23, v10  }
0x299: {  	v26 =	vadd.f32 v16, v15;
	v16 =	vld [tilespmem:s0+$0xFFFFFF30];
	v15 =	vmul.f32 v20, v10  }
0x29a: {  	v20 =	vadd.f32 v23, v17;
	v17 =	vld [tilespmem:s0+$0xFFFFFF40];
	v23 =	vmul.f32 v24, v10  }
0x29b: {  	v13 =	vadd.f32 v15, v13;
	v24 =	vld [tilespmem:s0+$0xFFFFFF50];
	v15 =	vmul.f32 v25, v10  }
0x29c: {  	v19 =	vmul.f32 v19, v11;
	v23 =	vadd.f32 v23, v12;
	v12 =	vld [tilespmem:s0+$0xFFFFFF60]  }
0x29d: {  	v21 =	vmul.f32 v21, v11;
	v27 =	vadd.f32 v15, v22;
	v22 =	vld [tilespmem:s0+$0xFFFFFF70]  }
0x29e: {  	v15 =	vadd.f32 v19, v18;
	v25 =	vld [tilespmem:s0+$0xFFFFFF90];
	v18 =	vmul.f32 v16, v11  }
0x29f: {  	v16 =	vadd.f32 v21, v14;
	v28 =	vld [tilespmem:s0+$0xFFFFFFA0];
	v14 =	vmul.f32 v17, v11  }
.Ltmp3:
0x2a0: {  	v17 =	vadd.f32 v18, v26;
	v19 =	vld [tilespmem:s0+$0xFFFFFFB0];
	v24 =	vmul.f32 v24, v11;
	(pc) =	sbr.rel @p0 .LBB2_9-.Ltmp3, $4  }
0x2a1: {  	v18 =	vadd.f32 v14, v20;
	v21 =	vld [tilespmem:s0+$0xFFFFFFC0];
	v14 =	vmul.f32 v12, v11  }
0x2a2: {  	v12 =	vadd.f32 v24, v13;
	v20 =	vld [tilespmem:s0+$0xFFFFFFD0];
	v13 =	vmul.f32 v22, v11  }
0x2a3: {  	v24 =	vmul.f32 v25, v9;
	v14 =	vadd.f32 v14, v23;
	v22 =	vld [tilespmem:s0+$0xFFFFFFE0]  }
0x2a4: {  	v25 =	vmul.f32 v28, v9;
	v13 =	vadd.f32 v13, v27;
	v23 =	vld [tilespmem:s0+$0xFFFFFFF0];
	s0 =	sadd.s32 $0x400, s0  }
0x2a5: {  	v3 =	vadd.f32 v24, v15;
	v4 =	vmul.f32 v19, v9  }
0x2a6: {  	v5 =	vadd.f32 v25, v16;
	v6 =	vmul.f32 v21, v9  }
0x2a7: {  	[tilespmem:s30+$0xFFFFFF90] =	vst v3;
	v3 =	vadd.f32 v4, v17;
	v4 =	vmul.f32 v20, v9  }
0x2a8: {  	[tilespmem:s30+$0xFFFFFFA0] =	vst v5;
	v5 =	vadd.f32 v6, v18;
	v6 =	vmul.f32 v22, v9  }
0x2a9: {  	[tilespmem:s30+$0xFFFFFFB0] =	vst v3;
	v3 =	vadd.f32 v4, v12;
	v4 =	vmul.f32 v23, v9  }
0x2aa: {  	[tilespmem:s30+$0xFFFFFFC0] =	vst v5;
	v5 =	vadd.f32 v6, v14  }
0x2ab: {  	[tilespmem:s30+$0xFFFFFFD0] =	vst v3;
	v3 =	vadd.f32 v4, v13  }
0x2ac: {  	[tilespmem:s30+$0xFFFFFFE0] =	vst v5  }
0x2ad: {  	s0 =	sadd.s32 s24, s11;
	p0 =	seq.s32 s22, $0xF;
	[tilespmem:s30+$0xFFFFFFF0] =	vst v3  }
0x2ae: {  	[hbm4b:s0+s26] =	stream.strided.scatter [tilespmem:s17], [sflag:$0x6], $0x800, s16, s26, $0x38;
	[tilespmem:$0x11C00] =	vst v63  }
0x2af: {  	v3 =	vld @!p0 [tilespmem:s29+$0x40];
	_ =	sdelay $0x4  }
0x2b0: {  	v4 =	vshll.u32 @!p0 v3, $0x3  }
0x2b1: {  	v5 =	vlaneseq.u32 @!p0;
	v3 =	vand.u32 @!p0 $0x7, v3;
	v4 =	vand.u32 @!p0 $0xFFFFFFC0, v4  }
0x2b2: {  	v6 =	vshrl.u32 @!p0 v5, $0x3;
	v3 =	vor.u32 @!p0 v3, v4;
	v4 =	vand.u32 @!p0 $0x7, v5  }
0x2b3: {  	v6 =	vmul.u32 @!p0 $0x8, v6;
	v4 =	vperm.xlane @!p0 v3, v4;
	_ =	sdelay $0x1  }
0x2b4: {  	v4 =	vadd.s32 @!p0 v6, v4;
	_ =	sdelay $0x3  }
0x2b5: {  	vm1 =	vmmov @!p0 $0xffff;
	s1 =	simm.s32 @!p0 $0xC00;
	s0 =	simm.s32 @!p0 $0x0  }
0x2b6: {  	v5 =	vor.u32 @!p0 $0x8, v5;
	[tilespmem:s1], [sflag:$0x1] =	stream.indirect_vreg.gather @!p0 [hbm4b:s2+s0], $0x80, v4, vm1, $0xb8;
	[tilespmem:$0x11C00] =	vst v63  }
0x2b7: {  	v3 =	vperm.xlane @!p0 v3, v5;
	s1 =	simm.s32 @!p0 $0x1400  }
0x2b8: {  	[tilespmem:s1], [sflag:$0x1] =	stream.indirect_vreg.gather @!p0 [hbm4b:s8+s0], $0x80, v4, vm1, $0xb8;
	[tilespmem:$0x11C00] =	vst v63  }
0x2b9: {  	v3 =	vadd.s32 @!p0 v6, v3;
	s1 =	simm.s32 @!p0 $0x1C00  }
0x2ba: {  	[tilespmem:s1], [sflag:$0x1] =	stream.indirect_vreg.gather @!p0 [hbm4b:s9+s0], $0x80, v4, vm1, $0xb8;
	[tilespmem:$0x11C00] =	vst v63  }
0x2bb: {  	s1 =	simm.s32 @!p0 $0x2400  }
0x2bc: {  	[tilespmem:s1], [sflag:$0x1] =	stream.indirect_vreg.gather @!p0 [hbm4b:s10+s0], $0x80, v4, vm1, $0xb8;
	[tilespmem:$0x11C00] =	vst v63  }
0x2bd: {  	s1 =	simm.s32 @!p0 $0x2C00  }
0x2be: {  	[tilespmem:s1], [sflag:$0x1] =	stream.indirect_vreg.gather @!p0 [hbm4b:s2+s0], $0x80, v3, vm1, $0xb8;
	[tilespmem:$0x11C00] =	vst v63  }
0x2bf: {  	s1 =	simm.s32 @!p0 $0x3400  }
0x2c0: {  	[tilespmem:s1], [sflag:$0x1] =	stream.indirect_vreg.gather @!p0 [hbm4b:s8+s0], $0x80, v3, vm1, $0xb8;
	[tilespmem:$0x11C00] =	vst v63  }
0x2c1: {  	s1 =	simm.s32 @!p0 $0x3C00  }
0x2c2: {  	[tilespmem:s1], [sflag:$0x1] =	stream.indirect_vreg.gather @!p0 [hbm4b:s9+s0], $0x80, v3, vm1, $0xb8;
	[tilespmem:$0x11C00] =	vst v63  }
0x2c3: {  	s1 =	simm.s32 @!p0 $0x4400  }
0x2c4: {  	[tilespmem:s1], [sflag:$0x1] =	stream.indirect_vreg.gather @!p0 [hbm4b:s10+s0], $0x80, v3, vm1, $0xb8;
	[tilespmem:$0x11C00] =	vst v63  }
0x2c5: {  	_ =	swait.ge [sflag:s18], $0x4000  }
0x2c6: {  	[sflag:s18] =	ssyncset.done $0x0  }
0x2c7: {  	[sflag:s18] =	ssyncadd.s32 $0xFFFFC000  }
0x2c8: {  	_ =	swait.ge [sflag:s19], $0x800  }
0x2c9: {  	[sflag:s19] =	ssyncset.done $0x0  }
0x2ca: {  	[sflag:s19] =	ssyncadd.s32 $0xFFFFF800  }
0x2cb: {  	v4 =	vld [tilespmem:s23+$0x440];
	_ =	sdelay $0x3  }
0x2cc: {  	s0 =	simm.s32 $0x8FF0  }
0x2cd: {  	v5 =	vld [tilespmem:s0+$0xFFFFFC80];
	(v2sf) =	vpush v4, $0x0  }
0x2ce: {  	v9 =	vld [tilespmem:s0+$0xFFFFFC20]  }
0x2cf: {  	v6 =	vld [tilespmem:s0+$0xFFFFFD00];
	(v2sf) =	vpush v4, $0x1  }
0x2d0: {  	v12 =	vld [tilespmem:s0+$0xFFFFFC30]  }
0x2d1: {  	v7 =	vld [tilespmem:s0+$0xFFFFFD80];
	(v2sf) =	vpush v4, $0x2  }
0x2d2: {  	v13 =	vld [tilespmem:s0+$0xFFFFFC40]  }
0x2d3: {  	v8 =	vld [tilespmem:s0+$0xFFFFFE00];
	(v2sf) =	vpush v4, $0x3  }
0x2d4: {  	v14 =	vld [tilespmem:s0+$0xFFFFFC50]  }
0x2d5: {  	v10 =	vld [tilespmem:s0+$0xFFFFFE80];
	(v2sf) =	vpush v4, $0x4  }
0x2d6: {  	v15 =	vld [tilespmem:s0+$0xFFFFFC60]  }
0x2d7: {  	v16 =	vld [tilespmem:s0+$0xFFFFFF00];
	(v2sf) =	vpush v4, $0x5  }
0x2d8: {  	v17 =	vld [tilespmem:s0+$0xFFFFFC70]  }
0x2d9: {  	v18 =	vld [tilespmem:s0+$0xFFFFFF80];
	(v2sf) =	vpush v4, $0x6  }
0x2da: {  	v19 =	vld [tilespmem:s0+$0xFFFFFC10]  }
0x2db: {  	v20 =	vld [tilespmem:s0+$0x0];
	(v2sf) =	vpush v4, $0x7  }
0x2dc: {  	v21 =	vld [tilespmem:s0+$0xFFFFFC90];
	s1 =	spop (v2sf)  }
0x2dd: {  	v22 =	vld [tilespmem:s0+$0xFFFFFCA0];
	s1 =	smul.f32 $1.250000000e-01, s1  }
0x2de: {  	v23 =	vld [tilespmem:s0+$0xFFFFFCB0];
	s30 =	spop (v2sf)  }
0x2df: {  	v24 =	vld [tilespmem:s0+$0xFFFFFCC0];
	s30 =	smul.f32 $1.250000000e-01, s30;
	v3 =	vmov s1  }
0x2e0: {  	v25 =	vld [tilespmem:s0+$0xFFFFFCD0];
	v4 =	vbroadcast v4, $0x8;
	s1 =	spop (v2sf);
	v11 =	vmul.f32 v5, v3  }
0x2e1: {  	v27 =	vld [tilespmem:s0+$0xFFFFFCE0];
	s1 =	smul.f32 $1.250000000e-01, s1;
	v5 =	vmov s30  }
0x2e2: {  	v28 =	vld [tilespmem:s0+$0xFFFFFCF0];
	s30 =	spop (v2sf);
	v26 =	vmul.f32 v6, v5;
	v11 =	vadd.f32 v11, v4  }
0x2e3: {  	v29 =	vld [tilespmem:s0+$0xFFFFFD10];
	s30 =	smul.f32 $1.250000000e-01, s30;
	v6 =	vmov s1  }
0x2e4: {  	v30 =	vld [tilespmem:s0+$0xFFFFFD20];
	s1 =	spop (v2sf);
	v11 =	vadd.f32 v26, v11;
	v26 =	vmul.f32 v7, v6  }
0x2e5: {  	v31 =	vld [tilespmem:s0+$0xFFFFFD30];
	s1 =	smul.f32 $1.250000000e-01, s1;
	v7 =	vmov s30  }
0x2e6: {  	v32 =	vld [tilespmem:s0+$0xFFFFFD40];
	v36 =	vmul.f32 v9, v3;
	s31 =	spop (v2sf);
	v11 =	vadd.f32 v26, v11;
	v26 =	vmul.f32 v8, v7  }
0x2e7: {  	v34 =	vld [tilespmem:s0+$0xFFFFFD50];
	v12 =	vmul.f32 v12, v3;
	v13 =	vmul.f32 v13, v3;
	s31 =	smul.f32 $1.250000000e-01, s31;
	v8 =	vmov s1  }
0x2e8: {  	v35 =	vld [tilespmem:s0+$0xFFFFFD60];
	v19 =	vmul.f32 v19, v3;
	s30 =	spop (v2sf);
	v33 =	vmul.f32 v10, v8;
	v26 =	vadd.f32 v26, v11  }
0x2e9: {  	v48 =	vld [tilespmem:s0+$0xFFFFFD70];
	v14 =	vmul.f32 v14, v3;
	v15 =	vmul.f32 v15, v3;
	s30 =	smul.f32 $1.250000000e-01, s30;
	v10 =	vmov s31  }
0x2ea: {  	v37 =	vld [tilespmem:s0+$0xFFFFFD90];
	v17 =	vmul.f32 v17, v3;
	s1 =	spop (v2sf);
	v16 =	vmul.f32 v16, v10;
	v26 =	vadd.f32 v33, v26  }
0x2eb: {  	v38 =	vld [tilespmem:s0+$0xFFFFFDB0];
	v21 =	vmul.f32 v21, v5;
	v22 =	vmul.f32 v22, v5;
	s1 =	smul.f32 $1.250000000e-01, s1;
	v11 =	vmov s30  }
0x2ec: {  	v39 =	vld [tilespmem:s0+$0xFFFFFDD0];
	v36 =	vadd.f32 v36, v4;
	v18 =	vmul.f32 v18, v11;
	v16 =	vadd.f32 v16, v26  }
0x2ed: {  	v49 =	vld [tilespmem:s0+$0xFFFFFE30];
	v12 =	vadd.f32 v12, v4;
	v13 =	vadd.f32 v13, v4;
	v9 =	vmov s1  }
0x2ee: {  	v51 =	vld [tilespmem:s0+$0xFFFFFE50];
	v19 =	vadd.f32 v19, v4;
	v16 =	vadd.f32 v18, v16;
	v18 =	vmul.f32 v20, v9  }
0x2ef: {  	v53 =	vld [tilespmem:s0+$0xFFFFFE60];
	v14 =	vadd.f32 v14, v4;
	v15 =	vadd.f32 v15, v4;
	v50 =	vmul.f32 v30, v6  }
0x2f0: {  	v54 =	vld [tilespmem:s0+$0xFFFFFE70];
	v40 =	vadd.f32 v18, v16;
	v18 =	vadd.f32 v21, v19;
	v19 =	vmul.f32 v23, v5  }
0x2f1: {  	v17 =	vadd.f32 v17, v4;
	v52 =	vmul.f32 v34, v6;
	v20 =	vld [tilespmem:s0+$0xFFFFFDC0];
	v23 =	vmul.f32 v24, v5  }
0x2f2: {  	v55 =	vld [tilespmem:s0+$0xFFFFFE90];
	v22 =	vadd.f32 v22, v36;
	v12 =	vadd.f32 v19, v12;
	v19 =	vmul.f32 v25, v5  }
0x2f3: {  	v56 =	vmul.f32 v37, v7;
	v16 =	vld [tilespmem:s0+$0xFFFFFDE0];
	v13 =	vadd.f32 v23, v13;
	v23 =	vmul.f32 v28, v5  }
0x2f4: {  	v22 =	vadd.f32 v50, v22;
	v26 =	vld [tilespmem:s0+$0xFFFFFDA0];
	v14 =	vadd.f32 v19, v14;
	v19 =	vmul.f32 v29, v6  }
0x2f5: {  	v57 =	vld [tilespmem:s0+$0xFFFFFEB0];
	v25 =	vmul.f32 v27, v5;
	v17 =	vadd.f32 v23, v17;
	v23 =	vmul.f32 v31, v6  }
0x2f6: {  	v21 =	vld [tilespmem:s0+$0xFFFFFDF0];
	v20 =	vmul.f32 v20, v7;
	v18 =	vadd.f32 v19, v18;
	v19 =	vmul.f32 v32, v6  }
0x2f7: {  	v24 =	vld [tilespmem:s0+$0xFFFFFE10];
	v15 =	vadd.f32 v25, v15;
	v12 =	vadd.f32 v23, v12;
	v23 =	vmul.f32 v35, v6  }
0x2f8: {  	v27 =	vld [tilespmem:s0+$0xFFFFFE20];
	v16 =	vmul.f32 v16, v7;
	v13 =	vadd.f32 v19, v13;
	v19 =	vmul.f32 v48, v6  }
0x2f9: {  	v25 =	vld [tilespmem:s0+$0xFFFFFE40];
	v14 =	vadd.f32 v52, v14;
	v15 =	vadd.f32 v23, v15;
	v23 =	vmul.f32 v26, v7  }
0x2fa: {  	v58 =	vld [tilespmem:s0+$0xFFFFFEC0];
	v18 =	vadd.f32 v56, v18;
	v17 =	vadd.f32 v19, v17;
	v19 =	vmul.f32 v38, v7  }
0x2fb: {  	v59 =	vld [tilespmem:s0+$0xFFFFFF30];
	v22 =	vadd.f32 v23, v22;
	v23 =	vmul.f32 v39, v7;
	v13 =	vadd.f32 v20, v13  }
0x2fc: {  	v26 =	vld [tilespmem:s0+$0xFFFFFEA0];
	v20 =	vmul.f32 v21, v7;
	v21 =	vmul.f32 v24, v8;
	v15 =	vadd.f32 v16, v15  }
0x2fd: {  	v60 =	vld [tilespmem:s0+$0xFFFFFF40];
	v16 =	vmul.f32 v27, v8;
	v24 =	vmul.f32 v49, v8;
	v12 =	vadd.f32 v19, v12  }
0x2fe: {  	v27 =	vld [tilespmem:s0+$0xFFFFFEF0];
	v14 =	vadd.f32 v23, v14;
	v17 =	vadd.f32 v20, v17;
	v20 =	vmul.f32 v25, v8  }
0x2ff: {  	v19 =	vld [tilespmem:s0+$0xFFFFFED0];
	v18 =	vadd.f32 v21, v18;
	v16 =	vadd.f32 v16, v22;
	v22 =	vmul.f32 v51, v8  }
0x300: {  	v23 =	vld [tilespmem:s0+$0xFFFFFEE0];
	v25 =	vmul.f32 v54, v8;
	v13 =	vadd.f32 v20, v13;
	v20 =	vmul.f32 v53, v8  }
0x301: {  	v21 =	vld [tilespmem:s0+$0xFFFFFF10];
	v26 =	vmul.f32 v26, v10;
	v14 =	vadd.f32 v22, v14;
	v22 =	vmul.f32 v55, v10  }
0x302: {  	v12 =	vadd.f32 v24, v12;
	v24 =	vld [tilespmem:s0+$0xFFFFFF20];
	v15 =	vadd.f32 v20, v15;
	v20 =	vmul.f32 v57, v10  }
0x303: {  	v17 =	vadd.f32 v25, v17;
	v25 =	vld [tilespmem:s0+$0xFFFFFF50];
	v18 =	vadd.f32 v22, v18;
	v22 =	vmul.f32 v58, v10  }
0x304: {  	v16 =	vadd.f32 v26, v16;
	v26 =	vld [tilespmem:s0+$0xFFFFFF60];
	v19 =	vmul.f32 v19, v10;
	v12 =	vadd.f32 v20, v12  }
0x305: {  	v20 =	vmul.f32 v23, v10;
	v23 =	vld [tilespmem:s0+$0xFFFFFF70];
	v13 =	vadd.f32 v22, v13;
	v22 =	vmul.f32 v27, v10  }
0x306: {  	v21 =	vmul.f32 v21, v11;
	v27 =	vld [tilespmem:s0+$0xFFFFFF90];
	v14 =	vadd.f32 v19, v14  }
0x307: {  	v62 =	vld [tilespmem:s0+$0xFFFFFFA0];
	v61 =	vadd.f32 v20, v15;
	v20 =	vmul.f32 v24, v11;
	v63 =	vadd.f32 v22, v17  }
0x308: {  	v19 =	vld [tilespmem:s0+$0xFFFFFFB0];
	v15 =	vadd.f32 v21, v18;
	v17 =	vmul.f32 v59, v11;
	v18 =	vmul.f32 v60, v11  }
0x309: {  	v22 =	vmul.f32 v25, v11;
	v21 =	vld [tilespmem:s0+$0xFFFFFFC0];
	v25 =	vmul.f32 v26, v11  }
0x30a: {  	v16 =	vadd.f32 v20, v16;
	v17 =	vadd.f32 v17, v12;
	v20 =	vld [tilespmem:s0+$0xFFFFFFD0];
	v23 =	vmul.f32 v23, v11  }
0x30b: {  	s30 =	simm.s32 $0x10C40;
	v18 =	vadd.f32 v18, v13;
	v12 =	vadd.f32 v22, v14;
	v22 =	vld [tilespmem:s0+$0xFFFFFFE0];
	v24 =	vmul.f32 v27, v9  }
0x30c: {  	s31 =	simm.s32 $0x0;
	[tilespmem:s30+$0x30] =	vst v40;
	v14 =	vadd.f32 v25, v61;
	v25 =	vmul.f32 v62, v9;
	v13 =	vadd.f32 v23, v63;
	v23 =	vld [tilespmem:s0+$0xFFFFFFF0];
	s0 =	simm.s32 $0x93F0  }
.LBB2_11:
0x30d: {  	v26 =	vld [tilespmem:s0+$0xFFFFFC80];
	s31 =	sadd.s32 $0x8, s31;
	v15 =	vadd.f32 v24, v15;
	v19 =	vmul.f32 v19, v9  }
0x30e: {  	v24 =	vld [tilespmem:s0+$0xFFFFFC20];
	p1 =	slt.u32 s31, $0x38;
	v16 =	vadd.f32 v25, v16;
	v21 =	vmul.f32 v21, v9  }
0x30f: {  	v25 =	vld [tilespmem:s0+$0xFFFFFD00];
	[tilespmem:s30+$0xFFFFFFC0] =	vst v15;
	v15 =	vadd.f32 v19, v17;
	v17 =	vmul.f32 v20, v9  }
0x310: {  	v19 =	vld [tilespmem:s0+$0xFFFFFC30];
	[tilespmem:s30+$0xFFFFFFD0] =	vst v16;
	v16 =	vadd.f32 v21, v18;
	v18 =	vmul.f32 v22, v9  }
0x311: {  	v20 =	vld [tilespmem:s0+$0xFFFFFD80];
	[tilespmem:s30+$0xFFFFFFE0] =	vst v15;
	v12 =	vadd.f32 v17, v12;
	v15 =	vmul.f32 v23, v9  }
0x312: {  	v17 =	vld [tilespmem:s0+$0xFFFFFC40];
	v21 =	vmul.f32 v26, v3;
	[tilespmem:s30+$0xFFFFFFF0] =	vst v16;
	v14 =	vadd.f32 v18, v14  }
0x313: {  	v16 =	vmul.f32 v24, v3;
	v18 =	vld [tilespmem:s0+$0xFFFFFE00];
	[tilespmem:s30+$0x0] =	vst v12;
	v12 =	vadd.f32 v15, v13  }
0x314: {  	v13 =	vld [tilespmem:s0+$0xFFFFFC50];
	v15 =	vadd.f32 v21, v4;
	v21 =	vmul.f32 v25, v5;
	[tilespmem:s30+$0x10] =	vst v14  }
0x315: {  	v14 =	vadd.f32 v16, v4;
	v16 =	vmul.f32 v19, v3;
	v19 =	vld [tilespmem:s0+$0xFFFFFE80];
	[tilespmem:s30+$0x20] =	vst v12  }
0x316: {  	v12 =	vld [tilespmem:s0+$0xFFFFFC60];
	v15 =	vadd.f32 v21, v15;
	v20 =	vmul.f32 v20, v6  }
0x317: {  	v16 =	vadd.f32 v16, v4;
	v17 =	vmul.f32 v17, v3;
	v21 =	vld [tilespmem:s0+$0xFFFFFF00]  }
0x318: {  	v22 =	vld [tilespmem:s0+$0xFFFFFC70];
	v15 =	vadd.f32 v20, v15;
	v18 =	vmul.f32 v18, v7  }
0x319: {  	v17 =	vadd.f32 v17, v4;
	v13 =	vmul.f32 v13, v3;
	v20 =	vld [tilespmem:s0+$0xFFFFFF80]  }
0x31a: {  	v23 =	vld [tilespmem:s0+$0xFFFFFC10];
	v15 =	vadd.f32 v18, v15;
	v18 =	vmul.f32 v19, v8  }
0x31b: {  	v13 =	vadd.f32 v13, v4;
	v12 =	vmul.f32 v12, v3;
	v19 =	vld [tilespmem:s0+$0x0]  }
0x31c: {  	v24 =	vld [tilespmem:s0+$0xFFFFFC90];
	v15 =	vadd.f32 v18, v15;
	v18 =	vmul.f32 v21, v10  }
0x31d: {  	v21 =	vld [tilespmem:s0+$0xFFFFFCA0];
	v12 =	vadd.f32 v12, v4;
	v22 =	vmul.f32 v22, v3  }
0x31e: {  	v25 =	vld [tilespmem:s0+$0xFFFFFCB0];
	v15 =	vadd.f32 v18, v15;
	v18 =	vmul.f32 v20, v11  }
0x31f: {  	v20 =	vmul.f32 v23, v3;
	v23 =	vld [tilespmem:s0+$0xFFFFFCC0];
	v22 =	vadd.f32 v22, v4  }
0x320: {  	v26 =	vld [tilespmem:s0+$0xFFFFFCD0];
	v15 =	vadd.f32 v18, v15;
	v18 =	vmul.f32 v19, v9  }
0x321: {  	v19 =	vadd.f32 v20, v4;
	v20 =	vmul.f32 v24, v5;
	v24 =	vld [tilespmem:s0+$0xFFFFFCE0]  }
0x322: {  	v21 =	vmul.f32 v21, v5;
	v27 =	vld [tilespmem:s0+$0xFFFFFCF0];
	v15 =	vadd.f32 v18, v15  }
0x323: {  	s30 =	sadd.s32 $0x100, s30;
	v18 =	vadd.f32 v20, v19;
	v19 =	vld [tilespmem:s0+$0xFFFFFD10];
	v20 =	vmul.f32 v25, v5  }
0x324: {  	v14 =	vadd.f32 v21, v14;
	v21 =	vld [tilespmem:s0+$0xFFFFFD20];
	v23 =	vmul.f32 v23, v5;
	[tilespmem:s30+$0x30] =	vst v15  }
0x325: {  	v15 =	vadd.f32 v20, v16;
	v16 =	vld [tilespmem:s0+$0xFFFFFD30];
	v20 =	vmul.f32 v26, v5  }
0x326: {  	v17 =	vadd.f32 v23, v17;
	v23 =	vld [tilespmem:s0+$0xFFFFFD40];
	v24 =	vmul.f32 v24, v5  }
0x327: {  	v13 =	vadd.f32 v20, v13;
	v20 =	vld [tilespmem:s0+$0xFFFFFD50];
	v25 =	vmul.f32 v27, v5  }
0x328: {  	v19 =	vmul.f32 v19, v6;
	v12 =	vadd.f32 v24, v12;
	v24 =	vld [tilespmem:s0+$0xFFFFFD60]  }
0x329: {  	v21 =	vmul.f32 v21, v6;
	v22 =	vadd.f32 v25, v22;
	v25 =	vld [tilespmem:s0+$0xFFFFFD70]  }
0x32a: {  	v18 =	vadd.f32 v19, v18;
	v19 =	vld [tilespmem:s0+$0xFFFFFD90];
	v16 =	vmul.f32 v16, v6  }
0x32b: {  	v14 =	vadd.f32 v21, v14;
	v21 =	vld [tilespmem:s0+$0xFFFFFDA0];
	v23 =	vmul.f32 v23, v6  }
0x32c: {  	v15 =	vadd.f32 v16, v15;
	v16 =	vld [tilespmem:s0+$0xFFFFFDB0];
	v20 =	vmul.f32 v20, v6  }
0x32d: {  	v17 =	vadd.f32 v23, v17;
	v23 =	vld [tilespmem:s0+$0xFFFFFDC0];
	v24 =	vmul.f32 v24, v6  }
0x32e: {  	v13 =	vadd.f32 v20, v13;
	v20 =	vld [tilespmem:s0+$0xFFFFFDD0];
	v25 =	vmul.f32 v25, v6  }
0x32f: {  	v19 =	vmul.f32 v19, v7;
	v12 =	vadd.f32 v24, v12;
	v24 =	vld [tilespmem:s0+$0xFFFFFDE0]  }
0x330: {  	v21 =	vmul.f32 v21, v7;
	v22 =	vadd.f32 v25, v22;
	v25 =	vld [tilespmem:s0+$0xFFFFFDF0]  }
0x331: {  	v18 =	vadd.f32 v19, v18;
	v19 =	vld [tilespmem:s0+$0xFFFFFE10];
	v16 =	vmul.f32 v16, v7  }
0x332: {  	v14 =	vadd.f32 v21, v14;
	v21 =	vld [tilespmem:s0+$0xFFFFFE20];
	v23 =	vmul.f32 v23, v7  }
0x333: {  	v15 =	vadd.f32 v16, v15;
	v16 =	vld [tilespmem:s0+$0xFFFFFE30];
	v20 =	vmul.f32 v20, v7  }
0x334: {  	v17 =	vadd.f32 v23, v17;
	v23 =	vld [tilespmem:s0+$0xFFFFFE40];
	v24 =	vmul.f32 v24, v7  }
0x335: {  	v13 =	vadd.f32 v20, v13;
	v20 =	vld [tilespmem:s0+$0xFFFFFE50];
	v25 =	vmul.f32 v25, v7  }
0x336: {  	v19 =	vmul.f32 v19, v8;
	v12 =	vadd.f32 v24, v12;
	v24 =	vld [tilespmem:s0+$0xFFFFFE60]  }
0x337: {  	v21 =	vmul.f32 v21, v8;
	v22 =	vadd.f32 v25, v22;
	v25 =	vld [tilespmem:s0+$0xFFFFFE70]  }
0x338: {  	v18 =	vadd.f32 v19, v18;
	v19 =	vld [tilespmem:s0+$0xFFFFFE90];
	v16 =	vmul.f32 v16, v8  }
0x339: {  	v14 =	vadd.f32 v21, v14;
	v21 =	vld [tilespmem:s0+$0xFFFFFEA0];
	v23 =	vmul.f32 v23, v8  }
0x33a: {  	v15 =	vadd.f32 v16, v15;
	v16 =	vld [tilespmem:s0+$0xFFFFFEB0];
	v20 =	vmul.f32 v20, v8  }
0x33b: {  	v17 =	vadd.f32 v23, v17;
	v23 =	vld [tilespmem:s0+$0xFFFFFEC0];
	v24 =	vmul.f32 v24, v8  }
0x33c: {  	v13 =	vadd.f32 v20, v13;
	v20 =	vld [tilespmem:s0+$0xFFFFFED0];
	v25 =	vmul.f32 v25, v8  }
0x33d: {  	v19 =	vmul.f32 v19, v10;
	v12 =	vadd.f32 v24, v12;
	v24 =	vld [tilespmem:s0+$0xFFFFFEE0]  }
0x33e: {  	v21 =	vmul.f32 v21, v10;
	v22 =	vadd.f32 v25, v22;
	v25 =	vld [tilespmem:s0+$0xFFFFFEF0]  }
0x33f: {  	v18 =	vadd.f32 v19, v18;
	v19 =	vld [tilespmem:s0+$0xFFFFFF10];
	v16 =	vmul.f32 v16, v10  }
0x340: {  	v14 =	vadd.f32 v21, v14;
	v21 =	vld [tilespmem:s0+$0xFFFFFF20];
	v23 =	vmul.f32 v23, v10  }
0x341: {  	v26 =	vadd.f32 v16, v15;
	v16 =	vld [tilespmem:s0+$0xFFFFFF30];
	v15 =	vmul.f32 v20, v10  }
0x342: {  	v20 =	vadd.f32 v23, v17;
	v17 =	vld [tilespmem:s0+$0xFFFFFF40];
	v23 =	vmul.f32 v24, v10  }
0x343: {  	v13 =	vadd.f32 v15, v13;
	v24 =	vld [tilespmem:s0+$0xFFFFFF50];
	v15 =	vmul.f32 v25, v10  }
0x344: {  	v19 =	vmul.f32 v19, v11;
	v23 =	vadd.f32 v23, v12;
	v12 =	vld [tilespmem:s0+$0xFFFFFF60]  }
0x345: {  	v21 =	vmul.f32 v21, v11;
	v27 =	vadd.f32 v15, v22;
	v22 =	vld [tilespmem:s0+$0xFFFFFF70]  }
0x346: {  	v15 =	vadd.f32 v19, v18;
	v25 =	vld [tilespmem:s0+$0xFFFFFF90];
	v18 =	vmul.f32 v16, v11  }
0x347: {  	v16 =	vadd.f32 v21, v14;
	v28 =	vld [tilespmem:s0+$0xFFFFFFA0];
	v14 =	vmul.f32 v17, v11  }
.Ltmp4:
0x348: {  	v17 =	vadd.f32 v18, v26;
	v19 =	vld [tilespmem:s0+$0xFFFFFFB0];
	v24 =	vmul.f32 v24, v11;
	(pc) =	sbr.rel @p1 .LBB2_11-.Ltmp4, $4  }
0x349: {  	v18 =	vadd.f32 v14, v20;
	v21 =	vld [tilespmem:s0+$0xFFFFFFC0];
	v14 =	vmul.f32 v12, v11  }
0x34a: {  	v12 =	vadd.f32 v24, v13;
	v20 =	vld [tilespmem:s0+$0xFFFFFFD0];
	v13 =	vmul.f32 v22, v11  }
0x34b: {  	v24 =	vmul.f32 v25, v9;
	v14 =	vadd.f32 v14, v23;
	v22 =	vld [tilespmem:s0+$0xFFFFFFE0]  }
0x34c: {  	v25 =	vmul.f32 v28, v9;
	v13 =	vadd.f32 v13, v27;
	v23 =	vld [tilespmem:s0+$0xFFFFFFF0];
	s0 =	sadd.s32 $0x400, s0  }
0x34d: {  	v3 =	vadd.f32 v24, v15;
	v4 =	vmul.f32 v19, v9  }
0x34e: {  	v5 =	vadd.f32 v25, v16;
	v6 =	vmul.f32 v21, v9  }
0x34f: {  	[tilespmem:s30+$0xFFFFFFC0] =	vst v3;
	v3 =	vadd.f32 v4, v17;
	v4 =	vmul.f32 v20, v9  }
0x350: {  	[tilespmem:s30+$0xFFFFFFD0] =	vst v5;
	v5 =	vadd.f32 v6, v18;
	v6 =	vmul.f32 v22, v9  }
0x351: {  	[tilespmem:s30+$0xFFFFFFE0] =	vst v3;
	v3 =	vadd.f32 v4, v12;
	v4 =	vmul.f32 v23, v9  }
0x352: {  	[tilespmem:s30+$0xFFFFFFF0] =	vst v5;
	v5 =	vadd.f32 v6, v14  }
0x353: {  	[tilespmem:s30+$0x0] =	vst v3;
	v3 =	vadd.f32 v4, v13  }
0x354: {  	[tilespmem:s30+$0x10] =	vst v5  }
0x355: {  	[tilespmem:s30+$0x20] =	vst v3  }
0x356: {  	v4 =	vld [tilespmem:s23+$0x450];
	_ =	sdelay $0x3  }
0x357: {  	s0 =	simm.s32 $0xAFF0  }
0x358: {  	v5 =	vld [tilespmem:s0+$0xFFFFFC80];
	(v2sf) =	vpush v4, $0x0  }
0x359: {  	v9 =	vld [tilespmem:s0+$0xFFFFFC20]  }
0x35a: {  	v6 =	vld [tilespmem:s0+$0xFFFFFD00];
	(v2sf) =	vpush v4, $0x1  }
0x35b: {  	v12 =	vld [tilespmem:s0+$0xFFFFFC30]  }
0x35c: {  	v7 =	vld [tilespmem:s0+$0xFFFFFD80];
	(v2sf) =	vpush v4, $0x2  }
0x35d: {  	v13 =	vld [tilespmem:s0+$0xFFFFFC40]  }
0x35e: {  	v8 =	vld [tilespmem:s0+$0xFFFFFE00];
	(v2sf) =	vpush v4, $0x3  }
0x35f: {  	v14 =	vld [tilespmem:s0+$0xFFFFFC50]  }
0x360: {  	v10 =	vld [tilespmem:s0+$0xFFFFFE80];
	(v2sf) =	vpush v4, $0x4  }
0x361: {  	v15 =	vld [tilespmem:s0+$0xFFFFFC60]  }
0x362: {  	v16 =	vld [tilespmem:s0+$0xFFFFFF00];
	(v2sf) =	vpush v4, $0x5  }
0x363: {  	v17 =	vld [tilespmem:s0+$0xFFFFFC70]  }
0x364: {  	v18 =	vld [tilespmem:s0+$0xFFFFFF80];
	(v2sf) =	vpush v4, $0x6  }
0x365: {  	v19 =	vld [tilespmem:s0+$0xFFFFFC10]  }
0x366: {  	v20 =	vld [tilespmem:s0+$0x0];
	(v2sf) =	vpush v4, $0x7  }
0x367: {  	v21 =	vld [tilespmem:s0+$0xFFFFFC90];
	s1 =	spop (v2sf)  }
0x368: {  	v22 =	vld [tilespmem:s0+$0xFFFFFCA0];
	s1 =	smul.f32 $1.250000000e-01, s1  }
0x369: {  	v23 =	vld [tilespmem:s0+$0xFFFFFCB0];
	s30 =	spop (v2sf)  }
0x36a: {  	v24 =	vld [tilespmem:s0+$0xFFFFFCC0];
	s30 =	smul.f32 $1.250000000e-01, s30;
	v3 =	vmov s1  }
0x36b: {  	v25 =	vld [tilespmem:s0+$0xFFFFFCD0];
	v4 =	vbroadcast v4, $0x8;
	s1 =	spop (v2sf);
	v11 =	vmul.f32 v5, v3  }
0x36c: {  	v27 =	vld [tilespmem:s0+$0xFFFFFCE0];
	s1 =	smul.f32 $1.250000000e-01, s1;
	v5 =	vmov s30  }
0x36d: {  	v28 =	vld [tilespmem:s0+$0xFFFFFCF0];
	s30 =	spop (v2sf);
	v26 =	vmul.f32 v6, v5;
	v11 =	vadd.f32 v11, v4  }
0x36e: {  	v29 =	vld [tilespmem:s0+$0xFFFFFD10];
	s30 =	smul.f32 $1.250000000e-01, s30;
	v6 =	vmov s1  }
0x36f: {  	v30 =	vld [tilespmem:s0+$0xFFFFFD20];
	s1 =	spop (v2sf);
	v11 =	vadd.f32 v26, v11;
	v26 =	vmul.f32 v7, v6  }
0x370: {  	v31 =	vld [tilespmem:s0+$0xFFFFFD30];
	s1 =	smul.f32 $1.250000000e-01, s1;
	v7 =	vmov s30  }
0x371: {  	v32 =	vld [tilespmem:s0+$0xFFFFFD40];
	v36 =	vmul.f32 v9, v3;
	s31 =	spop (v2sf);
	v11 =	vadd.f32 v26, v11;
	v26 =	vmul.f32 v8, v7  }
0x372: {  	v34 =	vld [tilespmem:s0+$0xFFFFFD50];
	v12 =	vmul.f32 v12, v3;
	v13 =	vmul.f32 v13, v3;
	s31 =	smul.f32 $1.250000000e-01, s31;
	v8 =	vmov s1  }
0x373: {  	v35 =	vld [tilespmem:s0+$0xFFFFFD60];
	v19 =	vmul.f32 v19, v3;
	s30 =	spop (v2sf);
	v33 =	vmul.f32 v10, v8;
	v26 =	vadd.f32 v26, v11  }
0x374: {  	v48 =	vld [tilespmem:s0+$0xFFFFFD70];
	v14 =	vmul.f32 v14, v3;
	v15 =	vmul.f32 v15, v3;
	s30 =	smul.f32 $1.250000000e-01, s30;
	v10 =	vmov s31  }
0x375: {  	v37 =	vld [tilespmem:s0+$0xFFFFFD90];
	v17 =	vmul.f32 v17, v3;
	s1 =	spop (v2sf);
	v16 =	vmul.f32 v16, v10;
	v26 =	vadd.f32 v33, v26  }
0x376: {  	v38 =	vld [tilespmem:s0+$0xFFFFFDB0];
	v21 =	vmul.f32 v21, v5;
	v22 =	vmul.f32 v22, v5;
	s1 =	smul.f32 $1.250000000e-01, s1;
	v11 =	vmov s30  }
0x377: {  	v39 =	vld [tilespmem:s0+$0xFFFFFDD0];
	v36 =	vadd.f32 v36, v4;
	v18 =	vmul.f32 v18, v11;
	v16 =	vadd.f32 v16, v26  }
0x378: {  	v49 =	vld [tilespmem:s0+$0xFFFFFE30];
	v12 =	vadd.f32 v12, v4;
	v13 =	vadd.f32 v13, v4;
	v9 =	vmov s1  }
0x379: {  	v51 =	vld [tilespmem:s0+$0xFFFFFE50];
	v19 =	vadd.f32 v19, v4;
	v16 =	vadd.f32 v18, v16;
	v18 =	vmul.f32 v20, v9  }
0x37a: {  	v53 =	vld [tilespmem:s0+$0xFFFFFE60];
	v14 =	vadd.f32 v14, v4;
	v15 =	vadd.f32 v15, v4;
	v50 =	vmul.f32 v30, v6  }
0x37b: {  	v54 =	vld [tilespmem:s0+$0xFFFFFE70];
	v40 =	vadd.f32 v18, v16;
	v18 =	vadd.f32 v21, v19;
	v19 =	vmul.f32 v23, v5  }
0x37c: {  	v17 =	vadd.f32 v17, v4;
	v52 =	vmul.f32 v34, v6;
	v20 =	vld [tilespmem:s0+$0xFFFFFDC0];
	v23 =	vmul.f32 v24, v5  }
0x37d: {  	v55 =	vld [tilespmem:s0+$0xFFFFFE90];
	v22 =	vadd.f32 v22, v36;
	v12 =	vadd.f32 v19, v12;
	v19 =	vmul.f32 v25, v5  }
0x37e: {  	v56 =	vmul.f32 v37, v7;
	v16 =	vld [tilespmem:s0+$0xFFFFFDE0];
	v13 =	vadd.f32 v23, v13;
	v23 =	vmul.f32 v28, v5  }
0x37f: {  	v22 =	vadd.f32 v50, v22;
	v26 =	vld [tilespmem:s0+$0xFFFFFDA0];
	v14 =	vadd.f32 v19, v14;
	v19 =	vmul.f32 v29, v6  }
0x380: {  	v57 =	vld [tilespmem:s0+$0xFFFFFEB0];
	v25 =	vmul.f32 v27, v5;
	v17 =	vadd.f32 v23, v17;
	v23 =	vmul.f32 v31, v6  }
0x381: {  	v21 =	vld [tilespmem:s0+$0xFFFFFDF0];
	v20 =	vmul.f32 v20, v7;
	v18 =	vadd.f32 v19, v18;
	v19 =	vmul.f32 v32, v6  }
0x382: {  	v24 =	vld [tilespmem:s0+$0xFFFFFE10];
	v15 =	vadd.f32 v25, v15;
	v12 =	vadd.f32 v23, v12;
	v23 =	vmul.f32 v35, v6  }
0x383: {  	v27 =	vld [tilespmem:s0+$0xFFFFFE20];
	v16 =	vmul.f32 v16, v7;
	v13 =	vadd.f32 v19, v13;
	v19 =	vmul.f32 v48, v6  }
0x384: {  	v25 =	vld [tilespmem:s0+$0xFFFFFE40];
	v14 =	vadd.f32 v52, v14;
	v15 =	vadd.f32 v23, v15;
	v23 =	vmul.f32 v26, v7  }
0x385: {  	v58 =	vld [tilespmem:s0+$0xFFFFFEC0];
	v18 =	vadd.f32 v56, v18;
	v17 =	vadd.f32 v19, v17;
	v19 =	vmul.f32 v38, v7  }
0x386: {  	v59 =	vld [tilespmem:s0+$0xFFFFFF30];
	v22 =	vadd.f32 v23, v22;
	v23 =	vmul.f32 v39, v7;
	v13 =	vadd.f32 v20, v13  }
0x387: {  	v26 =	vld [tilespmem:s0+$0xFFFFFEA0];
	v20 =	vmul.f32 v21, v7;
	v21 =	vmul.f32 v24, v8;
	v15 =	vadd.f32 v16, v15  }
0x388: {  	v60 =	vld [tilespmem:s0+$0xFFFFFF40];
	v16 =	vmul.f32 v27, v8;
	v24 =	vmul.f32 v49, v8;
	v12 =	vadd.f32 v19, v12  }
0x389: {  	v27 =	vld [tilespmem:s0+$0xFFFFFEF0];
	v14 =	vadd.f32 v23, v14;
	v17 =	vadd.f32 v20, v17;
	v20 =	vmul.f32 v25, v8  }
0x38a: {  	v19 =	vld [tilespmem:s0+$0xFFFFFED0];
	v18 =	vadd.f32 v21, v18;
	v16 =	vadd.f32 v16, v22;
	v22 =	vmul.f32 v51, v8  }
0x38b: {  	v23 =	vld [tilespmem:s0+$0xFFFFFEE0];
	v25 =	vmul.f32 v54, v8;
	v13 =	vadd.f32 v20, v13;
	v20 =	vmul.f32 v53, v8  }
0x38c: {  	v21 =	vld [tilespmem:s0+$0xFFFFFF10];
	v26 =	vmul.f32 v26, v10;
	v14 =	vadd.f32 v22, v14;
	v22 =	vmul.f32 v55, v10  }
0x38d: {  	v12 =	vadd.f32 v24, v12;
	v24 =	vld [tilespmem:s0+$0xFFFFFF20];
	v15 =	vadd.f32 v20, v15;
	v20 =	vmul.f32 v57, v10  }
0x38e: {  	v17 =	vadd.f32 v25, v17;
	v25 =	vld [tilespmem:s0+$0xFFFFFF50];
	v18 =	vadd.f32 v22, v18;
	v22 =	vmul.f32 v58, v10  }
0x38f: {  	v16 =	vadd.f32 v26, v16;
	v26 =	vld [tilespmem:s0+$0xFFFFFF60];
	v19 =	vmul.f32 v19, v10;
	v12 =	vadd.f32 v20, v12  }
0x390: {  	v20 =	vmul.f32 v23, v10;
	v23 =	vld [tilespmem:s0+$0xFFFFFF70];
	v13 =	vadd.f32 v22, v13;
	v22 =	vmul.f32 v27, v10  }
0x391: {  	v21 =	vmul.f32 v21, v11;
	v27 =	vld [tilespmem:s0+$0xFFFFFF90];
	v14 =	vadd.f32 v19, v14  }
0x392: {  	v62 =	vld [tilespmem:s0+$0xFFFFFFA0];
	v61 =	vadd.f32 v20, v15;
	v20 =	vmul.f32 v24, v11;
	v63 =	vadd.f32 v22, v17  }
0x393: {  	v19 =	vld [tilespmem:s0+$0xFFFFFFB0];
	v15 =	vadd.f32 v21, v18;
	v17 =	vmul.f32 v59, v11;
	v18 =	vmul.f32 v60, v11  }
0x394: {  	v22 =	vmul.f32 v25, v11;
	v21 =	vld [tilespmem:s0+$0xFFFFFFC0];
	v25 =	vmul.f32 v26, v11  }
0x395: {  	v16 =	vadd.f32 v20, v16;
	v17 =	vadd.f32 v17, v12;
	v20 =	vld [tilespmem:s0+$0xFFFFFFD0];
	v23 =	vmul.f32 v23, v11  }
0x396: {  	s30 =	simm.s32 $0x10CF0;
	v18 =	vadd.f32 v18, v13;
	v12 =	vadd.f32 v22, v14;
	v22 =	vld [tilespmem:s0+$0xFFFFFFE0];
	v24 =	vmul.f32 v27, v9  }
0x397: {  	s31 =	simm.s32 $0x0;
	[tilespmem:s30+$0x0] =	vst v40;
	v14 =	vadd.f32 v25, v61;
	v25 =	vmul.f32 v62, v9;
	v13 =	vadd.f32 v23, v63;
	v23 =	vld [tilespmem:s0+$0xFFFFFFF0];
	s0 =	simm.s32 $0xB3F0  }
.LBB2_13:
0x398: {  	v26 =	vld [tilespmem:s0+$0xFFFFFC80];
	s31 =	sadd.s32 $0x8, s31;
	v15 =	vadd.f32 v24, v15;
	v19 =	vmul.f32 v19, v9  }
0x399: {  	v24 =	vld [tilespmem:s0+$0xFFFFFC20];
	p1 =	slt.u32 s31, $0x38;
	v16 =	vadd.f32 v25, v16;
	v21 =	vmul.f32 v21, v9  }
0x39a: {  	v25 =	vld [tilespmem:s0+$0xFFFFFD00];
	[tilespmem:s30+$0xFFFFFF90] =	vst v15;
	v15 =	vadd.f32 v19, v17;
	v17 =	vmul.f32 v20, v9  }
0x39b: {  	v19 =	vld [tilespmem:s0+$0xFFFFFC30];
	[tilespmem:s30+$0xFFFFFFA0] =	vst v16;
	v16 =	vadd.f32 v21, v18;
	v18 =	vmul.f32 v22, v9  }
0x39c: {  	v20 =	vld [tilespmem:s0+$0xFFFFFD80];
	[tilespmem:s30+$0xFFFFFFB0] =	vst v15;
	v12 =	vadd.f32 v17, v12;
	v15 =	vmul.f32 v23, v9  }
0x39d: {  	v17 =	vld [tilespmem:s0+$0xFFFFFC40];
	v21 =	vmul.f32 v26, v3;
	[tilespmem:s30+$0xFFFFFFC0] =	vst v16;
	v14 =	vadd.f32 v18, v14  }
0x39e: {  	v16 =	vmul.f32 v24, v3;
	v18 =	vld [tilespmem:s0+$0xFFFFFE00];
	[tilespmem:s30+$0xFFFFFFD0] =	vst v12;
	v12 =	vadd.f32 v15, v13  }
0x39f: {  	v13 =	vld [tilespmem:s0+$0xFFFFFC50];
	v15 =	vadd.f32 v21, v4;
	v21 =	vmul.f32 v25, v5;
	[tilespmem:s30+$0xFFFFFFE0] =	vst v14  }
0x3a0: {  	v14 =	vadd.f32 v16, v4;
	v16 =	vmul.f32 v19, v3;
	v19 =	vld [tilespmem:s0+$0xFFFFFE80];
	[tilespmem:s30+$0xFFFFFFF0] =	vst v12  }
0x3a1: {  	v12 =	vld [tilespmem:s0+$0xFFFFFC60];
	v15 =	vadd.f32 v21, v15;
	v20 =	vmul.f32 v20, v6  }
0x3a2: {  	v16 =	vadd.f32 v16, v4;
	v17 =	vmul.f32 v17, v3;
	v21 =	vld [tilespmem:s0+$0xFFFFFF00]  }
0x3a3: {  	v22 =	vld [tilespmem:s0+$0xFFFFFC70];
	v15 =	vadd.f32 v20, v15;
	v18 =	vmul.f32 v18, v7  }
0x3a4: {  	v17 =	vadd.f32 v17, v4;
	v13 =	vmul.f32 v13, v3;
	v20 =	vld [tilespmem:s0+$0xFFFFFF80]  }
0x3a5: {  	v23 =	vld [tilespmem:s0+$0xFFFFFC10];
	v15 =	vadd.f32 v18, v15;
	v18 =	vmul.f32 v19, v8  }
0x3a6: {  	v13 =	vadd.f32 v13, v4;
	v12 =	vmul.f32 v12, v3;
	v19 =	vld [tilespmem:s0+$0x0]  }
0x3a7: {  	v24 =	vld [tilespmem:s0+$0xFFFFFC90];
	v15 =	vadd.f32 v18, v15;
	v18 =	vmul.f32 v21, v10  }
0x3a8: {  	v21 =	vld [tilespmem:s0+$0xFFFFFCA0];
	v12 =	vadd.f32 v12, v4;
	v22 =	vmul.f32 v22, v3  }
0x3a9: {  	v25 =	vld [tilespmem:s0+$0xFFFFFCB0];
	v15 =	vadd.f32 v18, v15;
	v18 =	vmul.f32 v20, v11  }
0x3aa: {  	v20 =	vmul.f32 v23, v3;
	v23 =	vld [tilespmem:s0+$0xFFFFFCC0];
	v22 =	vadd.f32 v22, v4  }
0x3ab: {  	v26 =	vld [tilespmem:s0+$0xFFFFFCD0];
	v15 =	vadd.f32 v18, v15;
	v18 =	vmul.f32 v19, v9  }
0x3ac: {  	v19 =	vadd.f32 v20, v4;
	v20 =	vmul.f32 v24, v5;
	v24 =	vld [tilespmem:s0+$0xFFFFFCE0]  }
0x3ad: {  	v21 =	vmul.f32 v21, v5;
	v27 =	vld [tilespmem:s0+$0xFFFFFCF0];
	v15 =	vadd.f32 v18, v15  }
0x3ae: {  	s30 =	sadd.s32 $0x100, s30;
	v18 =	vadd.f32 v20, v19;
	v19 =	vld [tilespmem:s0+$0xFFFFFD10];
	v20 =	vmul.f32 v25, v5  }
0x3af: {  	v14 =	vadd.f32 v21, v14;
	v21 =	vld [tilespmem:s0+$0xFFFFFD20];
	v23 =	vmul.f32 v23, v5;
	[tilespmem:s30+$0x0] =	vst v15  }
0x3b0: {  	v15 =	vadd.f32 v20, v16;
	v16 =	vld [tilespmem:s0+$0xFFFFFD30];
	v20 =	vmul.f32 v26, v5  }
0x3b1: {  	v17 =	vadd.f32 v23, v17;
	v23 =	vld [tilespmem:s0+$0xFFFFFD40];
	v24 =	vmul.f32 v24, v5  }
0x3b2: {  	v13 =	vadd.f32 v20, v13;
	v20 =	vld [tilespmem:s0+$0xFFFFFD50];
	v25 =	vmul.f32 v27, v5  }
0x3b3: {  	v19 =	vmul.f32 v19, v6;
	v12 =	vadd.f32 v24, v12;
	v24 =	vld [tilespmem:s0+$0xFFFFFD60]  }
0x3b4: {  	v21 =	vmul.f32 v21, v6;
	v22 =	vadd.f32 v25, v22;
	v25 =	vld [tilespmem:s0+$0xFFFFFD70]  }
0x3b5: {  	v18 =	vadd.f32 v19, v18;
	v19 =	vld [tilespmem:s0+$0xFFFFFD90];
	v16 =	vmul.f32 v16, v6  }
0x3b6: {  	v14 =	vadd.f32 v21, v14;
	v21 =	vld [tilespmem:s0+$0xFFFFFDA0];
	v23 =	vmul.f32 v23, v6  }
0x3b7: {  	v15 =	vadd.f32 v16, v15;
	v16 =	vld [tilespmem:s0+$0xFFFFFDB0];
	v20 =	vmul.f32 v20, v6  }
0x3b8: {  	v17 =	vadd.f32 v23, v17;
	v23 =	vld [tilespmem:s0+$0xFFFFFDC0];
	v24 =	vmul.f32 v24, v6  }
0x3b9: {  	v13 =	vadd.f32 v20, v13;
	v20 =	vld [tilespmem:s0+$0xFFFFFDD0];
	v25 =	vmul.f32 v25, v6  }
0x3ba: {  	v19 =	vmul.f32 v19, v7;
	v12 =	vadd.f32 v24, v12;
	v24 =	vld [tilespmem:s0+$0xFFFFFDE0]  }
0x3bb: {  	v21 =	vmul.f32 v21, v7;
	v22 =	vadd.f32 v25, v22;
	v25 =	vld [tilespmem:s0+$0xFFFFFDF0]  }
0x3bc: {  	v18 =	vadd.f32 v19, v18;
	v19 =	vld [tilespmem:s0+$0xFFFFFE10];
	v16 =	vmul.f32 v16, v7  }
0x3bd: {  	v14 =	vadd.f32 v21, v14;
	v21 =	vld [tilespmem:s0+$0xFFFFFE20];
	v23 =	vmul.f32 v23, v7  }
0x3be: {  	v15 =	vadd.f32 v16, v15;
	v16 =	vld [tilespmem:s0+$0xFFFFFE30];
	v20 =	vmul.f32 v20, v7  }
0x3bf: {  	v17 =	vadd.f32 v23, v17;
	v23 =	vld [tilespmem:s0+$0xFFFFFE40];
	v24 =	vmul.f32 v24, v7  }
0x3c0: {  	v13 =	vadd.f32 v20, v13;
	v20 =	vld [tilespmem:s0+$0xFFFFFE50];
	v25 =	vmul.f32 v25, v7  }
0x3c1: {  	v19 =	vmul.f32 v19, v8;
	v12 =	vadd.f32 v24, v12;
	v24 =	vld [tilespmem:s0+$0xFFFFFE60]  }
0x3c2: {  	v21 =	vmul.f32 v21, v8;
	v22 =	vadd.f32 v25, v22;
	v25 =	vld [tilespmem:s0+$0xFFFFFE70]  }
0x3c3: {  	v18 =	vadd.f32 v19, v18;
	v19 =	vld [tilespmem:s0+$0xFFFFFE90];
	v16 =	vmul.f32 v16, v8  }
0x3c4: {  	v14 =	vadd.f32 v21, v14;
	v21 =	vld [tilespmem:s0+$0xFFFFFEA0];
	v23 =	vmul.f32 v23, v8  }
0x3c5: {  	v15 =	vadd.f32 v16, v15;
	v16 =	vld [tilespmem:s0+$0xFFFFFEB0];
	v20 =	vmul.f32 v20, v8  }
0x3c6: {  	v17 =	vadd.f32 v23, v17;
	v23 =	vld [tilespmem:s0+$0xFFFFFEC0];
	v24 =	vmul.f32 v24, v8  }
0x3c7: {  	v13 =	vadd.f32 v20, v13;
	v20 =	vld [tilespmem:s0+$0xFFFFFED0];
	v25 =	vmul.f32 v25, v8  }
0x3c8: {  	v19 =	vmul.f32 v19, v10;
	v12 =	vadd.f32 v24, v12;
	v24 =	vld [tilespmem:s0+$0xFFFFFEE0]  }
0x3c9: {  	v21 =	vmul.f32 v21, v10;
	v22 =	vadd.f32 v25, v22;
	v25 =	vld [tilespmem:s0+$0xFFFFFEF0]  }
0x3ca: {  	v18 =	vadd.f32 v19, v18;
	v19 =	vld [tilespmem:s0+$0xFFFFFF10];
	v16 =	vmul.f32 v16, v10  }
0x3cb: {  	v14 =	vadd.f32 v21, v14;
	v21 =	vld [tilespmem:s0+$0xFFFFFF20];
	v23 =	vmul.f32 v23, v10  }
0x3cc: {  	v26 =	vadd.f32 v16, v15;
	v16 =	vld [tilespmem:s0+$0xFFFFFF30];
	v15 =	vmul.f32 v20, v10  }
0x3cd: {  	v20 =	vadd.f32 v23, v17;
	v17 =	vld [tilespmem:s0+$0xFFFFFF40];
	v23 =	vmul.f32 v24, v10  }
0x3ce: {  	v13 =	vadd.f32 v15, v13;
	v24 =	vld [tilespmem:s0+$0xFFFFFF50];
	v15 =	vmul.f32 v25, v10  }
0x3cf: {  	v19 =	vmul.f32 v19, v11;
	v23 =	vadd.f32 v23, v12;
	v12 =	vld [tilespmem:s0+$0xFFFFFF60]  }
0x3d0: {  	v21 =	vmul.f32 v21, v11;
	v27 =	vadd.f32 v15, v22;
	v22 =	vld [tilespmem:s0+$0xFFFFFF70]  }
0x3d1: {  	v15 =	vadd.f32 v19, v18;
	v25 =	vld [tilespmem:s0+$0xFFFFFF90];
	v18 =	vmul.f32 v16, v11  }
0x3d2: {  	v16 =	vadd.f32 v21, v14;
	v28 =	vld [tilespmem:s0+$0xFFFFFFA0];
	v14 =	vmul.f32 v17, v11  }
.Ltmp5:
0x3d3: {  	v17 =	vadd.f32 v18, v26;
	v19 =	vld [tilespmem:s0+$0xFFFFFFB0];
	v24 =	vmul.f32 v24, v11;
	(pc) =	sbr.rel @p1 .LBB2_13-.Ltmp5, $4  }
0x3d4: {  	v18 =	vadd.f32 v14, v20;
	v21 =	vld [tilespmem:s0+$0xFFFFFFC0];
	v14 =	vmul.f32 v12, v11  }
0x3d5: {  	v12 =	vadd.f32 v24, v13;
	v20 =	vld [tilespmem:s0+$0xFFFFFFD0];
	v13 =	vmul.f32 v22, v11  }
0x3d6: {  	v24 =	vmul.f32 v25, v9;
	v14 =	vadd.f32 v14, v23;
	v22 =	vld [tilespmem:s0+$0xFFFFFFE0]  }
0x3d7: {  	v25 =	vmul.f32 v28, v9;
	v13 =	vadd.f32 v13, v27;
	v23 =	vld [tilespmem:s0+$0xFFFFFFF0];
	s0 =	sadd.s32 $0x400, s0  }
0x3d8: {  	v3 =	vadd.f32 v24, v15;
	v4 =	vmul.f32 v19, v9  }
0x3d9: {  	v5 =	vadd.f32 v25, v16;
	v6 =	vmul.f32 v21, v9  }
0x3da: {  	[tilespmem:s30+$0xFFFFFF90] =	vst v3;
	v3 =	vadd.f32 v4, v17;
	v4 =	vmul.f32 v20, v9  }
0x3db: {  	[tilespmem:s30+$0xFFFFFFA0] =	vst v5;
	v5 =	vadd.f32 v6, v18;
	v6 =	vmul.f32 v22, v9  }
0x3dc: {  	[tilespmem:s30+$0xFFFFFFB0] =	vst v3;
	v3 =	vadd.f32 v4, v12;
	v4 =	vmul.f32 v23, v9  }
0x3dd: {  	[tilespmem:s30+$0xFFFFFFC0] =	vst v5;
	v5 =	vadd.f32 v6, v14  }
0x3de: {  	[tilespmem:s30+$0xFFFFFFD0] =	vst v3;
	v3 =	vadd.f32 v4, v13  }
0x3df: {  	[tilespmem:s30+$0xFFFFFFE0] =	vst v5  }
0x3e0: {  	s0 =	sadd.s32 s24, s12;
	[tilespmem:s30+$0xFFFFFFF0] =	vst v3  }
0x3e1: {  	[hbm4b:s0+s26] =	stream.strided.scatter [tilespmem:s28], [sflag:$0x5], $0x800, s16, s26, $0x38;
	[tilespmem:$0x11C00] =	vst v63  }
0x3e2: {  	v3 =	vld @!p0 [tilespmem:s29+$0x50];
	_ =	sdelay $0x4  }
0x3e3: {  	v4 =	vshll.u32 @!p0 v3, $0x3  }
0x3e4: {  	v5 =	vlaneseq.u32 @!p0;
	v3 =	vand.u32 @!p0 $0x7, v3;
	v4 =	vand.u32 @!p0 $0xFFFFFFC0, v4  }
0x3e5: {  	v6 =	vshrl.u32 @!p0 v5, $0x3;
	v3 =	vor.u32 @!p0 v3, v4;
	v4 =	vand.u32 @!p0 $0x7, v5  }
0x3e6: {  	v6 =	vmul.u32 @!p0 $0x8, v6;
	v4 =	vperm.xlane @!p0 v3, v4;
	_ =	sdelay $0x1  }
0x3e7: {  	v4 =	vadd.s32 @!p0 v6, v4;
	_ =	sdelay $0x3  }
0x3e8: {  	s1 =	simm.s32 @!p0 $0x4C00;
	s0 =	simm.s32 @!p0 $0x0  }
0x3e9: {  	v5 =	vor.u32 @!p0 $0x8, v5;
	[tilespmem:s1], [sflag:$0x2] =	stream.indirect_vreg.gather @!p0 [hbm4b:s2+s0], $0x80, v4, vm1, $0xb8;
	[tilespmem:$0x11C00] =	vst v63  }
0x3ea: {  	v3 =	vperm.xlane @!p0 v3, v5;
	s1 =	simm.s32 @!p0 $0x5400  }
0x3eb: {  	[tilespmem:s1], [sflag:$0x2] =	stream.indirect_vreg.gather @!p0 [hbm4b:s8+s0], $0x80, v4, vm1, $0xb8;
	[tilespmem:$0x11C00] =	vst v63  }
0x3ec: {  	v3 =	vadd.s32 @!p0 v6, v3;
	s1 =	simm.s32 @!p0 $0x5C00  }
0x3ed: {  	[tilespmem:s1], [sflag:$0x2] =	stream.indirect_vreg.gather @!p0 [hbm4b:s9+s0], $0x80, v4, vm1, $0xb8;
	[tilespmem:$0x11C00] =	vst v63  }
0x3ee: {  	s1 =	simm.s32 @!p0 $0x6400  }
0x3ef: {  	[tilespmem:s1], [sflag:$0x2] =	stream.indirect_vreg.gather @!p0 [hbm4b:s10+s0], $0x80, v4, vm1, $0xb8;
	[tilespmem:$0x11C00] =	vst v63  }
0x3f0: {  	s1 =	simm.s32 @!p0 $0x6C00  }
0x3f1: {  	[tilespmem:s1], [sflag:$0x2] =	stream.indirect_vreg.gather @!p0 [hbm4b:s2+s0], $0x80, v3, vm1, $0xb8;
	[tilespmem:$0x11C00] =	vst v63  }
0x3f2: {  	s1 =	simm.s32 @!p0 $0x7400  }
0x3f3: {  	[tilespmem:s1], [sflag:$0x2] =	stream.indirect_vreg.gather @!p0 [hbm4b:s8+s0], $0x80, v3, vm1, $0xb8;
	[tilespmem:$0x11C00] =	vst v63  }
0x3f4: {  	s1 =	simm.s32 @!p0 $0x7C00  }
0x3f5: {  	[tilespmem:s1], [sflag:$0x2] =	stream.indirect_vreg.gather @!p0 [hbm4b:s9+s0], $0x80, v3, vm1, $0xb8;
	[tilespmem:$0x11C00] =	vst v63  }
0x3f6: {  	s1 =	simm.s32 @!p0 $0x8400  }
0x3f7: {  	[tilespmem:s1], [sflag:$0x2] =	stream.indirect_vreg.gather @!p0 [hbm4b:s10+s0], $0x80, v3, vm1, $0xb8;
	[tilespmem:$0x11C00] =	vst v63  }
0x3f8: {  	_ =	swait.ge [sflag:s20], $0x4000  }
0x3f9: {  	[sflag:s20] =	ssyncset.done $0x0  }
0x3fa: {  	[sflag:s20] =	ssyncadd.s32 $0xFFFFC000  }
0x3fb: {  	_ =	swait.ge [sflag:s21], $0x800  }
0x3fc: {  	[sflag:s21] =	ssyncset.done $0x0  }
0x3fd: {  	[sflag:s21] =	ssyncadd.s32 $0xFFFFF800  }
0x3fe: {  	v4 =	vld [tilespmem:s23+$0x460];
	_ =	sdelay $0x3  }
0x3ff: {  	s0 =	simm.s32 $0xCFF0  }
0x400: {  	v5 =	vld [tilespmem:s0+$0xFFFFFC80];
	(v2sf) =	vpush v4, $0x0  }
0x401: {  	v9 =	vld [tilespmem:s0+$0xFFFFFC20]  }
0x402: {  	v6 =	vld [tilespmem:s0+$0xFFFFFD00];
	(v2sf) =	vpush v4, $0x1  }
0x403: {  	v12 =	vld [tilespmem:s0+$0xFFFFFC30]  }
0x404: {  	v7 =	vld [tilespmem:s0+$0xFFFFFD80];
	(v2sf) =	vpush v4, $0x2  }
0x405: {  	v13 =	vld [tilespmem:s0+$0xFFFFFC40]  }
0x406: {  	v8 =	vld [tilespmem:s0+$0xFFFFFE00];
	(v2sf) =	vpush v4, $0x3  }
0x407: {  	v14 =	vld [tilespmem:s0+$0xFFFFFC50]  }
0x408: {  	v10 =	vld [tilespmem:s0+$0xFFFFFE80];
	(v2sf) =	vpush v4, $0x4  }
0x409: {  	v15 =	vld [tilespmem:s0+$0xFFFFFC60]  }
0x40a: {  	v16 =	vld [tilespmem:s0+$0xFFFFFF00];
	(v2sf) =	vpush v4, $0x5  }
0x40b: {  	v17 =	vld [tilespmem:s0+$0xFFFFFC70]  }
0x40c: {  	v18 =	vld [tilespmem:s0+$0xFFFFFF80];
	(v2sf) =	vpush v4, $0x6  }
0x40d: {  	v19 =	vld [tilespmem:s0+$0xFFFFFC10]  }
0x40e: {  	v20 =	vld [tilespmem:s0+$0x0];
	(v2sf) =	vpush v4, $0x7  }
0x40f: {  	v21 =	vld [tilespmem:s0+$0xFFFFFC90];
	s31 =	spop (v2sf)  }
0x410: {  	v22 =	vld [tilespmem:s0+$0xFFFFFCA0];
	s1 =	smul.f32 $1.250000000e-01, s31  }
0x411: {  	v23 =	vld [tilespmem:s0+$0xFFFFFCB0];
	s29 =	spop (v2sf)  }
0x412: {  	v24 =	vld [tilespmem:s0+$0xFFFFFCC0];
	s29 =	smul.f32 $1.250000000e-01, s29;
	v3 =	vmov s1  }
0x413: {  	v25 =	vld [tilespmem:s0+$0xFFFFFCD0];
	v4 =	vbroadcast v4, $0x8;
	s31 =	spop (v2sf);
	v11 =	vmul.f32 v5, v3  }
0x414: {  	v27 =	vld [tilespmem:s0+$0xFFFFFCE0];
	s1 =	smul.f32 $1.250000000e-01, s31;
	v5 =	vmov s29  }
0x415: {  	v28 =	vld [tilespmem:s0+$0xFFFFFCF0];
	s29 =	spop (v2sf);
	v26 =	vmul.f32 v6, v5;
	v11 =	vadd.f32 v11, v4  }
0x416: {  	v29 =	vld [tilespmem:s0+$0xFFFFFD10];
	s29 =	smul.f32 $1.250000000e-01, s29;
	v6 =	vmov s1  }
0x417: {  	v30 =	vld [tilespmem:s0+$0xFFFFFD20];
	s31 =	spop (v2sf);
	v11 =	vadd.f32 v26, v11;
	v26 =	vmul.f32 v7, v6  }
0x418: {  	v31 =	vld [tilespmem:s0+$0xFFFFFD30];
	s1 =	smul.f32 $1.250000000e-01, s31;
	v7 =	vmov s29  }
0x419: {  	v32 =	vld [tilespmem:s0+$0xFFFFFD40];
	v36 =	vmul.f32 v9, v3;
	s30 =	spop (v2sf);
	v11 =	vadd.f32 v26, v11;
	v26 =	vmul.f32 v8, v7  }
0x41a: {  	v34 =	vld [tilespmem:s0+$0xFFFFFD50];
	v12 =	vmul.f32 v12, v3;
	v13 =	vmul.f32 v13, v3;
	s30 =	smul.f32 $1.250000000e-01, s30;
	v8 =	vmov s1  }
0x41b: {  	v35 =	vld [tilespmem:s0+$0xFFFFFD60];
	v19 =	vmul.f32 v19, v3;
	s29 =	spop (v2sf);
	v33 =	vmul.f32 v10, v8;
	v26 =	vadd.f32 v26, v11  }
0x41c: {  	v48 =	vld [tilespmem:s0+$0xFFFFFD70];
	v14 =	vmul.f32 v14, v3;
	v15 =	vmul.f32 v15, v3;
	s29 =	smul.f32 $1.250000000e-01, s29;
	v10 =	vmov s30  }
0x41d: {  	v37 =	vld [tilespmem:s0+$0xFFFFFD90];
	v17 =	vmul.f32 v17, v3;
	s31 =	spop (v2sf);
	v16 =	vmul.f32 v16, v10;
	v26 =	vadd.f32 v33, v26  }
0x41e: {  	v38 =	vld [tilespmem:s0+$0xFFFFFDB0];
	v21 =	vmul.f32 v21, v5;
	v22 =	vmul.f32 v22, v5;
	s1 =	smul.f32 $1.250000000e-01, s31;
	v11 =	vmov s29  }
0x41f: {  	v39 =	vld [tilespmem:s0+$0xFFFFFDD0];
	v36 =	vadd.f32 v36, v4;
	v18 =	vmul.f32 v18, v11;
	v16 =	vadd.f32 v16, v26  }
0x420: {  	v49 =	vld [tilespmem:s0+$0xFFFFFE30];
	v12 =	vadd.f32 v12, v4;
	v13 =	vadd.f32 v13, v4;
	v9 =	vmov s1  }
0x421: {  	v51 =	vld [tilespmem:s0+$0xFFFFFE50];
	v19 =	vadd.f32 v19, v4;
	v16 =	vadd.f32 v18, v16;
	v18 =	vmul.f32 v20, v9  }
0x422: {  	v53 =	vld [tilespmem:s0+$0xFFFFFE60];
	v14 =	vadd.f32 v14, v4;
	v15 =	vadd.f32 v15, v4;
	v50 =	vmul.f32 v30, v6  }
0x423: {  	v54 =	vld [tilespmem:s0+$0xFFFFFE70];
	v40 =	vadd.f32 v18, v16;
	v18 =	vadd.f32 v21, v19;
	v19 =	vmul.f32 v23, v5  }
0x424: {  	v17 =	vadd.f32 v17, v4;
	v52 =	vmul.f32 v34, v6;
	v20 =	vld [tilespmem:s0+$0xFFFFFDC0];
	v23 =	vmul.f32 v24, v5  }
0x425: {  	v55 =	vld [tilespmem:s0+$0xFFFFFE90];
	v22 =	vadd.f32 v22, v36;
	v12 =	vadd.f32 v19, v12;
	v19 =	vmul.f32 v25, v5  }
0x426: {  	v56 =	vmul.f32 v37, v7;
	v16 =	vld [tilespmem:s0+$0xFFFFFDE0];
	v13 =	vadd.f32 v23, v13;
	v23 =	vmul.f32 v28, v5  }
0x427: {  	v22 =	vadd.f32 v50, v22;
	v26 =	vld [tilespmem:s0+$0xFFFFFDA0];
	v14 =	vadd.f32 v19, v14;
	v19 =	vmul.f32 v29, v6  }
0x428: {  	v57 =	vld [tilespmem:s0+$0xFFFFFEB0];
	v25 =	vmul.f32 v27, v5;
	v17 =	vadd.f32 v23, v17;
	v23 =	vmul.f32 v31, v6  }
0x429: {  	v21 =	vld [tilespmem:s0+$0xFFFFFDF0];
	v20 =	vmul.f32 v20, v7;
	v18 =	vadd.f32 v19, v18;
	v19 =	vmul.f32 v32, v6  }
0x42a: {  	v24 =	vld [tilespmem:s0+$0xFFFFFE10];
	v15 =	vadd.f32 v25, v15;
	v12 =	vadd.f32 v23, v12;
	v23 =	vmul.f32 v35, v6  }
0x42b: {  	v27 =	vld [tilespmem:s0+$0xFFFFFE20];
	v16 =	vmul.f32 v16, v7;
	v13 =	vadd.f32 v19, v13;
	v19 =	vmul.f32 v48, v6  }
0x42c: {  	v25 =	vld [tilespmem:s0+$0xFFFFFE40];
	v14 =	vadd.f32 v52, v14;
	v15 =	vadd.f32 v23, v15;
	v23 =	vmul.f32 v26, v7  }
0x42d: {  	v58 =	vld [tilespmem:s0+$0xFFFFFEC0];
	v18 =	vadd.f32 v56, v18;
	v17 =	vadd.f32 v19, v17;
	v19 =	vmul.f32 v38, v7  }
0x42e: {  	v59 =	vld [tilespmem:s0+$0xFFFFFF30];
	v22 =	vadd.f32 v23, v22;
	v23 =	vmul.f32 v39, v7;
	v13 =	vadd.f32 v20, v13  }
0x42f: {  	v26 =	vld [tilespmem:s0+$0xFFFFFEA0];
	v20 =	vmul.f32 v21, v7;
	v21 =	vmul.f32 v24, v8;
	v15 =	vadd.f32 v16, v15  }
0x430: {  	v60 =	vld [tilespmem:s0+$0xFFFFFF40];
	v16 =	vmul.f32 v27, v8;
	v24 =	vmul.f32 v49, v8;
	v12 =	vadd.f32 v19, v12  }
0x431: {  	v27 =	vld [tilespmem:s0+$0xFFFFFEF0];
	v14 =	vadd.f32 v23, v14;
	v17 =	vadd.f32 v20, v17;
	v20 =	vmul.f32 v25, v8  }
0x432: {  	v19 =	vld [tilespmem:s0+$0xFFFFFED0];
	v18 =	vadd.f32 v21, v18;
	v16 =	vadd.f32 v16, v22;
	v22 =	vmul.f32 v51, v8  }
0x433: {  	v23 =	vld [tilespmem:s0+$0xFFFFFEE0];
	v25 =	vmul.f32 v54, v8;
	v13 =	vadd.f32 v20, v13;
	v20 =	vmul.f32 v53, v8  }
0x434: {  	v21 =	vld [tilespmem:s0+$0xFFFFFF10];
	v26 =	vmul.f32 v26, v10;
	v14 =	vadd.f32 v22, v14;
	v22 =	vmul.f32 v55, v10  }
0x435: {  	v12 =	vadd.f32 v24, v12;
	v24 =	vld [tilespmem:s0+$0xFFFFFF20];
	v15 =	vadd.f32 v20, v15;
	v20 =	vmul.f32 v57, v10  }
0x436: {  	v17 =	vadd.f32 v25, v17;
	v25 =	vld [tilespmem:s0+$0xFFFFFF50];
	v18 =	vadd.f32 v22, v18;
	v22 =	vmul.f32 v58, v10  }
0x437: {  	v16 =	vadd.f32 v26, v16;
	v26 =	vld [tilespmem:s0+$0xFFFFFF60];
	v19 =	vmul.f32 v19, v10;
	v12 =	vadd.f32 v20, v12  }
0x438: {  	v20 =	vmul.f32 v23, v10;
	v23 =	vld [tilespmem:s0+$0xFFFFFF70];
	v13 =	vadd.f32 v22, v13;
	v22 =	vmul.f32 v27, v10  }
0x439: {  	v21 =	vmul.f32 v21, v11;
	v27 =	vld [tilespmem:s0+$0xFFFFFF90];
	v14 =	vadd.f32 v19, v14  }
0x43a: {  	v62 =	vld [tilespmem:s0+$0xFFFFFFA0];
	v61 =	vadd.f32 v20, v15;
	v20 =	vmul.f32 v24, v11;
	v63 =	vadd.f32 v22, v17  }
0x43b: {  	v19 =	vld [tilespmem:s0+$0xFFFFFFB0];
	v15 =	vadd.f32 v21, v18;
	v17 =	vmul.f32 v59, v11;
	v18 =	vmul.f32 v60, v11  }
0x43c: {  	v22 =	vmul.f32 v25, v11;
	v21 =	vld [tilespmem:s0+$0xFFFFFFC0];
	v25 =	vmul.f32 v26, v11  }
0x43d: {  	v16 =	vadd.f32 v20, v16;
	v17 =	vadd.f32 v17, v12;
	v20 =	vld [tilespmem:s0+$0xFFFFFFD0];
	v23 =	vmul.f32 v23, v11  }
0x43e: {  	s29 =	simm.s32 $0x11470;
	v18 =	vadd.f32 v18, v13;
	v12 =	vadd.f32 v22, v14;
	v22 =	vld [tilespmem:s0+$0xFFFFFFE0];
	v24 =	vmul.f32 v27, v9  }
0x43f: {  	s30 =	simm.s32 $0x0;
	[tilespmem:s29+$0x0] =	vst v40;
	v14 =	vadd.f32 v25, v61;
	v25 =	vmul.f32 v62, v9;
	v13 =	vadd.f32 v23, v63;
	v23 =	vld [tilespmem:s0+$0xFFFFFFF0];
	s0 =	simm.s32 $0xD3F0  }
.LBB2_15:
0x440: {  	v26 =	vld [tilespmem:s0+$0xFFFFFC80];
	s30 =	sadd.s32 $0x8, s30;
	v15 =	vadd.f32 v24, v15;
	v19 =	vmul.f32 v19, v9  }
0x441: {  	v24 =	vld [tilespmem:s0+$0xFFFFFC20];
	p0 =	slt.u32 s30, $0x38;
	v16 =	vadd.f32 v25, v16;
	v21 =	vmul.f32 v21, v9  }
0x442: {  	v25 =	vld [tilespmem:s0+$0xFFFFFD00];
	[tilespmem:s29+$0xFFFFFF90] =	vst v15;
	v15 =	vadd.f32 v19, v17;
	v17 =	vmul.f32 v20, v9  }
0x443: {  	v19 =	vld [tilespmem:s0+$0xFFFFFC30];
	[tilespmem:s29+$0xFFFFFFA0] =	vst v16;
	v16 =	vadd.f32 v21, v18;
	v18 =	vmul.f32 v22, v9  }
0x444: {  	v20 =	vld [tilespmem:s0+$0xFFFFFD80];
	[tilespmem:s29+$0xFFFFFFB0] =	vst v15;
	v12 =	vadd.f32 v17, v12;
	v15 =	vmul.f32 v23, v9  }
0x445: {  	v17 =	vld [tilespmem:s0+$0xFFFFFC40];
	v21 =	vmul.f32 v26, v3;
	[tilespmem:s29+$0xFFFFFFC0] =	vst v16;
	v14 =	vadd.f32 v18, v14  }
0x446: {  	v16 =	vmul.f32 v24, v3;
	v18 =	vld [tilespmem:s0+$0xFFFFFE00];
	[tilespmem:s29+$0xFFFFFFD0] =	vst v12;
	v12 =	vadd.f32 v15, v13  }
0x447: {  	v13 =	vld [tilespmem:s0+$0xFFFFFC50];
	v15 =	vadd.f32 v21, v4;
	v21 =	vmul.f32 v25, v5;
	[tilespmem:s29+$0xFFFFFFE0] =	vst v14  }
0x448: {  	v14 =	vadd.f32 v16, v4;
	v16 =	vmul.f32 v19, v3;
	v19 =	vld [tilespmem:s0+$0xFFFFFE80];
	[tilespmem:s29+$0xFFFFFFF0] =	vst v12  }
0x449: {  	v12 =	vld [tilespmem:s0+$0xFFFFFC60];
	v15 =	vadd.f32 v21, v15;
	v20 =	vmul.f32 v20, v6  }
0x44a: {  	v16 =	vadd.f32 v16, v4;
	v17 =	vmul.f32 v17, v3;
	v21 =	vld [tilespmem:s0+$0xFFFFFF00]  }
0x44b: {  	v22 =	vld [tilespmem:s0+$0xFFFFFC70];
	v15 =	vadd.f32 v20, v15;
	v18 =	vmul.f32 v18, v7  }
0x44c: {  	v17 =	vadd.f32 v17, v4;
	v13 =	vmul.f32 v13, v3;
	v20 =	vld [tilespmem:s0+$0xFFFFFF80]  }
0x44d: {  	v23 =	vld [tilespmem:s0+$0xFFFFFC10];
	v15 =	vadd.f32 v18, v15;
	v18 =	vmul.f32 v19, v8  }
0x44e: {  	v13 =	vadd.f32 v13, v4;
	v12 =	vmul.f32 v12, v3;
	v19 =	vld [tilespmem:s0+$0x0]  }
0x44f: {  	v24 =	vld [tilespmem:s0+$0xFFFFFC90];
	v15 =	vadd.f32 v18, v15;
	v18 =	vmul.f32 v21, v10  }
0x450: {  	v21 =	vld [tilespmem:s0+$0xFFFFFCA0];
	v12 =	vadd.f32 v12, v4;
	v22 =	vmul.f32 v22, v3  }
0x451: {  	v25 =	vld [tilespmem:s0+$0xFFFFFCB0];
	v15 =	vadd.f32 v18, v15;
	v18 =	vmul.f32 v20, v11  }
0x452: {  	v20 =	vmul.f32 v23, v3;
	v23 =	vld [tilespmem:s0+$0xFFFFFCC0];
	v22 =	vadd.f32 v22, v4  }
0x453: {  	v26 =	vld [tilespmem:s0+$0xFFFFFCD0];
	v15 =	vadd.f32 v18, v15;
	v18 =	vmul.f32 v19, v9  }
0x454: {  	v19 =	vadd.f32 v20, v4;
	v20 =	vmul.f32 v24, v5;
	v24 =	vld [tilespmem:s0+$0xFFFFFCE0]  }
0x455: {  	v21 =	vmul.f32 v21, v5;
	v27 =	vld [tilespmem:s0+$0xFFFFFCF0];
	v15 =	vadd.f32 v18, v15  }
0x456: {  	s29 =	sadd.s32 $0x100, s29;
	v18 =	vadd.f32 v20, v19;
	v19 =	vld [tilespmem:s0+$0xFFFFFD10];
	v20 =	vmul.f32 v25, v5  }
0x457: {  	v14 =	vadd.f32 v21, v14;
	v21 =	vld [tilespmem:s0+$0xFFFFFD20];
	v23 =	vmul.f32 v23, v5;
	[tilespmem:s29+$0x0] =	vst v15  }
0x458: {  	v15 =	vadd.f32 v20, v16;
	v16 =	vld [tilespmem:s0+$0xFFFFFD30];
	v20 =	vmul.f32 v26, v5  }
0x459: {  	v17 =	vadd.f32 v23, v17;
	v23 =	vld [tilespmem:s0+$0xFFFFFD40];
	v24 =	vmul.f32 v24, v5  }
0x45a: {  	v13 =	vadd.f32 v20, v13;
	v20 =	vld [tilespmem:s0+$0xFFFFFD50];
	v25 =	vmul.f32 v27, v5  }
0x45b: {  	v19 =	vmul.f32 v19, v6;
	v12 =	vadd.f32 v24, v12;
	v24 =	vld [tilespmem:s0+$0xFFFFFD60]  }
0x45c: {  	v21 =	vmul.f32 v21, v6;
	v22 =	vadd.f32 v25, v22;
	v25 =	vld [tilespmem:s0+$0xFFFFFD70]  }
0x45d: {  	v18 =	vadd.f32 v19, v18;
	v19 =	vld [tilespmem:s0+$0xFFFFFD90];
	v16 =	vmul.f32 v16, v6  }
0x45e: {  	v14 =	vadd.f32 v21, v14;
	v21 =	vld [tilespmem:s0+$0xFFFFFDA0];
	v23 =	vmul.f32 v23, v6  }
0x45f: {  	v15 =	vadd.f32 v16, v15;
	v16 =	vld [tilespmem:s0+$0xFFFFFDB0];
	v20 =	vmul.f32 v20, v6  }
0x460: {  	v17 =	vadd.f32 v23, v17;
	v23 =	vld [tilespmem:s0+$0xFFFFFDC0];
	v24 =	vmul.f32 v24, v6  }
0x461: {  	v13 =	vadd.f32 v20, v13;
	v20 =	vld [tilespmem:s0+$0xFFFFFDD0];
	v25 =	vmul.f32 v25, v6  }
0x462: {  	v19 =	vmul.f32 v19, v7;
	v12 =	vadd.f32 v24, v12;
	v24 =	vld [tilespmem:s0+$0xFFFFFDE0]  }
0x463: {  	v21 =	vmul.f32 v21, v7;
	v22 =	vadd.f32 v25, v22;
	v25 =	vld [tilespmem:s0+$0xFFFFFDF0]  }
0x464: {  	v18 =	vadd.f32 v19, v18;
	v19 =	vld [tilespmem:s0+$0xFFFFFE10];
	v16 =	vmul.f32 v16, v7  }
0x465: {  	v14 =	vadd.f32 v21, v14;
	v21 =	vld [tilespmem:s0+$0xFFFFFE20];
	v23 =	vmul.f32 v23, v7  }
0x466: {  	v15 =	vadd.f32 v16, v15;
	v16 =	vld [tilespmem:s0+$0xFFFFFE30];
	v20 =	vmul.f32 v20, v7  }
0x467: {  	v17 =	vadd.f32 v23, v17;
	v23 =	vld [tilespmem:s0+$0xFFFFFE40];
	v24 =	vmul.f32 v24, v7  }
0x468: {  	v13 =	vadd.f32 v20, v13;
	v20 =	vld [tilespmem:s0+$0xFFFFFE50];
	v25 =	vmul.f32 v25, v7  }
0x469: {  	v19 =	vmul.f32 v19, v8;
	v12 =	vadd.f32 v24, v12;
	v24 =	vld [tilespmem:s0+$0xFFFFFE60]  }
0x46a: {  	v21 =	vmul.f32 v21, v8;
	v22 =	vadd.f32 v25, v22;
	v25 =	vld [tilespmem:s0+$0xFFFFFE70]  }
0x46b: {  	v18 =	vadd.f32 v19, v18;
	v19 =	vld [tilespmem:s0+$0xFFFFFE90];
	v16 =	vmul.f32 v16, v8  }
0x46c: {  	v14 =	vadd.f32 v21, v14;
	v21 =	vld [tilespmem:s0+$0xFFFFFEA0];
	v23 =	vmul.f32 v23, v8  }
0x46d: {  	v15 =	vadd.f32 v16, v15;
	v16 =	vld [tilespmem:s0+$0xFFFFFEB0];
	v20 =	vmul.f32 v20, v8  }
0x46e: {  	v17 =	vadd.f32 v23, v17;
	v23 =	vld [tilespmem:s0+$0xFFFFFEC0];
	v24 =	vmul.f32 v24, v8  }
0x46f: {  	v13 =	vadd.f32 v20, v13;
	v20 =	vld [tilespmem:s0+$0xFFFFFED0];
	v25 =	vmul.f32 v25, v8  }
0x470: {  	v19 =	vmul.f32 v19, v10;
	v12 =	vadd.f32 v24, v12;
	v24 =	vld [tilespmem:s0+$0xFFFFFEE0]  }
0x471: {  	v21 =	vmul.f32 v21, v10;
	v22 =	vadd.f32 v25, v22;
	v25 =	vld [tilespmem:s0+$0xFFFFFEF0]  }
0x472: {  	v18 =	vadd.f32 v19, v18;
	v19 =	vld [tilespmem:s0+$0xFFFFFF10];
	v16 =	vmul.f32 v16, v10  }
0x473: {  	v14 =	vadd.f32 v21, v14;
	v21 =	vld [tilespmem:s0+$0xFFFFFF20];
	v23 =	vmul.f32 v23, v10  }
0x474: {  	v26 =	vadd.f32 v16, v15;
	v16 =	vld [tilespmem:s0+$0xFFFFFF30];
	v15 =	vmul.f32 v20, v10  }
0x475: {  	v20 =	vadd.f32 v23, v17;
	v17 =	vld [tilespmem:s0+$0xFFFFFF40];
	v23 =	vmul.f32 v24, v10  }
0x476: {  	v13 =	vadd.f32 v15, v13;
	v24 =	vld [tilespmem:s0+$0xFFFFFF50];
	v15 =	vmul.f32 v25, v10  }
0x477: {  	v19 =	vmul.f32 v19, v11;
	v23 =	vadd.f32 v23, v12;
	v12 =	vld [tilespmem:s0+$0xFFFFFF60]  }
0x478: {  	v21 =	vmul.f32 v21, v11;
	v27 =	vadd.f32 v15, v22;
	v22 =	vld [tilespmem:s0+$0xFFFFFF70]  }
0x479: {  	v15 =	vadd.f32 v19, v18;
	v25 =	vld [tilespmem:s0+$0xFFFFFF90];
	v18 =	vmul.f32 v16, v11  }
0x47a: {  	v16 =	vadd.f32 v21, v14;
	v28 =	vld [tilespmem:s0+$0xFFFFFFA0];
	v14 =	vmul.f32 v17, v11  }
.Ltmp6:
0x47b: {  	v17 =	vadd.f32 v18, v26;
	v19 =	vld [tilespmem:s0+$0xFFFFFFB0];
	v24 =	vmul.f32 v24, v11;
	(pc) =	sbr.rel @p0 .LBB2_15-.Ltmp6, $4  }
0x47c: {  	v18 =	vadd.f32 v14, v20;
	v21 =	vld [tilespmem:s0+$0xFFFFFFC0];
	v14 =	vmul.f32 v12, v11  }
0x47d: {  	v12 =	vadd.f32 v24, v13;
	v20 =	vld [tilespmem:s0+$0xFFFFFFD0];
	v13 =	vmul.f32 v22, v11  }
0x47e: {  	v24 =	vmul.f32 v25, v9;
	v14 =	vadd.f32 v14, v23;
	v22 =	vld [tilespmem:s0+$0xFFFFFFE0]  }
0x47f: {  	v25 =	vmul.f32 v28, v9;
	v13 =	vadd.f32 v13, v27;
	v23 =	vld [tilespmem:s0+$0xFFFFFFF0];
	s0 =	sadd.s32 $0x400, s0  }
0x480: {  	v3 =	vadd.f32 v24, v15;
	v4 =	vmul.f32 v19, v9  }
0x481: {  	v5 =	vadd.f32 v25, v16;
	v6 =	vmul.f32 v21, v9  }
0x482: {  	[tilespmem:s29+$0xFFFFFF90] =	vst v3;
	v3 =	vadd.f32 v4, v17;
	v4 =	vmul.f32 v20, v9  }
0x483: {  	[tilespmem:s29+$0xFFFFFFA0] =	vst v5;
	v5 =	vadd.f32 v6, v18;
	v6 =	vmul.f32 v22, v9  }
0x484: {  	[tilespmem:s29+$0xFFFFFFB0] =	vst v3;
	v3 =	vadd.f32 v4, v12;
	v4 =	vmul.f32 v23, v9  }
0x485: {  	[tilespmem:s29+$0xFFFFFFC0] =	vst v5;
	v5 =	vadd.f32 v6, v14  }
0x486: {  	[tilespmem:s29+$0xFFFFFFD0] =	vst v3;
	v3 =	vadd.f32 v4, v13  }
0x487: {  	[tilespmem:s29+$0xFFFFFFE0] =	vst v5  }
0x488: {  	[tilespmem:s29+$0xFFFFFFF0] =	vst v3  }
0x489: {  	v4 =	vld [tilespmem:s23+$0x470];
	_ =	sdelay $0x3  }
0x48a: {  	s0 =	simm.s32 $0xEFF0  }
0x48b: {  	v5 =	vld [tilespmem:s0+$0xFFFFFC80];
	(v2sf) =	vpush v4, $0x0  }
0x48c: {  	v9 =	vld [tilespmem:s0+$0xFFFFFC20]  }
0x48d: {  	v6 =	vld [tilespmem:s0+$0xFFFFFD00];
	(v2sf) =	vpush v4, $0x1  }
0x48e: {  	v12 =	vld [tilespmem:s0+$0xFFFFFC30]  }
0x48f: {  	v7 =	vld [tilespmem:s0+$0xFFFFFD80];
	(v2sf) =	vpush v4, $0x2  }
0x490: {  	v13 =	vld [tilespmem:s0+$0xFFFFFC40]  }
0x491: {  	v8 =	vld [tilespmem:s0+$0xFFFFFE00];
	(v2sf) =	vpush v4, $0x3  }
0x492: {  	v14 =	vld [tilespmem:s0+$0xFFFFFC50]  }
0x493: {  	v10 =	vld [tilespmem:s0+$0xFFFFFE80];
	(v2sf) =	vpush v4, $0x4  }
0x494: {  	v15 =	vld [tilespmem:s0+$0xFFFFFC60]  }
0x495: {  	v16 =	vld [tilespmem:s0+$0xFFFFFF00];
	(v2sf) =	vpush v4, $0x5  }
0x496: {  	v17 =	vld [tilespmem:s0+$0xFFFFFC70]  }
0x497: {  	v18 =	vld [tilespmem:s0+$0xFFFFFF80];
	(v2sf) =	vpush v4, $0x6  }
0x498: {  	v19 =	vld [tilespmem:s0+$0xFFFFFC10]  }
0x499: {  	v20 =	vld [tilespmem:s0+$0x0];
	(v2sf) =	vpush v4, $0x7  }
0x49a: {  	v21 =	vld [tilespmem:s0+$0xFFFFFC90];
	s1 =	spop (v2sf)  }
0x49b: {  	v22 =	vld [tilespmem:s0+$0xFFFFFCA0];
	s1 =	smul.f32 $1.250000000e-01, s1  }
0x49c: {  	v23 =	vld [tilespmem:s0+$0xFFFFFCB0];
	s30 =	spop (v2sf)  }
0x49d: {  	v24 =	vld [tilespmem:s0+$0xFFFFFCC0];
	s23 =	smul.f32 $1.250000000e-01, s30;
	v3 =	vmov s1  }
0x49e: {  	v25 =	vld [tilespmem:s0+$0xFFFFFCD0];
	v4 =	vbroadcast v4, $0x8;
	s31 =	spop (v2sf);
	v11 =	vmul.f32 v5, v3  }
0x49f: {  	v27 =	vld [tilespmem:s0+$0xFFFFFCE0];
	s1 =	smul.f32 $1.250000000e-01, s31;
	v5 =	vmov s23  }
0x4a0: {  	v28 =	vld [tilespmem:s0+$0xFFFFFCF0];
	s30 =	spop (v2sf);
	v26 =	vmul.f32 v6, v5;
	v11 =	vadd.f32 v11, v4  }
0x4a1: {  	v29 =	vld [tilespmem:s0+$0xFFFFFD10];
	s23 =	smul.f32 $1.250000000e-01, s30;
	v6 =	vmov s1  }
0x4a2: {  	v30 =	vld [tilespmem:s0+$0xFFFFFD20];
	s31 =	spop (v2sf);
	v11 =	vadd.f32 v26, v11;
	v26 =	vmul.f32 v7, v6  }
0x4a3: {  	v31 =	vld [tilespmem:s0+$0xFFFFFD30];
	s1 =	smul.f32 $1.250000000e-01, s31;
	v7 =	vmov s23  }
0x4a4: {  	v32 =	vld [tilespmem:s0+$0xFFFFFD40];
	v36 =	vmul.f32 v9, v3;
	s29 =	spop (v2sf);
	v11 =	vadd.f32 v26, v11;
	v26 =	vmul.f32 v8, v7  }
0x4a5: {  	v34 =	vld [tilespmem:s0+$0xFFFFFD50];
	v12 =	vmul.f32 v12, v3;
	v13 =	vmul.f32 v13, v3;
	s29 =	smul.f32 $1.250000000e-01, s29;
	v8 =	vmov s1  }
0x4a6: {  	v35 =	vld [tilespmem:s0+$0xFFFFFD60];
	v19 =	vmul.f32 v19, v3;
	s30 =	spop (v2sf);
	v33 =	vmul.f32 v10, v8;
	v26 =	vadd.f32 v26, v11  }
0x4a7: {  	v48 =	vld [tilespmem:s0+$0xFFFFFD70];
	v14 =	vmul.f32 v14, v3;
	v15 =	vmul.f32 v15, v3;
	s23 =	smul.f32 $1.250000000e-01, s30;
	v10 =	vmov s29  }
0x4a8: {  	v37 =	vld [tilespmem:s0+$0xFFFFFD90];
	v17 =	vmul.f32 v17, v3;
	s31 =	spop (v2sf);
	v16 =	vmul.f32 v16, v10;
	v26 =	vadd.f32 v33, v26  }
0x4a9: {  	v38 =	vld [tilespmem:s0+$0xFFFFFDB0];
	v21 =	vmul.f32 v21, v5;
	v22 =	vmul.f32 v22, v5;
	s1 =	smul.f32 $1.250000000e-01, s31;
	v11 =	vmov s23  }
0x4aa: {  	v39 =	vld [tilespmem:s0+$0xFFFFFDD0];
	v36 =	vadd.f32 v36, v4;
	v18 =	vmul.f32 v18, v11;
	v16 =	vadd.f32 v16, v26  }
0x4ab: {  	v49 =	vld [tilespmem:s0+$0xFFFFFE30];
	v12 =	vadd.f32 v12, v4;
	v13 =	vadd.f32 v13, v4;
	v9 =	vmov s1  }
0x4ac: {  	v51 =	vld [tilespmem:s0+$0xFFFFFE50];
	v19 =	vadd.f32 v19, v4;
	v16 =	vadd.f32 v18, v16;
	v18 =	vmul.f32 v20, v9  }
0x4ad: {  	v53 =	vld [tilespmem:s0+$0xFFFFFE60];
	v14 =	vadd.f32 v14, v4;
	v15 =	vadd.f32 v15, v4;
	v50 =	vmul.f32 v30, v6  }
0x4ae: {  	v54 =	vld [tilespmem:s0+$0xFFFFFE70];
	v40 =	vadd.f32 v18, v16;
	v18 =	vadd.f32 v21, v19;
	v19 =	vmul.f32 v23, v5  }
0x4af: {  	v17 =	vadd.f32 v17, v4;
	v52 =	vmul.f32 v34, v6;
	v20 =	vld [tilespmem:s0+$0xFFFFFDC0];
	v23 =	vmul.f32 v24, v5  }
0x4b0: {  	v55 =	vld [tilespmem:s0+$0xFFFFFE90];
	v22 =	vadd.f32 v22, v36;
	v12 =	vadd.f32 v19, v12;
	v19 =	vmul.f32 v25, v5  }
0x4b1: {  	v56 =	vmul.f32 v37, v7;
	v16 =	vld [tilespmem:s0+$0xFFFFFDE0];
	v13 =	vadd.f32 v23, v13;
	v23 =	vmul.f32 v28, v5  }
0x4b2: {  	v22 =	vadd.f32 v50, v22;
	v26 =	vld [tilespmem:s0+$0xFFFFFDA0];
	v14 =	vadd.f32 v19, v14;
	v19 =	vmul.f32 v29, v6  }
0x4b3: {  	v57 =	vld [tilespmem:s0+$0xFFFFFEB0];
	v25 =	vmul.f32 v27, v5;
	v17 =	vadd.f32 v23, v17;
	v23 =	vmul.f32 v31, v6  }
0x4b4: {  	v21 =	vld [tilespmem:s0+$0xFFFFFDF0];
	v20 =	vmul.f32 v20, v7;
	v18 =	vadd.f32 v19, v18;
	v19 =	vmul.f32 v32, v6  }
0x4b5: {  	v24 =	vld [tilespmem:s0+$0xFFFFFE10];
	v15 =	vadd.f32 v25, v15;
	v12 =	vadd.f32 v23, v12;
	v23 =	vmul.f32 v35, v6  }
0x4b6: {  	v27 =	vld [tilespmem:s0+$0xFFFFFE20];
	v16 =	vmul.f32 v16, v7;
	v13 =	vadd.f32 v19, v13;
	v19 =	vmul.f32 v48, v6  }
0x4b7: {  	v25 =	vld [tilespmem:s0+$0xFFFFFE40];
	v14 =	vadd.f32 v52, v14;
	v15 =	vadd.f32 v23, v15;
	v23 =	vmul.f32 v26, v7  }
0x4b8: {  	v58 =	vld [tilespmem:s0+$0xFFFFFEC0];
	v18 =	vadd.f32 v56, v18;
	v17 =	vadd.f32 v19, v17;
	v19 =	vmul.f32 v38, v7  }
0x4b9: {  	v59 =	vld [tilespmem:s0+$0xFFFFFF30];
	v22 =	vadd.f32 v23, v22;
	v23 =	vmul.f32 v39, v7;
	v13 =	vadd.f32 v20, v13  }
0x4ba: {  	v26 =	vld [tilespmem:s0+$0xFFFFFEA0];
	v20 =	vmul.f32 v21, v7;
	v21 =	vmul.f32 v24, v8;
	v15 =	vadd.f32 v16, v15  }
0x4bb: {  	v60 =	vld [tilespmem:s0+$0xFFFFFF40];
	v16 =	vmul.f32 v27, v8;
	v24 =	vmul.f32 v49, v8;
	v12 =	vadd.f32 v19, v12  }
0x4bc: {  	v27 =	vld [tilespmem:s0+$0xFFFFFEF0];
	v14 =	vadd.f32 v23, v14;
	v17 =	vadd.f32 v20, v17;
	v20 =	vmul.f32 v25, v8  }
0x4bd: {  	v19 =	vld [tilespmem:s0+$0xFFFFFED0];
	v18 =	vadd.f32 v21, v18;
	v16 =	vadd.f32 v16, v22;
	v22 =	vmul.f32 v51, v8  }
0x4be: {  	v23 =	vld [tilespmem:s0+$0xFFFFFEE0];
	v25 =	vmul.f32 v54, v8;
	v13 =	vadd.f32 v20, v13;
	v20 =	vmul.f32 v53, v8  }
0x4bf: {  	v21 =	vld [tilespmem:s0+$0xFFFFFF10];
	v26 =	vmul.f32 v26, v10;
	v14 =	vadd.f32 v22, v14;
	v22 =	vmul.f32 v55, v10  }
0x4c0: {  	v12 =	vadd.f32 v24, v12;
	v24 =	vld [tilespmem:s0+$0xFFFFFF20];
	v15 =	vadd.f32 v20, v15;
	v20 =	vmul.f32 v57, v10  }
0x4c1: {  	v17 =	vadd.f32 v25, v17;
	v25 =	vld [tilespmem:s0+$0xFFFFFF50];
	v18 =	vadd.f32 v22, v18;
	v22 =	vmul.f32 v58, v10  }
0x4c2: {  	v16 =	vadd.f32 v26, v16;
	v26 =	vld [tilespmem:s0+$0xFFFFFF60];
	v19 =	vmul.f32 v19, v10;
	v12 =	vadd.f32 v20, v12  }
0x4c3: {  	v20 =	vmul.f32 v23, v10;
	v23 =	vld [tilespmem:s0+$0xFFFFFF70];
	v13 =	vadd.f32 v22, v13;
	v22 =	vmul.f32 v27, v10  }
0x4c4: {  	v21 =	vmul.f32 v21, v11;
	v27 =	vld [tilespmem:s0+$0xFFFFFF90];
	v14 =	vadd.f32 v19, v14  }
0x4c5: {  	v62 =	vld [tilespmem:s0+$0xFFFFFFA0];
	v61 =	vadd.f32 v20, v15;
	v20 =	vmul.f32 v24, v11;
	v63 =	vadd.f32 v22, v17  }
0x4c6: {  	v19 =	vld [tilespmem:s0+$0xFFFFFFB0];
	v15 =	vadd.f32 v21, v18;
	v17 =	vmul.f32 v59, v11;
	v18 =	vmul.f32 v60, v11  }
0x4c7: {  	v22 =	vmul.f32 v25, v11;
	v21 =	vld [tilespmem:s0+$0xFFFFFFC0];
	v25 =	vmul.f32 v26, v11  }
0x4c8: {  	v16 =	vadd.f32 v20, v16;
	v17 =	vadd.f32 v17, v12;
	v20 =	vld [tilespmem:s0+$0xFFFFFFD0];
	v23 =	vmul.f32 v23, v11  }
0x4c9: {  	s23 =	simm.s32 $0x114F0;
	v18 =	vadd.f32 v18, v13;
	v12 =	vadd.f32 v22, v14;
	v22 =	vld [tilespmem:s0+$0xFFFFFFE0];
	v24 =	vmul.f32 v27, v9  }
0x4ca: {  	s29 =	simm.s32 $0x0;
	[tilespmem:s23+$0x0] =	vst v40;
	v14 =	vadd.f32 v25, v61;
	v25 =	vmul.f32 v62, v9;
	v13 =	vadd.f32 v23, v63;
	v23 =	vld [tilespmem:s0+$0xFFFFFFF0];
	s0 =	simm.s32 $0xF3F0  }
.LBB2_17:
0x4cb: {  	v26 =	vld [tilespmem:s0+$0xFFFFFC80];
	s29 =	sadd.s32 $0x8, s29;
	v15 =	vadd.f32 v24, v15;
	v19 =	vmul.f32 v19, v9  }
0x4cc: {  	v24 =	vld [tilespmem:s0+$0xFFFFFC20];
	p0 =	slt.u32 s29, $0x38;
	v16 =	vadd.f32 v25, v16;
	v21 =	vmul.f32 v21, v9  }
0x4cd: {  	v25 =	vld [tilespmem:s0+$0xFFFFFD00];
	[tilespmem:s23+$0xFFFFFF90] =	vst v15;
	v15 =	vadd.f32 v19, v17;
	v17 =	vmul.f32 v20, v9  }
0x4ce: {  	v19 =	vld [tilespmem:s0+$0xFFFFFC30];
	[tilespmem:s23+$0xFFFFFFA0] =	vst v16;
	v16 =	vadd.f32 v21, v18;
	v18 =	vmul.f32 v22, v9  }
0x4cf: {  	v20 =	vld [tilespmem:s0+$0xFFFFFD80];
	[tilespmem:s23+$0xFFFFFFB0] =	vst v15;
	v12 =	vadd.f32 v17, v12;
	v15 =	vmul.f32 v23, v9  }
0x4d0: {  	v17 =	vld [tilespmem:s0+$0xFFFFFC40];
	v21 =	vmul.f32 v26, v3;
	[tilespmem:s23+$0xFFFFFFC0] =	vst v16;
	v14 =	vadd.f32 v18, v14  }
0x4d1: {  	v16 =	vmul.f32 v24, v3;
	v18 =	vld [tilespmem:s0+$0xFFFFFE00];
	[tilespmem:s23+$0xFFFFFFD0] =	vst v12;
	v12 =	vadd.f32 v15, v13  }
0x4d2: {  	v13 =	vld [tilespmem:s0+$0xFFFFFC50];
	v15 =	vadd.f32 v21, v4;
	v21 =	vmul.f32 v25, v5;
	[tilespmem:s23+$0xFFFFFFE0] =	vst v14  }
0x4d3: {  	v14 =	vadd.f32 v16, v4;
	v16 =	vmul.f32 v19, v3;
	v19 =	vld [tilespmem:s0+$0xFFFFFE80];
	[tilespmem:s23+$0xFFFFFFF0] =	vst v12  }
0x4d4: {  	v12 =	vld [tilespmem:s0+$0xFFFFFC60];
	v15 =	vadd.f32 v21, v15;
	v20 =	vmul.f32 v20, v6  }
0x4d5: {  	v16 =	vadd.f32 v16, v4;
	v17 =	vmul.f32 v17, v3;
	v21 =	vld [tilespmem:s0+$0xFFFFFF00]  }
0x4d6: {  	v22 =	vld [tilespmem:s0+$0xFFFFFC70];
	v15 =	vadd.f32 v20, v15;
	v18 =	vmul.f32 v18, v7  }
0x4d7: {  	v17 =	vadd.f32 v17, v4;
	v13 =	vmul.f32 v13, v3;
	v20 =	vld [tilespmem:s0+$0xFFFFFF80]  }
0x4d8: {  	v23 =	vld [tilespmem:s0+$0xFFFFFC10];
	v15 =	vadd.f32 v18, v15;
	v18 =	vmul.f32 v19, v8  }
0x4d9: {  	v13 =	vadd.f32 v13, v4;
	v12 =	vmul.f32 v12, v3;
	v19 =	vld [tilespmem:s0+$0x0]  }
0x4da: {  	v24 =	vld [tilespmem:s0+$0xFFFFFC90];
	v15 =	vadd.f32 v18, v15;
	v18 =	vmul.f32 v21, v10  }
0x4db: {  	v21 =	vld [tilespmem:s0+$0xFFFFFCA0];
	v12 =	vadd.f32 v12, v4;
	v22 =	vmul.f32 v22, v3  }
0x4dc: {  	v25 =	vld [tilespmem:s0+$0xFFFFFCB0];
	v15 =	vadd.f32 v18, v15;
	v18 =	vmul.f32 v20, v11  }
0x4dd: {  	v20 =	vmul.f32 v23, v3;
	v23 =	vld [tilespmem:s0+$0xFFFFFCC0];
	v22 =	vadd.f32 v22, v4  }
0x4de: {  	v26 =	vld [tilespmem:s0+$0xFFFFFCD0];
	v15 =	vadd.f32 v18, v15;
	v18 =	vmul.f32 v19, v9  }
0x4df: {  	v19 =	vadd.f32 v20, v4;
	v20 =	vmul.f32 v24, v5;
	v24 =	vld [tilespmem:s0+$0xFFFFFCE0]  }
0x4e0: {  	v21 =	vmul.f32 v21, v5;
	v27 =	vld [tilespmem:s0+$0xFFFFFCF0];
	v15 =	vadd.f32 v18, v15  }
0x4e1: {  	s23 =	sadd.s32 $0x100, s23;
	v18 =	vadd.f32 v20, v19;
	v19 =	vld [tilespmem:s0+$0xFFFFFD10];
	v20 =	vmul.f32 v25, v5  }
0x4e2: {  	v14 =	vadd.f32 v21, v14;
	v21 =	vld [tilespmem:s0+$0xFFFFFD20];
	v23 =	vmul.f32 v23, v5;
	[tilespmem:s23+$0x0] =	vst v15  }
0x4e3: {  	v15 =	vadd.f32 v20, v16;
	v16 =	vld [tilespmem:s0+$0xFFFFFD30];
	v20 =	vmul.f32 v26, v5  }
0x4e4: {  	v17 =	vadd.f32 v23, v17;
	v23 =	vld [tilespmem:s0+$0xFFFFFD40];
	v24 =	vmul.f32 v24, v5  }
0x4e5: {  	v13 =	vadd.f32 v20, v13;
	v20 =	vld [tilespmem:s0+$0xFFFFFD50];
	v25 =	vmul.f32 v27, v5  }
0x4e6: {  	v19 =	vmul.f32 v19, v6;
	v12 =	vadd.f32 v24, v12;
	v24 =	vld [tilespmem:s0+$0xFFFFFD60]  }
0x4e7: {  	v21 =	vmul.f32 v21, v6;
	v22 =	vadd.f32 v25, v22;
	v25 =	vld [tilespmem:s0+$0xFFFFFD70]  }
0x4e8: {  	v18 =	vadd.f32 v19, v18;
	v19 =	vld [tilespmem:s0+$0xFFFFFD90];
	v16 =	vmul.f32 v16, v6  }
0x4e9: {  	v14 =	vadd.f32 v21, v14;
	v21 =	vld [tilespmem:s0+$0xFFFFFDA0];
	v23 =	vmul.f32 v23, v6  }
0x4ea: {  	v15 =	vadd.f32 v16, v15;
	v16 =	vld [tilespmem:s0+$0xFFFFFDB0];
	v20 =	vmul.f32 v20, v6  }
0x4eb: {  	v17 =	vadd.f32 v23, v17;
	v23 =	vld [tilespmem:s0+$0xFFFFFDC0];
	v24 =	vmul.f32 v24, v6  }
0x4ec: {  	v13 =	vadd.f32 v20, v13;
	v20 =	vld [tilespmem:s0+$0xFFFFFDD0];
	v25 =	vmul.f32 v25, v6  }
0x4ed: {  	v19 =	vmul.f32 v19, v7;
	v12 =	vadd.f32 v24, v12;
	v24 =	vld [tilespmem:s0+$0xFFFFFDE0]  }
0x4ee: {  	v21 =	vmul.f32 v21, v7;
	v22 =	vadd.f32 v25, v22;
	v25 =	vld [tilespmem:s0+$0xFFFFFDF0]  }
0x4ef: {  	v18 =	vadd.f32 v19, v18;
	v19 =	vld [tilespmem:s0+$0xFFFFFE10];
	v16 =	vmul.f32 v16, v7  }
0x4f0: {  	v14 =	vadd.f32 v21, v14;
	v21 =	vld [tilespmem:s0+$0xFFFFFE20];
	v23 =	vmul.f32 v23, v7  }
0x4f1: {  	v15 =	vadd.f32 v16, v15;
	v16 =	vld [tilespmem:s0+$0xFFFFFE30];
	v20 =	vmul.f32 v20, v7  }
0x4f2: {  	v17 =	vadd.f32 v23, v17;
	v23 =	vld [tilespmem:s0+$0xFFFFFE40];
	v24 =	vmul.f32 v24, v7  }
0x4f3: {  	v13 =	vadd.f32 v20, v13;
	v20 =	vld [tilespmem:s0+$0xFFFFFE50];
	v25 =	vmul.f32 v25, v7  }
0x4f4: {  	v19 =	vmul.f32 v19, v8;
	v12 =	vadd.f32 v24, v12;
	v24 =	vld [tilespmem:s0+$0xFFFFFE60]  }
0x4f5: {  	v21 =	vmul.f32 v21, v8;
	v22 =	vadd.f32 v25, v22;
	v25 =	vld [tilespmem:s0+$0xFFFFFE70]  }
0x4f6: {  	v18 =	vadd.f32 v19, v18;
	v19 =	vld [tilespmem:s0+$0xFFFFFE90];
	v16 =	vmul.f32 v16, v8  }
0x4f7: {  	v14 =	vadd.f32 v21, v14;
	v21 =	vld [tilespmem:s0+$0xFFFFFEA0];
	v23 =	vmul.f32 v23, v8  }
0x4f8: {  	v15 =	vadd.f32 v16, v15;
	v16 =	vld [tilespmem:s0+$0xFFFFFEB0];
	v20 =	vmul.f32 v20, v8  }
0x4f9: {  	v17 =	vadd.f32 v23, v17;
	v23 =	vld [tilespmem:s0+$0xFFFFFEC0];
	v24 =	vmul.f32 v24, v8  }
0x4fa: {  	v13 =	vadd.f32 v20, v13;
	v20 =	vld [tilespmem:s0+$0xFFFFFED0];
	v25 =	vmul.f32 v25, v8  }
0x4fb: {  	v19 =	vmul.f32 v19, v10;
	v12 =	vadd.f32 v24, v12;
	v24 =	vld [tilespmem:s0+$0xFFFFFEE0]  }
0x4fc: {  	v21 =	vmul.f32 v21, v10;
	v22 =	vadd.f32 v25, v22;
	v25 =	vld [tilespmem:s0+$0xFFFFFEF0]  }
0x4fd: {  	v18 =	vadd.f32 v19, v18;
	v19 =	vld [tilespmem:s0+$0xFFFFFF10];
	v16 =	vmul.f32 v16, v10  }
0x4fe: {  	v14 =	vadd.f32 v21, v14;
	v21 =	vld [tilespmem:s0+$0xFFFFFF20];
	v23 =	vmul.f32 v23, v10  }
0x4ff: {  	v26 =	vadd.f32 v16, v15;
	v16 =	vld [tilespmem:s0+$0xFFFFFF30];
	v15 =	vmul.f32 v20, v10  }
0x500: {  	v20 =	vadd.f32 v23, v17;
	v17 =	vld [tilespmem:s0+$0xFFFFFF40];
	v23 =	vmul.f32 v24, v10  }
0x501: {  	v13 =	vadd.f32 v15, v13;
	v24 =	vld [tilespmem:s0+$0xFFFFFF50];
	v15 =	vmul.f32 v25, v10  }
0x502: {  	v19 =	vmul.f32 v19, v11;
	v23 =	vadd.f32 v23, v12;
	v12 =	vld [tilespmem:s0+$0xFFFFFF60]  }
0x503: {  	v21 =	vmul.f32 v21, v11;
	v27 =	vadd.f32 v15, v22;
	v22 =	vld [tilespmem:s0+$0xFFFFFF70]  }
0x504: {  	v15 =	vadd.f32 v19, v18;
	v25 =	vld [tilespmem:s0+$0xFFFFFF90];
	v18 =	vmul.f32 v16, v11  }
0x505: {  	v16 =	vadd.f32 v21, v14;
	v28 =	vld [tilespmem:s0+$0xFFFFFFA0];
	v14 =	vmul.f32 v17, v11  }
.Ltmp7:
0x506: {  	v17 =	vadd.f32 v18, v26;
	v19 =	vld [tilespmem:s0+$0xFFFFFFB0];
	v24 =	vmul.f32 v24, v11;
	(pc) =	sbr.rel @p0 .LBB2_17-.Ltmp7, $4  }
0x507: {  	v18 =	vadd.f32 v14, v20;
	v21 =	vld [tilespmem:s0+$0xFFFFFFC0];
	v14 =	vmul.f32 v12, v11  }
0x508: {  	v12 =	vadd.f32 v24, v13;
	v20 =	vld [tilespmem:s0+$0xFFFFFFD0];
	v13 =	vmul.f32 v22, v11  }
0x509: {  	v24 =	vmul.f32 v25, v9;
	v14 =	vadd.f32 v14, v23;
	v22 =	vld [tilespmem:s0+$0xFFFFFFE0]  }
0x50a: {  	v25 =	vmul.f32 v28, v9;
	v13 =	vadd.f32 v13, v27;
	v23 =	vld [tilespmem:s0+$0xFFFFFFF0];
	s0 =	sadd.s32 $0x400, s0  }
0x50b: {  	v3 =	vadd.f32 v24, v15;
	v4 =	vmul.f32 v19, v9  }
0x50c: {  	v5 =	vadd.f32 v25, v16;
	v6 =	vmul.f32 v21, v9  }
0x50d: {  	[tilespmem:s23+$0xFFFFFF90] =	vst v3;
	v3 =	vadd.f32 v4, v17;
	v59 =	vmul.f32 v20, v9  }
0x50e: {  	s22 =	sadd.s32 $0x1, s22;
	[tilespmem:s23+$0xFFFFFFA0] =	vst v5;
	v60 =	vadd.f32 v6, v18;
	v61 =	vmul.f32 v22, v9  }
0x50f: {  	p0 =	sne.s32 s22, $0x10;
	[tilespmem:s23+$0xFFFFFFB0] =	vst v3;
	v3 =	vadd.f32 v59, v12;
	v62 =	vmul.f32 v23, v9  }
.Ltmp8:
0x510: {  	[tilespmem:s23+$0xFFFFFFC0] =	vst v60;
	v63 =	vadd.f32 v61, v14;
	(pc) =	sbr.rel @p0 .LBB2_2-.Ltmp8, $4  }
0x511: {  	[tilespmem:s23+$0xFFFFFFD0] =	vst v3;
	v3 =	vadd.f32 v62, v13  }
0x512: {  	[tilespmem:s23+$0xFFFFFFE0] =	vst v63  }
0x513: {  	s0 =	sadd.s32 s24, s13;
	[tilespmem:s23+$0xFFFFFFF0] =	vst v3  }
0x514: {  	[hbm4b:s0+s26] =	stream.strided.scatter [tilespmem:s17], [sflag:$0x6], $0x800, s16, s26, $0x38;
	[tilespmem:$0x11C00] =	vst v63  }
0x515: {  	_ =	swait.ge [sflag:s19], $0x800  }
0x516: {  	[sflag:s19] =	ssyncset.done $0x0  }
0x517: {  	[sflag:s19] =	ssyncadd.s32 $0xFFFFF800  }
0x518: {  	_ =	swait.ge [sflag:s21], $0x800  }
0x519: {  	s1 =	rddreg [dreg:$0x6]  }
0x51a: {  	s0 =	rddreg [dreg:$0x5];
	s1 =	sadd.s32 $0x1, s1  }
0x51b: {  	p0 =	sne.s32 s1, s0  }
.Ltmp9:
0x51c: {  	_ = 	snop;
	(pc) =	sbr.rel @p0 .LBB2_1-.Ltmp9, $3  }
0x51d: {  	_ =	sdelay $0x1  }
0x51e: {  	[sflag:s21] =	ssyncset.done $0x0  }
0x51f: {  	[sflag:s21] =	ssyncadd.s32 $0xFFFFF800  }
0x520: {  	_ =	sfence.sel $0x180000  }
0x521: {  	[bflag:$0x0] =	sbarrier.arrive $0xFFFF  }
0x522: {  	_ =	strace $0x90000047  }
0x523: {  	s0 =	stileid.u32;
	[bflag:$0x2] =	sbarrier.arrive $0xFFFF  }
0x524: {  	p0 =	sne.s32 s0, $0x0;
	s0 =	rddreg [dreg:$0x2]  }
0x525: {  	s0 =	sadd.s32 @!p0 $0x100000, s0  }
0x526: {  	[sflag:s0] =	ssyncadd.tile.s32 @!p0 $0x1;
	_ =	shalt  }
.Lfunc_end2:
_tile_overlayer_lowered:
.L_overlay_start_2:
0x527: {  	(tag) =	ssettag $0x2  }
0x528: {  	s0 =	rddreg [dreg:$0x0];
	s2 =	stileid.u32  }
0x529: {  	s1 =	rddreg [dreg:$0x1];
	p0 =	sne.s32 s2, $0x0  }
0x52a: {  	s3 =	rddreg [dreg:$0x2];
	[bflag:$0x3] =	sbarrier.arrive $0xFFFF;
	s2 =	simm.s32 @!p0 $0x1C07  }
0x52b: {  	[timem:s3], [sflag:s2] =	dma.local @!p0 [hbm:s0], s1  }
0x52c: {  	s0 =	simm.s32 @!p0 $0x7  }
0x52d: {  	_ =	swait.ge @!p0 [sflag:s0], s1  }
0x52e: {  	s1 =	ssub.s32 @!p0 $0x0, s1;
	[sflag:s0] =	ssyncset.done @!p0 $0x0  }
0x52f: {  	[sflag:s0] =	ssyncadd.s32 @!p0 s1  }
0x530: {  	[bflag:$0x3] =	sbarrier.arrive $0xFFFF  }
0x531: {  	_ =	shalt  }

</sc_bundles>
